<compile_context>
chip_gen: v7x
topology: tpu7x:2x2x1
jax: 0.10.2.dev20260603
libtpu: 0.0.44.dev20260713+nightly
codegen_flags: <defaults>
</compile_context>

<pallas_src>
import functools

import jax
import jax.numpy as jnp
from jax import lax
from jax.experimental import pallas as pl
from jax.experimental.pallas import tpu as pltpu
from jax.experimental.pallas import tpu_sc as plsc

C = 128
NTILES = 32


def _e_body_l0(attr_ref, w_ref, b_ref, x0_ref, o_ref):
    a = jnp.dot(attr_ref[...], w_ref[...], preferred_element_type=jnp.float32)
    o_ref[...] = a + b_ref[...] + x0_ref[...]


def _e_body(attr_ref, w_ref, b_ref, o_ref):
    a = jnp.dot(attr_ref[...], w_ref[...], preferred_element_type=jnp.float32)
    o_ref[...] = a + b_ref[...]


def _edge_transform(attr_pad, w, b, x0, layer0, eblk):
    e_pad = attr_pad.shape[0]
    grid = (e_pad // eblk,)
    in_specs = [
        pl.BlockSpec((eblk, attr_pad.shape[1]), lambda i: (i, 0)),
        pl.BlockSpec((attr_pad.shape[1], 128), lambda i: (0, 0)),
        pl.BlockSpec((1, 128), lambda i: (0, 0)),
    ]
    args = [attr_pad, w, b]
    if layer0:
        in_specs.append(pl.BlockSpec((1, 128), lambda i: (0, 0)))
        args.append(x0)
        body = _e_body_l0
    else:
        body = _e_body
    return pl.pallas_call(
        body,
        grid=grid,
        in_specs=in_specs,
        out_specs=pl.BlockSpec((eblk, 128), lambda i: (i, 0)),
        out_shape=jax.ShapeDtypeStruct((e_pad, 128), jnp.float32),
    )(*args)


def _make_sc_edge(n_pad, e_pad, layer0):
    ept = e_pad // NTILES
    nch = ept // C
    rows_pt = n_pad // 16
    wb = rows_pt // C

    mesh = plsc.VectorSubcoreMesh(core_axis_name="c", subcore_axis_name="s")

    scratch = [
        pltpu.VMEM((C,), jnp.int32),
        pltpu.VMEM((C,), jnp.int32),
        pltpu.VMEM((C, 128), jnp.float32),
        pltpu.VMEM((C, 128), jnp.float32),
        pltpu.VMEM_SHARED((n_pad, 128), jnp.float32),
        pltpu.SemaphoreType.DMA,
        pltpu.SemaphoreType.DMA,
        pltpu.SemaphoreType.DMA,
    ]

    def body(e_hbm, src_hbm, dst2_hbm, x_hbm, out_hbm,
             src_v, dst_v, buf_e, buf_x, aggr_sh, sem_i, sem_e, sem_x):
        cid = lax.axis_index("c")
        sid = lax.axis_index("s")
        wid = cid * 16 + sid
        base = wid * ept
        row0 = sid * rows_pt

        zero16 = jnp.zeros((16,), jnp.float32)

        def zrow(i, _):
            for j in range(8):
                buf_e[i, pl.ds(j * 16, 16)] = zero16
            return 0

        lax.fori_loop(0, C, zrow, 0)
        for r in range(wb):
            pltpu.sync_copy(buf_e, aggr_sh.at[pl.ds(row0 + r * C, C), :])
        plsc.subcore_barrier()

        def chunk(c, _):
            off = base + c * C
            cp_e = pltpu.async_copy(e_hbm.at[pl.ds(off, C), :], buf_e, sem_e)
            cp_d = pltpu.async_copy(dst2_hbm.at[wid * nch + c], dst_v, sem_i)
            if not layer0:
                pltpu.sync_copy(src_hbm.at[pl.ds(off, C)], src_v)
                cp_x = pltpu.async_copy(x_hbm.at[src_v], buf_x, sem_x)
            cp_e.wait()
            if not layer0:
                cp_x.wait()

                def row(i, _):
                    for j in range(8):
                        s = pl.ds(j * 16, 16)
                        buf_e[i, s] = jnp.maximum(buf_e[i, s] + buf_x[i, s], 0.0)
                    return 0
            else:
                def row(i, _):
                    for j in range(8):
                        s = pl.ds(j * 16, 16)
                        buf_e[i, s] = jnp.maximum(buf_e[i, s], 0.0)
                    return 0

            lax.fori_loop(0, C, row, 0)
            cp_d.wait()
            pltpu.sync_copy(buf_e, aggr_sh.at[dst_v], add=True)
            return 0

        lax.fori_loop(0, nch, chunk, 0)
        plsc.subcore_barrier()

        for r in range(wb):
            pltpu.sync_copy(aggr_sh.at[pl.ds(row0 + r * C, C), :], buf_e)
            pltpu.sync_copy(buf_e, out_hbm.at[cid, pl.ds(row0 + r * C, C), :])

    k = pl.kernel(
        body,
        out_type=jax.ShapeDtypeStruct((2, n_pad, 128), jnp.float32),
        mesh=mesh,
        scratch_types=scratch,
    )
    return k


def _node_body(x_ref, a0_ref, a1_ref, w1_ref, b1_ref, w2_ref, b2_ref, o_ref):
    h = x_ref[...] + a0_ref[...] + a1_ref[...]
    h = jnp.dot(h, w1_ref[...], preferred_element_type=jnp.float32) + b1_ref[...]
    h = jnp.maximum(h, 0.0)
    h = jnp.dot(h, w2_ref[...], preferred_element_type=jnp.float32) + b2_ref[...]
    o_ref[...] = jnp.maximum(h, 0.0)


def _node_mlp(x, a0, a1, w1, b1, w2, b2, n_pad, nblk):
    grid = (n_pad // nblk,)
    if x.shape[0] == 1:
        x_spec = pl.BlockSpec((1, 128), lambda i: (0, 0))
    else:
        x_spec = pl.BlockSpec((nblk, 128), lambda i: (i, 0))
    return pl.pallas_call(
        _node_body,
        grid=grid,
        in_specs=[
            x_spec,
            pl.BlockSpec((nblk, 128), lambda i: (i, 0)),
            pl.BlockSpec((nblk, 128), lambda i: (i, 0)),
            pl.BlockSpec((128, 128), lambda i: (0, 0)),
            pl.BlockSpec((1, 128), lambda i: (0, 0)),
            pl.BlockSpec((128, 128), lambda i: (0, 0)),
            pl.BlockSpec((1, 128), lambda i: (0, 0)),
        ],
        out_specs=pl.BlockSpec((nblk, 128), lambda i: (i, 0)),
        out_shape=jax.ShapeDtypeStruct((n_pad, 128), jnp.float32),
    )(x, a0, a1, w1, b1, w2, b2)


def _make_pool(n_graphs, n_pad, pblk):
    nb = n_pad // pblk

    def body(b3_ref, x_ref, wh1_ref, bh1_ref, wh2_ref, bh2_ref, o_ref,
             sums, cnts):
        i = pl.program_id(0)
        bb = b3_ref[0, 0, :]
        gid = lax.broadcasted_iota(jnp.int32, (n_graphs, pblk), 0)
        eq = jnp.where(gid == bb[None, :], 1.0, 0.0).astype(jnp.float32)
        ps = jnp.dot(eq, x_ref[...], preferred_element_type=jnp.float32)
        pc = jnp.sum(eq, axis=1, keepdims=True)

        @pl.when(i == 0)
        def _():
            sums[...] = ps
            cnts[...] = pc

        @pl.when(i > 0)
        def _():
            sums[...] += ps
            cnts[...] += pc

        @pl.when(i == nb - 1)
        def _():
            g = sums[...] / jnp.maximum(cnts[...], 1.0)
            h = jnp.dot(g, wh1_ref[...], preferred_element_type=jnp.float32)
            h = jnp.maximum(h + bh1_ref[...], 0.0)
            o_ref[...] = (
                jnp.dot(h, wh2_ref[...], preferred_element_type=jnp.float32)
                + bh2_ref[...])

    return pl.pallas_call(
        body,
        grid=(nb,),
        in_specs=[
            pl.BlockSpec((1, 1, pblk), lambda i: (i, 0, 0)),
            pl.BlockSpec((pblk, 128), lambda i: (i, 0)),
            pl.BlockSpec((128, 128), lambda i: (0, 0)),
            pl.BlockSpec((1, 128), lambda i: (0, 0)),
            pl.BlockSpec((128, 128), lambda i: (0, 0)),
            pl.BlockSpec((1, 128), lambda i: (0, 0)),
        ],
        out_specs=pl.BlockSpec((n_graphs, 128), lambda i: (0, 0)),
        out_shape=jax.ShapeDtypeStruct((n_graphs, 128), jnp.float32),
        scratch_shapes=[
            pltpu.VMEM((n_graphs, 128), jnp.float32),
            pltpu.VMEM((n_graphs, 1), jnp.float32),
        ],
    )


def kernel(edge_index, edge_attr, batch, node_emb, We, be, W1, b1, g1, bt1,
           W2, b2, g, b, Wh1, bh1, Wh2, bh2):
    n = batch.shape[0]
    e_cnt = edge_index.shape[1]
    n_layers = We.shape[0]
    n_graphs = 64
    bn_inv = 1.0 / jnp.sqrt(1.0 + 1e-5)

    e_pad = ((e_cnt + NTILES * C - 1) // (NTILES * C)) * (NTILES * C)
    n_pad = ((n + 1 + 16 * C - 1) // (16 * C)) * (16 * C)
    pblk = 1280
    nblk = 1280
    eblk = 2048

    src = edge_index[0]
    dst = edge_index[1]
    pad_e = e_pad - e_cnt
    src_p = jnp.concatenate([src, jnp.zeros((pad_e,), jnp.int32)]).astype(jnp.int32)
    dst_p = jnp.concatenate([dst, jnp.full((pad_e,), n, jnp.int32)]).astype(jnp.int32)
    dst2 = dst_p.reshape(e_pad // C, C)
    attr_p = jnp.pad(edge_attr, ((0, pad_e), (0, 1)))
    batch_p = jnp.concatenate(
        [batch.astype(jnp.int32), jnp.full((n_pad - n,), n_graphs, jnp.int32)])
    batch3 = batch_p.reshape(n_pad // pblk, 1, pblk)

    we_p = jnp.pad(We, ((0, 0), (0, 1), (0, 0)))
    s1 = bn_inv * g1
    w1f = W1 * s1[:, None, :]
    b1f = (b1 * s1 + bt1).reshape(n_layers, 1, 128)
    s2 = bn_inv * g
    w2f = W2 * s2[:, None, :]
    b2f = (b2 * s2 + b).reshape(n_layers, 1, 128)
    be2 = be.reshape(n_layers, 1, 128)
    wh2p = jnp.pad(Wh2, ((0, 0), (0, 128 - Wh2.shape[1])))
    bh2p = jnp.pad(bh2, (0, 128 - bh2.shape[0])).reshape(1, 128)
    bh1r = bh1.reshape(1, 128)

    sc_l0 = _make_sc_edge(n_pad, e_pad, layer0=True)
    sc_gen = _make_sc_edge(n_pad, e_pad, layer0=False)

    x = node_emb
    for l in range(n_layers):
        e = _edge_transform(attr_p, we_p[l], be2[l], node_emb, l == 0, eblk)
        if l == 0:
            parts = sc_l0(e, src_p, dst2, jnp.zeros((n_pad, 128), jnp.float32))
        else:
            parts = sc_gen(e, src_p, dst2, x)
        x = _node_mlp(x, parts[0], parts[1], w1f[l], b1f[l], w2f[l], b2f[l],
                      n_pad, nblk)

    out = _make_pool(n_graphs, n_pad, pblk)(
        batch3, x, Wh1, bh1r, wh2p, bh2p)
    return out[:, :Wh2.shape[1]]

# --- scband reference (transcript-rebuilt; emitter-appended) ---
"""Pipeline reference for scband-gine-gnn-56418690400934 (READ-ONLY COPY).

The authoritative reference and input builder live on the scoring server;
editing this copy changes nothing except your own understanding.
"""

import jax, jax.numpy as jnp
import numpy as np

N_NODES = 10000
N_EDGES = 320000
EMB = 128
EDGE_DIM = 7
N_LAYERS = 5
N_GRAPHS = 64
NUM_CLASS = 10
BN_EPS = 1e-5


def setup_inputs(seed: int = 0) -> dict:
    key = jax.random.key(seed)
    ks = jax.random.split(key, 20)
    inp = {}
    inp["edge_index"] = jax.random.randint(ks[0], (2, N_EDGES), 0, N_NODES)
    inp["edge_attr"] = jax.random.normal(ks[1], (N_EDGES, EDGE_DIM), dtype=jnp.float32)
    inp["batch"] = jnp.sort(jax.random.randint(ks[2], (N_NODES,), 0, N_GRAPHS))
    # learned parameters
    inp["node_emb"] = jax.random.normal(ks[3], (1, EMB), dtype=jnp.float32) * 0.1
    inp["We"] = jax.random.normal(ks[4], (N_LAYERS, EDGE_DIM, EMB), dtype=jnp.float32) * 0.1
    inp["be"] = jnp.zeros((N_LAYERS, EMB), dtype=jnp.float32)
    inp["W1"] = jax.random.normal(ks[5], (N_LAYERS, EMB, EMB), dtype=jnp.float32) * (1.0 / np.sqrt(EMB))
    inp["b1"] = jnp.zeros((N_LAYERS, EMB), dtype=jnp.float32)
    inp["g1"] = jnp.ones((N_LAYERS, EMB), dtype=jnp.float32)
    inp["bt1"] = jnp.zeros((N_LAYERS, EMB), dtype=jnp.float32)
    inp["W2"] = jax.random.normal(ks[6], (N_LAYERS, EMB, EMB), dtype=jnp.float32) * (1.0 / np.sqrt(EMB))
    inp["b2"] = jnp.zeros((N_LAYERS, EMB), dtype=jnp.float32)
    inp["g"] = jnp.ones((N_LAYERS, EMB), dtype=jnp.float32)
    inp["b"] = jnp.zeros((N_LAYERS, EMB), dtype=jnp.float32)
    inp["Wh1"] = jax.random.normal(ks[7], (EMB, EMB), dtype=jnp.float32) * (1.0 / np.sqrt(EMB))
    inp["bh1"] = jnp.zeros((EMB,), dtype=jnp.float32)
    inp["Wh2"] = jax.random.normal(ks[8], (EMB, NUM_CLASS), dtype=jnp.float32) * (1.0 / np.sqrt(EMB))
    inp["bh2"] = jnp.zeros((NUM_CLASS,), dtype=jnp.float32)
    return inp


def reference(edge_index, edge_attr, batch, node_emb, We, be, W1, b1, g1, bt1, W2, b2, g, b, Wh1, bh1, Wh2, bh2):
    # Eval-mode semantics: BatchNorm uses running stats (mean=0, var=1), dropout is identity.
    N = batch.shape[0]
    src = edge_index[0]
    dst = edge_index[1]
    inv = 1.0 / jnp.sqrt(1.0 + BN_EPS)
    # node embedding lookup of all-zero ids -> broadcast row 0
    x = jnp.take(node_emb, jnp.zeros((N,), dtype=jnp.int32), axis=0)
    for l in range(N_LAYERS):
        # GINEConv: message = relu(x_j + lin(edge_attr)); aggregate = sum; update = mlp((1+eps)*x_i + aggr), eps=0
        e = edge_attr @ We[l] + be[l]
        m = jax.nn.relu(jnp.take(x, src, axis=0) + e)
        aggr = jax.ops.segment_sum(m, dst, num_segments=N)
        h = x + aggr
        h = h @ W1[l] + b1[l]
        h = h * inv * g1[l] + bt1[l]
        h = jax.nn.relu(h)
        h = h @ W2[l] + b2[l]
        # outer BatchNorm (eval) then relu
        h = h * inv * g[l] + b[l]
        x = jax.nn.relu(h)
    # jk_mode='last' -> use final x; global mean pool per graph
    sums = jax.ops.segment_sum(x, batch, num_segments=N_GRAPHS)
    cnt = jax.ops.segment_sum(jnp.ones((N,), dtype=jnp.float32), batch, num_segments=N_GRAPHS)
    gfeat = sums / jnp.maximum(cnt, 1.0)[:, None]
    h = jax.nn.relu(gfeat @ Wh1 + bh1)
    return h @ Wh2 + bh2

if __name__ == "__main__":
    import jax
    _d = setup_inputs()
    print(jax.jit(kernel)(*tuple(_d.values())))

</pallas_src>

<mosaic_0001>
#map = affine_map<(d0, d1) -> (0, 0)>
#map1 = affine_map<(d0, d1) -> (0)>
#map2 = affine_map<(d0, d1) -> (0, 0, 0)>
module attributes {stable_mosaic.version = 14 : i64} {
  func.func @body(%arg0: i32, %arg1: i32, %arg2: memref<323584x128xf32, #tpu.memory_space<hbm>>, %arg3: memref<323584xi32, #tpu.memory_space<hbm>>, %arg4: memref<2528x128xi32, #tpu.memory_space<hbm>>, %arg5: memref<10240x128xf32, #tpu.memory_space<hbm>>, %arg6: memref<2x10240x128xf32, #tpu.memory_space<hbm>>, %arg7: memref<128xi32, #tpu.memory_space<vmem>>, %arg8: memref<128xi32, #tpu.memory_space<vmem>>, %arg9: memref<128x128xf32, #tpu.memory_space<vmem>>, %arg10: memref<128x128xf32, #tpu.memory_space<vmem>>, %arg11: memref<10240x128xf32, #tpu.memory_space<vmem_shared>>, %arg12: memref<!tpu.dma_semaphore, #tpu.memory_space<semaphore_mem>>, %arg13: memref<!tpu.dma_semaphore, #tpu.memory_space<semaphore_mem>>, %arg14: memref<!tpu.dma_semaphore, #tpu.memory_space<semaphore_mem>>) attributes {dimension_semantics = [#tpu.dimension_semantics<core_parallel>, #tpu.dimension_semantics<subcore_parallel>], iteration_bounds = array<i64: 2, 16>, scalar_prefetch = 0 : i64, scratch_operands = 8 : i64, tpu.core_type = #tpu.core_type<sc_vector_subcore>, window_params = [{transform_indices = #map}, {transform_indices = #map1}, {transform_indices = #map}, {transform_indices = #map}, {transform_indices = #map2}]} {
    %mul3A = arith.constant 16 : i32
    %mul3A_0 = arith.muli %arg0, %mul3A : i32
    %add3A = arith.addi %mul3A_0, %arg1 : i32
    %mul3A_1 = arith.constant 10112 : i32
    %mul3A_2 = arith.muli %add3A, %mul3A_1 : i32
    %mul3A_3 = arith.constant 640 : i32
    %mul3A_4 = arith.muli %arg1, %mul3A_3 : i32
    %broadcast_in_dim3A = arith.constant 0.000000e+00 : f32
    %broadcast_in_dim3A_5 = vector.broadcast %broadcast_in_dim3A : f32 to vector<16xf32>
    %scan3A = arith.constant 0 : i32
    %scan3A_6 = arith.constant 0 : i32
    %scan3A_7 = arith.constant 128 : i32
    %scan3A_8 = arith.addi %scan3A_6, %scan3A_7 : i32
    %scan3A_9 = arith.constant 1 : i32
    %scan3A_10 = scf.for %scan3A_50 = %scan3A_6 to %scan3A_8 step %scan3A_9 iter_args(%scan3A_51 = %scan3A) -> (i32)  : i32 {
      %swap3A = arith.index_cast %scan3A_50 : i32 to index
      %swap3A_52 = arith.constant 0 : index
      %swap3A_53 = tpu.vector_load %arg9[%swap3A, %swap3A_52] {strides = array<i32>} : memref<128x128xf32, #tpu.memory_space<vmem>>, vector<1x16xf32>,
      %swap3A_54 = vector.shape_cast %swap3A_53 : vector<1x16xf32> to vector<16xf32>
      %swap3A_55 = vector.shape_cast %broadcast_in_dim3A_5 : vector<16xf32> to vector<1x16xf32>
      tpu.vector_store %arg9[%swap3A, %swap3A_52], %swap3A_55 {strides = array<i32>} : memref<128x128xf32, #tpu.memory_space<vmem>>, vector<1x16xf32>,
      %swap3A_56 = arith.index_cast %scan3A_50 : i32 to index
      %swap3A_57 = arith.constant 16 : index
      %swap3A_58 = tpu.vector_load %arg9[%swap3A_56, %swap3A_57] {strides = array<i32>} : memref<128x128xf32, #tpu.memory_space<vmem>>, vector<1x16xf32>,
      %swap3A_59 = vector.shape_cast %swap3A_58 : vector<1x16xf32> to vector<16xf32>
      %swap3A_60 = vector.shape_cast %broadcast_in_dim3A_5 : vector<16xf32> to vector<1x16xf32>
      tpu.vector_store %arg9[%swap3A_56, %swap3A_57], %swap3A_60 {strides = array<i32>} : memref<128x128xf32, #tpu.memory_space<vmem>>, vector<1x16xf32>,
      %swap3A_61 = arith.index_cast %scan3A_50 : i32 to index
      %swap3A_62 = arith.constant 32 : index
      %swap3A_63 = tpu.vector_load %arg9[%swap3A_61, %swap3A_62] {strides = array<i32>} : memref<128x128xf32, #tpu.memory_space<vmem>>, vector<1x16xf32>,
      %swap3A_64 = vector.shape_cast %swap3A_63 : vector<1x16xf32> to vector<16xf32>
      %swap3A_65 = vector.shape_cast %broadcast_in_dim3A_5 : vector<16xf32> to vector<1x16xf32>
      tpu.vector_store %arg9[%swap3A_61, %swap3A_62], %swap3A_65 {strides = array<i32>} : memref<128x128xf32, #tpu.memory_space<vmem>>, vector<1x16xf32>,
      %swap3A_66 = arith.index_cast %scan3A_50 : i32 to index
      %swap3A_67 = arith.constant 48 : index
      %swap3A_68 = tpu.vector_load %arg9[%swap3A_66, %swap3A_67] {strides = array<i32>} : memref<128x128xf32, #tpu.memory_space<vmem>>, vector<1x16xf32>,
      %swap3A_69 = vector.shape_cast %swap3A_68 : vector<1x16xf32> to vector<16xf32>
      %swap3A_70 = vector.shape_cast %broadcast_in_dim3A_5 : vector<16xf32> to vector<1x16xf32>
      tpu.vector_store %arg9[%swap3A_66, %swap3A_67], %swap3A_70 {strides = array<i32>} : memref<128x128xf32, #tpu.memory_space<vmem>>, vector<1x16xf32>,
      %swap3A_71 = arith.index_cast %scan3A_50 : i32 to index
      %swap3A_72 = arith.constant 64 : index
      %swap3A_73 = tpu.vector_load %arg9[%swap3A_71, %swap3A_72] {strides = array<i32>} : memref<128x128xf32, #tpu.memory_space<vmem>>, vector<1x16xf32>,
      %swap3A_74 = vector.shape_cast %swap3A_73 : vector<1x16xf32> to vector<16xf32>
      %swap3A_75 = vector.shape_cast %broadcast_in_dim3A_5 : vector<16xf32> to vector<1x16xf32>
      tpu.vector_store %arg9[%swap3A_71, %swap3A_72], %swap3A_75 {strides = array<i32>} : memref<128x128xf32, #tpu.memory_space<vmem>>, vector<1x16xf32>,
      %swap3A_76 = arith.index_cast %scan3A_50 : i32 to index
      %swap3A_77 = arith.constant 80 : index
      %swap3A_78 = tpu.vector_load %arg9[%swap3A_76, %swap3A_77] {strides = array<i32>} : memref<128x128xf32, #tpu.memory_space<vmem>>, vector<1x16xf32>,
      %swap3A_79 = vector.shape_cast %swap3A_78 : vector<1x16xf32> to vector<16xf32>
      %swap3A_80 = vector.shape_cast %broadcast_in_dim3A_5 : vector<16xf32> to vector<1x16xf32>
      tpu.vector_store %arg9[%swap3A_76, %swap3A_77], %swap3A_80 {strides = array<i32>} : memref<128x128xf32, #tpu.memory_space<vmem>>, vector<1x16xf32>,
      %swap3A_81 = arith.index_cast %scan3A_50 : i32 to index
      %swap3A_82 = arith.constant 96 : index
      %swap3A_83 = tpu.vector_load %arg9[%swap3A_81, %swap3A_82] {strides = array<i32>} : memref<128x128xf32, #tpu.memory_space<vmem>>, vector<1x16xf32>,
      %swap3A_84 = vector.shape_cast %swap3A_83 : vector<1x16xf32> to vector<16xf32>
      %swap3A_85 = vector.shape_cast %broadcast_in_dim3A_5 : vector<16xf32> to vector<1x16xf32>
      tpu.vector_store %arg9[%swap3A_81, %swap3A_82], %swap3A_85 {strides = array<i32>} : memref<128x128xf32, #tpu.memory_space<vmem>>, vector<1x16xf32>,
      %swap3A_86 = arith.index_cast %scan3A_50 : i32 to index
      %swap3A_87 = arith.constant 112 : index
      %swap3A_88 = tpu.vector_load %arg9[%swap3A_86, %swap3A_87] {strides = array<i32>} : memref<128x128xf32, #tpu.memory_space<vmem>>, vector<1x16xf32>,
      %swap3A_89 = vector.shape_cast %swap3A_88 : vector<1x16xf32> to vector<16xf32>
      %swap3A_90 = vector.shape_cast %broadcast_in_dim3A_5 : vector<16xf32> to vector<1x16xf32>
      tpu.vector_store %arg9[%swap3A_86, %swap3A_87], %swap3A_90 {strides = array<i32>} : memref<128x128xf32, #tpu.memory_space<vmem>>, vector<1x16xf32>,
      %scan3A_91 = arith.constant 0 : i32
      scf.yield %scan3A_91 : i32
    }
    %scan3A_11 = arith.constant 128 : i32
    %add3A_12 = arith.constant 0 : i32
    %add3A_13 = arith.addi %mul3A_4, %add3A_12 : i32
    "tpu.region"() ({
      %run_scoped3A = tpu.sem_alloc : memref<!tpu.dma_semaphore, #tpu.memory_space<semaphore_mem>>
      %dma_start3A = arith.constant 0 : i32
      %dma_start3A_50 = tpu.memref_slice %arg11[%add3A_13, %dma_start3A] : memref<10240x128xf32, #tpu.memory_space<vmem_shared>> -> memref<128x128xf32, #tpu.memory_space<vmem_shared>>
      %dma_start3A_51 = arith.constant 0 : i32
      %dma_start3A_52 = tpu.memref_slice %arg11[%add3A_13, %dma_start3A_51] : memref<10240x128xf32, #tpu.memory_space<vmem_shared>> -> memref<128x128xf32, #tpu.memory_space<vmem_shared>>
      tpu.enqueue_dma source(%arg9 : memref<128x128xf32, #tpu.memory_space<vmem>>) target(%dma_start3A_52 : memref<128x128xf32, #tpu.memory_space<vmem_shared>>) target_semaphore(%run_scoped3A : memref<!tpu.dma_semaphore, #tpu.memory_space<semaphore_mem>>)
      %dma_wait3A = arith.constant 0 : i32
      %dma_wait3A_53 = tpu.memref_slice %arg11[%add3A_13, %dma_wait3A] : memref<10240x128xf32, #tpu.memory_space<vmem_shared>> -> memref<128x128xf32, #tpu.memory_space<vmem_shared>>
      %dma_wait3A_54 = arith.constant 0 : i32
      %dma_wait3A_55 = tpu.memref_slice %arg11[%add3A_13, %dma_wait3A_54] : memref<10240x128xf32, #tpu.memory_space<vmem_shared>> -> memref<128x128xf32, #tpu.memory_space<vmem_shared>>
      tpu.wait_dma2 semaphore(%run_scoped3A : memref<!tpu.dma_semaphore, #tpu.memory_space<semaphore_mem>>) src(%arg9 : memref<128x128xf32, #tpu.memory_space<vmem>>) dst(%dma_wait3A_55 : memref<128x128xf32, #tpu.memory_space<vmem_shared>>)
      tpu.yield
    }) : () -> ()
    %add3A_14 = arith.constant 128 : i32
    %add3A_15 = arith.addi %mul3A_4, %add3A_14 : i32
    "tpu.region"() ({
      %run_scoped3A = tpu.sem_alloc : memref<!tpu.dma_semaphore, #tpu.memory_space<semaphore_mem>>
      %dma_start3A = arith.constant 0 : i32
      %dma_start3A_50 = tpu.memref_slice %arg11[%add3A_15, %dma_start3A] : memref<10240x128xf32, #tpu.memory_space<vmem_shared>> -> memref<128x128xf32, #tpu.memory_space<vmem_shared>>
      %dma_start3A_51 = arith.constant 0 : i32
      %dma_start3A_52 = tpu.memref_slice %arg11[%add3A_15, %dma_start3A_51] : memref<10240x128xf32, #tpu.memory_space<vmem_shared>> -> memref<128x128xf32, #tpu.memory_space<vmem_shared>>
      tpu.enqueue_dma source(%arg9 : memref<128x128xf32, #tpu.memory_space<vmem>>) target(%dma_start3A_52 : memref<128x128xf32, #tpu.memory_space<vmem_shared>>) target_semaphore(%run_scoped3A : memref<!tpu.dma_semaphore, #tpu.memory_space<semaphore_mem>>)
      %dma_wait3A = arith.constant 0 : i32
      %dma_wait3A_53 = tpu.memref_slice %arg11[%add3A_15, %dma_wait3A] : memref<10240x128xf32, #tpu.memory_space<vmem_shared>> -> memref<128x128xf32, #tpu.memory_space<vmem_shared>>
      %dma_wait3A_54 = arith.constant 0 : i32
      %dma_wait3A_55 = tpu.memref_slice %arg11[%add3A_15, %dma_wait3A_54] : memref<10240x128xf32, #tpu.memory_space<vmem_shared>> -> memref<128x128xf32, #tpu.memory_space<vmem_shared>>
      tpu.wait_dma2 semaphore(%run_scoped3A : memref<!tpu.dma_semaphore, #tpu.memory_space<semaphore_mem>>) src(%arg9 : memref<128x128xf32, #tpu.memory_space<vmem>>) dst(%dma_wait3A_55 : memref<128x128xf32, #tpu.memory_space<vmem_shared>>)
      tpu.yield
    }) : () -> ()
    %add3A_16 = arith.constant 256 : i32
    %add3A_17 = arith.addi %mul3A_4, %add3A_16 : i32
    "tpu.region"() ({
      %run_scoped3A = tpu.sem_alloc : memref<!tpu.dma_semaphore, #tpu.memory_space<semaphore_mem>>
      %dma_start3A = arith.constant 0 : i32
      %dma_start3A_50 = tpu.memref_slice %arg11[%add3A_17, %dma_start3A] : memref<10240x128xf32, #tpu.memory_space<vmem_shared>> -> memref<128x128xf32, #tpu.memory_space<vmem_shared>>
      %dma_start3A_51 = arith.constant 0 : i32
      %dma_start3A_52 = tpu.memref_slice %arg11[%add3A_17, %dma_start3A_51] : memref<10240x128xf32, #tpu.memory_space<vmem_shared>> -> memref<128x128xf32, #tpu.memory_space<vmem_shared>>
      tpu.enqueue_dma source(%arg9 : memref<128x128xf32, #tpu.memory_space<vmem>>) target(%dma_start3A_52 : memref<128x128xf32, #tpu.memory_space<vmem_shared>>) target_semaphore(%run_scoped3A : memref<!tpu.dma_semaphore, #tpu.memory_space<semaphore_mem>>)
      %dma_wait3A = arith.constant 0 : i32
      %dma_wait3A_53 = tpu.memref_slice %arg11[%add3A_17, %dma_wait3A] : memref<10240x128xf32, #tpu.memory_space<vmem_shared>> -> memref<128x128xf32, #tpu.memory_space<vmem_shared>>
      %dma_wait3A_54 = arith.constant 0 : i32
      %dma_wait3A_55 = tpu.memref_slice %arg11[%add3A_17, %dma_wait3A_54] : memref<10240x128xf32, #tpu.memory_space<vmem_shared>> -> memref<128x128xf32, #tpu.memory_space<vmem_shared>>
      tpu.wait_dma2 semaphore(%run_scoped3A : memref<!tpu.dma_semaphore, #tpu.memory_space<semaphore_mem>>) src(%arg9 : memref<128x128xf32, #tpu.memory_space<vmem>>) dst(%dma_wait3A_55 : memref<128x128xf32, #tpu.memory_space<vmem_shared>>)
      tpu.yield
    }) : () -> ()
    %add3A_18 = arith.constant 384 : i32
    %add3A_19 = arith.addi %mul3A_4, %add3A_18 : i32
    "tpu.region"() ({
      %run_scoped3A = tpu.sem_alloc : memref<!tpu.dma_semaphore, #tpu.memory_space<semaphore_mem>>
      %dma_start3A = arith.constant 0 : i32
      %dma_start3A_50 = tpu.memref_slice %arg11[%add3A_19, %dma_start3A] : memref<10240x128xf32, #tpu.memory_space<vmem_shared>> -> memref<128x128xf32, #tpu.memory_space<vmem_shared>>
      %dma_start3A_51 = arith.constant 0 : i32
      %dma_start3A_52 = tpu.memref_slice %arg11[%add3A_19, %dma_start3A_51] : memref<10240x128xf32, #tpu.memory_space<vmem_shared>> -> memref<128x128xf32, #tpu.memory_space<vmem_shared>>
      tpu.enqueue_dma source(%arg9 : memref<128x128xf32, #tpu.memory_space<vmem>>) target(%dma_start3A_52 : memref<128x128xf32, #tpu.memory_space<vmem_shared>>) target_semaphore(%run_scoped3A : memref<!tpu.dma_semaphore, #tpu.memory_space<semaphore_mem>>)
      %dma_wait3A = arith.constant 0 : i32
      %dma_wait3A_53 = tpu.memref_slice %arg11[%add3A_19, %dma_wait3A] : memref<10240x128xf32, #tpu.memory_space<vmem_shared>> -> memref<128x128xf32, #tpu.memory_space<vmem_shared>>
      %dma_wait3A_54 = arith.constant 0 : i32
      %dma_wait3A_55 = tpu.memref_slice %arg11[%add3A_19, %dma_wait3A_54] : memref<10240x128xf32, #tpu.memory_space<vmem_shared>> -> memref<128x128xf32, #tpu.memory_space<vmem_shared>>
      tpu.wait_dma2 semaphore(%run_scoped3A : memref<!tpu.dma_semaphore, #tpu.memory_space<semaphore_mem>>) src(%arg9 : memref<128x128xf32, #tpu.memory_space<vmem>>) dst(%dma_wait3A_55 : memref<128x128xf32, #tpu.memory_space<vmem_shared>>)
      tpu.yield
    }) : () -> ()
    %add3A_20 = arith.constant 512 : i32
    %add3A_21 = arith.addi %mul3A_4, %add3A_20 : i32
    "tpu.region"() ({
      %run_scoped3A = tpu.sem_alloc : memref<!tpu.dma_semaphore, #tpu.memory_space<semaphore_mem>>
      %dma_start3A = arith.constant 0 : i32
      %dma_start3A_50 = tpu.memref_slice %arg11[%add3A_21, %dma_start3A] : memref<10240x128xf32, #tpu.memory_space<vmem_shared>> -> memref<128x128xf32, #tpu.memory_space<vmem_shared>>
      %dma_start3A_51 = arith.constant 0 : i32
      %dma_start3A_52 = tpu.memref_slice %arg11[%add3A_21, %dma_start3A_51] : memref<10240x128xf32, #tpu.memory_space<vmem_shared>> -> memref<128x128xf32, #tpu.memory_space<vmem_shared>>
      tpu.enqueue_dma source(%arg9 : memref<128x128xf32, #tpu.memory_space<vmem>>) target(%dma_start3A_52 : memref<128x128xf32, #tpu.memory_space<vmem_shared>>) target_semaphore(%run_scoped3A : memref<!tpu.dma_semaphore, #tpu.memory_space<semaphore_mem>>)
      %dma_wait3A = arith.constant 0 : i32
      %dma_wait3A_53 = tpu.memref_slice %arg11[%add3A_21, %dma_wait3A] : memref<10240x128xf32, #tpu.memory_space<vmem_shared>> -> memref<128x128xf32, #tpu.memory_space<vmem_shared>>
      %dma_wait3A_54 = arith.constant 0 : i32
      %dma_wait3A_55 = tpu.memref_slice %arg11[%add3A_21, %dma_wait3A_54] : memref<10240x128xf32, #tpu.memory_space<vmem_shared>> -> memref<128x128xf32, #tpu.memory_space<vmem_shared>>
      tpu.wait_dma2 semaphore(%run_scoped3A : memref<!tpu.dma_semaphore, #tpu.memory_space<semaphore_mem>>) src(%arg9 : memref<128x128xf32, #tpu.memory_space<vmem>>) dst(%dma_wait3A_55 : memref<128x128xf32, #tpu.memory_space<vmem_shared>>)
      tpu.yield
    }) : () -> ()
    %barrier3A = arith.constant 0 : index
    tpu.barrier barrier_id(%barrier3A)
    %scan3A_22 = arith.constant 0 : i32
    %scan3A_23 = arith.constant 0 : i32
    %scan3A_24 = arith.constant 79 : i32
    %scan3A_25 = arith.addi %scan3A_23, %scan3A_24 : i32
    %scan3A_26 = arith.constant 1 : i32
    %scan3A_27 = scf.for %scan3A_50 = %scan3A_23 to %scan3A_25 step %scan3A_26 iter_args(%scan3A_51 = %scan3A_22) -> (i32)  : i32 {
      %mul3A_52 = arith.constant 128 : i32
      %mul3A_53 = arith.muli %scan3A_50, %mul3A_52 : i32
      %add3A_54 = arith.addi %mul3A_2, %mul3A_53 : i32
      %dma_start3A = arith.constant 0 : i32
      %dma_start3A_55 = tpu.memref_slice %arg2[%add3A_54, %dma_start3A] : memref<323584x128xf32, #tpu.memory_space<hbm>> -> memref<128x128xf32, #tpu.memory_space<hbm>>
      %dma_start3A_56 = arith.constant 0 : i32
      %dma_start3A_57 = tpu.memref_slice %arg2[%add3A_54, %dma_start3A_56] : memref<323584x128xf32, #tpu.memory_space<hbm>> -> memref<128x128xf32, #tpu.memory_space<hbm>>
      tpu.enqueue_dma source(%dma_start3A_57 : memref<128x128xf32, #tpu.memory_space<hbm>>) target(%arg9 : memref<128x128xf32, #tpu.memory_space<vmem>>) target_semaphore(%arg13 : memref<!tpu.dma_semaphore, #tpu.memory_space<semaphore_mem>>)
      %mul3A_58 = arith.constant 79 : i32
      %mul3A_59 = arith.muli %add3A, %mul3A_58 : i32
      %add3A_60 = arith.addi %mul3A_59, %scan3A_50 : i32
      %dma_start3A_61 = arith.constant 0 : i32
      %dma_start3A_62 = tpu.memref_slice %arg4[%add3A_60, %dma_start3A_61] : memref<2528x128xi32, #tpu.memory_space<hbm>> -> memref<1x128xi32, #tpu.memory_space<hbm>>
      %dma_start3A_63 = tpu.memref_squeeze %dma_start3A_62 : memref<1x128xi32, #tpu.memory_space<hbm>> -> memref<128xi32, #tpu.memory_space<hbm>>
      %dma_start3A_64 = arith.constant 0 : i32
      %dma_start3A_65 = tpu.memref_slice %arg4[%add3A_60, %dma_start3A_64] : memref<2528x128xi32, #tpu.memory_space<hbm>> -> memref<1x128xi32, #tpu.memory_space<hbm>>
      %dma_start3A_66 = tpu.memref_squeeze %dma_start3A_65 : memref<1x128xi32, #tpu.memory_space<hbm>> -> memref<128xi32, #tpu.memory_space<hbm>>
      tpu.enqueue_dma source(%dma_start3A_66 : memref<128xi32, #tpu.memory_space<hbm>>) target(%arg8 : memref<128xi32, #tpu.memory_space<vmem>>) target_semaphore(%arg12 : memref<!tpu.dma_semaphore, #tpu.memory_space<semaphore_mem>>)
      "tpu.region"() ({
        %run_scoped3A = tpu.sem_alloc : memref<!tpu.dma_semaphore, #tpu.memory_space<semaphore_mem>>
        %dma_start3A_90 = tpu.memref_slice %arg3[%add3A_54] : memref<323584xi32, #tpu.memory_space<hbm>> -> memref<128xi32, #tpu.memory_space<hbm>>
        %dma_start3A_91 = tpu.memref_slice %arg3[%add3A_54] : memref<323584xi32, #tpu.memory_space<hbm>> -> memref<128xi32, #tpu.memory_space<hbm>>
        tpu.enqueue_dma source(%dma_start3A_91 : memref<128xi32, #tpu.memory_space<hbm>>) target(%arg7 : memref<128xi32, #tpu.memory_space<vmem>>) target_semaphore(%run_scoped3A : memref<!tpu.dma_semaphore, #tpu.memory_space<semaphore_mem>>)
        %dma_wait3A_92 = tpu.memref_slice %arg3[%add3A_54] : memref<323584xi32, #tpu.memory_space<hbm>> -> memref<128xi32, #tpu.memory_space<hbm>>
        %dma_wait3A_93 = tpu.memref_slice %arg3[%add3A_54] : memref<323584xi32, #tpu.memory_space<hbm>> -> memref<128xi32, #tpu.memory_space<hbm>>
        tpu.wait_dma2 semaphore(%run_scoped3A : memref<!tpu.dma_semaphore, #tpu.memory_space<semaphore_mem>>) src(%dma_wait3A_93 : memref<128xi32, #tpu.memory_space<hbm>>) dst(%arg7 : memref<128xi32, #tpu.memory_space<vmem>>)
        tpu.yield
      }) : () -> ()
      %dma_start3A_67 = arith.constant 0 : i32
      %dma_start3A_68 = arith.constant 0 : i32
      %dma_start3A_69 = tpu.memref_slice %arg5[%dma_start3A_67, %dma_start3A_68] : memref<10240x128xf32, #tpu.memory_space<hbm>> -> memref<10240x128xf32, #tpu.memory_space<hbm>>
      tpu.enqueue_indirect_dma source(%dma_start3A_69 : memref<10240x128xf32, #tpu.memory_space<hbm>>) target(%arg10 : memref<128x128xf32, #tpu.memory_space<vmem>>) offsets(%arg7 : memref<128xi32, #tpu.memory_space<vmem>>) semaphore(%arg14 : memref<!tpu.dma_semaphore, #tpu.memory_space<semaphore_mem>>)
      %dma_wait3A = arith.constant 0 : i32
      %dma_wait3A_70 = tpu.memref_slice %arg2[%add3A_54, %dma_wait3A] : memref<323584x128xf32, #tpu.memory_space<hbm>> -> memref<128x128xf32, #tpu.memory_space<hbm>>
      %dma_wait3A_71 = arith.constant 0 : i32
      %dma_wait3A_72 = tpu.memref_slice %arg2[%add3A_54, %dma_wait3A_71] : memref<323584x128xf32, #tpu.memory_space<hbm>> -> memref<128x128xf32, #tpu.memory_space<hbm>>
      tpu.wait_dma2 semaphore(%arg13 : memref<!tpu.dma_semaphore, #tpu.memory_space<semaphore_mem>>) src(%dma_wait3A_72 : memref<128x128xf32, #tpu.memory_space<hbm>>) dst(%arg9 : memref<128x128xf32, #tpu.memory_space<vmem>>)
      %dma_wait3A_73 = arith.constant 0 : i32
      %dma_wait3A_74 = arith.constant 0 : i32
      %dma_wait3A_75 = tpu.memref_slice %arg5[%dma_wait3A_73, %dma_wait3A_74] : memref<10240x128xf32, #tpu.memory_space<hbm>> -> memref<10240x128xf32, #tpu.memory_space<hbm>>
      tpu.wait_indirect_dma semaphore(%arg14 : memref<!tpu.dma_semaphore, #tpu.memory_space<semaphore_mem>>) src(%dma_wait3A_75 : memref<10240x128xf32, #tpu.memory_space<hbm>>) dst(%arg10 : memref<128x128xf32, #tpu.memory_space<vmem>>)
      %scan3A_76 = arith.constant 0 : i32
      %scan3A_77 = arith.constant 0 : i32
      %scan3A_78 = arith.constant 128 : i32
      %scan3A_79 = arith.addi %scan3A_77, %scan3A_78 : i32
      %scan3A_80 = arith.constant 1 : i32
      %scan3A_81 = scf.for %scan3A_90 = %scan3A_77 to %scan3A_79 step %scan3A_80 iter_args(%scan3A_91 = %scan3A_76) -> (i32)  : i32 {
        %get3A = arith.index_cast %scan3A_90 : i32 to index
        %get3A_92 = arith.constant 0 : index
        %get3A_93 = tpu.vector_load %arg9[%get3A, %get3A_92] {strides = array<i32>} : memref<128x128xf32, #tpu.memory_space<vmem>>, vector<1x16xf32>,
        %get3A_94 = vector.shape_cast %get3A_93 : vector<1x16xf32> to vector<16xf32>
        %get3A_95 = arith.index_cast %scan3A_90 : i32 to index
        %get3A_96 = arith.constant 0 : index
        %get3A_97 = tpu.vector_load %arg10[%get3A_95, %get3A_96] {strides = array<i32>} : memref<128x128xf32, #tpu.memory_space<vmem>>, vector<1x16xf32>,
        %get3A_98 = vector.shape_cast %get3A_97 : vector<1x16xf32> to vector<16xf32>
        %add3A_99 = arith.addf %get3A_94, %get3A_98 : vector<16xf32>
        %max3A = arith.constant 0.000000e+00 : f32
        %max3A_100 = vector.broadcast %max3A : f32 to vector<16xf32>
        %max3A_101 = arith.maximumf %add3A_99, %max3A_100 : vector<16xf32>
        %swap3A = arith.index_cast %scan3A_90 : i32 to index
        %swap3A_102 = arith.constant 0 : index
        %swap3A_103 = tpu.vector_load %arg9[%swap3A, %swap3A_102] {strides = array<i32>} : memref<128x128xf32, #tpu.memory_space<vmem>>, vector<1x16xf32>,
        %swap3A_104 = vector.shape_cast %swap3A_103 : vector<1x16xf32> to vector<16xf32>
        %swap3A_105 = vector.shape_cast %max3A_101 : vector<16xf32> to vector<1x16xf32>
        tpu.vector_store %arg9[%swap3A, %swap3A_102], %swap3A_105 {strides = array<i32>} : memref<128x128xf32, #tpu.memory_space<vmem>>, vector<1x16xf32>,
        %get3A_106 = arith.index_cast %scan3A_90 : i32 to index
        %get3A_107 = arith.constant 16 : index
        %get3A_108 = tpu.vector_load %arg9[%get3A_106, %get3A_107] {strides = array<i32>} : memref<128x128xf32, #tpu.memory_space<vmem>>, vector<1x16xf32>,
        %get3A_109 = vector.shape_cast %get3A_108 : vector<1x16xf32> to vector<16xf32>
        %get3A_110 = arith.index_cast %scan3A_90 : i32 to index
        %get3A_111 = arith.constant 16 : index
        %get3A_112 = tpu.vector_load %arg10[%get3A_110, %get3A_111] {strides = array<i32>} : memref<128x128xf32, #tpu.memory_space<vmem>>, vector<1x16xf32>,
        %get3A_113 = vector.shape_cast %get3A_112 : vector<1x16xf32> to vector<16xf32>
        %add3A_114 = arith.addf %get3A_109, %get3A_113 : vector<16xf32>
        %max3A_115 = arith.constant 0.000000e+00 : f32
        %max3A_116 = vector.broadcast %max3A_115 : f32 to vector<16xf32>
        %max3A_117 = arith.maximumf %add3A_114, %max3A_116 : vector<16xf32>
        %swap3A_118 = arith.index_cast %scan3A_90 : i32 to index
        %swap3A_119 = arith.constant 16 : index
        %swap3A_120 = tpu.vector_load %arg9[%swap3A_118, %swap3A_119] {strides = array<i32>} : memref<128x128xf32, #tpu.memory_space<vmem>>, vector<1x16xf32>,
        %swap3A_121 = vector.shape_cast %swap3A_120 : vector<1x16xf32> to vector<16xf32>
        %swap3A_122 = vector.shape_cast %max3A_117 : vector<16xf32> to vector<1x16xf32>
        tpu.vector_store %arg9[%swap3A_118, %swap3A_119], %swap3A_122 {strides = array<i32>} : memref<128x128xf32, #tpu.memory_space<vmem>>, vector<1x16xf32>,
        %get3A_123 = arith.index_cast %scan3A_90 : i32 to index
        %get3A_124 = arith.constant 32 : index
        %get3A_125 = tpu.vector_load %arg9[%get3A_123, %get3A_124] {strides = array<i32>} : memref<128x128xf32, #tpu.memory_space<vmem>>, vector<1x16xf32>,
        %get3A_126 = vector.shape_cast %get3A_125 : vector<1x16xf32> to vector<16xf32>
        %get3A_127 = arith.index_cast %scan3A_90 : i32 to index
        %get3A_128 = arith.constant 32 : index
        %get3A_129 = tpu.vector_load %arg10[%get3A_127, %get3A_128] {strides = array<i32>} : memref<128x128xf32, #tpu.memory_space<vmem>>, vector<1x16xf32>,
        %get3A_130 = vector.shape_cast %get3A_129 : vector<1x16xf32> to vector<16xf32>
        %add3A_131 = arith.addf %get3A_126, %get3A_130 : vector<16xf32>
        %max3A_132 = arith.constant 0.000000e+00 : f32
        %max3A_133 = vector.broadcast %max3A_132 : f32 to vector<16xf32>
        %max3A_134 = arith.maximumf %add3A_131, %max3A_133 : vector<16xf32>
        %swap3A_135 = arith.index_cast %scan3A_90 : i32 to index
        %swap3A_136 = arith.constant 32 : index
        %swap3A_137 = tpu.vector_load %arg9[%swap3A_135, %swap3A_136] {strides = array<i32>} : memref<128x128xf32, #tpu.memory_space<vmem>>, vector<1x16xf32>,
        %swap3A_138 = vector.shape_cast %swap3A_137 : vector<1x16xf32> to vector<16xf32>
        %swap3A_139 = vector.shape_cast %max3A_134 : vector<16xf32> to vector<1x16xf32>
        tpu.vector_store %arg9[%swap3A_135, %swap3A_136], %swap3A_139 {strides = array<i32>} : memref<128x128xf32, #tpu.memory_space<vmem>>, vector<1x16xf32>,
        %get3A_140 = arith.index_cast %scan3A_90 : i32 to index
        %get3A_141 = arith.constant 48 : index
        %get3A_142 = tpu.vector_load %arg9[%get3A_140, %get3A_141] {strides = array<i32>} : memref<128x128xf32, #tpu.memory_space<vmem>>, vector<1x16xf32>,
        %get3A_143 = vector.shape_cast %get3A_142 : vector<1x16xf32> to vector<16xf32>
        %get3A_144 = arith.index_cast %scan3A_90 : i32 to index
        %get3A_145 = arith.constant 48 : index
        %get3A_146 = tpu.vector_load %arg10[%get3A_144, %get3A_145] {strides = array<i32>} : memref<128x128xf32, #tpu.memory_space<vmem>>, vector<1x16xf32>,
        %get3A_147 = vector.shape_cast %get3A_146 : vector<1x16xf32> to vector<16xf32>
        %add3A_148 = arith.addf %get3A_143, %get3A_147 : vector<16xf32>
        %max3A_149 = arith.constant 0.000000e+00 : f32
        %max3A_150 = vector.broadcast %max3A_149 : f32 to vector<16xf32>
        %max3A_151 = arith.maximumf %add3A_148, %max3A_150 : vector<16xf32>
        %swap3A_152 = arith.index_cast %scan3A_90 : i32 to index
        %swap3A_153 = arith.constant 48 : index
        %swap3A_154 = tpu.vector_load %arg9[%swap3A_152, %swap3A_153] {strides = array<i32>} : memref<128x128xf32, #tpu.memory_space<vmem>>, vector<1x16xf32>,
        %swap3A_155 = vector.shape_cast %swap3A_154 : vector<1x16xf32> to vector<16xf32>
        %swap3A_156 = vector.shape_cast %max3A_151 : vector<16xf32> to vector<1x16xf32>
        tpu.vector_store %arg9[%swap3A_152, %swap3A_153], %swap3A_156 {strides = array<i32>} : memref<128x128xf32, #tpu.memory_space<vmem>>, vector<1x16xf32>,
        %get3A_157 = arith.index_cast %scan3A_90 : i32 to index
        %get3A_158 = arith.constant 64 : index
        %get3A_159 = tpu.vector_load %arg9[%get3A_157, %get3A_158] {strides = array<i32>} : memref<128x128xf32, #tpu.memory_space<vmem>>, vector<1x16xf32>,
        %get3A_160 = vector.shape_cast %get3A_159 : vector<1x16xf32> to vector<16xf32>
        %get3A_161 = arith.index_cast %scan3A_90 : i32 to index
        %get3A_162 = arith.constant 64 : index
        %get3A_163 = tpu.vector_load %arg10[%get3A_161, %get3A_162] {strides = array<i32>} : memref<128x128xf32, #tpu.memory_space<vmem>>, vector<1x16xf32>,
        %get3A_164 = vector.shape_cast %get3A_163 : vector<1x16xf32> to vector<16xf32>
        %add3A_165 = arith.addf %get3A_160, %get3A_164 : vector<16xf32>
        %max3A_166 = arith.constant 0.000000e+00 : f32
        %max3A_167 = vector.broadcast %max3A_166 : f32 to vector<16xf32>
        %max3A_168 = arith.maximumf %add3A_165, %max3A_167 : vector<16xf32>
        %swap3A_169 = arith.index_cast %scan3A_90 : i32 to index
        %swap3A_170 = arith.constant 64 : index
        %swap3A_171 = tpu.vector_load %arg9[%swap3A_169, %swap3A_170] {strides = array<i32>} : memref<128x128xf32, #tpu.memory_space<vmem>>, vector<1x16xf32>,
        %swap3A_172 = vector.shape_cast %swap3A_171 : vector<1x16xf32> to vector<16xf32>
        %swap3A_173 = vector.shape_cast %max3A_168 : vector<16xf32> to vector<1x16xf32>
        tpu.vector_store %arg9[%swap3A_169, %swap3A_170], %swap3A_173 {strides = array<i32>} : memref<128x128xf32, #tpu.memory_space<vmem>>, vector<1x16xf32>,
        %get3A_174 = arith.index_cast %scan3A_90 : i32 to index
        %get3A_175 = arith.constant 80 : index
        %get3A_176 = tpu.vector_load %arg9[%get3A_174, %get3A_175] {strides = array<i32>} : memref<128x128xf32, #tpu.memory_space<vmem>>, vector<1x16xf32>,
        %get3A_177 = vector.shape_cast %get3A_176 : vector<1x16xf32> to vector<16xf32>
        %get3A_178 = arith.index_cast %scan3A_90 : i32 to index
        %get3A_179 = arith.constant 80 : index
        %get3A_180 = tpu.vector_load %arg10[%get3A_178, %get3A_179] {strides = array<i32>} : memref<128x128xf32, #tpu.memory_space<vmem>>, vector<1x16xf32>,
        %get3A_181 = vector.shape_cast %get3A_180 : vector<1x16xf32> to vector<16xf32>
        %add3A_182 = arith.addf %get3A_177, %get3A_181 : vector<16xf32>
        %max3A_183 = arith.constant 0.000000e+00 : f32
        %max3A_184 = vector.broadcast %max3A_183 : f32 to vector<16xf32>
        %max3A_185 = arith.maximumf %add3A_182, %max3A_184 : vector<16xf32>
        %swap3A_186 = arith.index_cast %scan3A_90 : i32 to index
        %swap3A_187 = arith.constant 80 : index
        %swap3A_188 = tpu.vector_load %arg9[%swap3A_186, %swap3A_187] {strides = array<i32>} : memref<128x128xf32, #tpu.memory_space<vmem>>, vector<1x16xf32>,
        %swap3A_189 = vector.shape_cast %swap3A_188 : vector<1x16xf32> to vector<16xf32>
        %swap3A_190 = vector.shape_cast %max3A_185 : vector<16xf32> to vector<1x16xf32>
        tpu.vector_store %arg9[%swap3A_186, %swap3A_187], %swap3A_190 {strides = array<i32>} : memref<128x128xf32, #tpu.memory_space<vmem>>, vector<1x16xf32>,
        %get3A_191 = arith.index_cast %scan3A_90 : i32 to index
        %get3A_192 = arith.constant 96 : index
        %get3A_193 = tpu.vector_load %arg9[%get3A_191, %get3A_192] {strides = array<i32>} : memref<128x128xf32, #tpu.memory_space<vmem>>, vector<1x16xf32>,
        %get3A_194 = vector.shape_cast %get3A_193 : vector<1x16xf32> to vector<16xf32>
        %get3A_195 = arith.index_cast %scan3A_90 : i32 to index
        %get3A_196 = arith.constant 96 : index
        %get3A_197 = tpu.vector_load %arg10[%get3A_195, %get3A_196] {strides = array<i32>} : memref<128x128xf32, #tpu.memory_space<vmem>>, vector<1x16xf32>,
        %get3A_198 = vector.shape_cast %get3A_197 : vector<1x16xf32> to vector<16xf32>
        %add3A_199 = arith.addf %get3A_194, %get3A_198 : vector<16xf32>
        %max3A_200 = arith.constant 0.000000e+00 : f32
        %max3A_201 = vector.broadcast %max3A_200 : f32 to vector<16xf32>
        %max3A_202 = arith.maximumf %add3A_199, %max3A_201 : vector<16xf32>
        %swap3A_203 = arith.index_cast %scan3A_90 : i32 to index
        %swap3A_204 = arith.constant 96 : index
        %swap3A_205 = tpu.vector_load %arg9[%swap3A_203, %swap3A_204] {strides = array<i32>} : memref<128x128xf32, #tpu.memory_space<vmem>>, vector<1x16xf32>,
        %swap3A_206 = vector.shape_cast %swap3A_205 : vector<1x16xf32> to vector<16xf32>
        %swap3A_207 = vector.shape_cast %max3A_202 : vector<16xf32> to vector<1x16xf32>
        tpu.vector_store %arg9[%swap3A_203, %swap3A_204], %swap3A_207 {strides = array<i32>} : memref<128x128xf32, #tpu.memory_space<vmem>>, vector<1x16xf32>,
        %get3A_208 = arith.index_cast %scan3A_90 : i32 to index
        %get3A_209 = arith.constant 112 : index
        %get3A_210 = tpu.vector_load %arg9[%get3A_208, %get3A_209] {strides = array<i32>} : memref<128x128xf32, #tpu.memory_space<vmem>>, vector<1x16xf32>,
        %get3A_211 = vector.shape_cast %get3A_210 : vector<1x16xf32> to vector<16xf32>
        %get3A_212 = arith.index_cast %scan3A_90 : i32 to index
        %get3A_213 = arith.constant 112 : index
        %get3A_214 = tpu.vector_load %arg10[%get3A_212, %get3A_213] {strides = array<i32>} : memref<128x128xf32, #tpu.memory_space<vmem>>, vector<1x16xf32>,
        %get3A_215 = vector.shape_cast %get3A_214 : vector<1x16xf32> to vector<16xf32>
        %add3A_216 = arith.addf %get3A_211, %get3A_215 : vector<16xf32>
        %max3A_217 = arith.constant 0.000000e+00 : f32
        %max3A_218 = vector.broadcast %max3A_217 : f32 to vector<16xf32>
        %max3A_219 = arith.maximumf %add3A_216, %max3A_218 : vector<16xf32>
        %swap3A_220 = arith.index_cast %scan3A_90 : i32 to index
        %swap3A_221 = arith.constant 112 : index
        %swap3A_222 = tpu.vector_load %arg9[%swap3A_220, %swap3A_221] {strides = array<i32>} : memref<128x128xf32, #tpu.memory_space<vmem>>, vector<1x16xf32>,
        %swap3A_223 = vector.shape_cast %swap3A_222 : vector<1x16xf32> to vector<16xf32>
        %swap3A_224 = vector.shape_cast %max3A_219 : vector<16xf32> to vector<1x16xf32>
        tpu.vector_store %arg9[%swap3A_220, %swap3A_221], %swap3A_224 {strides = array<i32>} : memref<128x128xf32, #tpu.memory_space<vmem>>, vector<1x16xf32>,
        %scan3A_225 = arith.constant 0 : i32
        scf.yield %scan3A_225 : i32
      }
      %scan3A_82 = arith.constant 128 : i32
      %dma_wait3A_83 = arith.constant 0 : i32
      %dma_wait3A_84 = tpu.memref_slice %arg4[%add3A_60, %dma_wait3A_83] : memref<2528x128xi32, #tpu.memory_space<hbm>> -> memref<1x128xi32, #tpu.memory_space<hbm>>
      %dma_wait3A_85 = tpu.memref_squeeze %dma_wait3A_84 : memref<1x128xi32, #tpu.memory_space<hbm>> -> memref<128xi32, #tpu.memory_space<hbm>>
      %dma_wait3A_86 = arith.constant 0 : i32
      %dma_wait3A_87 = tpu.memref_slice %arg4[%add3A_60, %dma_wait3A_86] : memref<2528x128xi32, #tpu.memory_space<hbm>> -> memref<1x128xi32, #tpu.memory_space<hbm>>
      %dma_wait3A_88 = tpu.memref_squeeze %dma_wait3A_87 : memref<1x128xi32, #tpu.memory_space<hbm>> -> memref<128xi32, #tpu.memory_space<hbm>>
      tpu.wait_dma2 semaphore(%arg12 : memref<!tpu.dma_semaphore, #tpu.memory_space<semaphore_mem>>) src(%dma_wait3A_88 : memref<128xi32, #tpu.memory_space<hbm>>) dst(%arg8 : memref<128xi32, #tpu.memory_space<vmem>>)
      "tpu.region"() ({
        %run_scoped3A = tpu.sem_alloc : memref<!tpu.dma_semaphore, #tpu.memory_space<semaphore_mem>>
        %dma_start3A_90 = arith.constant 0 : i32
        %dma_start3A_91 = arith.constant 0 : i32
        %dma_start3A_92 = tpu.memref_slice %arg11[%dma_start3A_90, %dma_start3A_91] : memref<10240x128xf32, #tpu.memory_space<vmem_shared>> -> memref<10240x128xf32, #tpu.memory_space<vmem_shared>>
        tpu.enqueue_indirect_dma source(%arg9 : memref<128x128xf32, #tpu.memory_space<vmem>>) target(%dma_start3A_92 : memref<10240x128xf32, #tpu.memory_space<vmem_shared>>) offsets(%arg8 : memref<128xi32, #tpu.memory_space<vmem>>) semaphore(%run_scoped3A : memref<!tpu.dma_semaphore, #tpu.memory_space<semaphore_mem>>) {add = true}
        %dma_wait3A_93 = arith.constant 0 : i32
        %dma_wait3A_94 = arith.constant 0 : i32
        %dma_wait3A_95 = tpu.memref_slice %arg11[%dma_wait3A_93, %dma_wait3A_94] : memref<10240x128xf32, #tpu.memory_space<vmem_shared>> -> memref<10240x128xf32, #tpu.memory_space<vmem_shared>>
        tpu.wait_indirect_dma semaphore(%run_scoped3A : memref<!tpu.dma_semaphore, #tpu.memory_space<semaphore_mem>>) src(%arg9 : memref<128x128xf32, #tpu.memory_space<vmem>>) dst(%dma_wait3A_95 : memref<10240x128xf32, #tpu.memory_space<vmem_shared>>)
        tpu.yield
      }) : () -> ()
      %scan3A_89 = arith.constant 0 : i32
      scf.yield %scan3A_89 : i32
    }
    %scan3A_28 = arith.constant 79 : i32
    %barrier3A_29 = arith.constant 0 : index
    tpu.barrier barrier_id(%barrier3A_29)
    %add3A_30 = arith.constant 0 : i32
    %add3A_31 = arith.addi %mul3A_4, %add3A_30 : i32
    "tpu.region"() ({
      %run_scoped3A = tpu.sem_alloc : memref<!tpu.dma_semaphore, #tpu.memory_space<semaphore_mem>>
      %dma_start3A = arith.constant 0 : i32
      %dma_start3A_50 = tpu.memref_slice %arg11[%add3A_31, %dma_start3A] : memref<10240x128xf32, #tpu.memory_space<vmem_shared>> -> memref<128x128xf32, #tpu.memory_space<vmem_shared>>
      %dma_start3A_51 = arith.constant 0 : i32
      %dma_start3A_52 = tpu.memref_slice %arg11[%add3A_31, %dma_start3A_51] : memref<10240x128xf32, #tpu.memory_space<vmem_shared>> -> memref<128x128xf32, #tpu.memory_space<vmem_shared>>
      tpu.enqueue_dma source(%dma_start3A_52 : memref<128x128xf32, #tpu.memory_space<vmem_shared>>) target(%arg9 : memref<128x128xf32, #tpu.memory_space<vmem>>) target_semaphore(%run_scoped3A : memref<!tpu.dma_semaphore, #tpu.memory_space<semaphore_mem>>)
      %dma_wait3A = arith.constant 0 : i32
      %dma_wait3A_53 = tpu.memref_slice %arg11[%add3A_31, %dma_wait3A] : memref<10240x128xf32, #tpu.memory_space<vmem_shared>> -> memref<128x128xf32, #tpu.memory_space<vmem_shared>>
      %dma_wait3A_54 = arith.constant 0 : i32
      %dma_wait3A_55 = tpu.memref_slice %arg11[%add3A_31, %dma_wait3A_54] : memref<10240x128xf32, #tpu.memory_space<vmem_shared>> -> memref<128x128xf32, #tpu.memory_space<vmem_shared>>
      tpu.wait_dma2 semaphore(%run_scoped3A : memref<!tpu.dma_semaphore, #tpu.memory_space<semaphore_mem>>) src(%dma_wait3A_55 : memref<128x128xf32, #tpu.memory_space<vmem_shared>>) dst(%arg9 : memref<128x128xf32, #tpu.memory_space<vmem>>)
      tpu.yield
    }) : () -> ()
    %add3A_32 = arith.constant 0 : i32
    %add3A_33 = arith.addi %mul3A_4, %add3A_32 : i32
    "tpu.region"() ({
      %run_scoped3A = tpu.sem_alloc : memref<!tpu.dma_semaphore, #tpu.memory_space<semaphore_mem>>
      %dma_start3A = arith.constant 0 : i32
      %dma_start3A_50 = tpu.memref_slice %arg6[%arg0, %add3A_33, %dma_start3A] : memref<2x10240x128xf32, #tpu.memory_space<hbm>> -> memref<1x128x128xf32, #tpu.memory_space<hbm>>
      %dma_start3A_51 = tpu.memref_squeeze %dma_start3A_50 : memref<1x128x128xf32, #tpu.memory_space<hbm>> -> memref<128x128xf32, #tpu.memory_space<hbm>>
      %dma_start3A_52 = arith.constant 0 : i32
      %dma_start3A_53 = tpu.memref_slice %arg6[%arg0, %add3A_33, %dma_start3A_52] : memref<2x10240x128xf32, #tpu.memory_space<hbm>> -> memref<1x128x128xf32, #tpu.memory_space<hbm>>
      %dma_start3A_54 = tpu.memref_squeeze %dma_start3A_53 : memref<1x128x128xf32, #tpu.memory_space<hbm>> -> memref<128x128xf32, #tpu.memory_space<hbm>>
      tpu.enqueue_dma source(%arg9 : memref<128x128xf32, #tpu.memory_space<vmem>>) target(%dma_start3A_54 : memref<128x128xf32, #tpu.memory_space<hbm>>) target_semaphore(%run_scoped3A : memref<!tpu.dma_semaphore, #tpu.memory_space<semaphore_mem>>)
      %dma_wait3A = arith.constant 0 : i32
      %dma_wait3A_55 = tpu.memref_slice %arg6[%arg0, %add3A_33, %dma_wait3A] : memref<2x10240x128xf32, #tpu.memory_space<hbm>> -> memref<1x128x128xf32, #tpu.memory_space<hbm>>
      %dma_wait3A_56 = tpu.memref_squeeze %dma_wait3A_55 : memref<1x128x128xf32, #tpu.memory_space<hbm>> -> memref<128x128xf32, #tpu.memory_space<hbm>>
      %dma_wait3A_57 = arith.constant 0 : i32
      %dma_wait3A_58 = tpu.memref_slice %arg6[%arg0, %add3A_33, %dma_wait3A_57] : memref<2x10240x128xf32, #tpu.memory_space<hbm>> -> memref<1x128x128xf32, #tpu.memory_space<hbm>>
      %dma_wait3A_59 = tpu.memref_squeeze %dma_wait3A_58 : memref<1x128x128xf32, #tpu.memory_space<hbm>> -> memref<128x128xf32, #tpu.memory_space<hbm>>
      tpu.wait_dma2 semaphore(%run_scoped3A : memref<!tpu.dma_semaphore, #tpu.memory_space<semaphore_mem>>) src(%arg9 : memref<128x128xf32, #tpu.memory_space<vmem>>) dst(%dma_wait3A_59 : memref<128x128xf32, #tpu.memory_space<hbm>>)
      tpu.yield
    }) : () -> ()
    %add3A_34 = arith.constant 128 : i32
    %add3A_35 = arith.addi %mul3A_4, %add3A_34 : i32
    "tpu.region"() ({
      %run_scoped3A = tpu.sem_alloc : memref<!tpu.dma_semaphore, #tpu.memory_space<semaphore_mem>>
      %dma_start3A = arith.constant 0 : i32
      %dma_start3A_50 = tpu.memref_slice %arg11[%add3A_35, %dma_start3A] : memref<10240x128xf32, #tpu.memory_space<vmem_shared>> -> memref<128x128xf32, #tpu.memory_space<vmem_shared>>
      %dma_start3A_51 = arith.constant 0 : i32
      %dma_start3A_52 = tpu.memref_slice %arg11[%add3A_35, %dma_start3A_51] : memref<10240x128xf32, #tpu.memory_space<vmem_shared>> -> memref<128x128xf32, #tpu.memory_space<vmem_shared>>
      tpu.enqueue_dma source(%dma_start3A_52 : memref<128x128xf32, #tpu.memory_space<vmem_shared>>) target(%arg9 : memref<128x128xf32, #tpu.memory_space<vmem>>) target_semaphore(%run_scoped3A : memref<!tpu.dma_semaphore, #tpu.memory_space<semaphore_mem>>)
      %dma_wait3A = arith.constant 0 : i32
      %dma_wait3A_53 = tpu.memref_slice %arg11[%add3A_35, %dma_wait3A] : memref<10240x128xf32, #tpu.memory_space<vmem_shared>> -> memref<128x128xf32, #tpu.memory_space<vmem_shared>>
      %dma_wait3A_54 = arith.constant 0 : i32
      %dma_wait3A_55 = tpu.memref_slice %arg11[%add3A_35, %dma_wait3A_54] : memref<10240x128xf32, #tpu.memory_space<vmem_shared>> -> memref<128x128xf32, #tpu.memory_space<vmem_shared>>
      tpu.wait_dma2 semaphore(%run_scoped3A : memref<!tpu.dma_semaphore, #tpu.memory_space<semaphore_mem>>) src(%dma_wait3A_55 : memref<128x128xf32, #tpu.memory_space<vmem_shared>>) dst(%arg9 : memref<128x128xf32, #tpu.memory_space<vmem>>)
      tpu.yield
    }) : () -> ()
    %add3A_36 = arith.constant 128 : i32
    %add3A_37 = arith.addi %mul3A_4, %add3A_36 : i32
    "tpu.region"() ({
      %run_scoped3A = tpu.sem_alloc : memref<!tpu.dma_semaphore, #tpu.memory_space<semaphore_mem>>
      %dma_start3A = arith.constant 0 : i32
      %dma_start3A_50 = tpu.memref_slice %arg6[%arg0, %add3A_37, %dma_start3A] : memref<2x10240x128xf32, #tpu.memory_space<hbm>> -> memref<1x128x128xf32, #tpu.memory_space<hbm>>
      %dma_start3A_51 = tpu.memref_squeeze %dma_start3A_50 : memref<1x128x128xf32, #tpu.memory_space<hbm>> -> memref<128x128xf32, #tpu.memory_space<hbm>>
      %dma_start3A_52 = arith.constant 0 : i32
      %dma_start3A_53 = tpu.memref_slice %arg6[%arg0, %add3A_37, %dma_start3A_52] : memref<2x10240x128xf32, #tpu.memory_space<hbm>> -> memref<1x128x128xf32, #tpu.memory_space<hbm>>
      %dma_start3A_54 = tpu.memref_squeeze %dma_start3A_53 : memref<1x128x128xf32, #tpu.memory_space<hbm>> -> memref<128x128xf32, #tpu.memory_space<hbm>>
      tpu.enqueue_dma source(%arg9 : memref<128x128xf32, #tpu.memory_space<vmem>>) target(%dma_start3A_54 : memref<128x128xf32, #tpu.memory_space<hbm>>) target_semaphore(%run_scoped3A : memref<!tpu.dma_semaphore, #tpu.memory_space<semaphore_mem>>)
      %dma_wait3A = arith.constant 0 : i32
      %dma_wait3A_55 = tpu.memref_slice %arg6[%arg0, %add3A_37, %dma_wait3A] : memref<2x10240x128xf32, #tpu.memory_space<hbm>> -> memref<1x128x128xf32, #tpu.memory_space<hbm>>
      %dma_wait3A_56 = tpu.memref_squeeze %dma_wait3A_55 : memref<1x128x128xf32, #tpu.memory_space<hbm>> -> memref<128x128xf32, #tpu.memory_space<hbm>>
      %dma_wait3A_57 = arith.constant 0 : i32
      %dma_wait3A_58 = tpu.memref_slice %arg6[%arg0, %add3A_37, %dma_wait3A_57] : memref<2x10240x128xf32, #tpu.memory_space<hbm>> -> memref<1x128x128xf32, #tpu.memory_space<hbm>>
      %dma_wait3A_59 = tpu.memref_squeeze %dma_wait3A_58 : memref<1x128x128xf32, #tpu.memory_space<hbm>> -> memref<128x128xf32, #tpu.memory_space<hbm>>
      tpu.wait_dma2 semaphore(%run_scoped3A : memref<!tpu.dma_semaphore, #tpu.memory_space<semaphore_mem>>) src(%arg9 : memref<128x128xf32, #tpu.memory_space<vmem>>) dst(%dma_wait3A_59 : memref<128x128xf32, #tpu.memory_space<hbm>>)
      tpu.yield
    }) : () -> ()
    %add3A_38 = arith.constant 256 : i32
    %add3A_39 = arith.addi %mul3A_4, %add3A_38 : i32
    "tpu.region"() ({
      %run_scoped3A = tpu.sem_alloc : memref<!tpu.dma_semaphore, #tpu.memory_space<semaphore_mem>>
      %dma_start3A = arith.constant 0 : i32
      %dma_start3A_50 = tpu.memref_slice %arg11[%add3A_39, %dma_start3A] : memref<10240x128xf32, #tpu.memory_space<vmem_shared>> -> memref<128x128xf32, #tpu.memory_space<vmem_shared>>
      %dma_start3A_51 = arith.constant 0 : i32
      %dma_start3A_52 = tpu.memref_slice %arg11[%add3A_39, %dma_start3A_51] : memref<10240x128xf32, #tpu.memory_space<vmem_shared>> -> memref<128x128xf32, #tpu.memory_space<vmem_shared>>
      tpu.enqueue_dma source(%dma_start3A_52 : memref<128x128xf32, #tpu.memory_space<vmem_shared>>) target(%arg9 : memref<128x128xf32, #tpu.memory_space<vmem>>) target_semaphore(%run_scoped3A : memref<!tpu.dma_semaphore, #tpu.memory_space<semaphore_mem>>)
      %dma_wait3A = arith.constant 0 : i32
      %dma_wait3A_53 = tpu.memref_slice %arg11[%add3A_39, %dma_wait3A] : memref<10240x128xf32, #tpu.memory_space<vmem_shared>> -> memref<128x128xf32, #tpu.memory_space<vmem_shared>>
      %dma_wait3A_54 = arith.constant 0 : i32
      %dma_wait3A_55 = tpu.memref_slice %arg11[%add3A_39, %dma_wait3A_54] : memref<10240x128xf32, #tpu.memory_space<vmem_shared>> -> memref<128x128xf32, #tpu.memory_space<vmem_shared>>
      tpu.wait_dma2 semaphore(%run_scoped3A : memref<!tpu.dma_semaphore, #tpu.memory_space<semaphore_mem>>) src(%dma_wait3A_55 : memref<128x128xf32, #tpu.memory_space<vmem_shared>>) dst(%arg9 : memref<128x128xf32, #tpu.memory_space<vmem>>)
      tpu.yield
    }) : () -> ()
    %add3A_40 = arith.constant 256 : i32
    %add3A_41 = arith.addi %mul3A_4, %add3A_40 : i32
    "tpu.region"() ({
      %run_scoped3A = tpu.sem_alloc : memref<!tpu.dma_semaphore, #tpu.memory_space<semaphore_mem>>
      %dma_start3A = arith.constant 0 : i32
      %dma_start3A_50 = tpu.memref_slice %arg6[%arg0, %add3A_41, %dma_start3A] : memref<2x10240x128xf32, #tpu.memory_space<hbm>> -> memref<1x128x128xf32, #tpu.memory_space<hbm>>
      %dma_start3A_51 = tpu.memref_squeeze %dma_start3A_50 : memref<1x128x128xf32, #tpu.memory_space<hbm>> -> memref<128x128xf32, #tpu.memory_space<hbm>>
      %dma_start3A_52 = arith.constant 0 : i32
      %dma_start3A_53 = tpu.memref_slice %arg6[%arg0, %add3A_41, %dma_start3A_52] : memref<2x10240x128xf32, #tpu.memory_space<hbm>> -> memref<1x128x128xf32, #tpu.memory_space<hbm>>
      %dma_start3A_54 = tpu.memref_squeeze %dma_start3A_53 : memref<1x128x128xf32, #tpu.memory_space<hbm>> -> memref<128x128xf32, #tpu.memory_space<hbm>>
      tpu.enqueue_dma source(%arg9 : memref<128x128xf32, #tpu.memory_space<vmem>>) target(%dma_start3A_54 : memref<128x128xf32, #tpu.memory_space<hbm>>) target_semaphore(%run_scoped3A : memref<!tpu.dma_semaphore, #tpu.memory_space<semaphore_mem>>)
      %dma_wait3A = arith.constant 0 : i32
      %dma_wait3A_55 = tpu.memref_slice %arg6[%arg0, %add3A_41, %dma_wait3A] : memref<2x10240x128xf32, #tpu.memory_space<hbm>> -> memref<1x128x128xf32, #tpu.memory_space<hbm>>
      %dma_wait3A_56 = tpu.memref_squeeze %dma_wait3A_55 : memref<1x128x128xf32, #tpu.memory_space<hbm>> -> memref<128x128xf32, #tpu.memory_space<hbm>>
      %dma_wait3A_57 = arith.constant 0 : i32
      %dma_wait3A_58 = tpu.memref_slice %arg6[%arg0, %add3A_41, %dma_wait3A_57] : memref<2x10240x128xf32, #tpu.memory_space<hbm>> -> memref<1x128x128xf32, #tpu.memory_space<hbm>>
      %dma_wait3A_59 = tpu.memref_squeeze %dma_wait3A_58 : memref<1x128x128xf32, #tpu.memory_space<hbm>> -> memref<128x128xf32, #tpu.memory_space<hbm>>
      tpu.wait_dma2 semaphore(%run_scoped3A : memref<!tpu.dma_semaphore, #tpu.memory_space<semaphore_mem>>) src(%arg9 : memref<128x128xf32, #tpu.memory_space<vmem>>) dst(%dma_wait3A_59 : memref<128x128xf32, #tpu.memory_space<hbm>>)
      tpu.yield
    }) : () -> ()
    %add3A_42 = arith.constant 384 : i32
    %add3A_43 = arith.addi %mul3A_4, %add3A_42 : i32
    "tpu.region"() ({
      %run_scoped3A = tpu.sem_alloc : memref<!tpu.dma_semaphore, #tpu.memory_space<semaphore_mem>>
      %dma_start3A = arith.constant 0 : i32
      %dma_start3A_50 = tpu.memref_slice %arg11[%add3A_43, %dma_start3A] : memref<10240x128xf32, #tpu.memory_space<vmem_shared>> -> memref<128x128xf32, #tpu.memory_space<vmem_shared>>
      %dma_start3A_51 = arith.constant 0 : i32
      %dma_start3A_52 = tpu.memref_slice %arg11[%add3A_43, %dma_start3A_51] : memref<10240x128xf32, #tpu.memory_space<vmem_shared>> -> memref<128x128xf32, #tpu.memory_space<vmem_shared>>
      tpu.enqueue_dma source(%dma_start3A_52 : memref<128x128xf32, #tpu.memory_space<vmem_shared>>) target(%arg9 : memref<128x128xf32, #tpu.memory_space<vmem>>) target_semaphore(%run_scoped3A : memref<!tpu.dma_semaphore, #tpu.memory_space<semaphore_mem>>)
      %dma_wait3A = arith.constant 0 : i32
      %dma_wait3A_53 = tpu.memref_slice %arg11[%add3A_43, %dma_wait3A] : memref<10240x128xf32, #tpu.memory_space<vmem_shared>> -> memref<128x128xf32, #tpu.memory_space<vmem_shared>>
      %dma_wait3A_54 = arith.constant 0 : i32
      %dma_wait3A_55 = tpu.memref_slice %arg11[%add3A_43, %dma_wait3A_54] : memref<10240x128xf32, #tpu.memory_space<vmem_shared>> -> memref<128x128xf32, #tpu.memory_space<vmem_shared>>
      tpu.wait_dma2 semaphore(%run_scoped3A : memref<!tpu.dma_semaphore, #tpu.memory_space<semaphore_mem>>) src(%dma_wait3A_55 : memref<128x128xf32, #tpu.memory_space<vmem_shared>>) dst(%arg9 : memref<128x128xf32, #tpu.memory_space<vmem>>)
      tpu.yield
    }) : () -> ()
    %add3A_44 = arith.constant 384 : i32
    %add3A_45 = arith.addi %mul3A_4, %add3A_44 : i32
    "tpu.region"() ({
      %run_scoped3A = tpu.sem_alloc : memref<!tpu.dma_semaphore, #tpu.memory_space<semaphore_mem>>
      %dma_start3A = arith.constant 0 : i32
      %dma_start3A_50 = tpu.memref_slice %arg6[%arg0, %add3A_45, %dma_start3A] : memref<2x10240x128xf32, #tpu.memory_space<hbm>> -> memref<1x128x128xf32, #tpu.memory_space<hbm>>
      %dma_start3A_51 = tpu.memref_squeeze %dma_start3A_50 : memref<1x128x128xf32, #tpu.memory_space<hbm>> -> memref<128x128xf32, #tpu.memory_space<hbm>>
      %dma_start3A_52 = arith.constant 0 : i32
      %dma_start3A_53 = tpu.memref_slice %arg6[%arg0, %add3A_45, %dma_start3A_52] : memref<2x10240x128xf32, #tpu.memory_space<hbm>> -> memref<1x128x128xf32, #tpu.memory_space<hbm>>
      %dma_start3A_54 = tpu.memref_squeeze %dma_start3A_53 : memref<1x128x128xf32, #tpu.memory_space<hbm>> -> memref<128x128xf32, #tpu.memory_space<hbm>>
      tpu.enqueue_dma source(%arg9 : memref<128x128xf32, #tpu.memory_space<vmem>>) target(%dma_start3A_54 : memref<128x128xf32, #tpu.memory_space<hbm>>) target_semaphore(%run_scoped3A : memref<!tpu.dma_semaphore, #tpu.memory_space<semaphore_mem>>)
      %dma_wait3A = arith.constant 0 : i32
      %dma_wait3A_55 = tpu.memref_slice %arg6[%arg0, %add3A_45, %dma_wait3A] : memref<2x10240x128xf32, #tpu.memory_space<hbm>> -> memref<1x128x128xf32, #tpu.memory_space<hbm>>
      %dma_wait3A_56 = tpu.memref_squeeze %dma_wait3A_55 : memref<1x128x128xf32, #tpu.memory_space<hbm>> -> memref<128x128xf32, #tpu.memory_space<hbm>>
      %dma_wait3A_57 = arith.constant 0 : i32
      %dma_wait3A_58 = tpu.memref_slice %arg6[%arg0, %add3A_45, %dma_wait3A_57] : memref<2x10240x128xf32, #tpu.memory_space<hbm>> -> memref<1x128x128xf32, #tpu.memory_space<hbm>>
      %dma_wait3A_59 = tpu.memref_squeeze %dma_wait3A_58 : memref<1x128x128xf32, #tpu.memory_space<hbm>> -> memref<128x128xf32, #tpu.memory_space<hbm>>
      tpu.wait_dma2 semaphore(%run_scoped3A : memref<!tpu.dma_semaphore, #tpu.memory_space<semaphore_mem>>) src(%arg9 : memref<128x128xf32, #tpu.memory_space<vmem>>) dst(%dma_wait3A_59 : memref<128x128xf32, #tpu.memory_space<hbm>>)
      tpu.yield
    }) : () -> ()
    %add3A_46 = arith.constant 512 : i32
    %add3A_47 = arith.addi %mul3A_4, %add3A_46 : i32
    "tpu.region"() ({
      %run_scoped3A = tpu.sem_alloc : memref<!tpu.dma_semaphore, #tpu.memory_space<semaphore_mem>>
      %dma_start3A = arith.constant 0 : i32
      %dma_start3A_50 = tpu.memref_slice %arg11[%add3A_47, %dma_start3A] : memref<10240x128xf32, #tpu.memory_space<vmem_shared>> -> memref<128x128xf32, #tpu.memory_space<vmem_shared>>
      %dma_start3A_51 = arith.constant 0 : i32
      %dma_start3A_52 = tpu.memref_slice %arg11[%add3A_47, %dma_start3A_51] : memref<10240x128xf32, #tpu.memory_space<vmem_shared>> -> memref<128x128xf32, #tpu.memory_space<vmem_shared>>
      tpu.enqueue_dma source(%dma_start3A_52 : memref<128x128xf32, #tpu.memory_space<vmem_shared>>) target(%arg9 : memref<128x128xf32, #tpu.memory_space<vmem>>) target_semaphore(%run_scoped3A : memref<!tpu.dma_semaphore, #tpu.memory_space<semaphore_mem>>)
      %dma_wait3A = arith.constant 0 : i32
      %dma_wait3A_53 = tpu.memref_slice %arg11[%add3A_47, %dma_wait3A] : memref<10240x128xf32, #tpu.memory_space<vmem_shared>> -> memref<128x128xf32, #tpu.memory_space<vmem_shared>>
      %dma_wait3A_54 = arith.constant 0 : i32
      %dma_wait3A_55 = tpu.memref_slice %arg11[%add3A_47, %dma_wait3A_54] : memref<10240x128xf32, #tpu.memory_space<vmem_shared>> -> memref<128x128xf32, #tpu.memory_space<vmem_shared>>
      tpu.wait_dma2 semaphore(%run_scoped3A : memref<!tpu.dma_semaphore, #tpu.memory_space<semaphore_mem>>) src(%dma_wait3A_55 : memref<128x128xf32, #tpu.memory_space<vmem_shared>>) dst(%arg9 : memref<128x128xf32, #tpu.memory_space<vmem>>)
      tpu.yield
    }) : () -> ()
    %add3A_48 = arith.constant 512 : i32
    %add3A_49 = arith.addi %mul3A_4, %add3A_48 : i32
    "tpu.region"() ({
      %run_scoped3A = tpu.sem_alloc : memref<!tpu.dma_semaphore, #tpu.memory_space<semaphore_mem>>
      %dma_start3A = arith.constant 0 : i32
      %dma_start3A_50 = tpu.memref_slice %arg6[%arg0, %add3A_49, %dma_start3A] : memref<2x10240x128xf32, #tpu.memory_space<hbm>> -> memref<1x128x128xf32, #tpu.memory_space<hbm>>
      %dma_start3A_51 = tpu.memref_squeeze %dma_start3A_50 : memref<1x128x128xf32, #tpu.memory_space<hbm>> -> memref<128x128xf32, #tpu.memory_space<hbm>>
      %dma_start3A_52 = arith.constant 0 : i32
      %dma_start3A_53 = tpu.memref_slice %arg6[%arg0, %add3A_49, %dma_start3A_52] : memref<2x10240x128xf32, #tpu.memory_space<hbm>> -> memref<1x128x128xf32, #tpu.memory_space<hbm>>
      %dma_start3A_54 = tpu.memref_squeeze %dma_start3A_53 : memref<1x128x128xf32, #tpu.memory_space<hbm>> -> memref<128x128xf32, #tpu.memory_space<hbm>>
      tpu.enqueue_dma source(%arg9 : memref<128x128xf32, #tpu.memory_space<vmem>>) target(%dma_start3A_54 : memref<128x128xf32, #tpu.memory_space<hbm>>) target_semaphore(%run_scoped3A : memref<!tpu.dma_semaphore, #tpu.memory_space<semaphore_mem>>)
      %dma_wait3A = arith.constant 0 : i32
      %dma_wait3A_55 = tpu.memref_slice %arg6[%arg0, %add3A_49, %dma_wait3A] : memref<2x10240x128xf32, #tpu.memory_space<hbm>> -> memref<1x128x128xf32, #tpu.memory_space<hbm>>
      %dma_wait3A_56 = tpu.memref_squeeze %dma_wait3A_55 : memref<1x128x128xf32, #tpu.memory_space<hbm>> -> memref<128x128xf32, #tpu.memory_space<hbm>>
      %dma_wait3A_57 = arith.constant 0 : i32
      %dma_wait3A_58 = tpu.memref_slice %arg6[%arg0, %add3A_49, %dma_wait3A_57] : memref<2x10240x128xf32, #tpu.memory_space<hbm>> -> memref<1x128x128xf32, #tpu.memory_space<hbm>>
      %dma_wait3A_59 = tpu.memref_squeeze %dma_wait3A_58 : memref<1x128x128xf32, #tpu.memory_space<hbm>> -> memref<128x128xf32, #tpu.memory_space<hbm>>
      tpu.wait_dma2 semaphore(%run_scoped3A : memref<!tpu.dma_semaphore, #tpu.memory_space<semaphore_mem>>) src(%arg9 : memref<128x128xf32, #tpu.memory_space<vmem>>) dst(%dma_wait3A_59 : memref<128x128xf32, #tpu.memory_space<hbm>>)
      tpu.yield
    }) : () -> ()
    return
  }
}

#map = affine_map<(d0, d1) -> (0, 0)>
#map1 = affine_map<(d0, d1) -> (0)>
#map2 = affine_map<(d0, d1) -> (0, 0, 0)>
module attributes {stable_mosaic.version = 14 : i64} {
  func.func @body(%arg0: i32, %arg1: i32, %arg2: memref<323584x128xf32, #tpu.memory_space<hbm>>, %arg3: memref<323584xi32, #tpu.memory_space<hbm>>, %arg4: memref<2528x128xi32, #tpu.memory_space<hbm>>, %arg5: memref<10240x128xf32, #tpu.memory_space<hbm>>, %arg6: memref<2x10240x128xf32, #tpu.memory_space<hbm>>, %arg7: memref<128xi32, #tpu.memory_space<vmem>>, %arg8: memref<128xi32, #tpu.memory_space<vmem>>, %arg9: memref<128x128xf32, #tpu.memory_space<vmem>>, %arg10: memref<128x128xf32, #tpu.memory_space<vmem>>, %arg11: memref<10240x128xf32, #tpu.memory_space<vmem_shared>>, %arg12: memref<!tpu.dma_semaphore, #tpu.memory_space<semaphore_mem>>, %arg13: memref<!tpu.dma_semaphore, #tpu.memory_space<semaphore_mem>>, %arg14: memref<!tpu.dma_semaphore, #tpu.memory_space<semaphore_mem>>) attributes {dimension_semantics = [#tpu.dimension_semantics<core_parallel>, #tpu.dimension_semantics<subcore_parallel>], iteration_bounds = array<i64: 2, 16>, scalar_prefetch = 0 : i64, scratch_operands = 8 : i64, tpu.core_type = #tpu.core_type<sc_vector_subcore>, window_params = [{transform_indices = #map}, {transform_indices = #map1}, {transform_indices = #map}, {transform_indices = #map}, {transform_indices = #map2}]} {
    %mul3A = arith.constant 16 : i32
    %mul3A_0 = arith.muli %arg0, %mul3A : i32
    %add3A = arith.addi %mul3A_0, %arg1 : i32
    %mul3A_1 = arith.constant 10112 : i32
    %mul3A_2 = arith.muli %add3A, %mul3A_1 : i32
    %mul3A_3 = arith.constant 640 : i32
    %mul3A_4 = arith.muli %arg1, %mul3A_3 : i32
    %broadcast_in_dim3A = arith.constant 0.000000e+00 : f32
    %broadcast_in_dim3A_5 = vector.broadcast %broadcast_in_dim3A : f32 to vector<16xf32>
    %scan3A = arith.constant 0 : i32
    %scan3A_6 = arith.constant 0 : i32
    %scan3A_7 = arith.constant 128 : i32
    %scan3A_8 = arith.addi %scan3A_6, %scan3A_7 : i32
    %scan3A_9 = arith.constant 1 : i32
    %scan3A_10 = scf.for %scan3A_50 = %scan3A_6 to %scan3A_8 step %scan3A_9 iter_args(%scan3A_51 = %scan3A) -> (i32)  : i32 {
      %swap3A = arith.index_cast %scan3A_50 : i32 to index
      %swap3A_52 = arith.constant 0 : index
      %swap3A_53 = tpu.vector_load %arg9[%swap3A, %swap3A_52] {strides = array<i32>} : memref<128x128xf32, #tpu.memory_space<vmem>>, vector<1x16xf32>,
      %swap3A_54 = vector.shape_cast %swap3A_53 : vector<1x16xf32> to vector<16xf32>
      %swap3A_55 = vector.shape_cast %broadcast_in_dim3A_5 : vector<16xf32> to vector<1x16xf32>
      tpu.vector_store %arg9[%swap3A, %swap3A_52], %swap3A_55 {strides = array<i32>} : memref<128x128xf32, #tpu.memory_space<vmem>>, vector<1x16xf32>,
      %swap3A_56 = arith.index_cast %scan3A_50 : i32 to index
      %swap3A_57 = arith.constant 16 : index
      %swap3A_58 = tpu.vector_load %arg9[%swap3A_56, %swap3A_57] {strides = array<i32>} : memref<128x128xf32, #tpu.memory_space<vmem>>, vector<1x16xf32>,
      %swap3A_59 = vector.shape_cast %swap3A_58 : vector<1x16xf32> to vector<16xf32>
      %swap3A_60 = vector.shape_cast %broadcast_in_dim3A_5 : vector<16xf32> to vector<1x16xf32>
      tpu.vector_store %arg9[%swap3A_56, %swap3A_57], %swap3A_60 {strides = array<i32>} : memref<128x128xf32, #tpu.memory_space<vmem>>, vector<1x16xf32>,
      %swap3A_61 = arith.index_cast %scan3A_50 : i32 to index
      %swap3A_62 = arith.constant 32 : index
      %swap3A_63 = tpu.vector_load %arg9[%swap3A_61, %swap3A_62] {strides = array<i32>} : memref<128x128xf32, #tpu.memory_space<vmem>>, vector<1x16xf32>,
      %swap3A_64 = vector.shape_cast %swap3A_63 : vector<1x16xf32> to vector<16xf32>
      %swap3A_65 = vector.shape_cast %broadcast_in_dim3A_5 : vector<16xf32> to vector<1x16xf32>
      tpu.vector_store %arg9[%swap3A_61, %swap3A_62], %swap3A_65 {strides = array<i32>} : memref<128x128xf32, #tpu.memory_space<vmem>>, vector<1x16xf32>,
      %swap3A_66 = arith.index_cast %scan3A_50 : i32 to index
      %swap3A_67 = arith.constant 48 : index
      %swap3A_68 = tpu.vector_load %arg9[%swap3A_66, %swap3A_67] {strides = array<i32>} : memref<128x128xf32, #tpu.memory_space<vmem>>, vector<1x16xf32>,
      %swap3A_69 = vector.shape_cast %swap3A_68 : vector<1x16xf32> to vector<16xf32>
      %swap3A_70 = vector.shape_cast %broadcast_in_dim3A_5 : vector<16xf32> to vector<1x16xf32>
      tpu.vector_store %arg9[%swap3A_66, %swap3A_67], %swap3A_70 {strides = array<i32>} : memref<128x128xf32, #tpu.memory_space<vmem>>, vector<1x16xf32>,
      %swap3A_71 = arith.index_cast %scan3A_50 : i32 to index
      %swap3A_72 = arith.constant 64 : index
      %swap3A_73 = tpu.vector_load %arg9[%swap3A_71, %swap3A_72] {strides = array<i32>} : memref<128x128xf32, #tpu.memory_space<vmem>>, vector<1x16xf32>,
      %swap3A_74 = vector.shape_cast %swap3A_73 : vector<1x16xf32> to vector<16xf32>
      %swap3A_75 = vector.shape_cast %broadcast_in_dim3A_5 : vector<16xf32> to vector<1x16xf32>
      tpu.vector_store %arg9[%swap3A_71, %swap3A_72], %swap3A_75 {strides = array<i32>} : memref<128x128xf32, #tpu.memory_space<vmem>>, vector<1x16xf32>,
      %swap3A_76 = arith.index_cast %scan3A_50 : i32 to index
      %swap3A_77 = arith.constant 80 : index
      %swap3A_78 = tpu.vector_load %arg9[%swap3A_76, %swap3A_77] {strides = array<i32>} : memref<128x128xf32, #tpu.memory_space<vmem>>, vector<1x16xf32>,
      %swap3A_79 = vector.shape_cast %swap3A_78 : vector<1x16xf32> to vector<16xf32>
      %swap3A_80 = vector.shape_cast %broadcast_in_dim3A_5 : vector<16xf32> to vector<1x16xf32>
      tpu.vector_store %arg9[%swap3A_76, %swap3A_77], %swap3A_80 {strides = array<i32>} : memref<128x128xf32, #tpu.memory_space<vmem>>, vector<1x16xf32>,
      %swap3A_81 = arith.index_cast %scan3A_50 : i32 to index
      %swap3A_82 = arith.constant 96 : index
      %swap3A_83 = tpu.vector_load %arg9[%swap3A_81, %swap3A_82] {strides = array<i32>} : memref<128x128xf32, #tpu.memory_space<vmem>>, vector<1x16xf32>,
      %swap3A_84 = vector.shape_cast %swap3A_83 : vector<1x16xf32> to vector<16xf32>
      %swap3A_85 = vector.shape_cast %broadcast_in_dim3A_5 : vector<16xf32> to vector<1x16xf32>
      tpu.vector_store %arg9[%swap3A_81, %swap3A_82], %swap3A_85 {strides = array<i32>} : memref<128x128xf32, #tpu.memory_space<vmem>>, vector<1x16xf32>,
      %swap3A_86 = arith.index_cast %scan3A_50 : i32 to index
      %swap3A_87 = arith.constant 112 : index
      %swap3A_88 = tpu.vector_load %arg9[%swap3A_86, %swap3A_87] {strides = array<i32>} : memref<128x128xf32, #tpu.memory_space<vmem>>, vector<1x16xf32>,
      %swap3A_89 = vector.shape_cast %swap3A_88 : vector<1x16xf32> to vector<16xf32>
      %swap3A_90 = vector.shape_cast %broadcast_in_dim3A_5 : vector<16xf32> to vector<1x16xf32>
      tpu.vector_store %arg9[%swap3A_86, %swap3A_87], %swap3A_90 {strides = array<i32>} : memref<128x128xf32, #tpu.memory_space<vmem>>, vector<1x16xf32>,
      %scan3A_91 = arith.constant 0 : i32
      scf.yield %scan3A_91 : i32
    }
    %scan3A_11 = arith.constant 128 : i32
    %add3A_12 = arith.constant 0 : i32
    %add3A_13 = arith.addi %mul3A_4, %add3A_12 : i32
    "tpu.region"() ({
      %run_scoped3A = tpu.sem_alloc : memref<!tpu.dma_semaphore, #tpu.memory_space<semaphore_mem>>
      %dma_start3A = arith.constant 0 : i32
      %dma_start3A_50 = tpu.memref_slice %arg11[%add3A_13, %dma_start3A] : memref<10240x128xf32, #tpu.memory_space<vmem_shared>> -> memref<128x128xf32, #tpu.memory_space<vmem_shared>>
      %dma_start3A_51 = arith.constant 0 : i32
      %dma_start3A_52 = tpu.memref_slice %arg11[%add3A_13, %dma_start3A_51] : memref<10240x128xf32, #tpu.memory_space<vmem_shared>> -> memref<128x128xf32, #tpu.memory_space<vmem_shared>>
      tpu.enqueue_dma source(%arg9 : memref<128x128xf32, #tpu.memory_space<vmem>>) target(%dma_start3A_52 : memref<128x128xf32, #tpu.memory_space<vmem_shared>>) target_semaphore(%run_scoped3A : memref<!tpu.dma_semaphore, #tpu.memory_space<semaphore_mem>>)
      %dma_wait3A = arith.constant 0 : i32
      %dma_wait3A_53 = tpu.memref_slice %arg11[%add3A_13, %dma_wait3A] : memref<10240x128xf32, #tpu.memory_space<vmem_shared>> -> memref<128x128xf32, #tpu.memory_space<vmem_shared>>
      %dma_wait3A_54 = arith.constant 0 : i32
      %dma_wait3A_55 = tpu.memref_slice %arg11[%add3A_13, %dma_wait3A_54] : memref<10240x128xf32, #tpu.memory_space<vmem_shared>> -> memref<128x128xf32, #tpu.memory_space<vmem_shared>>
      tpu.wait_dma2 semaphore(%run_scoped3A : memref<!tpu.dma_semaphore, #tpu.memory_space<semaphore_mem>>) src(%arg9 : memref<128x128xf32, #tpu.memory_space<vmem>>) dst(%dma_wait3A_55 : memref<128x128xf32, #tpu.memory_space<vmem_shared>>)
      tpu.yield
    }) : () -> ()
    %add3A_14 = arith.constant 128 : i32
    %add3A_15 = arith.addi %mul3A_4, %add3A_14 : i32
    "tpu.region"() ({
      %run_scoped3A = tpu.sem_alloc : memref<!tpu.dma_semaphore, #tpu.memory_space<semaphore_mem>>
      %dma_start3A = arith.constant 0 : i32
      %dma_start3A_50 = tpu.memref_slice %arg11[%add3A_15, %dma_start3A] : memref<10240x128xf32, #tpu.memory_space<vmem_shared>> -> memref<128x128xf32, #tpu.memory_space<vmem_shared>>
      %dma_start3A_51 = arith.constant 0 : i32
      %dma_start3A_52 = tpu.memref_slice %arg11[%add3A_15, %dma_start3A_51] : memref<10240x128xf32, #tpu.memory_space<vmem_shared>> -> memref<128x128xf32, #tpu.memory_space<vmem_shared>>
      tpu.enqueue_dma source(%arg9 : memref<128x128xf32, #tpu.memory_space<vmem>>) target(%dma_start3A_52 : memref<128x128xf32, #tpu.memory_space<vmem_shared>>) target_semaphore(%run_scoped3A : memref<!tpu.dma_semaphore, #tpu.memory_space<semaphore_mem>>)
      %dma_wait3A = arith.constant 0 : i32
      %dma_wait3A_53 = tpu.memref_slice %arg11[%add3A_15, %dma_wait3A] : memref<10240x128xf32, #tpu.memory_space<vmem_shared>> -> memref<128x128xf32, #tpu.memory_space<vmem_shared>>
      %dma_wait3A_54 = arith.constant 0 : i32
      %dma_wait3A_55 = tpu.memref_slice %arg11[%add3A_15, %dma_wait3A_54] : memref<10240x128xf32, #tpu.memory_space<vmem_shared>> -> memref<128x128xf32, #tpu.memory_space<vmem_shared>>
      tpu.wait_dma2 semaphore(%run_scoped3A : memref<!tpu.dma_semaphore, #tpu.memory_space<semaphore_mem>>) src(%arg9 : memref<128x128xf32, #tpu.memory_space<vmem>>) dst(%dma_wait3A_55 : memref<128x128xf32, #tpu.memory_space<vmem_shared>>)
      tpu.yield
    }) : () -> ()
    %add3A_16 = arith.constant 256 : i32
    %add3A_17 = arith.addi %mul3A_4, %add3A_16 : i32
    "tpu.region"() ({
      %run_scoped3A = tpu.sem_alloc : memref<!tpu.dma_semaphore, #tpu.memory_space<semaphore_mem>>
      %dma_start3A = arith.constant 0 : i32
      %dma_start3A_50 = tpu.memref_slice %arg11[%add3A_17, %dma_start3A] : memref<10240x128xf32, #tpu.memory_space<vmem_shared>> -> memref<128x128xf32, #tpu.memory_space<vmem_shared>>
      %dma_start3A_51 = arith.constant 0 : i32
      %dma_start3A_52 = tpu.memref_slice %arg11[%add3A_17, %dma_start3A_51] : memref<10240x128xf32, #tpu.memory_space<vmem_shared>> -> memref<128x128xf32, #tpu.memory_space<vmem_shared>>
      tpu.enqueue_dma source(%arg9 : memref<128x128xf32, #tpu.memory_space<vmem>>) target(%dma_start3A_52 : memref<128x128xf32, #tpu.memory_space<vmem_shared>>) target_semaphore(%run_scoped3A : memref<!tpu.dma_semaphore, #tpu.memory_space<semaphore_mem>>)
      %dma_wait3A = arith.constant 0 : i32
      %dma_wait3A_53 = tpu.memref_slice %arg11[%add3A_17, %dma_wait3A] : memref<10240x128xf32, #tpu.memory_space<vmem_shared>> -> memref<128x128xf32, #tpu.memory_space<vmem_shared>>
      %dma_wait3A_54 = arith.constant 0 : i32
      %dma_wait3A_55 = tpu.memref_slice %arg11[%add3A_17, %dma_wait3A_54] : memref<10240x128xf32, #tpu.memory_space<vmem_shared>> -> memref<128x128xf32, #tpu.memory_space<vmem_shared>>
      tpu.wait_dma2 semaphore(%run_scoped3A : memref<!tpu.dma_semaphore, #tpu.memory_space<semaphore_mem>>) src(%arg9 : memref<128x128xf32, #tpu.memory_space<vmem>>) dst(%dma_wait3A_55 : memref<128x128xf32, #tpu.memory_space<vmem_shared>>)
      tpu.yield
    }) : () -> ()
    %add3A_18 = arith.constant 384 : i32
    %add3A_19 = arith.addi %mul3A_4, %add3A_18 : i32
    "tpu.region"() ({
      %run_scoped3A = tpu.sem_alloc : memref<!tpu.dma_semaphore, #tpu.memory_space<semaphore_mem>>
      %dma_start3A = arith.constant 0 : i32
      %dma_start3A_50 = tpu.memref_slice %arg11[%add3A_19, %dma_start3A] : memref<10240x128xf32, #tpu.memory_space<vmem_shared>> -> memref<128x128xf32, #tpu.memory_space<vmem_shared>>
      %dma_start3A_51 = arith.constant 0 : i32
      %dma_start3A_52 = tpu.memref_slice %arg11[%add3A_19, %dma_start3A_51] : memref<10240x128xf32, #tpu.memory_space<vmem_shared>> -> memref<128x128xf32, #tpu.memory_space<vmem_shared>>
      tpu.enqueue_dma source(%arg9 : memref<128x128xf32, #tpu.memory_space<vmem>>) target(%dma_start3A_52 : memref<128x128xf32, #tpu.memory_space<vmem_shared>>) target_semaphore(%run_scoped3A : memref<!tpu.dma_semaphore, #tpu.memory_space<semaphore_mem>>)
      %dma_wait3A = arith.constant 0 : i32
      %dma_wait3A_53 = tpu.memref_slice %arg11[%add3A_19, %dma_wait3A] : memref<10240x128xf32, #tpu.memory_space<vmem_shared>> -> memref<128x128xf32, #tpu.memory_space<vmem_shared>>
      %dma_wait3A_54 = arith.constant 0 : i32
      %dma_wait3A_55 = tpu.memref_slice %arg11[%add3A_19, %dma_wait3A_54] : memref<10240x128xf32, #tpu.memory_space<vmem_shared>> -> memref<128x128xf32, #tpu.memory_space<vmem_shared>>
      tpu.wait_dma2 semaphore(%run_scoped3A : memref<!tpu.dma_semaphore, #tpu.memory_space<semaphore_mem>>) src(%arg9 : memref<128x128xf32, #tpu.memory_space<vmem>>) dst(%dma_wait3A_55 : memref<128x128xf32, #tpu.memory_space<vmem_shared>>)
      tpu.yield
    }) : () -> ()
    %add3A_20 = arith.constant 512 : i32
    %add3A_21 = arith.addi %mul3A_4, %add3A_20 : i32
    "tpu.region"() ({
      %run_scoped3A = tpu.sem_alloc : memref<!tpu.dma_semaphore, #tpu.memory_space<semaphore_mem>>
      %dma_start3A = arith.constant 0 : i32
      %dma_start3A_50 = tpu.memref_slice %arg11[%add3A_21, %dma_start3A] : memref<10240x128xf32, #tpu.memory_space<vmem_shared>> -> memref<128x128xf32, #tpu.memory_space<vmem_shared>>
      %dma_start3A_51 = arith.constant 0 : i32
      %dma_start3A_52 = tpu.memref_slice %arg11[%add3A_21, %dma_start3A_51] : memref<10240x128xf32, #tpu.memory_space<vmem_shared>> -> memref<128x128xf32, #tpu.memory_space<vmem_shared>>
      tpu.enqueue_dma source(%arg9 : memref<128x128xf32, #tpu.memory_space<vmem>>) target(%dma_start3A_52 : memref<128x128xf32, #tpu.memory_space<vmem_shared>>) target_semaphore(%run_scoped3A : memref<!tpu.dma_semaphore, #tpu.memory_space<semaphore_mem>>)
      %dma_wait3A = arith.constant 0 : i32
      %dma_wait3A_53 = tpu.memref_slice %arg11[%add3A_21, %dma_wait3A] : memref<10240x128xf32, #tpu.memory_space<vmem_shared>> -> memref<128x128xf32, #tpu.memory_space<vmem_shared>>
      %dma_wait3A_54 = arith.constant 0 : i32
      %dma_wait3A_55 = tpu.memref_slice %arg11[%add3A_21, %dma_wait3A_54] : memref<10240x128xf32, #tpu.memory_space<vmem_shared>> -> memref<128x128xf32, #tpu.memory_space<vmem_shared>>
      tpu.wait_dma2 semaphore(%run_scoped3A : memref<!tpu.dma_semaphore, #tpu.memory_space<semaphore_mem>>) src(%arg9 : memref<128x128xf32, #tpu.memory_space<vmem>>) dst(%dma_wait3A_55 : memref<128x128xf32, #tpu.memory_space<vmem_shared>>)
      tpu.yield
    }) : () -> ()
    %barrier3A = arith.constant 0 : index
    tpu.barrier barrier_id(%barrier3A)
    %scan3A_22 = arith.constant 0 : i32
    %scan3A_23 = arith.constant 0 : i32
    %scan3A_24 = arith.constant 79 : i32
    %scan3A_25 = arith.addi %scan3A_23, %scan3A_24 : i32
    %scan3A_26 = arith.constant 1 : i32
    %scan3A_27 = scf.for %scan3A_50 = %scan3A_23 to %scan3A_25 step %scan3A_26 iter_args(%scan3A_51 = %scan3A_22) -> (i32)  : i32 {
      %mul3A_52 = arith.constant 128 : i32
      %mul3A_53 = arith.muli %scan3A_50, %mul3A_52 : i32
      %add3A_54 = arith.addi %mul3A_2, %mul3A_53 : i32
      %dma_start3A = arith.constant 0 : i32
      %dma_start3A_55 = tpu.memref_slice %arg2[%add3A_54, %dma_start3A] : memref<323584x128xf32, #tpu.memory_space<hbm>> -> memref<128x128xf32, #tpu.memory_space<hbm>>
      %dma_start3A_56 = arith.constant 0 : i32
      %dma_start3A_57 = tpu.memref_slice %arg2[%add3A_54, %dma_start3A_56] : memref<323584x128xf32, #tpu.memory_space<hbm>> -> memref<128x128xf32, #tpu.memory_space<hbm>>
      tpu.enqueue_dma source(%dma_start3A_57 : memref<128x128xf32, #tpu.memory_space<hbm>>) target(%arg9 : memref<128x128xf32, #tpu.memory_space<vmem>>) target_semaphore(%arg13 : memref<!tpu.dma_semaphore, #tpu.memory_space<semaphore_mem>>)
      %mul3A_58 = arith.constant 79 : i32
      %mul3A_59 = arith.muli %add3A, %mul3A_58 : i32
      %add3A_60 = arith.addi %mul3A_59, %scan3A_50 : i32
      %dma_start3A_61 = arith.constant 0 : i32
      %dma_start3A_62 = tpu.memref_slice %arg4[%add3A_60, %dma_start3A_61] : memref<2528x128xi32, #tpu.memory_space<hbm>> -> memref<1x128xi32, #tpu.memory_space<hbm>>
      %dma_start3A_63 = tpu.memref_squeeze %dma_start3A_62 : memref<1x128xi32, #tpu.memory_space<hbm>> -> memref<128xi32, #tpu.memory_space<hbm>>
      %dma_start3A_64 = arith.constant 0 : i32
      %dma_start3A_65 = tpu.memref_slice %arg4[%add3A_60, %dma_start3A_64] : memref<2528x128xi32, #tpu.memory_space<hbm>> -> memref<1x128xi32, #tpu.memory_space<hbm>>
      %dma_start3A_66 = tpu.memref_squeeze %dma_start3A_65 : memref<1x128xi32, #tpu.memory_space<hbm>> -> memref<128xi32, #tpu.memory_space<hbm>>
      tpu.enqueue_dma source(%dma_start3A_66 : memref<128xi32, #tpu.memory_space<hbm>>) target(%arg8 : memref<128xi32, #tpu.memory_space<vmem>>) target_semaphore(%arg12 : memref<!tpu.dma_semaphore, #tpu.memory_space<semaphore_mem>>)
      "tpu.region"() ({
        %run_scoped3A = tpu.sem_alloc : memref<!tpu.dma_semaphore, #tpu.memory_space<semaphore_mem>>
        %dma_start3A_90 = tpu.memref_slice %arg3[%add3A_54] : memref<323584xi32, #tpu.memory_space<hbm>> -> memref<128xi32, #tpu.memory_space<hbm>>
        %dma_start3A_91 = tpu.memref_slice %arg3[%add3A_54] : memref<323584xi32, #tpu.memory_space<hbm>> -> memref<128xi32, #tpu.memory_space<hbm>>
        tpu.enqueue_dma source(%dma_start3A_91 : memref<128xi32, #tpu.memory_space<hbm>>) target(%arg7 : memref<128xi32, #tpu.memory_space<vmem>>) target_semaphore(%run_scoped3A : memref<!tpu.dma_semaphore, #tpu.memory_space<semaphore_mem>>)
        %dma_wait3A_92 = tpu.memref_slice %arg3[%add3A_54] : memref<323584xi32, #tpu.memory_space<hbm>> -> memref<128xi32, #tpu.memory_space<hbm>>
        %dma_wait3A_93 = tpu.memref_slice %arg3[%add3A_54] : memref<323584xi32, #tpu.memory_space<hbm>> -> memref<128xi32, #tpu.memory_space<hbm>>
        tpu.wait_dma2 semaphore(%run_scoped3A : memref<!tpu.dma_semaphore, #tpu.memory_space<semaphore_mem>>) src(%dma_wait3A_93 : memref<128xi32, #tpu.memory_space<hbm>>) dst(%arg7 : memref<128xi32, #tpu.memory_space<vmem>>)
        tpu.yield
      }) : () -> ()
      %dma_start3A_67 = arith.constant 0 : i32
      %dma_start3A_68 = arith.constant 0 : i32
      %dma_start3A_69 = tpu.memref_slice %arg5[%dma_start3A_67, %dma_start3A_68] : memref<10240x128xf32, #tpu.memory_space<hbm>> -> memref<10240x128xf32, #tpu.memory_space<hbm>>
      tpu.enqueue_indirect_dma source(%dma_start3A_69 : memref<10240x128xf32, #tpu.memory_space<hbm>>) target(%arg10 : memref<128x128xf32, #tpu.memory_space<vmem>>) offsets(%arg7 : memref<128xi32, #tpu.memory_space<vmem>>) semaphore(%arg14 : memref<!tpu.dma_semaphore, #tpu.memory_space<semaphore_mem>>)
      %dma_wait3A = arith.constant 0 : i32
      %dma_wait3A_70 = tpu.memref_slice %arg2[%add3A_54, %dma_wait3A] : memref<323584x128xf32, #tpu.memory_space<hbm>> -> memref<128x128xf32, #tpu.memory_space<hbm>>
      %dma_wait3A_71 = arith.constant 0 : i32
      %dma_wait3A_72 = tpu.memref_slice %arg2[%add3A_54, %dma_wait3A_71] : memref<323584x128xf32, #tpu.memory_space<hbm>> -> memref<128x128xf32, #tpu.memory_space<hbm>>
      tpu.wait_dma2 semaphore(%arg13 : memref<!tpu.dma_semaphore, #tpu.memory_space<semaphore_mem>>) src(%dma_wait3A_72 : memref<128x128xf32, #tpu.memory_space<hbm>>) dst(%arg9 : memref<128x128xf32, #tpu.memory_space<vmem>>)
      %dma_wait3A_73 = arith.constant 0 : i32
      %dma_wait3A_74 = arith.constant 0 : i32
      %dma_wait3A_75 = tpu.memref_slice %arg5[%dma_wait3A_73, %dma_wait3A_74] : memref<10240x128xf32, #tpu.memory_space<hbm>> -> memref<10240x128xf32, #tpu.memory_space<hbm>>
      tpu.wait_indirect_dma semaphore(%arg14 : memref<!tpu.dma_semaphore, #tpu.memory_space<semaphore_mem>>) src(%dma_wait3A_75 : memref<10240x128xf32, #tpu.memory_space<hbm>>) dst(%arg10 : memref<128x128xf32, #tpu.memory_space<vmem>>)
      %scan3A_76 = arith.constant 0 : i32
      %scan3A_77 = arith.constant 0 : i32
      %scan3A_78 = arith.constant 128 : i32
      %scan3A_79 = arith.addi %scan3A_77, %scan3A_78 : i32
      %scan3A_80 = arith.constant 1 : i32
      %scan3A_81 = scf.for %scan3A_90 = %scan3A_77 to %scan3A_79 step %scan3A_80 iter_args(%scan3A_91 = %scan3A_76) -> (i32)  : i32 {
        %get3A = arith.index_cast %scan3A_90 : i32 to index
        %get3A_92 = arith.constant 0 : index
        %get3A_93 = tpu.vector_load %arg9[%get3A, %get3A_92] {strides = array<i32>} : memref<128x128xf32, #tpu.memory_space<vmem>>, vector<1x16xf32>,
        %get3A_94 = vector.shape_cast %get3A_93 : vector<1x16xf32> to vector<16xf32>
        %get3A_95 = arith.index_cast %scan3A_90 : i32 to index
        %get3A_96 = arith.constant 0 : index
        %get3A_97 = tpu.vector_load %arg10[%get3A_95, %get3A_96] {strides = array<i32>} : memref<128x128xf32, #tpu.memory_space<vmem>>, vector<1x16xf32>,
        %get3A_98 = vector.shape_cast %get3A_97 : vector<1x16xf32> to vector<16xf32>
        %add3A_99 = arith.addf %get3A_94, %get3A_98 : vector<16xf32>
        %max3A = arith.constant 0.000000e+00 : f32
        %max3A_100 = vector.broadcast %max3A : f32 to vector<16xf32>
        %max3A_101 = arith.maximumf %add3A_99, %max3A_100 : vector<16xf32>
        %swap3A = arith.index_cast %scan3A_90 : i32 to index
        %swap3A_102 = arith.constant 0 : index
        %swap3A_103 = tpu.vector_load %arg9[%swap3A, %swap3A_102] {strides = array<i32>} : memref<128x128xf32, #tpu.memory_space<vmem>>, vector<1x16xf32>,
        %swap3A_104 = vector.shape_cast %swap3A_103 : vector<1x16xf32> to vector<16xf32>
        %swap3A_105 = vector.shape_cast %max3A_101 : vector<16xf32> to vector<1x16xf32>
        tpu.vector_store %arg9[%swap3A, %swap3A_102], %swap3A_105 {strides = array<i32>} : memref<128x128xf32, #tpu.memory_space<vmem>>, vector<1x16xf32>,
        %get3A_106 = arith.index_cast %scan3A_90 : i32 to index
        %get3A_107 = arith.constant 16 : index
        %get3A_108 = tpu.vector_load %arg9[%get3A_106, %get3A_107] {strides = array<i32>} : memref<128x128xf32, #tpu.memory_space<vmem>>, vector<1x16xf32>,
        %get3A_109 = vector.shape_cast %get3A_108 : vector<1x16xf32> to vector<16xf32>
        %get3A_110 = arith.index_cast %scan3A_90 : i32 to index
        %get3A_111 = arith.constant 16 : index
        %get3A_112 = tpu.vector_load %arg10[%get3A_110, %get3A_111] {strides = array<i32>} : memref<128x128xf32, #tpu.memory_space<vmem>>, vector<1x16xf32>,
        %get3A_113 = vector.shape_cast %get3A_112 : vector<1x16xf32> to vector<16xf32>
        %add3A_114 = arith.addf %get3A_109, %get3A_113 : vector<16xf32>
        %max3A_115 = arith.constant 0.000000e+00 : f32
        %max3A_116 = vector.broadcast %max3A_115 : f32 to vector<16xf32>
        %max3A_117 = arith.maximumf %add3A_114, %max3A_116 : vector<16xf32>
        %swap3A_118 = arith.index_cast %scan3A_90 : i32 to index
        %swap3A_119 = arith.constant 16 : index
        %swap3A_120 = tpu.vector_load %arg9[%swap3A_118, %swap3A_119] {strides = array<i32>} : memref<128x128xf32, #tpu.memory_space<vmem>>, vector<1x16xf32>,
        %swap3A_121 = vector.shape_cast %swap3A_120 : vector<1x16xf32> to vector<16xf32>
        %swap3A_122 = vector.shape_cast %max3A_117 : vector<16xf32> to vector<1x16xf32>
        tpu.vector_store %arg9[%swap3A_118, %swap3A_119], %swap3A_122 {strides = array<i32>} : memref<128x128xf32, #tpu.memory_space<vmem>>, vector<1x16xf32>,
        %get3A_123 = arith.index_cast %scan3A_90 : i32 to index
        %get3A_124 = arith.constant 32 : index
        %get3A_125 = tpu.vector_load %arg9[%get3A_123, %get3A_124] {strides = array<i32>} : memref<128x128xf32, #tpu.memory_space<vmem>>, vector<1x16xf32>,
        %get3A_126 = vector.shape_cast %get3A_125 : vector<1x16xf32> to vector<16xf32>
        %get3A_127 = arith.index_cast %scan3A_90 : i32 to index
        %get3A_128 = arith.constant 32 : index
        %get3A_129 = tpu.vector_load %arg10[%get3A_127, %get3A_128] {strides = array<i32>} : memref<128x128xf32, #tpu.memory_space<vmem>>, vector<1x16xf32>,
        %get3A_130 = vector.shape_cast %get3A_129 : vector<1x16xf32> to vector<16xf32>
        %add3A_131 = arith.addf %get3A_126, %get3A_130 : vector<16xf32>
        %max3A_132 = arith.constant 0.000000e+00 : f32
        %max3A_133 = vector.broadcast %max3A_132 : f32 to vector<16xf32>
        %max3A_134 = arith.maximumf %add3A_131, %max3A_133 : vector<16xf32>
        %swap3A_135 = arith.index_cast %scan3A_90 : i32 to index
        %swap3A_136 = arith.constant 32 : index
        %swap3A_137 = tpu.vector_load %arg9[%swap3A_135, %swap3A_136] {strides = array<i32>} : memref<128x128xf32, #tpu.memory_space<vmem>>, vector<1x16xf32>,
        %swap3A_138 = vector.shape_cast %swap3A_137 : vector<1x16xf32> to vector<16xf32>
        %swap3A_139 = vector.shape_cast %max3A_134 : vector<16xf32> to vector<1x16xf32>
        tpu.vector_store %arg9[%swap3A_135, %swap3A_136], %swap3A_139 {strides = array<i32>} : memref<128x128xf32, #tpu.memory_space<vmem>>, vector<1x16xf32>,
        %get3A_140 = arith.index_cast %scan3A_90 : i32 to index
        %get3A_141 = arith.constant 48 : index
        %get3A_142 = tpu.vector_load %arg9[%get3A_140, %get3A_141] {strides = array<i32>} : memref<128x128xf32, #tpu.memory_space<vmem>>, vector<1x16xf32>,
        %get3A_143 = vector.shape_cast %get3A_142 : vector<1x16xf32> to vector<16xf32>
        %get3A_144 = arith.index_cast %scan3A_90 : i32 to index
        %get3A_145 = arith.constant 48 : index
        %get3A_146 = tpu.vector_load %arg10[%get3A_144, %get3A_145] {strides = array<i32>} : memref<128x128xf32, #tpu.memory_space<vmem>>, vector<1x16xf32>,
        %get3A_147 = vector.shape_cast %get3A_146 : vector<1x16xf32> to vector<16xf32>
        %add3A_148 = arith.addf %get3A_143, %get3A_147 : vector<16xf32>
        %max3A_149 = arith.constant 0.000000e+00 : f32
        %max3A_150 = vector.broadcast %max3A_149 : f32 to vector<16xf32>
        %max3A_151 = arith.maximumf %add3A_148, %max3A_150 : vector<16xf32>
        %swap3A_152 = arith.index_cast %scan3A_90 : i32 to index
        %swap3A_153 = arith.constant 48 : index
        %swap3A_154 = tpu.vector_load %arg9[%swap3A_152, %swap3A_153] {strides = array<i32>} : memref<128x128xf32, #tpu.memory_space<vmem>>, vector<1x16xf32>,
        %swap3A_155 = vector.shape_cast %swap3A_154 : vector<1x16xf32> to vector<16xf32>
        %swap3A_156 = vector.shape_cast %max3A_151 : vector<16xf32> to vector<1x16xf32>
        tpu.vector_store %arg9[%swap3A_152, %swap3A_153], %swap3A_156 {strides = array<i32>} : memref<128x128xf32, #tpu.memory_space<vmem>>, vector<1x16xf32>,
        %get3A_157 = arith.index_cast %scan3A_90 : i32 to index
        %get3A_158 = arith.constant 64 : index
        %get3A_159 = tpu.vector_load %arg9[%get3A_157, %get3A_158] {strides = array<i32>} : memref<128x128xf32, #tpu.memory_space<vmem>>, vector<1x16xf32>,
        %get3A_160 = vector.shape_cast %get3A_159 : vector<1x16xf32> to vector<16xf32>
        %get3A_161 = arith.index_cast %scan3A_90 : i32 to index
        %get3A_162 = arith.constant 64 : index
        %get3A_163 = tpu.vector_load %arg10[%get3A_161, %get3A_162] {strides = array<i32>} : memref<128x128xf32, #tpu.memory_space<vmem>>, vector<1x16xf32>,
        %get3A_164 = vector.shape_cast %get3A_163 : vector<1x16xf32> to vector<16xf32>
        %add3A_165 = arith.addf %get3A_160, %get3A_164 : vector<16xf32>
        %max3A_166 = arith.constant 0.000000e+00 : f32
        %max3A_167 = vector.broadcast %max3A_166 : f32 to vector<16xf32>
        %max3A_168 = arith.maximumf %add3A_165, %max3A_167 : vector<16xf32>
        %swap3A_169 = arith.index_cast %scan3A_90 : i32 to index
        %swap3A_170 = arith.constant 64 : index
        %swap3A_171 = tpu.vector_load %arg9[%swap3A_169, %swap3A_170] {strides = array<i32>} : memref<128x128xf32, #tpu.memory_space<vmem>>, vector<1x16xf32>,
        %swap3A_172 = vector.shape_cast %swap3A_171 : vector<1x16xf32> to vector<16xf32>
        %swap3A_173 = vector.shape_cast %max3A_168 : vector<16xf32> to vector<1x16xf32>
        tpu.vector_store %arg9[%swap3A_169, %swap3A_170], %swap3A_173 {strides = array<i32>} : memref<128x128xf32, #tpu.memory_space<vmem>>, vector<1x16xf32>,
        %get3A_174 = arith.index_cast %scan3A_90 : i32 to index
        %get3A_175 = arith.constant 80 : index
        %get3A_176 = tpu.vector_load %arg9[%get3A_174, %get3A_175] {strides = array<i32>} : memref<128x128xf32, #tpu.memory_space<vmem>>, vector<1x16xf32>,
        %get3A_177 = vector.shape_cast %get3A_176 : vector<1x16xf32> to vector<16xf32>
        %get3A_178 = arith.index_cast %scan3A_90 : i32 to index
        %get3A_179 = arith.constant 80 : index
        %get3A_180 = tpu.vector_load %arg10[%get3A_178, %get3A_179] {strides = array<i32>} : memref<128x128xf32, #tpu.memory_space<vmem>>, vector<1x16xf32>,
        %get3A_181 = vector.shape_cast %get3A_180 : vector<1x16xf32> to vector<16xf32>
        %add3A_182 = arith.addf %get3A_177, %get3A_181 : vector<16xf32>
        %max3A_183 = arith.constant 0.000000e+00 : f32
        %max3A_184 = vector.broadcast %max3A_183 : f32 to vector<16xf32>
        %max3A_185 = arith.maximumf %add3A_182, %max3A_184 : vector<16xf32>
        %swap3A_186 = arith.index_cast %scan3A_90 : i32 to index
        %swap3A_187 = arith.constant 80 : index
        %swap3A_188 = tpu.vector_load %arg9[%swap3A_186, %swap3A_187] {strides = array<i32>} : memref<128x128xf32, #tpu.memory_space<vmem>>, vector<1x16xf32>,
        %swap3A_189 = vector.shape_cast %swap3A_188 : vector<1x16xf32> to vector<16xf32>
        %swap3A_190 = vector.shape_cast %max3A_185 : vector<16xf32> to vector<1x16xf32>
        tpu.vector_store %arg9[%swap3A_186, %swap3A_187], %swap3A_190 {strides = array<i32>} : memref<128x128xf32, #tpu.memory_space<vmem>>, vector<1x16xf32>,
        %get3A_191 = arith.index_cast %scan3A_90 : i32 to index
        %get3A_192 = arith.constant 96 : index
        %get3A_193 = tpu.vector_load %arg9[%get3A_191, %get3A_192] {strides = array<i32>} : memref<128x128xf32, #tpu.memory_space<vmem>>, vector<1x16xf32>,
        %get3A_194 = vector.shape_cast %get3A_193 : vector<1x16xf32> to vector<16xf32>
        %get3A_195 = arith.index_cast %scan3A_90 : i32 to index
        %get3A_196 = arith.constant 96 : index
        %get3A_197 = tpu.vector_load %arg10[%get3A_195, %get3A_196] {strides = array<i32>} : memref<128x128xf32, #tpu.memory_space<vmem>>, vector<1x16xf32>,
        %get3A_198 = vector.shape_cast %get3A_197 : vector<1x16xf32> to vector<16xf32>
        %add3A_199 = arith.addf %get3A_194, %get3A_198 : vector<16xf32>
        %max3A_200 = arith.constant 0.000000e+00 : f32
        %max3A_201 = vector.broadcast %max3A_200 : f32 to vector<16xf32>
        %max3A_202 = arith.maximumf %add3A_199, %max3A_201 : vector<16xf32>
        %swap3A_203 = arith.index_cast %scan3A_90 : i32 to index
        %swap3A_204 = arith.constant 96 : index
        %swap3A_205 = tpu.vector_load %arg9[%swap3A_203, %swap3A_204] {strides = array<i32>} : memref<128x128xf32, #tpu.memory_space<vmem>>, vector<1x16xf32>,
        %swap3A_206 = vector.shape_cast %swap3A_205 : vector<1x16xf32> to vector<16xf32>
        %swap3A_207 = vector.shape_cast %max3A_202 : vector<16xf32> to vector<1x16xf32>
        tpu.vector_store %arg9[%swap3A_203, %swap3A_204], %swap3A_207 {strides = array<i32>} : memref<128x128xf32, #tpu.memory_space<vmem>>, vector<1x16xf32>,
        %get3A_208 = arith.index_cast %scan3A_90 : i32 to index
        %get3A_209 = arith.constant 112 : index
        %get3A_210 = tpu.vector_load %arg9[%get3A_208, %get3A_209] {strides = array<i32>} : memref<128x128xf32, #tpu.memory_space<vmem>>, vector<1x16xf32>,
        %get3A_211 = vector.shape_cast %get3A_210 : vector<1x16xf32> to vector<16xf32>
        %get3A_212 = arith.index_cast %scan3A_90 : i32 to index
        %get3A_213 = arith.constant 112 : index
        %get3A_214 = tpu.vector_load %arg10[%get3A_212, %get3A_213] {strides = array<i32>} : memref<128x128xf32, #tpu.memory_space<vmem>>, vector<1x16xf32>,
        %get3A_215 = vector.shape_cast %get3A_214 : vector<1x16xf32> to vector<16xf32>
        %add3A_216 = arith.addf %get3A_211, %get3A_215 : vector<16xf32>
        %max3A_217 = arith.constant 0.000000e+00 : f32
        %max3A_218 = vector.broadcast %max3A_217 : f32 to vector<16xf32>
        %max3A_219 = arith.maximumf %add3A_216, %max3A_218 : vector<16xf32>
        %swap3A_220 = arith.index_cast %scan3A_90 : i32 to index
        %swap3A_221 = arith.constant 112 : index
        %swap3A_222 = tpu.vector_load %arg9[%swap3A_220, %swap3A_221] {strides = array<i32>} : memref<128x128xf32, #tpu.memory_space<vmem>>, vector<1x16xf32>,
        %swap3A_223 = vector.shape_cast %swap3A_222 : vector<1x16xf32> to vector<16xf32>
        %swap3A_224 = vector.shape_cast %max3A_219 : vector<16xf32> to vector<1x16xf32>
        tpu.vector_store %arg9[%swap3A_220, %swap3A_221], %swap3A_224 {strides = array<i32>} : memref<128x128xf32, #tpu.memory_space<vmem>>, vector<1x16xf32>,
        %scan3A_225 = arith.constant 0 : i32
        scf.yield %scan3A_225 : i32
      }
      %scan3A_82 = arith.constant 128 : i32
      %dma_wait3A_83 = arith.constant 0 : i32
      %dma_wait3A_84 = tpu.memref_slice %arg4[%add3A_60, %dma_wait3A_83] : memref<2528x128xi32, #tpu.memory_space<hbm>> -> memref<1x128xi32, #tpu.memory_space<hbm>>
      %dma_wait3A_85 = tpu.memref_squeeze %dma_wait3A_84 : memref<1x128xi32, #tpu.memory_space<hbm>> -> memref<128xi32, #tpu.memory_space<hbm>>
      %dma_wait3A_86 = arith.constant 0 : i32
      %dma_wait3A_87 = tpu.memref_slice %arg4[%add3A_60, %dma_wait3A_86] : memref<2528x128xi32, #tpu.memory_space<hbm>> -> memref<1x128xi32, #tpu.memory_space<hbm>>
      %dma_wait3A_88 = tpu.memref_squeeze %dma_wait3A_87 : memref<1x128xi32, #tpu.memory_space<hbm>> -> memref<128xi32, #tpu.memory_space<hbm>>
      tpu.wait_dma2 semaphore(%arg12 : memref<!tpu.dma_semaphore, #tpu.memory_space<semaphore_mem>>) src(%dma_wait3A_88 : memref<128xi32, #tpu.memory_space<hbm>>) dst(%arg8 : memref<128xi32, #tpu.memory_space<vmem>>)
      "tpu.region"() ({
        %run_scoped3A = tpu.sem_alloc : memref<!tpu.dma_semaphore, #tpu.memory_space<semaphore_mem>>
        %dma_start3A_90 = arith.constant 0 : i32
        %dma_start3A_91 = arith.constant 0 : i32
        %dma_start3A_92 = tpu.memref_slice %arg11[%dma_start3A_90, %dma_start3A_91] : memref<10240x128xf32, #tpu.memory_space<vmem_shared>> -> memref<10240x128xf32, #tpu.memory_space<vmem_shared>>
        tpu.enqueue_indirect_dma source(%arg9 : memref<128x128xf32, #tpu.memory_space<vmem>>) target(%dma_start3A_92 : memref<10240x128xf32, #tpu.memory_space<vmem_shared>>) offsets(%arg8 : memref<128xi32, #tpu.memory_space<vmem>>) semaphore(%run_scoped3A : memref<!tpu.dma_semaphore, #tpu.memory_space<semaphore_mem>>) {add = true}
        %dma_wait3A_93 = arith.constant 0 : i32
        %dma_wait3A_94 = arith.constant 0 : i32
        %dma_wait3A_95 = tpu.memref_slice %arg11[%dma_wait3A_93, %dma_wait3A_94] : memref<10240x128xf32, #tpu.memory_space<vmem_shared>> -> memref<10240x128xf32, #tpu.memory_space<vmem_shared>>
        tpu.wait_indirect_dma semaphore(%run_scoped3A : memref<!tpu.dma_semaphore, #tpu.memory_space<semaphore_mem>>) src(%arg9 : memref<128x128xf32, #tpu.memory_space<vmem>>) dst(%dma_wait3A_95 : memref<10240x128xf32, #tpu.memory_space<vmem_shared>>)
        tpu.yield
      }) : () -> ()
      %scan3A_89 = arith.constant 0 : i32
      scf.yield %scan3A_89 : i32
    }
    %scan3A_28 = arith.constant 79 : i32
    %barrier3A_29 = arith.constant 0 : index
    tpu.barrier barrier_id(%barrier3A_29)
    %add3A_30 = arith.constant 0 : i32
    %add3A_31 = arith.addi %mul3A_4, %add3A_30 : i32
    "tpu.region"() ({
      %run_scoped3A = tpu.sem_alloc : memref<!tpu.dma_semaphore, #tpu.memory_space<semaphore_mem>>
      %dma_start3A = arith.constant 0 : i32
      %dma_start3A_50 = tpu.memref_slice %arg11[%add3A_31, %dma_start3A] : memref<10240x128xf32, #tpu.memory_space<vmem_shared>> -> memref<128x128xf32, #tpu.memory_space<vmem_shared>>
      %dma_start3A_51 = arith.constant 0 : i32
      %dma_start3A_52 = tpu.memref_slice %arg11[%add3A_31, %dma_start3A_51] : memref<10240x128xf32, #tpu.memory_space<vmem_shared>> -> memref<128x128xf32, #tpu.memory_space<vmem_shared>>
      tpu.enqueue_dma source(%dma_start3A_52 : memref<128x128xf32, #tpu.memory_space<vmem_shared>>) target(%arg9 : memref<128x128xf32, #tpu.memory_space<vmem>>) target_semaphore(%run_scoped3A : memref<!tpu.dma_semaphore, #tpu.memory_space<semaphore_mem>>)
      %dma_wait3A = arith.constant 0 : i32
      %dma_wait3A_53 = tpu.memref_slice %arg11[%add3A_31, %dma_wait3A] : memref<10240x128xf32, #tpu.memory_space<vmem_shared>> -> memref<128x128xf32, #tpu.memory_space<vmem_shared>>
      %dma_wait3A_54 = arith.constant 0 : i32
      %dma_wait3A_55 = tpu.memref_slice %arg11[%add3A_31, %dma_wait3A_54] : memref<10240x128xf32, #tpu.memory_space<vmem_shared>> -> memref<128x128xf32, #tpu.memory_space<vmem_shared>>
      tpu.wait_dma2 semaphore(%run_scoped3A : memref<!tpu.dma_semaphore, #tpu.memory_space<semaphore_mem>>) src(%dma_wait3A_55 : memref<128x128xf32, #tpu.memory_space<vmem_shared>>) dst(%arg9 : memref<128x128xf32, #tpu.memory_space<vmem>>)
      tpu.yield
    }) : () -> ()
    %add3A_32 = arith.constant 0 : i32
    %add3A_33 = arith.addi %mul3A_4, %add3A_32 : i32
    "tpu.region"() ({
      %run_scoped3A = tpu.sem_alloc : memref<!tpu.dma_semaphore, #tpu.memory_space<semaphore_mem>>
      %dma_start3A = arith.constant 0 : i32
      %dma_start3A_50 = tpu.memref_slice %arg6[%arg0, %add3A_33, %dma_start3A] : memref<2x10240x128xf32, #tpu.memory_space<hbm>> -> memref<1x128x128xf32, #tpu.memory_space<hbm>>
      %dma_start3A_51 = tpu.memref_squeeze %dma_start3A_50 : memref<1x128x128xf32, #tpu.memory_space<hbm>> -> memref<128x128xf32, #tpu.memory_space<hbm>>
      %dma_start3A_52 = arith.constant 0 : i32
      %dma_start3A_53 = tpu.memref_slice %arg6[%arg0, %add3A_33, %dma_start3A_52] : memref<2x10240x128xf32, #tpu.memory_space<hbm>> -> memref<1x128x128xf32, #tpu.memory_space<hbm>>
      %dma_start3A_54 = tpu.memref_squeeze %dma_start3A_53 : memref<1x128x128xf32, #tpu.memory_space<hbm>> -> memref<128x128xf32, #tpu.memory_space<hbm>>
      tpu.enqueue_dma source(%arg9 : memref<128x128xf32, #tpu.memory_space<vmem>>) target(%dma_start3A_54 : memref<128x128xf32, #tpu.memory_space<hbm>>) target_semaphore(%run_scoped3A : memref<!tpu.dma_semaphore, #tpu.memory_space<semaphore_mem>>)
      %dma_wait3A = arith.constant 0 : i32
      %dma_wait3A_55 = tpu.memref_slice %arg6[%arg0, %add3A_33, %dma_wait3A] : memref<2x10240x128xf32, #tpu.memory_space<hbm>> -> memref<1x128x128xf32, #tpu.memory_space<hbm>>
      %dma_wait3A_56 = tpu.memref_squeeze %dma_wait3A_55 : memref<1x128x128xf32, #tpu.memory_space<hbm>> -> memref<128x128xf32, #tpu.memory_space<hbm>>
      %dma_wait3A_57 = arith.constant 0 : i32
      %dma_wait3A_58 = tpu.memref_slice %arg6[%arg0, %add3A_33, %dma_wait3A_57] : memref<2x10240x128xf32, #tpu.memory_space<hbm>> -> memref<1x128x128xf32, #tpu.memory_space<hbm>>
      %dma_wait3A_59 = tpu.memref_squeeze %dma_wait3A_58 : memref<1x128x128xf32, #tpu.memory_space<hbm>> -> memref<128x128xf32, #tpu.memory_space<hbm>>
      tpu.wait_dma2 semaphore(%run_scoped3A : memref<!tpu.dma_semaphore, #tpu.memory_space<semaphore_mem>>) src(%arg9 : memref<128x128xf32, #tpu.memory_space<vmem>>) dst(%dma_wait3A_59 : memref<128x128xf32, #tpu.memory_space<hbm>>)
      tpu.yield
    }) : () -> ()
    %add3A_34 = arith.constant 128 : i32
    %add3A_35 = arith.addi %mul3A_4, %add3A_34 : i32
    "tpu.region"() ({
      %run_scoped3A = tpu.sem_alloc : memref<!tpu.dma_semaphore, #tpu.memory_space<semaphore_mem>>
      %dma_start3A = arith.constant 0 : i32
      %dma_start3A_50 = tpu.memref_slice %arg11[%add3A_35, %dma_start3A] : memref<10240x128xf32, #tpu.memory_space<vmem_shared>> -> memref<128x128xf32, #tpu.memory_space<vmem_shared>>
      %dma_start3A_51 = arith.constant 0 : i32
      %dma_start3A_52 = tpu.memref_slice %arg11[%add3A_35, %dma_start3A_51] : memref<10240x128xf32, #tpu.memory_space<vmem_shared>> -> memref<128x128xf32, #tpu.memory_space<vmem_shared>>
      tpu.enqueue_dma source(%dma_start3A_52 : memref<128x128xf32, #tpu.memory_space<vmem_shared>>) target(%arg9 : memref<128x128xf32, #tpu.memory_space<vmem>>) target_semaphore(%run_scoped3A : memref<!tpu.dma_semaphore, #tpu.memory_space<semaphore_mem>>)
      %dma_wait3A = arith.constant 0 : i32
      %dma_wait3A_53 = tpu.memref_slice %arg11[%add3A_35, %dma_wait3A] : memref<10240x128xf32, #tpu.memory_space<vmem_shared>> -> memref<128x128xf32, #tpu.memory_space<vmem_shared>>
      %dma_wait3A_54 = arith.constant 0 : i32
      %dma_wait3A_55 = tpu.memref_slice %arg11[%add3A_35, %dma_wait3A_54] : memref<10240x128xf32, #tpu.memory_space<vmem_shared>> -> memref<128x128xf32, #tpu.memory_space<vmem_shared>>
      tpu.wait_dma2 semaphore(%run_scoped3A : memref<!tpu.dma_semaphore, #tpu.memory_space<semaphore_mem>>) src(%dma_wait3A_55 : memref<128x128xf32, #tpu.memory_space<vmem_shared>>) dst(%arg9 : memref<128x128xf32, #tpu.memory_space<vmem>>)
      tpu.yield
    }) : () -> ()
    %add3A_36 = arith.constant 128 : i32
    %add3A_37 = arith.addi %mul3A_4, %add3A_36 : i32
    "tpu.region"() ({
      %run_scoped3A = tpu.sem_alloc : memref<!tpu.dma_semaphore, #tpu.memory_space<semaphore_mem>>
      %dma_start3A = arith.constant 0 : i32
      %dma_start3A_50 = tpu.memref_slice %arg6[%arg0, %add3A_37, %dma_start3A] : memref<2x10240x128xf32, #tpu.memory_space<hbm>> -> memref<1x128x128xf32, #tpu.memory_space<hbm>>
      %dma_start3A_51 = tpu.memref_squeeze %dma_start3A_50 : memref<1x128x128xf32, #tpu.memory_space<hbm>> -> memref<128x128xf32, #tpu.memory_space<hbm>>
      %dma_start3A_52 = arith.constant 0 : i32
      %dma_start3A_53 = tpu.memref_slice %arg6[%arg0, %add3A_37, %dma_start3A_52] : memref<2x10240x128xf32, #tpu.memory_space<hbm>> -> memref<1x128x128xf32, #tpu.memory_space<hbm>>
      %dma_start3A_54 = tpu.memref_squeeze %dma_start3A_53 : memref<1x128x128xf32, #tpu.memory_space<hbm>> -> memref<128x128xf32, #tpu.memory_space<hbm>>
      tpu.enqueue_dma source(%arg9 : memref<128x128xf32, #tpu.memory_space<vmem>>) target(%dma_start3A_54 : memref<128x128xf32, #tpu.memory_space<hbm>>) target_semaphore(%run_scoped3A : memref<!tpu.dma_semaphore, #tpu.memory_space<semaphore_mem>>)
      %dma_wait3A = arith.constant 0 : i32
      %dma_wait3A_55 = tpu.memref_slice %arg6[%arg0, %add3A_37, %dma_wait3A] : memref<2x10240x128xf32, #tpu.memory_space<hbm>> -> memref<1x128x128xf32, #tpu.memory_space<hbm>>
      %dma_wait3A_56 = tpu.memref_squeeze %dma_wait3A_55 : memref<1x128x128xf32, #tpu.memory_space<hbm>> -> memref<128x128xf32, #tpu.memory_space<hbm>>
      %dma_wait3A_57 = arith.constant 0 : i32
      %dma_wait3A_58 = tpu.memref_slice %arg6[%arg0, %add3A_37, %dma_wait3A_57] : memref<2x10240x128xf32, #tpu.memory_space<hbm>> -> memref<1x128x128xf32, #tpu.memory_space<hbm>>
      %dma_wait3A_59 = tpu.memref_squeeze %dma_wait3A_58 : memref<1x128x128xf32, #tpu.memory_space<hbm>> -> memref<128x128xf32, #tpu.memory_space<hbm>>
      tpu.wait_dma2 semaphore(%run_scoped3A : memref<!tpu.dma_semaphore, #tpu.memory_space<semaphore_mem>>) src(%arg9 : memref<128x128xf32, #tpu.memory_space<vmem>>) dst(%dma_wait3A_59 : memref<128x128xf32, #tpu.memory_space<hbm>>)
      tpu.yield
    }) : () -> ()
    %add3A_38 = arith.constant 256 : i32
    %add3A_39 = arith.addi %mul3A_4, %add3A_38 : i32
    "tpu.region"() ({
      %run_scoped3A = tpu.sem_alloc : memref<!tpu.dma_semaphore, #tpu.memory_space<semaphore_mem>>
      %dma_start3A = arith.constant 0 : i32
      %dma_start3A_50 = tpu.memref_slice %arg11[%add3A_39, %dma_start3A] : memref<10240x128xf32, #tpu.memory_space<vmem_shared>> -> memref<128x128xf32, #tpu.memory_space<vmem_shared>>
      %dma_start3A_51 = arith.constant 0 : i32
      %dma_start3A_52 = tpu.memref_slice %arg11[%add3A_39, %dma_start3A_51] : memref<10240x128xf32, #tpu.memory_space<vmem_shared>> -> memref<128x128xf32, #tpu.memory_space<vmem_shared>>
      tpu.enqueue_dma source(%dma_start3A_52 : memref<128x128xf32, #tpu.memory_space<vmem_shared>>) target(%arg9 : memref<128x128xf32, #tpu.memory_space<vmem>>) target_semaphore(%run_scoped3A : memref<!tpu.dma_semaphore, #tpu.memory_space<semaphore_mem>>)
      %dma_wait3A = arith.constant 0 : i32
      %dma_wait3A_53 = tpu.memref_slice %arg11[%add3A_39, %dma_wait3A] : memref<10240x128xf32, #tpu.memory_space<vmem_shared>> -> memref<128x128xf32, #tpu.memory_space<vmem_shared>>
      %dma_wait3A_54 = arith.constant 0 : i32
      %dma_wait3A_55 = tpu.memref_slice %arg11[%add3A_39, %dma_wait3A_54] : memref<10240x128xf32, #tpu.memory_space<vmem_shared>> -> memref<128x128xf32, #tpu.memory_space<vmem_shared>>
      tpu.wait_dma2 semaphore(%run_scoped3A : memref<!tpu.dma_semaphore, #tpu.memory_space<semaphore_mem>>) src(%dma_wait3A_55 : memref<128x128xf32, #tpu.memory_space<vmem_shared>>) dst(%arg9 : memref<128x128xf32, #tpu.memory_space<vmem>>)
      tpu.yield
    }) : () -> ()
    %add3A_40 = arith.constant 256 : i32
    %add3A_41 = arith.addi %mul3A_4, %add3A_40 : i32
    "tpu.region"() ({
      %run_scoped3A = tpu.sem_alloc : memref<!tpu.dma_semaphore, #tpu.memory_space<semaphore_mem>>
      %dma_start3A = arith.constant 0 : i32
      %dma_start3A_50 = tpu.memref_slice %arg6[%arg0, %add3A_41, %dma_start3A] : memref<2x10240x128xf32, #tpu.memory_space<hbm>> -> memref<1x128x128xf32, #tpu.memory_space<hbm>>
      %dma_start3A_51 = tpu.memref_squeeze %dma_start3A_50 : memref<1x128x128xf32, #tpu.memory_space<hbm>> -> memref<128x128xf32, #tpu.memory_space<hbm>>
      %dma_start3A_52 = arith.constant 0 : i32
      %dma_start3A_53 = tpu.memref_slice %arg6[%arg0, %add3A_41, %dma_start3A_52] : memref<2x10240x128xf32, #tpu.memory_space<hbm>> -> memref<1x128x128xf32, #tpu.memory_space<hbm>>
      %dma_start3A_54 = tpu.memref_squeeze %dma_start3A_53 : memref<1x128x128xf32, #tpu.memory_space<hbm>> -> memref<128x128xf32, #tpu.memory_space<hbm>>
      tpu.enqueue_dma source(%arg9 : memref<128x128xf32, #tpu.memory_space<vmem>>) target(%dma_start3A_54 : memref<128x128xf32, #tpu.memory_space<hbm>>) target_semaphore(%run_scoped3A : memref<!tpu.dma_semaphore, #tpu.memory_space<semaphore_mem>>)
      %dma_wait3A = arith.constant 0 : i32
      %dma_wait3A_55 = tpu.memref_slice %arg6[%arg0, %add3A_41, %dma_wait3A] : memref<2x10240x128xf32, #tpu.memory_space<hbm>> -> memref<1x128x128xf32, #tpu.memory_space<hbm>>
      %dma_wait3A_56 = tpu.memref_squeeze %dma_wait3A_55 : memref<1x128x128xf32, #tpu.memory_space<hbm>> -> memref<128x128xf32, #tpu.memory_space<hbm>>
      %dma_wait3A_57 = arith.constant 0 : i32
      %dma_wait3A_58 = tpu.memref_slice %arg6[%arg0, %add3A_41, %dma_wait3A_57] : memref<2x10240x128xf32, #tpu.memory_space<hbm>> -> memref<1x128x128xf32, #tpu.memory_space<hbm>>
      %dma_wait3A_59 = tpu.memref_squeeze %dma_wait3A_58 : memref<1x128x128xf32, #tpu.memory_space<hbm>> -> memref<128x128xf32, #tpu.memory_space<hbm>>
      tpu.wait_dma2 semaphore(%run_scoped3A : memref<!tpu.dma_semaphore, #tpu.memory_space<semaphore_mem>>) src(%arg9 : memref<128x128xf32, #tpu.memory_space<vmem>>) dst(%dma_wait3A_59 : memref<128x128xf32, #tpu.memory_space<hbm>>)
      tpu.yield
    }) : () -> ()
    %add3A_42 = arith.constant 384 : i32
    %add3A_43 = arith.addi %mul3A_4, %add3A_42 : i32
    "tpu.region"() ({
      %run_scoped3A = tpu.sem_alloc : memref<!tpu.dma_semaphore, #tpu.memory_space<semaphore_mem>>
      %dma_start3A = arith.constant 0 : i32
      %dma_start3A_50 = tpu.memref_slice %arg11[%add3A_43, %dma_start3A] : memref<10240x128xf32, #tpu.memory_space<vmem_shared>> -> memref<128x128xf32, #tpu.memory_space<vmem_shared>>
      %dma_start3A_51 = arith.constant 0 : i32
      %dma_start3A_52 = tpu.memref_slice %arg11[%add3A_43, %dma_start3A_51] : memref<10240x128xf32, #tpu.memory_space<vmem_shared>> -> memref<128x128xf32, #tpu.memory_space<vmem_shared>>
      tpu.enqueue_dma source(%dma_start3A_52 : memref<128x128xf32, #tpu.memory_space<vmem_shared>>) target(%arg9 : memref<128x128xf32, #tpu.memory_space<vmem>>) target_semaphore(%run_scoped3A : memref<!tpu.dma_semaphore, #tpu.memory_space<semaphore_mem>>)
      %dma_wait3A = arith.constant 0 : i32
      %dma_wait3A_53 = tpu.memref_slice %arg11[%add3A_43, %dma_wait3A] : memref<10240x128xf32, #tpu.memory_space<vmem_shared>> -> memref<128x128xf32, #tpu.memory_space<vmem_shared>>
      %dma_wait3A_54 = arith.constant 0 : i32
      %dma_wait3A_55 = tpu.memref_slice %arg11[%add3A_43, %dma_wait3A_54] : memref<10240x128xf32, #tpu.memory_space<vmem_shared>> -> memref<128x128xf32, #tpu.memory_space<vmem_shared>>
      tpu.wait_dma2 semaphore(%run_scoped3A : memref<!tpu.dma_semaphore, #tpu.memory_space<semaphore_mem>>) src(%dma_wait3A_55 : memref<128x128xf32, #tpu.memory_space<vmem_shared>>) dst(%arg9 : memref<128x128xf32, #tpu.memory_space<vmem>>)
      tpu.yield
    }) : () -> ()
    %add3A_44 = arith.constant 384 : i32
    %add3A_45 = arith.addi %mul3A_4, %add3A_44 : i32
    "tpu.region"() ({
      %run_scoped3A = tpu.sem_alloc : memref<!tpu.dma_semaphore, #tpu.memory_space<semaphore_mem>>
      %dma_start3A = arith.constant 0 : i32
      %dma_start3A_50 = tpu.memref_slice %arg6[%arg0, %add3A_45, %dma_start3A] : memref<2x10240x128xf32, #tpu.memory_space<hbm>> -> memref<1x128x128xf32, #tpu.memory_space<hbm>>
      %dma_start3A_51 = tpu.memref_squeeze %dma_start3A_50 : memref<1x128x128xf32, #tpu.memory_space<hbm>> -> memref<128x128xf32, #tpu.memory_space<hbm>>
      %dma_start3A_52 = arith.constant 0 : i32
      %dma_start3A_53 = tpu.memref_slice %arg6[%arg0, %add3A_45, %dma_start3A_52] : memref<2x10240x128xf32, #tpu.memory_space<hbm>> -> memref<1x128x128xf32, #tpu.memory_space<hbm>>
      %dma_start3A_54 = tpu.memref_squeeze %dma_start3A_53 : memref<1x128x128xf32, #tpu.memory_space<hbm>> -> memref<128x128xf32, #tpu.memory_space<hbm>>
      tpu.enqueue_dma source(%arg9 : memref<128x128xf32, #tpu.memory_space<vmem>>) target(%dma_start3A_54 : memref<128x128xf32, #tpu.memory_space<hbm>>) target_semaphore(%run_scoped3A : memref<!tpu.dma_semaphore, #tpu.memory_space<semaphore_mem>>)
      %dma_wait3A = arith.constant 0 : i32
      %dma_wait3A_55 = tpu.memref_slice %arg6[%arg0, %add3A_45, %dma_wait3A] : memref<2x10240x128xf32, #tpu.memory_space<hbm>> -> memref<1x128x128xf32, #tpu.memory_space<hbm>>
      %dma_wait3A_56 = tpu.memref_squeeze %dma_wait3A_55 : memref<1x128x128xf32, #tpu.memory_space<hbm>> -> memref<128x128xf32, #tpu.memory_space<hbm>>
      %dma_wait3A_57 = arith.constant 0 : i32
      %dma_wait3A_58 = tpu.memref_slice %arg6[%arg0, %add3A_45, %dma_wait3A_57] : memref<2x10240x128xf32, #tpu.memory_space<hbm>> -> memref<1x128x128xf32, #tpu.memory_space<hbm>>
      %dma_wait3A_59 = tpu.memref_squeeze %dma_wait3A_58 : memref<1x128x128xf32, #tpu.memory_space<hbm>> -> memref<128x128xf32, #tpu.memory_space<hbm>>
      tpu.wait_dma2 semaphore(%run_scoped3A : memref<!tpu.dma_semaphore, #tpu.memory_space<semaphore_mem>>) src(%arg9 : memref<128x128xf32, #tpu.memory_space<vmem>>) dst(%dma_wait3A_59 : memref<128x128xf32, #tpu.memory_space<hbm>>)
      tpu.yield
    }) : () -> ()
    %add3A_46 = arith.constant 512 : i32
    %add3A_47 = arith.addi %mul3A_4, %add3A_46 : i32
    "tpu.region"() ({
      %run_scoped3A = tpu.sem_alloc : memref<!tpu.dma_semaphore, #tpu.memory_space<semaphore_mem>>
      %dma_start3A = arith.constant 0 : i32
      %dma_start3A_50 = tpu.memref_slice %arg11[%add3A_47, %dma_start3A] : memref<10240x128xf32, #tpu.memory_space<vmem_shared>> -> memref<128x128xf32, #tpu.memory_space<vmem_shared>>
      %dma_start3A_51 = arith.constant 0 : i32
      %dma_start3A_52 = tpu.memref_slice %arg11[%add3A_47, %dma_start3A_51] : memref<10240x128xf32, #tpu.memory_space<vmem_shared>> -> memref<128x128xf32, #tpu.memory_space<vmem_shared>>
      tpu.enqueue_dma source(%dma_start3A_52 : memref<128x128xf32, #tpu.memory_space<vmem_shared>>) target(%arg9 : memref<128x128xf32, #tpu.memory_space<vmem>>) target_semaphore(%run_scoped3A : memref<!tpu.dma_semaphore, #tpu.memory_space<semaphore_mem>>)
      %dma_wait3A = arith.constant 0 : i32
      %dma_wait3A_53 = tpu.memref_slice %arg11[%add3A_47, %dma_wait3A] : memref<10240x128xf32, #tpu.memory_space<vmem_shared>> -> memref<128x128xf32, #tpu.memory_space<vmem_shared>>
      %dma_wait3A_54 = arith.constant 0 : i32
      %dma_wait3A_55 = tpu.memref_slice %arg11[%add3A_47, %dma_wait3A_54] : memref<10240x128xf32, #tpu.memory_space<vmem_shared>> -> memref<128x128xf32, #tpu.memory_space<vmem_shared>>
      tpu.wait_dma2 semaphore(%run_scoped3A : memref<!tpu.dma_semaphore, #tpu.memory_space<semaphore_mem>>) src(%dma_wait3A_55 : memref<128x128xf32, #tpu.memory_space<vmem_shared>>) dst(%arg9 : memref<128x128xf32, #tpu.memory_space<vmem>>)
      tpu.yield
    }) : () -> ()
    %add3A_48 = arith.constant 512 : i32
    %add3A_49 = arith.addi %mul3A_4, %add3A_48 : i32
    "tpu.region"() ({
      %run_scoped3A = tpu.sem_alloc : memref<!tpu.dma_semaphore, #tpu.memory_space<semaphore_mem>>
      %dma_start3A = arith.constant 0 : i32
      %dma_start3A_50 = tpu.memref_slice %arg6[%arg0, %add3A_49, %dma_start3A] : memref<2x10240x128xf32, #tpu.memory_space<hbm>> -> memref<1x128x128xf32, #tpu.memory_space<hbm>>
      %dma_start3A_51 = tpu.memref_squeeze %dma_start3A_50 : memref<1x128x128xf32, #tpu.memory_space<hbm>> -> memref<128x128xf32, #tpu.memory_space<hbm>>
      %dma_start3A_52 = arith.constant 0 : i32
      %dma_start3A_53 = tpu.memref_slice %arg6[%arg0, %add3A_49, %dma_start3A_52] : memref<2x10240x128xf32, #tpu.memory_space<hbm>> -> memref<1x128x128xf32, #tpu.memory_space<hbm>>
      %dma_start3A_54 = tpu.memref_squeeze %dma_start3A_53 : memref<1x128x128xf32, #tpu.memory_space<hbm>> -> memref<128x128xf32, #tpu.memory_space<hbm>>
      tpu.enqueue_dma source(%arg9 : memref<128x128xf32, #tpu.memory_space<vmem>>) target(%dma_start3A_54 : memref<128x128xf32, #tpu.memory_space<hbm>>) target_semaphore(%run_scoped3A : memref<!tpu.dma_semaphore, #tpu.memory_space<semaphore_mem>>)
      %dma_wait3A = arith.constant 0 : i32
      %dma_wait3A_55 = tpu.memref_slice %arg6[%arg0, %add3A_49, %dma_wait3A] : memref<2x10240x128xf32, #tpu.memory_space<hbm>> -> memref<1x128x128xf32, #tpu.memory_space<hbm>>
      %dma_wait3A_56 = tpu.memref_squeeze %dma_wait3A_55 : memref<1x128x128xf32, #tpu.memory_space<hbm>> -> memref<128x128xf32, #tpu.memory_space<hbm>>
      %dma_wait3A_57 = arith.constant 0 : i32
      %dma_wait3A_58 = tpu.memref_slice %arg6[%arg0, %add3A_49, %dma_wait3A_57] : memref<2x10240x128xf32, #tpu.memory_space<hbm>> -> memref<1x128x128xf32, #tpu.memory_space<hbm>>
      %dma_wait3A_59 = tpu.memref_squeeze %dma_wait3A_58 : memref<1x128x128xf32, #tpu.memory_space<hbm>> -> memref<128x128xf32, #tpu.memory_space<hbm>>
      tpu.wait_dma2 semaphore(%run_scoped3A : memref<!tpu.dma_semaphore, #tpu.memory_space<semaphore_mem>>) src(%arg9 : memref<128x128xf32, #tpu.memory_space<vmem>>) dst(%dma_wait3A_59 : memref<128x128xf32, #tpu.memory_space<hbm>>)
      tpu.yield
    }) : () -> ()
    return
  }
}

#map = affine_map<(d0, d1) -> (0, 0)>
#map1 = affine_map<(d0, d1) -> (0)>
#map2 = affine_map<(d0, d1) -> (0, 0, 0)>
module attributes {stable_mosaic.version = 14 : i64} {
  func.func @body(%arg0: i32, %arg1: i32, %arg2: memref<323584x128xf32, #tpu.memory_space<hbm>>, %arg3: memref<323584xi32, #tpu.memory_space<hbm>>, %arg4: memref<2528x128xi32, #tpu.memory_space<hbm>>, %arg5: memref<10240x128xf32, #tpu.memory_space<hbm>>, %arg6: memref<2x10240x128xf32, #tpu.memory_space<hbm>>, %arg7: memref<128xi32, #tpu.memory_space<vmem>>, %arg8: memref<128xi32, #tpu.memory_space<vmem>>, %arg9: memref<128x128xf32, #tpu.memory_space<vmem>>, %arg10: memref<128x128xf32, #tpu.memory_space<vmem>>, %arg11: memref<10240x128xf32, #tpu.memory_space<vmem_shared>>, %arg12: memref<!tpu.dma_semaphore, #tpu.memory_space<semaphore_mem>>, %arg13: memref<!tpu.dma_semaphore, #tpu.memory_space<semaphore_mem>>, %arg14: memref<!tpu.dma_semaphore, #tpu.memory_space<semaphore_mem>>) attributes {dimension_semantics = [#tpu.dimension_semantics<core_parallel>, #tpu.dimension_semantics<subcore_parallel>], iteration_bounds = array<i64: 2, 16>, scalar_prefetch = 0 : i64, scratch_operands = 8 : i64, tpu.core_type = #tpu.core_type<sc_vector_subcore>, window_params = [{transform_indices = #map}, {transform_indices = #map1}, {transform_indices = #map}, {transform_indices = #map}, {transform_indices = #map2}]} {
    %mul3A = arith.constant 16 : i32
    %mul3A_0 = arith.muli %arg0, %mul3A : i32
    %add3A = arith.addi %mul3A_0, %arg1 : i32
    %mul3A_1 = arith.constant 10112 : i32
    %mul3A_2 = arith.muli %add3A, %mul3A_1 : i32
    %mul3A_3 = arith.constant 640 : i32
    %mul3A_4 = arith.muli %arg1, %mul3A_3 : i32
    %broadcast_in_dim3A = arith.constant 0.000000e+00 : f32
    %broadcast_in_dim3A_5 = vector.broadcast %broadcast_in_dim3A : f32 to vector<16xf32>
    %scan3A = arith.constant 0 : i32
    %scan3A_6 = arith.constant 0 : i32
    %scan3A_7 = arith.constant 128 : i32
    %scan3A_8 = arith.addi %scan3A_6, %scan3A_7 : i32
    %scan3A_9 = arith.constant 1 : i32
    %scan3A_10 = scf.for %scan3A_50 = %scan3A_6 to %scan3A_8 step %scan3A_9 iter_args(%scan3A_51 = %scan3A) -> (i32)  : i32 {
      %swap3A = arith.index_cast %scan3A_50 : i32 to index
      %swap3A_52 = arith.constant 0 : index
      %swap3A_53 = tpu.vector_load %arg9[%swap3A, %swap3A_52] {strides = array<i32>} : memref<128x128xf32, #tpu.memory_space<vmem>>, vector<1x16xf32>,
      %swap3A_54 = vector.shape_cast %swap3A_53 : vector<1x16xf32> to vector<16xf32>
      %swap3A_55 = vector.shape_cast %broadcast_in_dim3A_5 : vector<16xf32> to vector<1x16xf32>
      tpu.vector_store %arg9[%swap3A, %swap3A_52], %swap3A_55 {strides = array<i32>} : memref<128x128xf32, #tpu.memory_space<vmem>>, vector<1x16xf32>,
      %swap3A_56 = arith.index_cast %scan3A_50 : i32 to index
      %swap3A_57 = arith.constant 16 : index
      %swap3A_58 = tpu.vector_load %arg9[%swap3A_56, %swap3A_57] {strides = array<i32>} : memref<128x128xf32, #tpu.memory_space<vmem>>, vector<1x16xf32>,
      %swap3A_59 = vector.shape_cast %swap3A_58 : vector<1x16xf32> to vector<16xf32>
      %swap3A_60 = vector.shape_cast %broadcast_in_dim3A_5 : vector<16xf32> to vector<1x16xf32>
      tpu.vector_store %arg9[%swap3A_56, %swap3A_57], %swap3A_60 {strides = array<i32>} : memref<128x128xf32, #tpu.memory_space<vmem>>, vector<1x16xf32>,
      %swap3A_61 = arith.index_cast %scan3A_50 : i32 to index
      %swap3A_62 = arith.constant 32 : index
      %swap3A_63 = tpu.vector_load %arg9[%swap3A_61, %swap3A_62] {strides = array<i32>} : memref<128x128xf32, #tpu.memory_space<vmem>>, vector<1x16xf32>,
      %swap3A_64 = vector.shape_cast %swap3A_63 : vector<1x16xf32> to vector<16xf32>
      %swap3A_65 = vector.shape_cast %broadcast_in_dim3A_5 : vector<16xf32> to vector<1x16xf32>
      tpu.vector_store %arg9[%swap3A_61, %swap3A_62], %swap3A_65 {strides = array<i32>} : memref<128x128xf32, #tpu.memory_space<vmem>>, vector<1x16xf32>,
      %swap3A_66 = arith.index_cast %scan3A_50 : i32 to index
      %swap3A_67 = arith.constant 48 : index
      %swap3A_68 = tpu.vector_load %arg9[%swap3A_66, %swap3A_67] {strides = array<i32>} : memref<128x128xf32, #tpu.memory_space<vmem>>, vector<1x16xf32>,
      %swap3A_69 = vector.shape_cast %swap3A_68 : vector<1x16xf32> to vector<16xf32>
      %swap3A_70 = vector.shape_cast %broadcast_in_dim3A_5 : vector<16xf32> to vector<1x16xf32>
      tpu.vector_store %arg9[%swap3A_66, %swap3A_67], %swap3A_70 {strides = array<i32>} : memref<128x128xf32, #tpu.memory_space<vmem>>, vector<1x16xf32>,
      %swap3A_71 = arith.index_cast %scan3A_50 : i32 to index
      %swap3A_72 = arith.constant 64 : index
      %swap3A_73 = tpu.vector_load %arg9[%swap3A_71, %swap3A_72] {strides = array<i32>} : memref<128x128xf32, #tpu.memory_space<vmem>>, vector<1x16xf32>,
      %swap3A_74 = vector.shape_cast %swap3A_73 : vector<1x16xf32> to vector<16xf32>
      %swap3A_75 = vector.shape_cast %broadcast_in_dim3A_5 : vector<16xf32> to vector<1x16xf32>
      tpu.vector_store %arg9[%swap3A_71, %swap3A_72], %swap3A_75 {strides = array<i32>} : memref<128x128xf32, #tpu.memory_space<vmem>>, vector<1x16xf32>,
      %swap3A_76 = arith.index_cast %scan3A_50 : i32 to index
      %swap3A_77 = arith.constant 80 : index
      %swap3A_78 = tpu.vector_load %arg9[%swap3A_76, %swap3A_77] {strides = array<i32>} : memref<128x128xf32, #tpu.memory_space<vmem>>, vector<1x16xf32>,
      %swap3A_79 = vector.shape_cast %swap3A_78 : vector<1x16xf32> to vector<16xf32>
      %swap3A_80 = vector.shape_cast %broadcast_in_dim3A_5 : vector<16xf32> to vector<1x16xf32>
      tpu.vector_store %arg9[%swap3A_76, %swap3A_77], %swap3A_80 {strides = array<i32>} : memref<128x128xf32, #tpu.memory_space<vmem>>, vector<1x16xf32>,
      %swap3A_81 = arith.index_cast %scan3A_50 : i32 to index
      %swap3A_82 = arith.constant 96 : index
      %swap3A_83 = tpu.vector_load %arg9[%swap3A_81, %swap3A_82] {strides = array<i32>} : memref<128x128xf32, #tpu.memory_space<vmem>>, vector<1x16xf32>,
      %swap3A_84 = vector.shape_cast %swap3A_83 : vector<1x16xf32> to vector<16xf32>
      %swap3A_85 = vector.shape_cast %broadcast_in_dim3A_5 : vector<16xf32> to vector<1x16xf32>
      tpu.vector_store %arg9[%swap3A_81, %swap3A_82], %swap3A_85 {strides = array<i32>} : memref<128x128xf32, #tpu.memory_space<vmem>>, vector<1x16xf32>,
      %swap3A_86 = arith.index_cast %scan3A_50 : i32 to index
      %swap3A_87 = arith.constant 112 : index
      %swap3A_88 = tpu.vector_load %arg9[%swap3A_86, %swap3A_87] {strides = array<i32>} : memref<128x128xf32, #tpu.memory_space<vmem>>, vector<1x16xf32>,
      %swap3A_89 = vector.shape_cast %swap3A_88 : vector<1x16xf32> to vector<16xf32>
      %swap3A_90 = vector.shape_cast %broadcast_in_dim3A_5 : vector<16xf32> to vector<1x16xf32>
      tpu.vector_store %arg9[%swap3A_86, %swap3A_87], %swap3A_90 {strides = array<i32>} : memref<128x128xf32, #tpu.memory_space<vmem>>, vector<1x16xf32>,
      %scan3A_91 = arith.constant 0 : i32
      scf.yield %scan3A_91 : i32
    }
    %scan3A_11 = arith.constant 128 : i32
    %add3A_12 = arith.constant 0 : i32
    %add3A_13 = arith.addi %mul3A_4, %add3A_12 : i32
    "tpu.region"() ({
      %run_scoped3A = tpu.sem_alloc : memref<!tpu.dma_semaphore, #tpu.memory_space<semaphore_mem>>
      %dma_start3A = arith.constant 0 : i32
      %dma_start3A_50 = tpu.memref_slice %arg11[%add3A_13, %dma_start3A] : memref<10240x128xf32, #tpu.memory_space<vmem_shared>> -> memref<128x128xf32, #tpu.memory_space<vmem_shared>>
      %dma_start3A_51 = arith.constant 0 : i32
      %dma_start3A_52 = tpu.memref_slice %arg11[%add3A_13, %dma_start3A_51] : memref<10240x128xf32, #tpu.memory_space<vmem_shared>> -> memref<128x128xf32, #tpu.memory_space<vmem_shared>>
      tpu.enqueue_dma source(%arg9 : memref<128x128xf32, #tpu.memory_space<vmem>>) target(%dma_start3A_52 : memref<128x128xf32, #tpu.memory_space<vmem_shared>>) target_semaphore(%run_scoped3A : memref<!tpu.dma_semaphore, #tpu.memory_space<semaphore_mem>>)
      %dma_wait3A = arith.constant 0 : i32
      %dma_wait3A_53 = tpu.memref_slice %arg11[%add3A_13, %dma_wait3A] : memref<10240x128xf32, #tpu.memory_space<vmem_shared>> -> memref<128x128xf32, #tpu.memory_space<vmem_shared>>
      %dma_wait3A_54 = arith.constant 0 : i32
      %dma_wait3A_55 = tpu.memref_slice %arg11[%add3A_13, %dma_wait3A_54] : memref<10240x128xf32, #tpu.memory_space<vmem_shared>> -> memref<128x128xf32, #tpu.memory_space<vmem_shared>>
      tpu.wait_dma2 semaphore(%run_scoped3A : memref<!tpu.dma_semaphore, #tpu.memory_space<semaphore_mem>>) src(%arg9 : memref<128x128xf32, #tpu.memory_space<vmem>>) dst(%dma_wait3A_55 : memref<128x128xf32, #tpu.memory_space<vmem_shared>>)
      tpu.yield
    }) : () -> ()
    %add3A_14 = arith.constant 128 : i32
    %add3A_15 = arith.addi %mul3A_4, %add3A_14 : i32
    "tpu.region"() ({
      %run_scoped3A = tpu.sem_alloc : memref<!tpu.dma_semaphore, #tpu.memory_space<semaphore_mem>>
      %dma_start3A = arith.constant 0 : i32
      %dma_start3A_50 = tpu.memref_slice %arg11[%add3A_15, %dma_start3A] : memref<10240x128xf32, #tpu.memory_space<vmem_shared>> -> memref<128x128xf32, #tpu.memory_space<vmem_shared>>
      %dma_start3A_51 = arith.constant 0 : i32
      %dma_start3A_52 = tpu.memref_slice %arg11[%add3A_15, %dma_start3A_51] : memref<10240x128xf32, #tpu.memory_space<vmem_shared>> -> memref<128x128xf32, #tpu.memory_space<vmem_shared>>
      tpu.enqueue_dma source(%arg9 : memref<128x128xf32, #tpu.memory_space<vmem>>) target(%dma_start3A_52 : memref<128x128xf32, #tpu.memory_space<vmem_shared>>) target_semaphore(%run_scoped3A : memref<!tpu.dma_semaphore, #tpu.memory_space<semaphore_mem>>)
      %dma_wait3A = arith.constant 0 : i32
      %dma_wait3A_53 = tpu.memref_slice %arg11[%add3A_15, %dma_wait3A] : memref<10240x128xf32, #tpu.memory_space<vmem_shared>> -> memref<128x128xf32, #tpu.memory_space<vmem_shared>>
      %dma_wait3A_54 = arith.constant 0 : i32
      %dma_wait3A_55 = tpu.memref_slice %arg11[%add3A_15, %dma_wait3A_54] : memref<10240x128xf32, #tpu.memory_space<vmem_shared>> -> memref<128x128xf32, #tpu.memory_space<vmem_shared>>
      tpu.wait_dma2 semaphore(%run_scoped3A : memref<!tpu.dma_semaphore, #tpu.memory_space<semaphore_mem>>) src(%arg9 : memref<128x128xf32, #tpu.memory_space<vmem>>) dst(%dma_wait3A_55 : memref<128x128xf32, #tpu.memory_space<vmem_shared>>)
      tpu.yield
    }) : () -> ()
    %add3A_16 = arith.constant 256 : i32
    %add3A_17 = arith.addi %mul3A_4, %add3A_16 : i32
    "tpu.region"() ({
      %run_scoped3A = tpu.sem_alloc : memref<!tpu.dma_semaphore, #tpu.memory_space<semaphore_mem>>
      %dma_start3A = arith.constant 0 : i32
      %dma_start3A_50 = tpu.memref_slice %arg11[%add3A_17, %dma_start3A] : memref<10240x128xf32, #tpu.memory_space<vmem_shared>> -> memref<128x128xf32, #tpu.memory_space<vmem_shared>>
      %dma_start3A_51 = arith.constant 0 : i32
      %dma_start3A_52 = tpu.memref_slice %arg11[%add3A_17, %dma_start3A_51] : memref<10240x128xf32, #tpu.memory_space<vmem_shared>> -> memref<128x128xf32, #tpu.memory_space<vmem_shared>>
      tpu.enqueue_dma source(%arg9 : memref<128x128xf32, #tpu.memory_space<vmem>>) target(%dma_start3A_52 : memref<128x128xf32, #tpu.memory_space<vmem_shared>>) target_semaphore(%run_scoped3A : memref<!tpu.dma_semaphore, #tpu.memory_space<semaphore_mem>>)
      %dma_wait3A = arith.constant 0 : i32
      %dma_wait3A_53 = tpu.memref_slice %arg11[%add3A_17, %dma_wait3A] : memref<10240x128xf32, #tpu.memory_space<vmem_shared>> -> memref<128x128xf32, #tpu.memory_space<vmem_shared>>
      %dma_wait3A_54 = arith.constant 0 : i32
      %dma_wait3A_55 = tpu.memref_slice %arg11[%add3A_17, %dma_wait3A_54] : memref<10240x128xf32, #tpu.memory_space<vmem_shared>> -> memref<128x128xf32, #tpu.memory_space<vmem_shared>>
      tpu.wait_dma2 semaphore(%run_scoped3A : memref<!tpu.dma_semaphore, #tpu.memory_space<semaphore_mem>>) src(%arg9 : memref<128x128xf32, #tpu.memory_space<vmem>>) dst(%dma_wait3A_55 : memref<128x128xf32, #tpu.memory_space<vmem_shared>>)
      tpu.yield
    }) : () -> ()
    %add3A_18 = arith.constant 384 : i32
    %add3A_19 = arith.addi %mul3A_4, %add3A_18 : i32
    "tpu.region"() ({
      %run_scoped3A = tpu.sem_alloc : memref<!tpu.dma_semaphore, #tpu.memory_space<semaphore_mem>>
      %dma_start3A = arith.constant 0 : i32
      %dma_start3A_50 = tpu.memref_slice %arg11[%add3A_19, %dma_start3A] : memref<10240x128xf32, #tpu.memory_space<vmem_shared>> -> memref<128x128xf32, #tpu.memory_space<vmem_shared>>
      %dma_start3A_51 = arith.constant 0 : i32
      %dma_start3A_52 = tpu.memref_slice %arg11[%add3A_19, %dma_start3A_51] : memref<10240x128xf32, #tpu.memory_space<vmem_shared>> -> memref<128x128xf32, #tpu.memory_space<vmem_shared>>
      tpu.enqueue_dma source(%arg9 : memref<128x128xf32, #tpu.memory_space<vmem>>) target(%dma_start3A_52 : memref<128x128xf32, #tpu.memory_space<vmem_shared>>) target_semaphore(%run_scoped3A : memref<!tpu.dma_semaphore, #tpu.memory_space<semaphore_mem>>)
      %dma_wait3A = arith.constant 0 : i32
      %dma_wait3A_53 = tpu.memref_slice %arg11[%add3A_19, %dma_wait3A] : memref<10240x128xf32, #tpu.memory_space<vmem_shared>> -> memref<128x128xf32, #tpu.memory_space<vmem_shared>>
      %dma_wait3A_54 = arith.constant 0 : i32
      %dma_wait3A_55 = tpu.memref_slice %arg11[%add3A_19, %dma_wait3A_54] : memref<10240x128xf32, #tpu.memory_space<vmem_shared>> -> memref<128x128xf32, #tpu.memory_space<vmem_shared>>
      tpu.wait_dma2 semaphore(%run_scoped3A : memref<!tpu.dma_semaphore, #tpu.memory_space<semaphore_mem>>) src(%arg9 : memref<128x128xf32, #tpu.memory_space<vmem>>) dst(%dma_wait3A_55 : memref<128x128xf32, #tpu.memory_space<vmem_shared>>)
      tpu.yield
    }) : () -> ()
    %add3A_20 = arith.constant 512 : i32
    %add3A_21 = arith.addi %mul3A_4, %add3A_20 : i32
    "tpu.region"() ({
      %run_scoped3A = tpu.sem_alloc : memref<!tpu.dma_semaphore, #tpu.memory_space<semaphore_mem>>
      %dma_start3A = arith.constant 0 : i32
      %dma_start3A_50 = tpu.memref_slice %arg11[%add3A_21, %dma_start3A] : memref<10240x128xf32, #tpu.memory_space<vmem_shared>> -> memref<128x128xf32, #tpu.memory_space<vmem_shared>>
      %dma_start3A_51 = arith.constant 0 : i32
      %dma_start3A_52 = tpu.memref_slice %arg11[%add3A_21, %dma_start3A_51] : memref<10240x128xf32, #tpu.memory_space<vmem_shared>> -> memref<128x128xf32, #tpu.memory_space<vmem_shared>>
      tpu.enqueue_dma source(%arg9 : memref<128x128xf32, #tpu.memory_space<vmem>>) target(%dma_start3A_52 : memref<128x128xf32, #tpu.memory_space<vmem_shared>>) target_semaphore(%run_scoped3A : memref<!tpu.dma_semaphore, #tpu.memory_space<semaphore_mem>>)
      %dma_wait3A = arith.constant 0 : i32
      %dma_wait3A_53 = tpu.memref_slice %arg11[%add3A_21, %dma_wait3A] : memref<10240x128xf32, #tpu.memory_space<vmem_shared>> -> memref<128x128xf32, #tpu.memory_space<vmem_shared>>
      %dma_wait3A_54 = arith.constant 0 : i32
      %dma_wait3A_55 = tpu.memref_slice %arg11[%add3A_21, %dma_wait3A_54] : memref<10240x128xf32, #tpu.memory_space<vmem_shared>> -> memref<128x128xf32, #tpu.memory_space<vmem_shared>>
      tpu.wait_dma2 semaphore(%run_scoped3A : memref<!tpu.dma_semaphore, #tpu.memory_space<semaphore_mem>>) src(%arg9 : memref<128x128xf32, #tpu.memory_space<vmem>>) dst(%dma_wait3A_55 : memref<128x128xf32, #tpu.memory_space<vmem_shared>>)
      tpu.yield
    }) : () -> ()
    %barrier3A = arith.constant 0 : index
    tpu.barrier barrier_id(%barrier3A)
    %scan3A_22 = arith.constant 0 : i32
    %scan3A_23 = arith.constant 0 : i32
    %scan3A_24 = arith.constant 79 : i32
    %scan3A_25 = arith.addi %scan3A_23, %scan3A_24 : i32
    %scan3A_26 = arith.constant 1 : i32
    %scan3A_27 = scf.for %scan3A_50 = %scan3A_23 to %scan3A_25 step %scan3A_26 iter_args(%scan3A_51 = %scan3A_22) -> (i32)  : i32 {
      %mul3A_52 = arith.constant 128 : i32
      %mul3A_53 = arith.muli %scan3A_50, %mul3A_52 : i32
      %add3A_54 = arith.addi %mul3A_2, %mul3A_53 : i32
      %dma_start3A = arith.constant 0 : i32
      %dma_start3A_55 = tpu.memref_slice %arg2[%add3A_54, %dma_start3A] : memref<323584x128xf32, #tpu.memory_space<hbm>> -> memref<128x128xf32, #tpu.memory_space<hbm>>
      %dma_start3A_56 = arith.constant 0 : i32
      %dma_start3A_57 = tpu.memref_slice %arg2[%add3A_54, %dma_start3A_56] : memref<323584x128xf32, #tpu.memory_space<hbm>> -> memref<128x128xf32, #tpu.memory_space<hbm>>
      tpu.enqueue_dma source(%dma_start3A_57 : memref<128x128xf32, #tpu.memory_space<hbm>>) target(%arg9 : memref<128x128xf32, #tpu.memory_space<vmem>>) target_semaphore(%arg13 : memref<!tpu.dma_semaphore, #tpu.memory_space<semaphore_mem>>)
      %mul3A_58 = arith.constant 79 : i32
      %mul3A_59 = arith.muli %add3A, %mul3A_58 : i32
      %add3A_60 = arith.addi %mul3A_59, %scan3A_50 : i32
      %dma_start3A_61 = arith.constant 0 : i32
      %dma_start3A_62 = tpu.memref_slice %arg4[%add3A_60, %dma_start3A_61] : memref<2528x128xi32, #tpu.memory_space<hbm>> -> memref<1x128xi32, #tpu.memory_space<hbm>>
      %dma_start3A_63 = tpu.memref_squeeze %dma_start3A_62 : memref<1x128xi32, #tpu.memory_space<hbm>> -> memref<128xi32, #tpu.memory_space<hbm>>
      %dma_start3A_64 = arith.constant 0 : i32
      %dma_start3A_65 = tpu.memref_slice %arg4[%add3A_60, %dma_start3A_64] : memref<2528x128xi32, #tpu.memory_space<hbm>> -> memref<1x128xi32, #tpu.memory_space<hbm>>
      %dma_start3A_66 = tpu.memref_squeeze %dma_start3A_65 : memref<1x128xi32, #tpu.memory_space<hbm>> -> memref<128xi32, #tpu.memory_space<hbm>>
      tpu.enqueue_dma source(%dma_start3A_66 : memref<128xi32, #tpu.memory_space<hbm>>) target(%arg8 : memref<128xi32, #tpu.memory_space<vmem>>) target_semaphore(%arg12 : memref<!tpu.dma_semaphore, #tpu.memory_space<semaphore_mem>>)
      %dma_wait3A = arith.constant 0 : i32
      %dma_wait3A_67 = tpu.memref_slice %arg2[%add3A_54, %dma_wait3A] : memref<323584x128xf32, #tpu.memory_space<hbm>> -> memref<128x128xf32, #tpu.memory_space<hbm>>
      %dma_wait3A_68 = arith.constant 0 : i32
      %dma_wait3A_69 = tpu.memref_slice %arg2[%add3A_54, %dma_wait3A_68] : memref<323584x128xf32, #tpu.memory_space<hbm>> -> memref<128x128xf32, #tpu.memory_space<hbm>>
      tpu.wait_dma2 semaphore(%arg13 : memref<!tpu.dma_semaphore, #tpu.memory_space<semaphore_mem>>) src(%dma_wait3A_69 : memref<128x128xf32, #tpu.memory_space<hbm>>) dst(%arg9 : memref<128x128xf32, #tpu.memory_space<vmem>>)
      %scan3A_70 = arith.constant 0 : i32
      %scan3A_71 = arith.constant 0 : i32
      %scan3A_72 = arith.constant 128 : i32
      %scan3A_73 = arith.addi %scan3A_71, %scan3A_72 : i32
      %scan3A_74 = arith.constant 1 : i32
      %scan3A_75 = scf.for %scan3A_84 = %scan3A_71 to %scan3A_73 step %scan3A_74 iter_args(%scan3A_85 = %scan3A_70) -> (i32)  : i32 {
        %get3A = arith.index_cast %scan3A_84 : i32 to index
        %get3A_86 = arith.constant 0 : index
        %get3A_87 = tpu.vector_load %arg9[%get3A, %get3A_86] {strides = array<i32>} : memref<128x128xf32, #tpu.memory_space<vmem>>, vector<1x16xf32>,
        %get3A_88 = vector.shape_cast %get3A_87 : vector<1x16xf32> to vector<16xf32>
        %max3A = arith.constant 0.000000e+00 : f32
        %max3A_89 = vector.broadcast %max3A : f32 to vector<16xf32>
        %max3A_90 = arith.maximumf %get3A_88, %max3A_89 : vector<16xf32>
        %swap3A = arith.index_cast %scan3A_84 : i32 to index
        %swap3A_91 = arith.constant 0 : index
        %swap3A_92 = tpu.vector_load %arg9[%swap3A, %swap3A_91] {strides = array<i32>} : memref<128x128xf32, #tpu.memory_space<vmem>>, vector<1x16xf32>,
        %swap3A_93 = vector.shape_cast %swap3A_92 : vector<1x16xf32> to vector<16xf32>
        %swap3A_94 = vector.shape_cast %max3A_90 : vector<16xf32> to vector<1x16xf32>
        tpu.vector_store %arg9[%swap3A, %swap3A_91], %swap3A_94 {strides = array<i32>} : memref<128x128xf32, #tpu.memory_space<vmem>>, vector<1x16xf32>,
        %get3A_95 = arith.index_cast %scan3A_84 : i32 to index
        %get3A_96 = arith.constant 16 : index
        %get3A_97 = tpu.vector_load %arg9[%get3A_95, %get3A_96] {strides = array<i32>} : memref<128x128xf32, #tpu.memory_space<vmem>>, vector<1x16xf32>,
        %get3A_98 = vector.shape_cast %get3A_97 : vector<1x16xf32> to vector<16xf32>
        %max3A_99 = arith.constant 0.000000e+00 : f32
        %max3A_100 = vector.broadcast %max3A_99 : f32 to vector<16xf32>
        %max3A_101 = arith.maximumf %get3A_98, %max3A_100 : vector<16xf32>
        %swap3A_102 = arith.index_cast %scan3A_84 : i32 to index
        %swap3A_103 = arith.constant 16 : index
        %swap3A_104 = tpu.vector_load %arg9[%swap3A_102, %swap3A_103] {strides = array<i32>} : memref<128x128xf32, #tpu.memory_space<vmem>>, vector<1x16xf32>,
        %swap3A_105 = vector.shape_cast %swap3A_104 : vector<1x16xf32> to vector<16xf32>
        %swap3A_106 = vector.shape_cast %max3A_101 : vector<16xf32> to vector<1x16xf32>
        tpu.vector_store %arg9[%swap3A_102, %swap3A_103], %swap3A_106 {strides = array<i32>} : memref<128x128xf32, #tpu.memory_space<vmem>>, vector<1x16xf32>,
        %get3A_107 = arith.index_cast %scan3A_84 : i32 to index
        %get3A_108 = arith.constant 32 : index
        %get3A_109 = tpu.vector_load %arg9[%get3A_107, %get3A_108] {strides = array<i32>} : memref<128x128xf32, #tpu.memory_space<vmem>>, vector<1x16xf32>,
        %get3A_110 = vector.shape_cast %get3A_109 : vector<1x16xf32> to vector<16xf32>
        %max3A_111 = arith.constant 0.000000e+00 : f32
        %max3A_112 = vector.broadcast %max3A_111 : f32 to vector<16xf32>
        %max3A_113 = arith.maximumf %get3A_110, %max3A_112 : vector<16xf32>
        %swap3A_114 = arith.index_cast %scan3A_84 : i32 to index
        %swap3A_115 = arith.constant 32 : index
        %swap3A_116 = tpu.vector_load %arg9[%swap3A_114, %swap3A_115] {strides = array<i32>} : memref<128x128xf32, #tpu.memory_space<vmem>>, vector<1x16xf32>,
        %swap3A_117 = vector.shape_cast %swap3A_116 : vector<1x16xf32> to vector<16xf32>
        %swap3A_118 = vector.shape_cast %max3A_113 : vector<16xf32> to vector<1x16xf32>
        tpu.vector_store %arg9[%swap3A_114, %swap3A_115], %swap3A_118 {strides = array<i32>} : memref<128x128xf32, #tpu.memory_space<vmem>>, vector<1x16xf32>,
        %get3A_119 = arith.index_cast %scan3A_84 : i32 to index
        %get3A_120 = arith.constant 48 : index
        %get3A_121 = tpu.vector_load %arg9[%get3A_119, %get3A_120] {strides = array<i32>} : memref<128x128xf32, #tpu.memory_space<vmem>>, vector<1x16xf32>,
        %get3A_122 = vector.shape_cast %get3A_121 : vector<1x16xf32> to vector<16xf32>
        %max3A_123 = arith.constant 0.000000e+00 : f32
        %max3A_124 = vector.broadcast %max3A_123 : f32 to vector<16xf32>
        %max3A_125 = arith.maximumf %get3A_122, %max3A_124 : vector<16xf32>
        %swap3A_126 = arith.index_cast %scan3A_84 : i32 to index
        %swap3A_127 = arith.constant 48 : index
        %swap3A_128 = tpu.vector_load %arg9[%swap3A_126, %swap3A_127] {strides = array<i32>} : memref<128x128xf32, #tpu.memory_space<vmem>>, vector<1x16xf32>,
        %swap3A_129 = vector.shape_cast %swap3A_128 : vector<1x16xf32> to vector<16xf32>
        %swap3A_130 = vector.shape_cast %max3A_125 : vector<16xf32> to vector<1x16xf32>
        tpu.vector_store %arg9[%swap3A_126, %swap3A_127], %swap3A_130 {strides = array<i32>} : memref<128x128xf32, #tpu.memory_space<vmem>>, vector<1x16xf32>,
        %get3A_131 = arith.index_cast %scan3A_84 : i32 to index
        %get3A_132 = arith.constant 64 : index
        %get3A_133 = tpu.vector_load %arg9[%get3A_131, %get3A_132] {strides = array<i32>} : memref<128x128xf32, #tpu.memory_space<vmem>>, vector<1x16xf32>,
        %get3A_134 = vector.shape_cast %get3A_133 : vector<1x16xf32> to vector<16xf32>
        %max3A_135 = arith.constant 0.000000e+00 : f32
        %max3A_136 = vector.broadcast %max3A_135 : f32 to vector<16xf32>
        %max3A_137 = arith.maximumf %get3A_134, %max3A_136 : vector<16xf32>
        %swap3A_138 = arith.index_cast %scan3A_84 : i32 to index
        %swap3A_139 = arith.constant 64 : index
        %swap3A_140 = tpu.vector_load %arg9[%swap3A_138, %swap3A_139] {strides = array<i32>} : memref<128x128xf32, #tpu.memory_space<vmem>>, vector<1x16xf32>,
        %swap3A_141 = vector.shape_cast %swap3A_140 : vector<1x16xf32> to vector<16xf32>
        %swap3A_142 = vector.shape_cast %max3A_137 : vector<16xf32> to vector<1x16xf32>
        tpu.vector_store %arg9[%swap3A_138, %swap3A_139], %swap3A_142 {strides = array<i32>} : memref<128x128xf32, #tpu.memory_space<vmem>>, vector<1x16xf32>,
        %get3A_143 = arith.index_cast %scan3A_84 : i32 to index
        %get3A_144 = arith.constant 80 : index
        %get3A_145 = tpu.vector_load %arg9[%get3A_143, %get3A_144] {strides = array<i32>} : memref<128x128xf32, #tpu.memory_space<vmem>>, vector<1x16xf32>,
        %get3A_146 = vector.shape_cast %get3A_145 : vector<1x16xf32> to vector<16xf32>
        %max3A_147 = arith.constant 0.000000e+00 : f32
        %max3A_148 = vector.broadcast %max3A_147 : f32 to vector<16xf32>
        %max3A_149 = arith.maximumf %get3A_146, %max3A_148 : vector<16xf32>
        %swap3A_150 = arith.index_cast %scan3A_84 : i32 to index
        %swap3A_151 = arith.constant 80 : index
        %swap3A_152 = tpu.vector_load %arg9[%swap3A_150, %swap3A_151] {strides = array<i32>} : memref<128x128xf32, #tpu.memory_space<vmem>>, vector<1x16xf32>,
        %swap3A_153 = vector.shape_cast %swap3A_152 : vector<1x16xf32> to vector<16xf32>
        %swap3A_154 = vector.shape_cast %max3A_149 : vector<16xf32> to vector<1x16xf32>
        tpu.vector_store %arg9[%swap3A_150, %swap3A_151], %swap3A_154 {strides = array<i32>} : memref<128x128xf32, #tpu.memory_space<vmem>>, vector<1x16xf32>,
        %get3A_155 = arith.index_cast %scan3A_84 : i32 to index
        %get3A_156 = arith.constant 96 : index
        %get3A_157 = tpu.vector_load %arg9[%get3A_155, %get3A_156] {strides = array<i32>} : memref<128x128xf32, #tpu.memory_space<vmem>>, vector<1x16xf32>,
        %get3A_158 = vector.shape_cast %get3A_157 : vector<1x16xf32> to vector<16xf32>
        %max3A_159 = arith.constant 0.000000e+00 : f32
        %max3A_160 = vector.broadcast %max3A_159 : f32 to vector<16xf32>
        %max3A_161 = arith.maximumf %get3A_158, %max3A_160 : vector<16xf32>
        %swap3A_162 = arith.index_cast %scan3A_84 : i32 to index
        %swap3A_163 = arith.constant 96 : index
        %swap3A_164 = tpu.vector_load %arg9[%swap3A_162, %swap3A_163] {strides = array<i32>} : memref<128x128xf32, #tpu.memory_space<vmem>>, vector<1x16xf32>,
        %swap3A_165 = vector.shape_cast %swap3A_164 : vector<1x16xf32> to vector<16xf32>
        %swap3A_166 = vector.shape_cast %max3A_161 : vector<16xf32> to vector<1x16xf32>
        tpu.vector_store %arg9[%swap3A_162, %swap3A_163], %swap3A_166 {strides = array<i32>} : memref<128x128xf32, #tpu.memory_space<vmem>>, vector<1x16xf32>,
        %get3A_167 = arith.index_cast %scan3A_84 : i32 to index
        %get3A_168 = arith.constant 112 : index
        %get3A_169 = tpu.vector_load %arg9[%get3A_167, %get3A_168] {strides = array<i32>} : memref<128x128xf32, #tpu.memory_space<vmem>>, vector<1x16xf32>,
        %get3A_170 = vector.shape_cast %get3A_169 : vector<1x16xf32> to vector<16xf32>
        %max3A_171 = arith.constant 0.000000e+00 : f32
        %max3A_172 = vector.broadcast %max3A_171 : f32 to vector<16xf32>
        %max3A_173 = arith.maximumf %get3A_170, %max3A_172 : vector<16xf32>
        %swap3A_174 = arith.index_cast %scan3A_84 : i32 to index
        %swap3A_175 = arith.constant 112 : index
        %swap3A_176 = tpu.vector_load %arg9[%swap3A_174, %swap3A_175] {strides = array<i32>} : memref<128x128xf32, #tpu.memory_space<vmem>>, vector<1x16xf32>,
        %swap3A_177 = vector.shape_cast %swap3A_176 : vector<1x16xf32> to vector<16xf32>
        %swap3A_178 = vector.shape_cast %max3A_173 : vector<16xf32> to vector<1x16xf32>
        tpu.vector_store %arg9[%swap3A_174, %swap3A_175], %swap3A_178 {strides = array<i32>} : memref<128x128xf32, #tpu.memory_space<vmem>>, vector<1x16xf32>,
        %scan3A_179 = arith.constant 0 : i32
        scf.yield %scan3A_179 : i32
      }
      %scan3A_76 = arith.constant 128 : i32
      %dma_wait3A_77 = arith.constant 0 : i32
      %dma_wait3A_78 = tpu.memref_slice %arg4[%add3A_60, %dma_wait3A_77] : memref<2528x128xi32, #tpu.memory_space<hbm>> -> memref<1x128xi32, #tpu.memory_space<hbm>>
      %dma_wait3A_79 = tpu.memref_squeeze %dma_wait3A_78 : memref<1x128xi32, #tpu.memory_space<hbm>> -> memref<128xi32, #tpu.memory_space<hbm>>
      %dma_wait3A_80 = arith.constant 0 : i32
      %dma_wait3A_81 = tpu.memref_slice %arg4[%add3A_60, %dma_wait3A_80] : memref<2528x128xi32, #tpu.memory_space<hbm>> -> memref<1x128xi32, #tpu.memory_space<hbm>>
      %dma_wait3A_82 = tpu.memref_squeeze %dma_wait3A_81 : memref<1x128xi32, #tpu.memory_space<hbm>> -> memref<128xi32, #tpu.memory_space<hbm>>
      tpu.wait_dma2 semaphore(%arg12 : memref<!tpu.dma_semaphore, #tpu.memory_space<semaphore_mem>>) src(%dma_wait3A_82 : memref<128xi32, #tpu.memory_space<hbm>>) dst(%arg8 : memref<128xi32, #tpu.memory_space<vmem>>)
      "tpu.region"() ({
        %run_scoped3A = tpu.sem_alloc : memref<!tpu.dma_semaphore, #tpu.memory_space<semaphore_mem>>
        %dma_start3A_84 = arith.constant 0 : i32
        %dma_start3A_85 = arith.constant 0 : i32
        %dma_start3A_86 = tpu.memref_slice %arg11[%dma_start3A_84, %dma_start3A_85] : memref<10240x128xf32, #tpu.memory_space<vmem_shared>> -> memref<10240x128xf32, #tpu.memory_space<vmem_shared>>
        tpu.enqueue_indirect_dma source(%arg9 : memref<128x128xf32, #tpu.memory_space<vmem>>) target(%dma_start3A_86 : memref<10240x128xf32, #tpu.memory_space<vmem_shared>>) offsets(%arg8 : memref<128xi32, #tpu.memory_space<vmem>>) semaphore(%run_scoped3A : memref<!tpu.dma_semaphore, #tpu.memory_space<semaphore_mem>>) {add = true}
        %dma_wait3A_87 = arith.constant 0 : i32
        %dma_wait3A_88 = arith.constant 0 : i32
        %dma_wait3A_89 = tpu.memref_slice %arg11[%dma_wait3A_87, %dma_wait3A_88] : memref<10240x128xf32, #tpu.memory_space<vmem_shared>> -> memref<10240x128xf32, #tpu.memory_space<vmem_shared>>
        tpu.wait_indirect_dma semaphore(%run_scoped3A : memref<!tpu.dma_semaphore, #tpu.memory_space<semaphore_mem>>) src(%arg9 : memref<128x128xf32, #tpu.memory_space<vmem>>) dst(%dma_wait3A_89 : memref<10240x128xf32, #tpu.memory_space<vmem_shared>>)
        tpu.yield
      }) : () -> ()
      %scan3A_83 = arith.constant 0 : i32
      scf.yield %scan3A_83 : i32
    }
    %scan3A_28 = arith.constant 79 : i32
    %barrier3A_29 = arith.constant 0 : index
    tpu.barrier barrier_id(%barrier3A_29)
    %add3A_30 = arith.constant 0 : i32
    %add3A_31 = arith.addi %mul3A_4, %add3A_30 : i32
    "tpu.region"() ({
      %run_scoped3A = tpu.sem_alloc : memref<!tpu.dma_semaphore, #tpu.memory_space<semaphore_mem>>
      %dma_start3A = arith.constant 0 : i32
      %dma_start3A_50 = tpu.memref_slice %arg11[%add3A_31, %dma_start3A] : memref<10240x128xf32, #tpu.memory_space<vmem_shared>> -> memref<128x128xf32, #tpu.memory_space<vmem_shared>>
      %dma_start3A_51 = arith.constant 0 : i32
      %dma_start3A_52 = tpu.memref_slice %arg11[%add3A_31, %dma_start3A_51] : memref<10240x128xf32, #tpu.memory_space<vmem_shared>> -> memref<128x128xf32, #tpu.memory_space<vmem_shared>>
      tpu.enqueue_dma source(%dma_start3A_52 : memref<128x128xf32, #tpu.memory_space<vmem_shared>>) target(%arg9 : memref<128x128xf32, #tpu.memory_space<vmem>>) target_semaphore(%run_scoped3A : memref<!tpu.dma_semaphore, #tpu.memory_space<semaphore_mem>>)
      %dma_wait3A = arith.constant 0 : i32
      %dma_wait3A_53 = tpu.memref_slice %arg11[%add3A_31, %dma_wait3A] : memref<10240x128xf32, #tpu.memory_space<vmem_shared>> -> memref<128x128xf32, #tpu.memory_space<vmem_shared>>
      %dma_wait3A_54 = arith.constant 0 : i32
      %dma_wait3A_55 = tpu.memref_slice %arg11[%add3A_31, %dma_wait3A_54] : memref<10240x128xf32, #tpu.memory_space<vmem_shared>> -> memref<128x128xf32, #tpu.memory_space<vmem_shared>>
      tpu.wait_dma2 semaphore(%run_scoped3A : memref<!tpu.dma_semaphore, #tpu.memory_space<semaphore_mem>>) src(%dma_wait3A_55 : memref<128x128xf32, #tpu.memory_space<vmem_shared>>) dst(%arg9 : memref<128x128xf32, #tpu.memory_space<vmem>>)
      tpu.yield
    }) : () -> ()
    %add3A_32 = arith.constant 0 : i32
    %add3A_33 = arith.addi %mul3A_4, %add3A_32 : i32
    "tpu.region"() ({
      %run_scoped3A = tpu.sem_alloc : memref<!tpu.dma_semaphore, #tpu.memory_space<semaphore_mem>>
      %dma_start3A = arith.constant 0 : i32
      %dma_start3A_50 = tpu.memref_slice %arg6[%arg0, %add3A_33, %dma_start3A] : memref<2x10240x128xf32, #tpu.memory_space<hbm>> -> memref<1x128x128xf32, #tpu.memory_space<hbm>>
      %dma_start3A_51 = tpu.memref_squeeze %dma_start3A_50 : memref<1x128x128xf32, #tpu.memory_space<hbm>> -> memref<128x128xf32, #tpu.memory_space<hbm>>
      %dma_start3A_52 = arith.constant 0 : i32
      %dma_start3A_53 = tpu.memref_slice %arg6[%arg0, %add3A_33, %dma_start3A_52] : memref<2x10240x128xf32, #tpu.memory_space<hbm>> -> memref<1x128x128xf32, #tpu.memory_space<hbm>>
      %dma_start3A_54 = tpu.memref_squeeze %dma_start3A_53 : memref<1x128x128xf32, #tpu.memory_space<hbm>> -> memref<128x128xf32, #tpu.memory_space<hbm>>
      tpu.enqueue_dma source(%arg9 : memref<128x128xf32, #tpu.memory_space<vmem>>) target(%dma_start3A_54 : memref<128x128xf32, #tpu.memory_space<hbm>>) target_semaphore(%run_scoped3A : memref<!tpu.dma_semaphore, #tpu.memory_space<semaphore_mem>>)
      %dma_wait3A = arith.constant 0 : i32
      %dma_wait3A_55 = tpu.memref_slice %arg6[%arg0, %add3A_33, %dma_wait3A] : memref<2x10240x128xf32, #tpu.memory_space<hbm>> -> memref<1x128x128xf32, #tpu.memory_space<hbm>>
      %dma_wait3A_56 = tpu.memref_squeeze %dma_wait3A_55 : memref<1x128x128xf32, #tpu.memory_space<hbm>> -> memref<128x128xf32, #tpu.memory_space<hbm>>
      %dma_wait3A_57 = arith.constant 0 : i32
      %dma_wait3A_58 = tpu.memref_slice %arg6[%arg0, %add3A_33, %dma_wait3A_57] : memref<2x10240x128xf32, #tpu.memory_space<hbm>> -> memref<1x128x128xf32, #tpu.memory_space<hbm>>
      %dma_wait3A_59 = tpu.memref_squeeze %dma_wait3A_58 : memref<1x128x128xf32, #tpu.memory_space<hbm>> -> memref<128x128xf32, #tpu.memory_space<hbm>>
      tpu.wait_dma2 semaphore(%run_scoped3A : memref<!tpu.dma_semaphore, #tpu.memory_space<semaphore_mem>>) src(%arg9 : memref<128x128xf32, #tpu.memory_space<vmem>>) dst(%dma_wait3A_59 : memref<128x128xf32, #tpu.memory_space<hbm>>)
      tpu.yield
    }) : () -> ()
    %add3A_34 = arith.constant 128 : i32
    %add3A_35 = arith.addi %mul3A_4, %add3A_34 : i32
    "tpu.region"() ({
      %run_scoped3A = tpu.sem_alloc : memref<!tpu.dma_semaphore, #tpu.memory_space<semaphore_mem>>
      %dma_start3A = arith.constant 0 : i32
      %dma_start3A_50 = tpu.memref_slice %arg11[%add3A_35, %dma_start3A] : memref<10240x128xf32, #tpu.memory_space<vmem_shared>> -> memref<128x128xf32, #tpu.memory_space<vmem_shared>>
      %dma_start3A_51 = arith.constant 0 : i32
      %dma_start3A_52 = tpu.memref_slice %arg11[%add3A_35, %dma_start3A_51] : memref<10240x128xf32, #tpu.memory_space<vmem_shared>> -> memref<128x128xf32, #tpu.memory_space<vmem_shared>>
      tpu.enqueue_dma source(%dma_start3A_52 : memref<128x128xf32, #tpu.memory_space<vmem_shared>>) target(%arg9 : memref<128x128xf32, #tpu.memory_space<vmem>>) target_semaphore(%run_scoped3A : memref<!tpu.dma_semaphore, #tpu.memory_space<semaphore_mem>>)
      %dma_wait3A = arith.constant 0 : i32
      %dma_wait3A_53 = tpu.memref_slice %arg11[%add3A_35, %dma_wait3A] : memref<10240x128xf32, #tpu.memory_space<vmem_shared>> -> memref<128x128xf32, #tpu.memory_space<vmem_shared>>
      %dma_wait3A_54 = arith.constant 0 : i32
      %dma_wait3A_55 = tpu.memref_slice %arg11[%add3A_35, %dma_wait3A_54] : memref<10240x128xf32, #tpu.memory_space<vmem_shared>> -> memref<128x128xf32, #tpu.memory_space<vmem_shared>>
      tpu.wait_dma2 semaphore(%run_scoped3A : memref<!tpu.dma_semaphore, #tpu.memory_space<semaphore_mem>>) src(%dma_wait3A_55 : memref<128x128xf32, #tpu.memory_space<vmem_shared>>) dst(%arg9 : memref<128x128xf32, #tpu.memory_space<vmem>>)
      tpu.yield
    }) : () -> ()
    %add3A_36 = arith.constant 128 : i32
    %add3A_37 = arith.addi %mul3A_4, %add3A_36 : i32
    "tpu.region"() ({
      %run_scoped3A = tpu.sem_alloc : memref<!tpu.dma_semaphore, #tpu.memory_space<semaphore_mem>>
      %dma_start3A = arith.constant 0 : i32
      %dma_start3A_50 = tpu.memref_slice %arg6[%arg0, %add3A_37, %dma_start3A] : memref<2x10240x128xf32, #tpu.memory_space<hbm>> -> memref<1x128x128xf32, #tpu.memory_space<hbm>>
      %dma_start3A_51 = tpu.memref_squeeze %dma_start3A_50 : memref<1x128x128xf32, #tpu.memory_space<hbm>> -> memref<128x128xf32, #tpu.memory_space<hbm>>
      %dma_start3A_52 = arith.constant 0 : i32
      %dma_start3A_53 = tpu.memref_slice %arg6[%arg0, %add3A_37, %dma_start3A_52] : memref<2x10240x128xf32, #tpu.memory_space<hbm>> -> memref<1x128x128xf32, #tpu.memory_space<hbm>>
      %dma_start3A_54 = tpu.memref_squeeze %dma_start3A_53 : memref<1x128x128xf32, #tpu.memory_space<hbm>> -> memref<128x128xf32, #tpu.memory_space<hbm>>
      tpu.enqueue_dma source(%arg9 : memref<128x128xf32, #tpu.memory_space<vmem>>) target(%dma_start3A_54 : memref<128x128xf32, #tpu.memory_space<hbm>>) target_semaphore(%run_scoped3A : memref<!tpu.dma_semaphore, #tpu.memory_space<semaphore_mem>>)
      %dma_wait3A = arith.constant 0 : i32
      %dma_wait3A_55 = tpu.memref_slice %arg6[%arg0, %add3A_37, %dma_wait3A] : memref<2x10240x128xf32, #tpu.memory_space<hbm>> -> memref<1x128x128xf32, #tpu.memory_space<hbm>>
      %dma_wait3A_56 = tpu.memref_squeeze %dma_wait3A_55 : memref<1x128x128xf32, #tpu.memory_space<hbm>> -> memref<128x128xf32, #tpu.memory_space<hbm>>
      %dma_wait3A_57 = arith.constant 0 : i32
      %dma_wait3A_58 = tpu.memref_slice %arg6[%arg0, %add3A_37, %dma_wait3A_57] : memref<2x10240x128xf32, #tpu.memory_space<hbm>> -> memref<1x128x128xf32, #tpu.memory_space<hbm>>
      %dma_wait3A_59 = tpu.memref_squeeze %dma_wait3A_58 : memref<1x128x128xf32, #tpu.memory_space<hbm>> -> memref<128x128xf32, #tpu.memory_space<hbm>>
      tpu.wait_dma2 semaphore(%run_scoped3A : memref<!tpu.dma_semaphore, #tpu.memory_space<semaphore_mem>>) src(%arg9 : memref<128x128xf32, #tpu.memory_space<vmem>>) dst(%dma_wait3A_59 : memref<128x128xf32, #tpu.memory_space<hbm>>)
      tpu.yield
    }) : () -> ()
    %add3A_38 = arith.constant 256 : i32
    %add3A_39 = arith.addi %mul3A_4, %add3A_38 : i32
    "tpu.region"() ({
      %run_scoped3A = tpu.sem_alloc : memref<!tpu.dma_semaphore, #tpu.memory_space<semaphore_mem>>
      %dma_start3A = arith.constant 0 : i32
      %dma_start3A_50 = tpu.memref_slice %arg11[%add3A_39, %dma_start3A] : memref<10240x128xf32, #tpu.memory_space<vmem_shared>> -> memref<128x128xf32, #tpu.memory_space<vmem_shared>>
      %dma_start3A_51 = arith.constant 0 : i32
      %dma_start3A_52 = tpu.memref_slice %arg11[%add3A_39, %dma_start3A_51] : memref<10240x128xf32, #tpu.memory_space<vmem_shared>> -> memref<128x128xf32, #tpu.memory_space<vmem_shared>>
      tpu.enqueue_dma source(%dma_start3A_52 : memref<128x128xf32, #tpu.memory_space<vmem_shared>>) target(%arg9 : memref<128x128xf32, #tpu.memory_space<vmem>>) target_semaphore(%run_scoped3A : memref<!tpu.dma_semaphore, #tpu.memory_space<semaphore_mem>>)
      %dma_wait3A = arith.constant 0 : i32
      %dma_wait3A_53 = tpu.memref_slice %arg11[%add3A_39, %dma_wait3A] : memref<10240x128xf32, #tpu.memory_space<vmem_shared>> -> memref<128x128xf32, #tpu.memory_space<vmem_shared>>
      %dma_wait3A_54 = arith.constant 0 : i32
      %dma_wait3A_55 = tpu.memref_slice %arg11[%add3A_39, %dma_wait3A_54] : memref<10240x128xf32, #tpu.memory_space<vmem_shared>> -> memref<128x128xf32, #tpu.memory_space<vmem_shared>>
      tpu.wait_dma2 semaphore(%run_scoped3A : memref<!tpu.dma_semaphore, #tpu.memory_space<semaphore_mem>>) src(%dma_wait3A_55 : memref<128x128xf32, #tpu.memory_space<vmem_shared>>) dst(%arg9 : memref<128x128xf32, #tpu.memory_space<vmem>>)
      tpu.yield
    }) : () -> ()
    %add3A_40 = arith.constant 256 : i32
    %add3A_41 = arith.addi %mul3A_4, %add3A_40 : i32
    "tpu.region"() ({
      %run_scoped3A = tpu.sem_alloc : memref<!tpu.dma_semaphore, #tpu.memory_space<semaphore_mem>>
      %dma_start3A = arith.constant 0 : i32
      %dma_start3A_50 = tpu.memref_slice %arg6[%arg0, %add3A_41, %dma_start3A] : memref<2x10240x128xf32, #tpu.memory_space<hbm>> -> memref<1x128x128xf32, #tpu.memory_space<hbm>>
      %dma_start3A_51 = tpu.memref_squeeze %dma_start3A_50 : memref<1x128x128xf32, #tpu.memory_space<hbm>> -> memref<128x128xf32, #tpu.memory_space<hbm>>
      %dma_start3A_52 = arith.constant 0 : i32
      %dma_start3A_53 = tpu.memref_slice %arg6[%arg0, %add3A_41, %dma_start3A_52] : memref<2x10240x128xf32, #tpu.memory_space<hbm>> -> memref<1x128x128xf32, #tpu.memory_space<hbm>>
      %dma_start3A_54 = tpu.memref_squeeze %dma_start3A_53 : memref<1x128x128xf32, #tpu.memory_space<hbm>> -> memref<128x128xf32, #tpu.memory_space<hbm>>
      tpu.enqueue_dma source(%arg9 : memref<128x128xf32, #tpu.memory_space<vmem>>) target(%dma_start3A_54 : memref<128x128xf32, #tpu.memory_space<hbm>>) target_semaphore(%run_scoped3A : memref<!tpu.dma_semaphore, #tpu.memory_space<semaphore_mem>>)
      %dma_wait3A = arith.constant 0 : i32
      %dma_wait3A_55 = tpu.memref_slice %arg6[%arg0, %add3A_41, %dma_wait3A] : memref<2x10240x128xf32, #tpu.memory_space<hbm>> -> memref<1x128x128xf32, #tpu.memory_space<hbm>>
      %dma_wait3A_56 = tpu.memref_squeeze %dma_wait3A_55 : memref<1x128x128xf32, #tpu.memory_space<hbm>> -> memref<128x128xf32, #tpu.memory_space<hbm>>
      %dma_wait3A_57 = arith.constant 0 : i32
      %dma_wait3A_58 = tpu.memref_slice %arg6[%arg0, %add3A_41, %dma_wait3A_57] : memref<2x10240x128xf32, #tpu.memory_space<hbm>> -> memref<1x128x128xf32, #tpu.memory_space<hbm>>
      %dma_wait3A_59 = tpu.memref_squeeze %dma_wait3A_58 : memref<1x128x128xf32, #tpu.memory_space<hbm>> -> memref<128x128xf32, #tpu.memory_space<hbm>>
      tpu.wait_dma2 semaphore(%run_scoped3A : memref<!tpu.dma_semaphore, #tpu.memory_space<semaphore_mem>>) src(%arg9 : memref<128x128xf32, #tpu.memory_space<vmem>>) dst(%dma_wait3A_59 : memref<128x128xf32, #tpu.memory_space<hbm>>)
      tpu.yield
    }) : () -> ()
    %add3A_42 = arith.constant 384 : i32
    %add3A_43 = arith.addi %mul3A_4, %add3A_42 : i32
    "tpu.region"() ({
      %run_scoped3A = tpu.sem_alloc : memref<!tpu.dma_semaphore, #tpu.memory_space<semaphore_mem>>
      %dma_start3A = arith.constant 0 : i32
      %dma_start3A_50 = tpu.memref_slice %arg11[%add3A_43, %dma_start3A] : memref<10240x128xf32, #tpu.memory_space<vmem_shared>> -> memref<128x128xf32, #tpu.memory_space<vmem_shared>>
      %dma_start3A_51 = arith.constant 0 : i32
      %dma_start3A_52 = tpu.memref_slice %arg11[%add3A_43, %dma_start3A_51] : memref<10240x128xf32, #tpu.memory_space<vmem_shared>> -> memref<128x128xf32, #tpu.memory_space<vmem_shared>>
      tpu.enqueue_dma source(%dma_start3A_52 : memref<128x128xf32, #tpu.memory_space<vmem_shared>>) target(%arg9 : memref<128x128xf32, #tpu.memory_space<vmem>>) target_semaphore(%run_scoped3A : memref<!tpu.dma_semaphore, #tpu.memory_space<semaphore_mem>>)
      %dma_wait3A = arith.constant 0 : i32
      %dma_wait3A_53 = tpu.memref_slice %arg11[%add3A_43, %dma_wait3A] : memref<10240x128xf32, #tpu.memory_space<vmem_shared>> -> memref<128x128xf32, #tpu.memory_space<vmem_shared>>
      %dma_wait3A_54 = arith.constant 0 : i32
      %dma_wait3A_55 = tpu.memref_slice %arg11[%add3A_43, %dma_wait3A_54] : memref<10240x128xf32, #tpu.memory_space<vmem_shared>> -> memref<128x128xf32, #tpu.memory_space<vmem_shared>>
      tpu.wait_dma2 semaphore(%run_scoped3A : memref<!tpu.dma_semaphore, #tpu.memory_space<semaphore_mem>>) src(%dma_wait3A_55 : memref<128x128xf32, #tpu.memory_space<vmem_shared>>) dst(%arg9 : memref<128x128xf32, #tpu.memory_space<vmem>>)
      tpu.yield
    }) : () -> ()
    %add3A_44 = arith.constant 384 : i32
    %add3A_45 = arith.addi %mul3A_4, %add3A_44 : i32
    "tpu.region"() ({
      %run_scoped3A = tpu.sem_alloc : memref<!tpu.dma_semaphore, #tpu.memory_space<semaphore_mem>>
      %dma_start3A = arith.constant 0 : i32
      %dma_start3A_50 = tpu.memref_slice %arg6[%arg0, %add3A_45, %dma_start3A] : memref<2x10240x128xf32, #tpu.memory_space<hbm>> -> memref<1x128x128xf32, #tpu.memory_space<hbm>>
      %dma_start3A_51 = tpu.memref_squeeze %dma_start3A_50 : memref<1x128x128xf32, #tpu.memory_space<hbm>> -> memref<128x128xf32, #tpu.memory_space<hbm>>
      %dma_start3A_52 = arith.constant 0 : i32
      %dma_start3A_53 = tpu.memref_slice %arg6[%arg0, %add3A_45, %dma_start3A_52] : memref<2x10240x128xf32, #tpu.memory_space<hbm>> -> memref<1x128x128xf32, #tpu.memory_space<hbm>>
      %dma_start3A_54 = tpu.memref_squeeze %dma_start3A_53 : memref<1x128x128xf32, #tpu.memory_space<hbm>> -> memref<128x128xf32, #tpu.memory_space<hbm>>
      tpu.enqueue_dma source(%arg9 : memref<128x128xf32, #tpu.memory_space<vmem>>) target(%dma_start3A_54 : memref<128x128xf32, #tpu.memory_space<hbm>>) target_semaphore(%run_scoped3A : memref<!tpu.dma_semaphore, #tpu.memory_space<semaphore_mem>>)
      %dma_wait3A = arith.constant 0 : i32
      %dma_wait3A_55 = tpu.memref_slice %arg6[%arg0, %add3A_45, %dma_wait3A] : memref<2x10240x128xf32, #tpu.memory_space<hbm>> -> memref<1x128x128xf32, #tpu.memory_space<hbm>>
      %dma_wait3A_56 = tpu.memref_squeeze %dma_wait3A_55 : memref<1x128x128xf32, #tpu.memory_space<hbm>> -> memref<128x128xf32, #tpu.memory_space<hbm>>
      %dma_wait3A_57 = arith.constant 0 : i32
      %dma_wait3A_58 = tpu.memref_slice %arg6[%arg0, %add3A_45, %dma_wait3A_57] : memref<2x10240x128xf32, #tpu.memory_space<hbm>> -> memref<1x128x128xf32, #tpu.memory_space<hbm>>
      %dma_wait3A_59 = tpu.memref_squeeze %dma_wait3A_58 : memref<1x128x128xf32, #tpu.memory_space<hbm>> -> memref<128x128xf32, #tpu.memory_space<hbm>>
      tpu.wait_dma2 semaphore(%run_scoped3A : memref<!tpu.dma_semaphore, #tpu.memory_space<semaphore_mem>>) src(%arg9 : memref<128x128xf32, #tpu.memory_space<vmem>>) dst(%dma_wait3A_59 : memref<128x128xf32, #tpu.memory_space<hbm>>)
      tpu.yield
    }) : () -> ()
    %add3A_46 = arith.constant 512 : i32
    %add3A_47 = arith.addi %mul3A_4, %add3A_46 : i32
    "tpu.region"() ({
      %run_scoped3A = tpu.sem_alloc : memref<!tpu.dma_semaphore, #tpu.memory_space<semaphore_mem>>
      %dma_start3A = arith.constant 0 : i32
      %dma_start3A_50 = tpu.memref_slice %arg11[%add3A_47, %dma_start3A] : memref<10240x128xf32, #tpu.memory_space<vmem_shared>> -> memref<128x128xf32, #tpu.memory_space<vmem_shared>>
      %dma_start3A_51 = arith.constant 0 : i32
      %dma_start3A_52 = tpu.memref_slice %arg11[%add3A_47, %dma_start3A_51] : memref<10240x128xf32, #tpu.memory_space<vmem_shared>> -> memref<128x128xf32, #tpu.memory_space<vmem_shared>>
      tpu.enqueue_dma source(%dma_start3A_52 : memref<128x128xf32, #tpu.memory_space<vmem_shared>>) target(%arg9 : memref<128x128xf32, #tpu.memory_space<vmem>>) target_semaphore(%run_scoped3A : memref<!tpu.dma_semaphore, #tpu.memory_space<semaphore_mem>>)
      %dma_wait3A = arith.constant 0 : i32
      %dma_wait3A_53 = tpu.memref_slice %arg11[%add3A_47, %dma_wait3A] : memref<10240x128xf32, #tpu.memory_space<vmem_shared>> -> memref<128x128xf32, #tpu.memory_space<vmem_shared>>
      %dma_wait3A_54 = arith.constant 0 : i32
      %dma_wait3A_55 = tpu.memref_slice %arg11[%add3A_47, %dma_wait3A_54] : memref<10240x128xf32, #tpu.memory_space<vmem_shared>> -> memref<128x128xf32, #tpu.memory_space<vmem_shared>>
      tpu.wait_dma2 semaphore(%run_scoped3A : memref<!tpu.dma_semaphore, #tpu.memory_space<semaphore_mem>>) src(%dma_wait3A_55 : memref<128x128xf32, #tpu.memory_space<vmem_shared>>) dst(%arg9 : memref<128x128xf32, #tpu.memory_space<vmem>>)
      tpu.yield
    }) : () -> ()
    %add3A_48 = arith.constant 512 : i32
    %add3A_49 = arith.addi %mul3A_4, %add3A_48 : i32
    "tpu.region"() ({
      %run_scoped3A = tpu.sem_alloc : memref<!tpu.dma_semaphore, #tpu.memory_space<semaphore_mem>>
      %dma_start3A = arith.constant 0 : i32
      %dma_start3A_50 = tpu.memref_slice %arg6[%arg0, %add3A_49, %dma_start3A] : memref<2x10240x128xf32, #tpu.memory_space<hbm>> -> memref<1x128x128xf32, #tpu.memory_space<hbm>>
      %dma_start3A_51 = tpu.memref_squeeze %dma_start3A_50 : memref<1x128x128xf32, #tpu.memory_space<hbm>> -> memref<128x128xf32, #tpu.memory_space<hbm>>
      %dma_start3A_52 = arith.constant 0 : i32
      %dma_start3A_53 = tpu.memref_slice %arg6[%arg0, %add3A_49, %dma_start3A_52] : memref<2x10240x128xf32, #tpu.memory_space<hbm>> -> memref<1x128x128xf32, #tpu.memory_space<hbm>>
      %dma_start3A_54 = tpu.memref_squeeze %dma_start3A_53 : memref<1x128x128xf32, #tpu.memory_space<hbm>> -> memref<128x128xf32, #tpu.memory_space<hbm>>
      tpu.enqueue_dma source(%arg9 : memref<128x128xf32, #tpu.memory_space<vmem>>) target(%dma_start3A_54 : memref<128x128xf32, #tpu.memory_space<hbm>>) target_semaphore(%run_scoped3A : memref<!tpu.dma_semaphore, #tpu.memory_space<semaphore_mem>>)
      %dma_wait3A = arith.constant 0 : i32
      %dma_wait3A_55 = tpu.memref_slice %arg6[%arg0, %add3A_49, %dma_wait3A] : memref<2x10240x128xf32, #tpu.memory_space<hbm>> -> memref<1x128x128xf32, #tpu.memory_space<hbm>>
      %dma_wait3A_56 = tpu.memref_squeeze %dma_wait3A_55 : memref<1x128x128xf32, #tpu.memory_space<hbm>> -> memref<128x128xf32, #tpu.memory_space<hbm>>
      %dma_wait3A_57 = arith.constant 0 : i32
      %dma_wait3A_58 = tpu.memref_slice %arg6[%arg0, %add3A_49, %dma_wait3A_57] : memref<2x10240x128xf32, #tpu.memory_space<hbm>> -> memref<1x128x128xf32, #tpu.memory_space<hbm>>
      %dma_wait3A_59 = tpu.memref_squeeze %dma_wait3A_58 : memref<1x128x128xf32, #tpu.memory_space<hbm>> -> memref<128x128xf32, #tpu.memory_space<hbm>>
      tpu.wait_dma2 semaphore(%run_scoped3A : memref<!tpu.dma_semaphore, #tpu.memory_space<semaphore_mem>>) src(%arg9 : memref<128x128xf32, #tpu.memory_space<vmem>>) dst(%dma_wait3A_59 : memref<128x128xf32, #tpu.memory_space<hbm>>)
      tpu.yield
    }) : () -> ()
    return
  }
}

#map = affine_map<(d0, d1) -> (0, 0)>
#map1 = affine_map<(d0, d1) -> (0)>
#map2 = affine_map<(d0, d1) -> (0, 0, 0)>
module attributes {stable_mosaic.version = 14 : i64} {
  func.func @body(%arg0: i32, %arg1: i32, %arg2: memref<323584x128xf32, #tpu.memory_space<hbm>>, %arg3: memref<323584xi32, #tpu.memory_space<hbm>>, %arg4: memref<2528x128xi32, #tpu.memory_space<hbm>>, %arg5: memref<10240x128xf32, #tpu.memory_space<hbm>>, %arg6: memref<2x10240x128xf32, #tpu.memory_space<hbm>>, %arg7: memref<128xi32, #tpu.memory_space<vmem>>, %arg8: memref<128xi32, #tpu.memory_space<vmem>>, %arg9: memref<128x128xf32, #tpu.memory_space<vmem>>, %arg10: memref<128x128xf32, #tpu.memory_space<vmem>>, %arg11: memref<10240x128xf32, #tpu.memory_space<vmem_shared>>, %arg12: memref<!tpu.dma_semaphore, #tpu.memory_space<semaphore_mem>>, %arg13: memref<!tpu.dma_semaphore, #tpu.memory_space<semaphore_mem>>, %arg14: memref<!tpu.dma_semaphore, #tpu.memory_space<semaphore_mem>>) attributes {dimension_semantics = [#tpu.dimension_semantics<core_parallel>, #tpu.dimension_semantics<subcore_parallel>], iteration_bounds = array<i64: 2, 16>, scalar_prefetch = 0 : i64, scratch_operands = 8 : i64, tpu.core_type = #tpu.core_type<sc_vector_subcore>, window_params = [{transform_indices = #map}, {transform_indices = #map1}, {transform_indices = #map}, {transform_indices = #map}, {transform_indices = #map2}]} {
    %mul3A = arith.constant 16 : i32
    %mul3A_0 = arith.muli %arg0, %mul3A : i32
    %add3A = arith.addi %mul3A_0, %arg1 : i32
    %mul3A_1 = arith.constant 10112 : i32
    %mul3A_2 = arith.muli %add3A, %mul3A_1 : i32
    %mul3A_3 = arith.constant 640 : i32
    %mul3A_4 = arith.muli %arg1, %mul3A_3 : i32
    %broadcast_in_dim3A = arith.constant 0.000000e+00 : f32
    %broadcast_in_dim3A_5 = vector.broadcast %broadcast_in_dim3A : f32 to vector<16xf32>
    %scan3A = arith.constant 0 : i32
    %scan3A_6 = arith.constant 0 : i32
    %scan3A_7 = arith.constant 128 : i32
    %scan3A_8 = arith.addi %scan3A_6, %scan3A_7 : i32
    %scan3A_9 = arith.constant 1 : i32
    %scan3A_10 = scf.for %scan3A_50 = %scan3A_6 to %scan3A_8 step %scan3A_9 iter_args(%scan3A_51 = %scan3A) -> (i32)  : i32 {
      %swap3A = arith.index_cast %scan3A_50 : i32 to index
      %swap3A_52 = arith.constant 0 : index
      %swap3A_53 = tpu.vector_load %arg9[%swap3A, %swap3A_52] {strides = array<i32>} : memref<128x128xf32, #tpu.memory_space<vmem>>, vector<1x16xf32>,
      %swap3A_54 = vector.shape_cast %swap3A_53 : vector<1x16xf32> to vector<16xf32>
      %swap3A_55 = vector.shape_cast %broadcast_in_dim3A_5 : vector<16xf32> to vector<1x16xf32>
      tpu.vector_store %arg9[%swap3A, %swap3A_52], %swap3A_55 {strides = array<i32>} : memref<128x128xf32, #tpu.memory_space<vmem>>, vector<1x16xf32>,
      %swap3A_56 = arith.index_cast %scan3A_50 : i32 to index
      %swap3A_57 = arith.constant 16 : index
      %swap3A_58 = tpu.vector_load %arg9[%swap3A_56, %swap3A_57] {strides = array<i32>} : memref<128x128xf32, #tpu.memory_space<vmem>>, vector<1x16xf32>,
      %swap3A_59 = vector.shape_cast %swap3A_58 : vector<1x16xf32> to vector<16xf32>
      %swap3A_60 = vector.shape_cast %broadcast_in_dim3A_5 : vector<16xf32> to vector<1x16xf32>
      tpu.vector_store %arg9[%swap3A_56, %swap3A_57], %swap3A_60 {strides = array<i32>} : memref<128x128xf32, #tpu.memory_space<vmem>>, vector<1x16xf32>,
      %swap3A_61 = arith.index_cast %scan3A_50 : i32 to index
      %swap3A_62 = arith.constant 32 : index
      %swap3A_63 = tpu.vector_load %arg9[%swap3A_61, %swap3A_62] {strides = array<i32>} : memref<128x128xf32, #tpu.memory_space<vmem>>, vector<1x16xf32>,
      %swap3A_64 = vector.shape_cast %swap3A_63 : vector<1x16xf32> to vector<16xf32>
      %swap3A_65 = vector.shape_cast %broadcast_in_dim3A_5 : vector<16xf32> to vector<1x16xf32>
      tpu.vector_store %arg9[%swap3A_61, %swap3A_62], %swap3A_65 {strides = array<i32>} : memref<128x128xf32, #tpu.memory_space<vmem>>, vector<1x16xf32>,
      %swap3A_66 = arith.index_cast %scan3A_50 : i32 to index
      %swap3A_67 = arith.constant 48 : index
      %swap3A_68 = tpu.vector_load %arg9[%swap3A_66, %swap3A_67] {strides = array<i32>} : memref<128x128xf32, #tpu.memory_space<vmem>>, vector<1x16xf32>,
      %swap3A_69 = vector.shape_cast %swap3A_68 : vector<1x16xf32> to vector<16xf32>
      %swap3A_70 = vector.shape_cast %broadcast_in_dim3A_5 : vector<16xf32> to vector<1x16xf32>
      tpu.vector_store %arg9[%swap3A_66, %swap3A_67], %swap3A_70 {strides = array<i32>} : memref<128x128xf32, #tpu.memory_space<vmem>>, vector<1x16xf32>,
      %swap3A_71 = arith.index_cast %scan3A_50 : i32 to index
      %swap3A_72 = arith.constant 64 : index
      %swap3A_73 = tpu.vector_load %arg9[%swap3A_71, %swap3A_72] {strides = array<i32>} : memref<128x128xf32, #tpu.memory_space<vmem>>, vector<1x16xf32>,
      %swap3A_74 = vector.shape_cast %swap3A_73 : vector<1x16xf32> to vector<16xf32>
      %swap3A_75 = vector.shape_cast %broadcast_in_dim3A_5 : vector<16xf32> to vector<1x16xf32>
      tpu.vector_store %arg9[%swap3A_71, %swap3A_72], %swap3A_75 {strides = array<i32>} : memref<128x128xf32, #tpu.memory_space<vmem>>, vector<1x16xf32>,
      %swap3A_76 = arith.index_cast %scan3A_50 : i32 to index
      %swap3A_77 = arith.constant 80 : index
      %swap3A_78 = tpu.vector_load %arg9[%swap3A_76, %swap3A_77] {strides = array<i32>} : memref<128x128xf32, #tpu.memory_space<vmem>>, vector<1x16xf32>,
      %swap3A_79 = vector.shape_cast %swap3A_78 : vector<1x16xf32> to vector<16xf32>
      %swap3A_80 = vector.shape_cast %broadcast_in_dim3A_5 : vector<16xf32> to vector<1x16xf32>
      tpu.vector_store %arg9[%swap3A_76, %swap3A_77], %swap3A_80 {strides = array<i32>} : memref<128x128xf32, #tpu.memory_space<vmem>>, vector<1x16xf32>,
      %swap3A_81 = arith.index_cast %scan3A_50 : i32 to index
      %swap3A_82 = arith.constant 96 : index
      %swap3A_83 = tpu.vector_load %arg9[%swap3A_81, %swap3A_82] {strides = array<i32>} : memref<128x128xf32, #tpu.memory_space<vmem>>, vector<1x16xf32>,
      %swap3A_84 = vector.shape_cast %swap3A_83 : vector<1x16xf32> to vector<16xf32>
      %swap3A_85 = vector.shape_cast %broadcast_in_dim3A_5 : vector<16xf32> to vector<1x16xf32>
      tpu.vector_store %arg9[%swap3A_81, %swap3A_82], %swap3A_85 {strides = array<i32>} : memref<128x128xf32, #tpu.memory_space<vmem>>, vector<1x16xf32>,
      %swap3A_86 = arith.index_cast %scan3A_50 : i32 to index
      %swap3A_87 = arith.constant 112 : index
      %swap3A_88 = tpu.vector_load %arg9[%swap3A_86, %swap3A_87] {strides = array<i32>} : memref<128x128xf32, #tpu.memory_space<vmem>>, vector<1x16xf32>,
      %swap3A_89 = vector.shape_cast %swap3A_88 : vector<1x16xf32> to vector<16xf32>
      %swap3A_90 = vector.shape_cast %broadcast_in_dim3A_5 : vector<16xf32> to vector<1x16xf32>
      tpu.vector_store %arg9[%swap3A_86, %swap3A_87], %swap3A_90 {strides = array<i32>} : memref<128x128xf32, #tpu.memory_space<vmem>>, vector<1x16xf32>,
      %scan3A_91 = arith.constant 0 : i32
      scf.yield %scan3A_91 : i32
    }
    %scan3A_11 = arith.constant 128 : i32
    %add3A_12 = arith.constant 0 : i32
    %add3A_13 = arith.addi %mul3A_4, %add3A_12 : i32
    "tpu.region"() ({
      %run_scoped3A = tpu.sem_alloc : memref<!tpu.dma_semaphore, #tpu.memory_space<semaphore_mem>>
      %dma_start3A = arith.constant 0 : i32
      %dma_start3A_50 = tpu.memref_slice %arg11[%add3A_13, %dma_start3A] : memref<10240x128xf32, #tpu.memory_space<vmem_shared>> -> memref<128x128xf32, #tpu.memory_space<vmem_shared>>
      %dma_start3A_51 = arith.constant 0 : i32
      %dma_start3A_52 = tpu.memref_slice %arg11[%add3A_13, %dma_start3A_51] : memref<10240x128xf32, #tpu.memory_space<vmem_shared>> -> memref<128x128xf32, #tpu.memory_space<vmem_shared>>
      tpu.enqueue_dma source(%arg9 : memref<128x128xf32, #tpu.memory_space<vmem>>) target(%dma_start3A_52 : memref<128x128xf32, #tpu.memory_space<vmem_shared>>) target_semaphore(%run_scoped3A : memref<!tpu.dma_semaphore, #tpu.memory_space<semaphore_mem>>)
      %dma_wait3A = arith.constant 0 : i32
      %dma_wait3A_53 = tpu.memref_slice %arg11[%add3A_13, %dma_wait3A] : memref<10240x128xf32, #tpu.memory_space<vmem_shared>> -> memref<128x128xf32, #tpu.memory_space<vmem_shared>>
      %dma_wait3A_54 = arith.constant 0 : i32
      %dma_wait3A_55 = tpu.memref_slice %arg11[%add3A_13, %dma_wait3A_54] : memref<10240x128xf32, #tpu.memory_space<vmem_shared>> -> memref<128x128xf32, #tpu.memory_space<vmem_shared>>
      tpu.wait_dma2 semaphore(%run_scoped3A : memref<!tpu.dma_semaphore, #tpu.memory_space<semaphore_mem>>) src(%arg9 : memref<128x128xf32, #tpu.memory_space<vmem>>) dst(%dma_wait3A_55 : memref<128x128xf32, #tpu.memory_space<vmem_shared>>)
      tpu.yield
    }) : () -> ()
    %add3A_14 = arith.constant 128 : i32
    %add3A_15 = arith.addi %mul3A_4, %add3A_14 : i32
    "tpu.region"() ({
      %run_scoped3A = tpu.sem_alloc : memref<!tpu.dma_semaphore, #tpu.memory_space<semaphore_mem>>
      %dma_start3A = arith.constant 0 : i32
      %dma_start3A_50 = tpu.memref_slice %arg11[%add3A_15, %dma_start3A] : memref<10240x128xf32, #tpu.memory_space<vmem_shared>> -> memref<128x128xf32, #tpu.memory_space<vmem_shared>>
      %dma_start3A_51 = arith.constant 0 : i32
      %dma_start3A_52 = tpu.memref_slice %arg11[%add3A_15, %dma_start3A_51] : memref<10240x128xf32, #tpu.memory_space<vmem_shared>> -> memref<128x128xf32, #tpu.memory_space<vmem_shared>>
      tpu.enqueue_dma source(%arg9 : memref<128x128xf32, #tpu.memory_space<vmem>>) target(%dma_start3A_52 : memref<128x128xf32, #tpu.memory_space<vmem_shared>>) target_semaphore(%run_scoped3A : memref<!tpu.dma_semaphore, #tpu.memory_space<semaphore_mem>>)
      %dma_wait3A = arith.constant 0 : i32
      %dma_wait3A_53 = tpu.memref_slice %arg11[%add3A_15, %dma_wait3A] : memref<10240x128xf32, #tpu.memory_space<vmem_shared>> -> memref<128x128xf32, #tpu.memory_space<vmem_shared>>
      %dma_wait3A_54 = arith.constant 0 : i32
      %dma_wait3A_55 = tpu.memref_slice %arg11[%add3A_15, %dma_wait3A_54] : memref<10240x128xf32, #tpu.memory_space<vmem_shared>> -> memref<128x128xf32, #tpu.memory_space<vmem_shared>>
      tpu.wait_dma2 semaphore(%run_scoped3A : memref<!tpu.dma_semaphore, #tpu.memory_space<semaphore_mem>>) src(%arg9 : memref<128x128xf32, #tpu.memory_space<vmem>>) dst(%dma_wait3A_55 : memref<128x128xf32, #tpu.memory_space<vmem_shared>>)
      tpu.yield
    }) : () -> ()
    %add3A_16 = arith.constant 256 : i32
    %add3A_17 = arith.addi %mul3A_4, %add3A_16 : i32
    "tpu.region"() ({
      %run_scoped3A = tpu.sem_alloc : memref<!tpu.dma_semaphore, #tpu.memory_space<semaphore_mem>>
      %dma_start3A = arith.constant 0 : i32
      %dma_start3A_50 = tpu.memref_slice %arg11[%add3A_17, %dma_start3A] : memref<10240x128xf32, #tpu.memory_space<vmem_shared>> -> memref<128x128xf32, #tpu.memory_space<vmem_shared>>
      %dma_start3A_51 = arith.constant 0 : i32
      %dma_start3A_52 = tpu.memref_slice %arg11[%add3A_17, %dma_start3A_51] : memref<10240x128xf32, #tpu.memory_space<vmem_shared>> -> memref<128x128xf32, #tpu.memory_space<vmem_shared>>
      tpu.enqueue_dma source(%arg9 : memref<128x128xf32, #tpu.memory_space<vmem>>) target(%dma_start3A_52 : memref<128x128xf32, #tpu.memory_space<vmem_shared>>) target_semaphore(%run_scoped3A : memref<!tpu.dma_semaphore, #tpu.memory_space<semaphore_mem>>)
      %dma_wait3A = arith.constant 0 : i32
      %dma_wait3A_53 = tpu.memref_slice %arg11[%add3A_17, %dma_wait3A] : memref<10240x128xf32, #tpu.memory_space<vmem_shared>> -> memref<128x128xf32, #tpu.memory_space<vmem_shared>>
      %dma_wait3A_54 = arith.constant 0 : i32
      %dma_wait3A_55 = tpu.memref_slice %arg11[%add3A_17, %dma_wait3A_54] : memref<10240x128xf32, #tpu.memory_space<vmem_shared>> -> memref<128x128xf32, #tpu.memory_space<vmem_shared>>
      tpu.wait_dma2 semaphore(%run_scoped3A : memref<!tpu.dma_semaphore, #tpu.memory_space<semaphore_mem>>) src(%arg9 : memref<128x128xf32, #tpu.memory_space<vmem>>) dst(%dma_wait3A_55 : memref<128x128xf32, #tpu.memory_space<vmem_shared>>)
      tpu.yield
    }) : () -> ()
    %add3A_18 = arith.constant 384 : i32
    %add3A_19 = arith.addi %mul3A_4, %add3A_18 : i32
    "tpu.region"() ({
      %run_scoped3A = tpu.sem_alloc : memref<!tpu.dma_semaphore, #tpu.memory_space<semaphore_mem>>
      %dma_start3A = arith.constant 0 : i32
      %dma_start3A_50 = tpu.memref_slice %arg11[%add3A_19, %dma_start3A] : memref<10240x128xf32, #tpu.memory_space<vmem_shared>> -> memref<128x128xf32, #tpu.memory_space<vmem_shared>>
      %dma_start3A_51 = arith.constant 0 : i32
      %dma_start3A_52 = tpu.memref_slice %arg11[%add3A_19, %dma_start3A_51] : memref<10240x128xf32, #tpu.memory_space<vmem_shared>> -> memref<128x128xf32, #tpu.memory_space<vmem_shared>>
      tpu.enqueue_dma source(%arg9 : memref<128x128xf32, #tpu.memory_space<vmem>>) target(%dma_start3A_52 : memref<128x128xf32, #tpu.memory_space<vmem_shared>>) target_semaphore(%run_scoped3A : memref<!tpu.dma_semaphore, #tpu.memory_space<semaphore_mem>>)
      %dma_wait3A = arith.constant 0 : i32
      %dma_wait3A_53 = tpu.memref_slice %arg11[%add3A_19, %dma_wait3A] : memref<10240x128xf32, #tpu.memory_space<vmem_shared>> -> memref<128x128xf32, #tpu.memory_space<vmem_shared>>
      %dma_wait3A_54 = arith.constant 0 : i32
      %dma_wait3A_55 = tpu.memref_slice %arg11[%add3A_19, %dma_wait3A_54] : memref<10240x128xf32, #tpu.memory_space<vmem_shared>> -> memref<128x128xf32, #tpu.memory_space<vmem_shared>>
      tpu.wait_dma2 semaphore(%run_scoped3A : memref<!tpu.dma_semaphore, #tpu.memory_space<semaphore_mem>>) src(%arg9 : memref<128x128xf32, #tpu.memory_space<vmem>>) dst(%dma_wait3A_55 : memref<128x128xf32, #tpu.memory_space<vmem_shared>>)
      tpu.yield
    }) : () -> ()
    %add3A_20 = arith.constant 512 : i32
    %add3A_21 = arith.addi %mul3A_4, %add3A_20 : i32
    "tpu.region"() ({
      %run_scoped3A = tpu.sem_alloc : memref<!tpu.dma_semaphore, #tpu.memory_space<semaphore_mem>>
      %dma_start3A = arith.constant 0 : i32
      %dma_start3A_50 = tpu.memref_slice %arg11[%add3A_21, %dma_start3A] : memref<10240x128xf32, #tpu.memory_space<vmem_shared>> -> memref<128x128xf32, #tpu.memory_space<vmem_shared>>
      %dma_start3A_51 = arith.constant 0 : i32
      %dma_start3A_52 = tpu.memref_slice %arg11[%add3A_21, %dma_start3A_51] : memref<10240x128xf32, #tpu.memory_space<vmem_shared>> -> memref<128x128xf32, #tpu.memory_space<vmem_shared>>
      tpu.enqueue_dma source(%arg9 : memref<128x128xf32, #tpu.memory_space<vmem>>) target(%dma_start3A_52 : memref<128x128xf32, #tpu.memory_space<vmem_shared>>) target_semaphore(%run_scoped3A : memref<!tpu.dma_semaphore, #tpu.memory_space<semaphore_mem>>)
      %dma_wait3A = arith.constant 0 : i32
      %dma_wait3A_53 = tpu.memref_slice %arg11[%add3A_21, %dma_wait3A] : memref<10240x128xf32, #tpu.memory_space<vmem_shared>> -> memref<128x128xf32, #tpu.memory_space<vmem_shared>>
      %dma_wait3A_54 = arith.constant 0 : i32
      %dma_wait3A_55 = tpu.memref_slice %arg11[%add3A_21, %dma_wait3A_54] : memref<10240x128xf32, #tpu.memory_space<vmem_shared>> -> memref<128x128xf32, #tpu.memory_space<vmem_shared>>
      tpu.wait_dma2 semaphore(%run_scoped3A : memref<!tpu.dma_semaphore, #tpu.memory_space<semaphore_mem>>) src(%arg9 : memref<128x128xf32, #tpu.memory_space<vmem>>) dst(%dma_wait3A_55 : memref<128x128xf32, #tpu.memory_space<vmem_shared>>)
      tpu.yield
    }) : () -> ()
    %barrier3A = arith.constant 0 : index
    tpu.barrier barrier_id(%barrier3A)
    %scan3A_22 = arith.constant 0 : i32
    %scan3A_23 = arith.constant 0 : i32
    %scan3A_24 = arith.constant 79 : i32
    %scan3A_25 = arith.addi %scan3A_23, %scan3A_24 : i32
    %scan3A_26 = arith.constant 1 : i32
    %scan3A_27 = scf.for %scan3A_50 = %scan3A_23 to %scan3A_25 step %scan3A_26 iter_args(%scan3A_51 = %scan3A_22) -> (i32)  : i32 {
      %mul3A_52 = arith.constant 128 : i32
      %mul3A_53 = arith.muli %scan3A_50, %mul3A_52 : i32
      %add3A_54 = arith.addi %mul3A_2, %mul3A_53 : i32
      %dma_start3A = arith.constant 0 : i32
      %dma_start3A_55 = tpu.memref_slice %arg2[%add3A_54, %dma_start3A] : memref<323584x128xf32, #tpu.memory_space<hbm>> -> memref<128x128xf32, #tpu.memory_space<hbm>>
      %dma_start3A_56 = arith.constant 0 : i32
      %dma_start3A_57 = tpu.memref_slice %arg2[%add3A_54, %dma_start3A_56] : memref<323584x128xf32, #tpu.memory_space<hbm>> -> memref<128x128xf32, #tpu.memory_space<hbm>>
      tpu.enqueue_dma source(%dma_start3A_57 : memref<128x128xf32, #tpu.memory_space<hbm>>) target(%arg9 : memref<128x128xf32, #tpu.memory_space<vmem>>) target_semaphore(%arg13 : memref<!tpu.dma_semaphore, #tpu.memory_space<semaphore_mem>>)
      %mul3A_58 = arith.constant 79 : i32
      %mul3A_59 = arith.muli %add3A, %mul3A_58 : i32
      %add3A_60 = arith.addi %mul3A_59, %scan3A_50 : i32
      %dma_start3A_61 = arith.constant 0 : i32
      %dma_start3A_62 = tpu.memref_slice %arg4[%add3A_60, %dma_start3A_61] : memref<2528x128xi32, #tpu.memory_space<hbm>> -> memref<1x128xi32, #tpu.memory_space<hbm>>
      %dma_start3A_63 = tpu.memref_squeeze %dma_start3A_62 : memref<1x128xi32, #tpu.memory_space<hbm>> -> memref<128xi32, #tpu.memory_space<hbm>>
      %dma_start3A_64 = arith.constant 0 : i32
      %dma_start3A_65 = tpu.memref_slice %arg4[%add3A_60, %dma_start3A_64] : memref<2528x128xi32, #tpu.memory_space<hbm>> -> memref<1x128xi32, #tpu.memory_space<hbm>>
      %dma_start3A_66 = tpu.memref_squeeze %dma_start3A_65 : memref<1x128xi32, #tpu.memory_space<hbm>> -> memref<128xi32, #tpu.memory_space<hbm>>
      tpu.enqueue_dma source(%dma_start3A_66 : memref<128xi32, #tpu.memory_space<hbm>>) target(%arg8 : memref<128xi32, #tpu.memory_space<vmem>>) target_semaphore(%arg12 : memref<!tpu.dma_semaphore, #tpu.memory_space<semaphore_mem>>)
      "tpu.region"() ({
        %run_scoped3A = tpu.sem_alloc : memref<!tpu.dma_semaphore, #tpu.memory_space<semaphore_mem>>
        %dma_start3A_90 = tpu.memref_slice %arg3[%add3A_54] : memref<323584xi32, #tpu.memory_space<hbm>> -> memref<128xi32, #tpu.memory_space<hbm>>
        %dma_start3A_91 = tpu.memref_slice %arg3[%add3A_54] : memref<323584xi32, #tpu.memory_space<hbm>> -> memref<128xi32, #tpu.memory_space<hbm>>
        tpu.enqueue_dma source(%dma_start3A_91 : memref<128xi32, #tpu.memory_space<hbm>>) target(%arg7 : memref<128xi32, #tpu.memory_space<vmem>>) target_semaphore(%run_scoped3A : memref<!tpu.dma_semaphore, #tpu.memory_space<semaphore_mem>>)
        %dma_wait3A_92 = tpu.memref_slice %arg3[%add3A_54] : memref<323584xi32, #tpu.memory_space<hbm>> -> memref<128xi32, #tpu.memory_space<hbm>>
        %dma_wait3A_93 = tpu.memref_slice %arg3[%add3A_54] : memref<323584xi32, #tpu.memory_space<hbm>> -> memref<128xi32, #tpu.memory_space<hbm>>
        tpu.wait_dma2 semaphore(%run_scoped3A : memref<!tpu.dma_semaphore, #tpu.memory_space<semaphore_mem>>) src(%dma_wait3A_93 : memref<128xi32, #tpu.memory_space<hbm>>) dst(%arg7 : memref<128xi32, #tpu.memory_space<vmem>>)
        tpu.yield
      }) : () -> ()
      %dma_start3A_67 = arith.constant 0 : i32
      %dma_start3A_68 = arith.constant 0 : i32
      %dma_start3A_69 = tpu.memref_slice %arg5[%dma_start3A_67, %dma_start3A_68] : memref<10240x128xf32, #tpu.memory_space<hbm>> -> memref<10240x128xf32, #tpu.memory_space<hbm>>
      tpu.enqueue_indirect_dma source(%dma_start3A_69 : memref<10240x128xf32, #tpu.memory_space<hbm>>) target(%arg10 : memref<128x128xf32, #tpu.memory_space<vmem>>) offsets(%arg7 : memref<128xi32, #tpu.memory_space<vmem>>) semaphore(%arg14 : memref<!tpu.dma_semaphore, #tpu.memory_space<semaphore_mem>>)
      %dma_wait3A = arith.constant 0 : i32
      %dma_wait3A_70 = tpu.memref_slice %arg2[%add3A_54, %dma_wait3A] : memref<323584x128xf32, #tpu.memory_space<hbm>> -> memref<128x128xf32, #tpu.memory_space<hbm>>
      %dma_wait3A_71 = arith.constant 0 : i32
      %dma_wait3A_72 = tpu.memref_slice %arg2[%add3A_54, %dma_wait3A_71] : memref<323584x128xf32, #tpu.memory_space<hbm>> -> memref<128x128xf32, #tpu.memory_space<hbm>>
      tpu.wait_dma2 semaphore(%arg13 : memref<!tpu.dma_semaphore, #tpu.memory_space<semaphore_mem>>) src(%dma_wait3A_72 : memref<128x128xf32, #tpu.memory_space<hbm>>) dst(%arg9 : memref<128x128xf32, #tpu.memory_space<vmem>>)
      %dma_wait3A_73 = arith.constant 0 : i32
      %dma_wait3A_74 = arith.constant 0 : i32
      %dma_wait3A_75 = tpu.memref_slice %arg5[%dma_wait3A_73, %dma_wait3A_74] : memref<10240x128xf32, #tpu.memory_space<hbm>> -> memref<10240x128xf32, #tpu.memory_space<hbm>>
      tpu.wait_indirect_dma semaphore(%arg14 : memref<!tpu.dma_semaphore, #tpu.memory_space<semaphore_mem>>) src(%dma_wait3A_75 : memref<10240x128xf32, #tpu.memory_space<hbm>>) dst(%arg10 : memref<128x128xf32, #tpu.memory_space<vmem>>)
      %scan3A_76 = arith.constant 0 : i32
      %scan3A_77 = arith.constant 0 : i32
      %scan3A_78 = arith.constant 128 : i32
      %scan3A_79 = arith.addi %scan3A_77, %scan3A_78 : i32
      %scan3A_80 = arith.constant 1 : i32
      %scan3A_81 = scf.for %scan3A_90 = %scan3A_77 to %scan3A_79 step %scan3A_80 iter_args(%scan3A_91 = %scan3A_76) -> (i32)  : i32 {
        %get3A = arith.index_cast %scan3A_90 : i32 to index
        %get3A_92 = arith.constant 0 : index
        %get3A_93 = tpu.vector_load %arg9[%get3A, %get3A_92] {strides = array<i32>} : memref<128x128xf32, #tpu.memory_space<vmem>>, vector<1x16xf32>,
        %get3A_94 = vector.shape_cast %get3A_93 : vector<1x16xf32> to vector<16xf32>
        %get3A_95 = arith.index_cast %scan3A_90 : i32 to index
        %get3A_96 = arith.constant 0 : index
        %get3A_97 = tpu.vector_load %arg10[%get3A_95, %get3A_96] {strides = array<i32>} : memref<128x128xf32, #tpu.memory_space<vmem>>, vector<1x16xf32>,
        %get3A_98 = vector.shape_cast %get3A_97 : vector<1x16xf32> to vector<16xf32>
        %add3A_99 = arith.addf %get3A_94, %get3A_98 : vector<16xf32>
        %max3A = arith.constant 0.000000e+00 : f32
        %max3A_100 = vector.broadcast %max3A : f32 to vector<16xf32>
        %max3A_101 = arith.maximumf %add3A_99, %max3A_100 : vector<16xf32>
        %swap3A = arith.index_cast %scan3A_90 : i32 to index
        %swap3A_102 = arith.constant 0 : index
        %swap3A_103 = tpu.vector_load %arg9[%swap3A, %swap3A_102] {strides = array<i32>} : memref<128x128xf32, #tpu.memory_space<vmem>>, vector<1x16xf32>,
        %swap3A_104 = vector.shape_cast %swap3A_103 : vector<1x16xf32> to vector<16xf32>
        %swap3A_105 = vector.shape_cast %max3A_101 : vector<16xf32> to vector<1x16xf32>
        tpu.vector_store %arg9[%swap3A, %swap3A_102], %swap3A_105 {strides = array<i32>} : memref<128x128xf32, #tpu.memory_space<vmem>>, vector<1x16xf32>,
        %get3A_106 = arith.index_cast %scan3A_90 : i32 to index
        %get3A_107 = arith.constant 16 : index
        %get3A_108 = tpu.vector_load %arg9[%get3A_106, %get3A_107] {strides = array<i32>} : memref<128x128xf32, #tpu.memory_space<vmem>>, vector<1x16xf32>,
        %get3A_109 = vector.shape_cast %get3A_108 : vector<1x16xf32> to vector<16xf32>
        %get3A_110 = arith.index_cast %scan3A_90 : i32 to index
        %get3A_111 = arith.constant 16 : index
        %get3A_112 = tpu.vector_load %arg10[%get3A_110, %get3A_111] {strides = array<i32>} : memref<128x128xf32, #tpu.memory_space<vmem>>, vector<1x16xf32>,
        %get3A_113 = vector.shape_cast %get3A_112 : vector<1x16xf32> to vector<16xf32>
        %add3A_114 = arith.addf %get3A_109, %get3A_113 : vector<16xf32>
        %max3A_115 = arith.constant 0.000000e+00 : f32
        %max3A_116 = vector.broadcast %max3A_115 : f32 to vector<16xf32>
        %max3A_117 = arith.maximumf %add3A_114, %max3A_116 : vector<16xf32>
        %swap3A_118 = arith.index_cast %scan3A_90 : i32 to index
        %swap3A_119 = arith.constant 16 : index
        %swap3A_120 = tpu.vector_load %arg9[%swap3A_118, %swap3A_119] {strides = array<i32>} : memref<128x128xf32, #tpu.memory_space<vmem>>, vector<1x16xf32>,
        %swap3A_121 = vector.shape_cast %swap3A_120 : vector<1x16xf32> to vector<16xf32>
        %swap3A_122 = vector.shape_cast %max3A_117 : vector<16xf32> to vector<1x16xf32>
        tpu.vector_store %arg9[%swap3A_118, %swap3A_119], %swap3A_122 {strides = array<i32>} : memref<128x128xf32, #tpu.memory_space<vmem>>, vector<1x16xf32>,
        %get3A_123 = arith.index_cast %scan3A_90 : i32 to index
        %get3A_124 = arith.constant 32 : index
        %get3A_125 = tpu.vector_load %arg9[%get3A_123, %get3A_124] {strides = array<i32>} : memref<128x128xf32, #tpu.memory_space<vmem>>, vector<1x16xf32>,
        %get3A_126 = vector.shape_cast %get3A_125 : vector<1x16xf32> to vector<16xf32>
        %get3A_127 = arith.index_cast %scan3A_90 : i32 to index
        %get3A_128 = arith.constant 32 : index
        %get3A_129 = tpu.vector_load %arg10[%get3A_127, %get3A_128] {strides = array<i32>} : memref<128x128xf32, #tpu.memory_space<vmem>>, vector<1x16xf32>,
        %get3A_130 = vector.shape_cast %get3A_129 : vector<1x16xf32> to vector<16xf32>
        %add3A_131 = arith.addf %get3A_126, %get3A_130 : vector<16xf32>
        %max3A_132 = arith.constant 0.000000e+00 : f32
        %max3A_133 = vector.broadcast %max3A_132 : f32 to vector<16xf32>
        %max3A_134 = arith.maximumf %add3A_131, %max3A_133 : vector<16xf32>
        %swap3A_135 = arith.index_cast %scan3A_90 : i32 to index
        %swap3A_136 = arith.constant 32 : index
        %swap3A_137 = tpu.vector_load %arg9[%swap3A_135, %swap3A_136] {strides = array<i32>} : memref<128x128xf32, #tpu.memory_space<vmem>>, vector<1x16xf32>,
        %swap3A_138 = vector.shape_cast %swap3A_137 : vector<1x16xf32> to vector<16xf32>
        %swap3A_139 = vector.shape_cast %max3A_134 : vector<16xf32> to vector<1x16xf32>
        tpu.vector_store %arg9[%swap3A_135, %swap3A_136], %swap3A_139 {strides = array<i32>} : memref<128x128xf32, #tpu.memory_space<vmem>>, vector<1x16xf32>,
        %get3A_140 = arith.index_cast %scan3A_90 : i32 to index
        %get3A_141 = arith.constant 48 : index
        %get3A_142 = tpu.vector_load %arg9[%get3A_140, %get3A_141] {strides = array<i32>} : memref<128x128xf32, #tpu.memory_space<vmem>>, vector<1x16xf32>,
        %get3A_143 = vector.shape_cast %get3A_142 : vector<1x16xf32> to vector<16xf32>
        %get3A_144 = arith.index_cast %scan3A_90 : i32 to index
        %get3A_145 = arith.constant 48 : index
        %get3A_146 = tpu.vector_load %arg10[%get3A_144, %get3A_145] {strides = array<i32>} : memref<128x128xf32, #tpu.memory_space<vmem>>, vector<1x16xf32>,
        %get3A_147 = vector.shape_cast %get3A_146 : vector<1x16xf32> to vector<16xf32>
        %add3A_148 = arith.addf %get3A_143, %get3A_147 : vector<16xf32>
        %max3A_149 = arith.constant 0.000000e+00 : f32
        %max3A_150 = vector.broadcast %max3A_149 : f32 to vector<16xf32>
        %max3A_151 = arith.maximumf %add3A_148, %max3A_150 : vector<16xf32>
        %swap3A_152 = arith.index_cast %scan3A_90 : i32 to index
        %swap3A_153 = arith.constant 48 : index
        %swap3A_154 = tpu.vector_load %arg9[%swap3A_152, %swap3A_153] {strides = array<i32>} : memref<128x128xf32, #tpu.memory_space<vmem>>, vector<1x16xf32>,
        %swap3A_155 = vector.shape_cast %swap3A_154 : vector<1x16xf32> to vector<16xf32>
        %swap3A_156 = vector.shape_cast %max3A_151 : vector<16xf32> to vector<1x16xf32>
        tpu.vector_store %arg9[%swap3A_152, %swap3A_153], %swap3A_156 {strides = array<i32>} : memref<128x128xf32, #tpu.memory_space<vmem>>, vector<1x16xf32>,
        %get3A_157 = arith.index_cast %scan3A_90 : i32 to index
        %get3A_158 = arith.constant 64 : index
        %get3A_159 = tpu.vector_load %arg9[%get3A_157, %get3A_158] {strides = array<i32>} : memref<128x128xf32, #tpu.memory_space<vmem>>, vector<1x16xf32>,
        %get3A_160 = vector.shape_cast %get3A_159 : vector<1x16xf32> to vector<16xf32>
        %get3A_161 = arith.index_cast %scan3A_90 : i32 to index
        %get3A_162 = arith.constant 64 : index
        %get3A_163 = tpu.vector_load %arg10[%get3A_161, %get3A_162] {strides = array<i32>} : memref<128x128xf32, #tpu.memory_space<vmem>>, vector<1x16xf32>,
        %get3A_164 = vector.shape_cast %get3A_163 : vector<1x16xf32> to vector<16xf32>
        %add3A_165 = arith.addf %get3A_160, %get3A_164 : vector<16xf32>
        %max3A_166 = arith.constant 0.000000e+00 : f32
        %max3A_167 = vector.broadcast %max3A_166 : f32 to vector<16xf32>
        %max3A_168 = arith.maximumf %add3A_165, %max3A_167 : vector<16xf32>
        %swap3A_169 = arith.index_cast %scan3A_90 : i32 to index
        %swap3A_170 = arith.constant 64 : index
        %swap3A_171 = tpu.vector_load %arg9[%swap3A_169, %swap3A_170] {strides = array<i32>} : memref<128x128xf32, #tpu.memory_space<vmem>>, vector<1x16xf32>,
        %swap3A_172 = vector.shape_cast %swap3A_171 : vector<1x16xf32> to vector<16xf32>
        %swap3A_173 = vector.shape_cast %max3A_168 : vector<16xf32> to vector<1x16xf32>
        tpu.vector_store %arg9[%swap3A_169, %swap3A_170], %swap3A_173 {strides = array<i32>} : memref<128x128xf32, #tpu.memory_space<vmem>>, vector<1x16xf32>,
        %get3A_174 = arith.index_cast %scan3A_90 : i32 to index
        %get3A_175 = arith.constant 80 : index
        %get3A_176 = tpu.vector_load %arg9[%get3A_174, %get3A_175] {strides = array<i32>} : memref<128x128xf32, #tpu.memory_space<vmem>>, vector<1x16xf32>,
        %get3A_177 = vector.shape_cast %get3A_176 : vector<1x16xf32> to vector<16xf32>
        %get3A_178 = arith.index_cast %scan3A_90 : i32 to index
        %get3A_179 = arith.constant 80 : index
        %get3A_180 = tpu.vector_load %arg10[%get3A_178, %get3A_179] {strides = array<i32>} : memref<128x128xf32, #tpu.memory_space<vmem>>, vector<1x16xf32>,
        %get3A_181 = vector.shape_cast %get3A_180 : vector<1x16xf32> to vector<16xf32>
        %add3A_182 = arith.addf %get3A_177, %get3A_181 : vector<16xf32>
        %max3A_183 = arith.constant 0.000000e+00 : f32
        %max3A_184 = vector.broadcast %max3A_183 : f32 to vector<16xf32>
        %max3A_185 = arith.maximumf %add3A_182, %max3A_184 : vector<16xf32>
        %swap3A_186 = arith.index_cast %scan3A_90 : i32 to index
        %swap3A_187 = arith.constant 80 : index
        %swap3A_188 = tpu.vector_load %arg9[%swap3A_186, %swap3A_187] {strides = array<i32>} : memref<128x128xf32, #tpu.memory_space<vmem>>, vector<1x16xf32>,
        %swap3A_189 = vector.shape_cast %swap3A_188 : vector<1x16xf32> to vector<16xf32>
        %swap3A_190 = vector.shape_cast %max3A_185 : vector<16xf32> to vector<1x16xf32>
        tpu.vector_store %arg9[%swap3A_186, %swap3A_187], %swap3A_190 {strides = array<i32>} : memref<128x128xf32, #tpu.memory_space<vmem>>, vector<1x16xf32>,
        %get3A_191 = arith.index_cast %scan3A_90 : i32 to index
        %get3A_192 = arith.constant 96 : index
        %get3A_193 = tpu.vector_load %arg9[%get3A_191, %get3A_192] {strides = array<i32>} : memref<128x128xf32, #tpu.memory_space<vmem>>, vector<1x16xf32>,
        %get3A_194 = vector.shape_cast %get3A_193 : vector<1x16xf32> to vector<16xf32>
        %get3A_195 = arith.index_cast %scan3A_90 : i32 to index
        %get3A_196 = arith.constant 96 : index
        %get3A_197 = tpu.vector_load %arg10[%get3A_195, %get3A_196] {strides = array<i32>} : memref<128x128xf32, #tpu.memory_space<vmem>>, vector<1x16xf32>,
        %get3A_198 = vector.shape_cast %get3A_197 : vector<1x16xf32> to vector<16xf32>
        %add3A_199 = arith.addf %get3A_194, %get3A_198 : vector<16xf32>
        %max3A_200 = arith.constant 0.000000e+00 : f32
        %max3A_201 = vector.broadcast %max3A_200 : f32 to vector<16xf32>
        %max3A_202 = arith.maximumf %add3A_199, %max3A_201 : vector<16xf32>
        %swap3A_203 = arith.index_cast %scan3A_90 : i32 to index
        %swap3A_204 = arith.constant 96 : index
        %swap3A_205 = tpu.vector_load %arg9[%swap3A_203, %swap3A_204] {strides = array<i32>} : memref<128x128xf32, #tpu.memory_space<vmem>>, vector<1x16xf32>,
        %swap3A_206 = vector.shape_cast %swap3A_205 : vector<1x16xf32> to vector<16xf32>
        %swap3A_207 = vector.shape_cast %max3A_202 : vector<16xf32> to vector<1x16xf32>
        tpu.vector_store %arg9[%swap3A_203, %swap3A_204], %swap3A_207 {strides = array<i32>} : memref<128x128xf32, #tpu.memory_space<vmem>>, vector<1x16xf32>,
        %get3A_208 = arith.index_cast %scan3A_90 : i32 to index
        %get3A_209 = arith.constant 112 : index
        %get3A_210 = tpu.vector_load %arg9[%get3A_208, %get3A_209] {strides = array<i32>} : memref<128x128xf32, #tpu.memory_space<vmem>>, vector<1x16xf32>,
        %get3A_211 = vector.shape_cast %get3A_210 : vector<1x16xf32> to vector<16xf32>
        %get3A_212 = arith.index_cast %scan3A_90 : i32 to index
        %get3A_213 = arith.constant 112 : index
        %get3A_214 = tpu.vector_load %arg10[%get3A_212, %get3A_213] {strides = array<i32>} : memref<128x128xf32, #tpu.memory_space<vmem>>, vector<1x16xf32>,
        %get3A_215 = vector.shape_cast %get3A_214 : vector<1x16xf32> to vector<16xf32>
        %add3A_216 = arith.addf %get3A_211, %get3A_215 : vector<16xf32>
        %max3A_217 = arith.constant 0.000000e+00 : f32
        %max3A_218 = vector.broadcast %max3A_217 : f32 to vector<16xf32>
        %max3A_219 = arith.maximumf %add3A_216, %max3A_218 : vector<16xf32>
        %swap3A_220 = arith.index_cast %scan3A_90 : i32 to index
        %swap3A_221 = arith.constant 112 : index
        %swap3A_222 = tpu.vector_load %arg9[%swap3A_220, %swap3A_221] {strides = array<i32>} : memref<128x128xf32, #tpu.memory_space<vmem>>, vector<1x16xf32>,
        %swap3A_223 = vector.shape_cast %swap3A_222 : vector<1x16xf32> to vector<16xf32>
        %swap3A_224 = vector.shape_cast %max3A_219 : vector<16xf32> to vector<1x16xf32>
        tpu.vector_store %arg9[%swap3A_220, %swap3A_221], %swap3A_224 {strides = array<i32>} : memref<128x128xf32, #tpu.memory_space<vmem>>, vector<1x16xf32>,
        %scan3A_225 = arith.constant 0 : i32
        scf.yield %scan3A_225 : i32
      }
      %scan3A_82 = arith.constant 128 : i32
      %dma_wait3A_83 = arith.constant 0 : i32
      %dma_wait3A_84 = tpu.memref_slice %arg4[%add3A_60, %dma_wait3A_83] : memref<2528x128xi32, #tpu.memory_space<hbm>> -> memref<1x128xi32, #tpu.memory_space<hbm>>
      %dma_wait3A_85 = tpu.memref_squeeze %dma_wait3A_84 : memref<1x128xi32, #tpu.memory_space<hbm>> -> memref<128xi32, #tpu.memory_space<hbm>>
      %dma_wait3A_86 = arith.constant 0 : i32
      %dma_wait3A_87 = tpu.memref_slice %arg4[%add3A_60, %dma_wait3A_86] : memref<2528x128xi32, #tpu.memory_space<hbm>> -> memref<1x128xi32, #tpu.memory_space<hbm>>
      %dma_wait3A_88 = tpu.memref_squeeze %dma_wait3A_87 : memref<1x128xi32, #tpu.memory_space<hbm>> -> memref<128xi32, #tpu.memory_space<hbm>>
      tpu.wait_dma2 semaphore(%arg12 : memref<!tpu.dma_semaphore, #tpu.memory_space<semaphore_mem>>) src(%dma_wait3A_88 : memref<128xi32, #tpu.memory_space<hbm>>) dst(%arg8 : memref<128xi32, #tpu.memory_space<vmem>>)
      "tpu.region"() ({
        %run_scoped3A = tpu.sem_alloc : memref<!tpu.dma_semaphore, #tpu.memory_space<semaphore_mem>>
        %dma_start3A_90 = arith.constant 0 : i32
        %dma_start3A_91 = arith.constant 0 : i32
        %dma_start3A_92 = tpu.memref_slice %arg11[%dma_start3A_90, %dma_start3A_91] : memref<10240x128xf32, #tpu.memory_space<vmem_shared>> -> memref<10240x128xf32, #tpu.memory_space<vmem_shared>>
        tpu.enqueue_indirect_dma source(%arg9 : memref<128x128xf32, #tpu.memory_space<vmem>>) target(%dma_start3A_92 : memref<10240x128xf32, #tpu.memory_space<vmem_shared>>) offsets(%arg8 : memref<128xi32, #tpu.memory_space<vmem>>) semaphore(%run_scoped3A : memref<!tpu.dma_semaphore, #tpu.memory_space<semaphore_mem>>) {add = true}
        %dma_wait3A_93 = arith.constant 0 : i32
        %dma_wait3A_94 = arith.constant 0 : i32
        %dma_wait3A_95 = tpu.memref_slice %arg11[%dma_wait3A_93, %dma_wait3A_94] : memref<10240x128xf32, #tpu.memory_space<vmem_shared>> -> memref<10240x128xf32, #tpu.memory_space<vmem_shared>>
        tpu.wait_indirect_dma semaphore(%run_scoped3A : memref<!tpu.dma_semaphore, #tpu.memory_space<semaphore_mem>>) src(%arg9 : memref<128x128xf32, #tpu.memory_space<vmem>>) dst(%dma_wait3A_95 : memref<10240x128xf32, #tpu.memory_space<vmem_shared>>)
        tpu.yield
      }) : () -> ()
      %scan3A_89 = arith.constant 0 : i32
      scf.yield %scan3A_89 : i32
    }
    %scan3A_28 = arith.constant 79 : i32
    %barrier3A_29 = arith.constant 0 : index
    tpu.barrier barrier_id(%barrier3A_29)
    %add3A_30 = arith.constant 0 : i32
    %add3A_31 = arith.addi %mul3A_4, %add3A_30 : i32
    "tpu.region"() ({
      %run_scoped3A = tpu.sem_alloc : memref<!tpu.dma_semaphore, #tpu.memory_space<semaphore_mem>>
      %dma_start3A = arith.constant 0 : i32
      %dma_start3A_50 = tpu.memref_slice %arg11[%add3A_31, %dma_start3A] : memref<10240x128xf32, #tpu.memory_space<vmem_shared>> -> memref<128x128xf32, #tpu.memory_space<vmem_shared>>
      %dma_start3A_51 = arith.constant 0 : i32
      %dma_start3A_52 = tpu.memref_slice %arg11[%add3A_31, %dma_start3A_51] : memref<10240x128xf32, #tpu.memory_space<vmem_shared>> -> memref<128x128xf32, #tpu.memory_space<vmem_shared>>
      tpu.enqueue_dma source(%dma_start3A_52 : memref<128x128xf32, #tpu.memory_space<vmem_shared>>) target(%arg9 : memref<128x128xf32, #tpu.memory_space<vmem>>) target_semaphore(%run_scoped3A : memref<!tpu.dma_semaphore, #tpu.memory_space<semaphore_mem>>)
      %dma_wait3A = arith.constant 0 : i32
      %dma_wait3A_53 = tpu.memref_slice %arg11[%add3A_31, %dma_wait3A] : memref<10240x128xf32, #tpu.memory_space<vmem_shared>> -> memref<128x128xf32, #tpu.memory_space<vmem_shared>>
      %dma_wait3A_54 = arith.constant 0 : i32
      %dma_wait3A_55 = tpu.memref_slice %arg11[%add3A_31, %dma_wait3A_54] : memref<10240x128xf32, #tpu.memory_space<vmem_shared>> -> memref<128x128xf32, #tpu.memory_space<vmem_shared>>
      tpu.wait_dma2 semaphore(%run_scoped3A : memref<!tpu.dma_semaphore, #tpu.memory_space<semaphore_mem>>) src(%dma_wait3A_55 : memref<128x128xf32, #tpu.memory_space<vmem_shared>>) dst(%arg9 : memref<128x128xf32, #tpu.memory_space<vmem>>)
      tpu.yield
    }) : () -> ()
    %add3A_32 = arith.constant 0 : i32
    %add3A_33 = arith.addi %mul3A_4, %add3A_32 : i32
    "tpu.region"() ({
      %run_scoped3A = tpu.sem_alloc : memref<!tpu.dma_semaphore, #tpu.memory_space<semaphore_mem>>
      %dma_start3A = arith.constant 0 : i32
      %dma_start3A_50 = tpu.memref_slice %arg6[%arg0, %add3A_33, %dma_start3A] : memref<2x10240x128xf32, #tpu.memory_space<hbm>> -> memref<1x128x128xf32, #tpu.memory_space<hbm>>
      %dma_start3A_51 = tpu.memref_squeeze %dma_start3A_50 : memref<1x128x128xf32, #tpu.memory_space<hbm>> -> memref<128x128xf32, #tpu.memory_space<hbm>>
      %dma_start3A_52 = arith.constant 0 : i32
      %dma_start3A_53 = tpu.memref_slice %arg6[%arg0, %add3A_33, %dma_start3A_52] : memref<2x10240x128xf32, #tpu.memory_space<hbm>> -> memref<1x128x128xf32, #tpu.memory_space<hbm>>
      %dma_start3A_54 = tpu.memref_squeeze %dma_start3A_53 : memref<1x128x128xf32, #tpu.memory_space<hbm>> -> memref<128x128xf32, #tpu.memory_space<hbm>>
      tpu.enqueue_dma source(%arg9 : memref<128x128xf32, #tpu.memory_space<vmem>>) target(%dma_start3A_54 : memref<128x128xf32, #tpu.memory_space<hbm>>) target_semaphore(%run_scoped3A : memref<!tpu.dma_semaphore, #tpu.memory_space<semaphore_mem>>)
      %dma_wait3A = arith.constant 0 : i32
      %dma_wait3A_55 = tpu.memref_slice %arg6[%arg0, %add3A_33, %dma_wait3A] : memref<2x10240x128xf32, #tpu.memory_space<hbm>> -> memref<1x128x128xf32, #tpu.memory_space<hbm>>
      %dma_wait3A_56 = tpu.memref_squeeze %dma_wait3A_55 : memref<1x128x128xf32, #tpu.memory_space<hbm>> -> memref<128x128xf32, #tpu.memory_space<hbm>>
      %dma_wait3A_57 = arith.constant 0 : i32
      %dma_wait3A_58 = tpu.memref_slice %arg6[%arg0, %add3A_33, %dma_wait3A_57] : memref<2x10240x128xf32, #tpu.memory_space<hbm>> -> memref<1x128x128xf32, #tpu.memory_space<hbm>>
      %dma_wait3A_59 = tpu.memref_squeeze %dma_wait3A_58 : memref<1x128x128xf32, #tpu.memory_space<hbm>> -> memref<128x128xf32, #tpu.memory_space<hbm>>
      tpu.wait_dma2 semaphore(%run_scoped3A : memref<!tpu.dma_semaphore, #tpu.memory_space<semaphore_mem>>) src(%arg9 : memref<128x128xf32, #tpu.memory_space<vmem>>) dst(%dma_wait3A_59 : memref<128x128xf32, #tpu.memory_space<hbm>>)
      tpu.yield
    }) : () -> ()
    %add3A_34 = arith.constant 128 : i32
    %add3A_35 = arith.addi %mul3A_4, %add3A_34 : i32
    "tpu.region"() ({
      %run_scoped3A = tpu.sem_alloc : memref<!tpu.dma_semaphore, #tpu.memory_space<semaphore_mem>>
      %dma_start3A = arith.constant 0 : i32
      %dma_start3A_50 = tpu.memref_slice %arg11[%add3A_35, %dma_start3A] : memref<10240x128xf32, #tpu.memory_space<vmem_shared>> -> memref<128x128xf32, #tpu.memory_space<vmem_shared>>
      %dma_start3A_51 = arith.constant 0 : i32
      %dma_start3A_52 = tpu.memref_slice %arg11[%add3A_35, %dma_start3A_51] : memref<10240x128xf32, #tpu.memory_space<vmem_shared>> -> memref<128x128xf32, #tpu.memory_space<vmem_shared>>
      tpu.enqueue_dma source(%dma_start3A_52 : memref<128x128xf32, #tpu.memory_space<vmem_shared>>) target(%arg9 : memref<128x128xf32, #tpu.memory_space<vmem>>) target_semaphore(%run_scoped3A : memref<!tpu.dma_semaphore, #tpu.memory_space<semaphore_mem>>)
      %dma_wait3A = arith.constant 0 : i32
      %dma_wait3A_53 = tpu.memref_slice %arg11[%add3A_35, %dma_wait3A] : memref<10240x128xf32, #tpu.memory_space<vmem_shared>> -> memref<128x128xf32, #tpu.memory_space<vmem_shared>>
      %dma_wait3A_54 = arith.constant 0 : i32
      %dma_wait3A_55 = tpu.memref_slice %arg11[%add3A_35, %dma_wait3A_54] : memref<10240x128xf32, #tpu.memory_space<vmem_shared>> -> memref<128x128xf32, #tpu.memory_space<vmem_shared>>
      tpu.wait_dma2 semaphore(%run_scoped3A : memref<!tpu.dma_semaphore, #tpu.memory_space<semaphore_mem>>) src(%dma_wait3A_55 : memref<128x128xf32, #tpu.memory_space<vmem_shared>>) dst(%arg9 : memref<128x128xf32, #tpu.memory_space<vmem>>)
      tpu.yield
    }) : () -> ()
    %add3A_36 = arith.constant 128 : i32
    %add3A_37 = arith.addi %mul3A_4, %add3A_36 : i32
    "tpu.region"() ({
      %run_scoped3A = tpu.sem_alloc : memref<!tpu.dma_semaphore, #tpu.memory_space<semaphore_mem>>
      %dma_start3A = arith.constant 0 : i32
      %dma_start3A_50 = tpu.memref_slice %arg6[%arg0, %add3A_37, %dma_start3A] : memref<2x10240x128xf32, #tpu.memory_space<hbm>> -> memref<1x128x128xf32, #tpu.memory_space<hbm>>
      %dma_start3A_51 = tpu.memref_squeeze %dma_start3A_50 : memref<1x128x128xf32, #tpu.memory_space<hbm>> -> memref<128x128xf32, #tpu.memory_space<hbm>>
      %dma_start3A_52 = arith.constant 0 : i32
      %dma_start3A_53 = tpu.memref_slice %arg6[%arg0, %add3A_37, %dma_start3A_52] : memref<2x10240x128xf32, #tpu.memory_space<hbm>> -> memref<1x128x128xf32, #tpu.memory_space<hbm>>
      %dma_start3A_54 = tpu.memref_squeeze %dma_start3A_53 : memref<1x128x128xf32, #tpu.memory_space<hbm>> -> memref<128x128xf32, #tpu.memory_space<hbm>>
      tpu.enqueue_dma source(%arg9 : memref<128x128xf32, #tpu.memory_space<vmem>>) target(%dma_start3A_54 : memref<128x128xf32, #tpu.memory_space<hbm>>) target_semaphore(%run_scoped3A : memref<!tpu.dma_semaphore, #tpu.memory_space<semaphore_mem>>)
      %dma_wait3A = arith.constant 0 : i32
      %dma_wait3A_55 = tpu.memref_slice %arg6[%arg0, %add3A_37, %dma_wait3A] : memref<2x10240x128xf32, #tpu.memory_space<hbm>> -> memref<1x128x128xf32, #tpu.memory_space<hbm>>
      %dma_wait3A_56 = tpu.memref_squeeze %dma_wait3A_55 : memref<1x128x128xf32, #tpu.memory_space<hbm>> -> memref<128x128xf32, #tpu.memory_space<hbm>>
      %dma_wait3A_57 = arith.constant 0 : i32
      %dma_wait3A_58 = tpu.memref_slice %arg6[%arg0, %add3A_37, %dma_wait3A_57] : memref<2x10240x128xf32, #tpu.memory_space<hbm>> -> memref<1x128x128xf32, #tpu.memory_space<hbm>>
      %dma_wait3A_59 = tpu.memref_squeeze %dma_wait3A_58 : memref<1x128x128xf32, #tpu.memory_space<hbm>> -> memref<128x128xf32, #tpu.memory_space<hbm>>
      tpu.wait_dma2 semaphore(%run_scoped3A : memref<!tpu.dma_semaphore, #tpu.memory_space<semaphore_mem>>) src(%arg9 : memref<128x128xf32, #tpu.memory_space<vmem>>) dst(%dma_wait3A_59 : memref<128x128xf32, #tpu.memory_space<hbm>>)
      tpu.yield
    }) : () -> ()
    %add3A_38 = arith.constant 256 : i32
    %add3A_39 = arith.addi %mul3A_4, %add3A_38 : i32
    "tpu.region"() ({
      %run_scoped3A = tpu.sem_alloc : memref<!tpu.dma_semaphore, #tpu.memory_space<semaphore_mem>>
      %dma_start3A = arith.constant 0 : i32
      %dma_start3A_50 = tpu.memref_slice %arg11[%add3A_39, %dma_start3A] : memref<10240x128xf32, #tpu.memory_space<vmem_shared>> -> memref<128x128xf32, #tpu.memory_space<vmem_shared>>
      %dma_start3A_51 = arith.constant 0 : i32
      %dma_start3A_52 = tpu.memref_slice %arg11[%add3A_39, %dma_start3A_51] : memref<10240x128xf32, #tpu.memory_space<vmem_shared>> -> memref<128x128xf32, #tpu.memory_space<vmem_shared>>
      tpu.enqueue_dma source(%dma_start3A_52 : memref<128x128xf32, #tpu.memory_space<vmem_shared>>) target(%arg9 : memref<128x128xf32, #tpu.memory_space<vmem>>) target_semaphore(%run_scoped3A : memref<!tpu.dma_semaphore, #tpu.memory_space<semaphore_mem>>)
      %dma_wait3A = arith.constant 0 : i32
      %dma_wait3A_53 = tpu.memref_slice %arg11[%add3A_39, %dma_wait3A] : memref<10240x128xf32, #tpu.memory_space<vmem_shared>> -> memref<128x128xf32, #tpu.memory_space<vmem_shared>>
      %dma_wait3A_54 = arith.constant 0 : i32
      %dma_wait3A_55 = tpu.memref_slice %arg11[%add3A_39, %dma_wait3A_54] : memref<10240x128xf32, #tpu.memory_space<vmem_shared>> -> memref<128x128xf32, #tpu.memory_space<vmem_shared>>
      tpu.wait_dma2 semaphore(%run_scoped3A : memref<!tpu.dma_semaphore, #tpu.memory_space<semaphore_mem>>) src(%dma_wait3A_55 : memref<128x128xf32, #tpu.memory_space<vmem_shared>>) dst(%arg9 : memref<128x128xf32, #tpu.memory_space<vmem>>)
      tpu.yield
    }) : () -> ()
    %add3A_40 = arith.constant 256 : i32
    %add3A_41 = arith.addi %mul3A_4, %add3A_40 : i32
    "tpu.region"() ({
      %run_scoped3A = tpu.sem_alloc : memref<!tpu.dma_semaphore, #tpu.memory_space<semaphore_mem>>
      %dma_start3A = arith.constant 0 : i32
      %dma_start3A_50 = tpu.memref_slice %arg6[%arg0, %add3A_41, %dma_start3A] : memref<2x10240x128xf32, #tpu.memory_space<hbm>> -> memref<1x128x128xf32, #tpu.memory_space<hbm>>
      %dma_start3A_51 = tpu.memref_squeeze %dma_start3A_50 : memref<1x128x128xf32, #tpu.memory_space<hbm>> -> memref<128x128xf32, #tpu.memory_space<hbm>>
      %dma_start3A_52 = arith.constant 0 : i32
      %dma_start3A_53 = tpu.memref_slice %arg6[%arg0, %add3A_41, %dma_start3A_52] : memref<2x10240x128xf32, #tpu.memory_space<hbm>> -> memref<1x128x128xf32, #tpu.memory_space<hbm>>
      %dma_start3A_54 = tpu.memref_squeeze %dma_start3A_53 : memref<1x128x128xf32, #tpu.memory_space<hbm>> -> memref<128x128xf32, #tpu.memory_space<hbm>>
      tpu.enqueue_dma source(%arg9 : memref<128x128xf32, #tpu.memory_space<vmem>>) target(%dma_start3A_54 : memref<128x128xf32, #tpu.memory_space<hbm>>) target_semaphore(%run_scoped3A : memref<!tpu.dma_semaphore, #tpu.memory_space<semaphore_mem>>)
      %dma_wait3A = arith.constant 0 : i32
      %dma_wait3A_55 = tpu.memref_slice %arg6[%arg0, %add3A_41, %dma_wait3A] : memref<2x10240x128xf32, #tpu.memory_space<hbm>> -> memref<1x128x128xf32, #tpu.memory_space<hbm>>
      %dma_wait3A_56 = tpu.memref_squeeze %dma_wait3A_55 : memref<1x128x128xf32, #tpu.memory_space<hbm>> -> memref<128x128xf32, #tpu.memory_space<hbm>>
      %dma_wait3A_57 = arith.constant 0 : i32
      %dma_wait3A_58 = tpu.memref_slice %arg6[%arg0, %add3A_41, %dma_wait3A_57] : memref<2x10240x128xf32, #tpu.memory_space<hbm>> -> memref<1x128x128xf32, #tpu.memory_space<hbm>>
      %dma_wait3A_59 = tpu.memref_squeeze %dma_wait3A_58 : memref<1x128x128xf32, #tpu.memory_space<hbm>> -> memref<128x128xf32, #tpu.memory_space<hbm>>
      tpu.wait_dma2 semaphore(%run_scoped3A : memref<!tpu.dma_semaphore, #tpu.memory_space<semaphore_mem>>) src(%arg9 : memref<128x128xf32, #tpu.memory_space<vmem>>) dst(%dma_wait3A_59 : memref<128x128xf32, #tpu.memory_space<hbm>>)
      tpu.yield
    }) : () -> ()
    %add3A_42 = arith.constant 384 : i32
    %add3A_43 = arith.addi %mul3A_4, %add3A_42 : i32
    "tpu.region"() ({
      %run_scoped3A = tpu.sem_alloc : memref<!tpu.dma_semaphore, #tpu.memory_space<semaphore_mem>>
      %dma_start3A = arith.constant 0 : i32
      %dma_start3A_50 = tpu.memref_slice %arg11[%add3A_43, %dma_start3A] : memref<10240x128xf32, #tpu.memory_space<vmem_shared>> -> memref<128x128xf32, #tpu.memory_space<vmem_shared>>
      %dma_start3A_51 = arith.constant 0 : i32
      %dma_start3A_52 = tpu.memref_slice %arg11[%add3A_43, %dma_start3A_51] : memref<10240x128xf32, #tpu.memory_space<vmem_shared>> -> memref<128x128xf32, #tpu.memory_space<vmem_shared>>
      tpu.enqueue_dma source(%dma_start3A_52 : memref<128x128xf32, #tpu.memory_space<vmem_shared>>) target(%arg9 : memref<128x128xf32, #tpu.memory_space<vmem>>) target_semaphore(%run_scoped3A : memref<!tpu.dma_semaphore, #tpu.memory_space<semaphore_mem>>)
      %dma_wait3A = arith.constant 0 : i32
      %dma_wait3A_53 = tpu.memref_slice %arg11[%add3A_43, %dma_wait3A] : memref<10240x128xf32, #tpu.memory_space<vmem_shared>> -> memref<128x128xf32, #tpu.memory_space<vmem_shared>>
      %dma_wait3A_54 = arith.constant 0 : i32
      %dma_wait3A_55 = tpu.memref_slice %arg11[%add3A_43, %dma_wait3A_54] : memref<10240x128xf32, #tpu.memory_space<vmem_shared>> -> memref<128x128xf32, #tpu.memory_space<vmem_shared>>
      tpu.wait_dma2 semaphore(%run_scoped3A : memref<!tpu.dma_semaphore, #tpu.memory_space<semaphore_mem>>) src(%dma_wait3A_55 : memref<128x128xf32, #tpu.memory_space<vmem_shared>>) dst(%arg9 : memref<128x128xf32, #tpu.memory_space<vmem>>)
      tpu.yield
    }) : () -> ()
    %add3A_44 = arith.constant 384 : i32
    %add3A_45 = arith.addi %mul3A_4, %add3A_44 : i32
    "tpu.region"() ({
      %run_scoped3A = tpu.sem_alloc : memref<!tpu.dma_semaphore, #tpu.memory_space<semaphore_mem>>
      %dma_start3A = arith.constant 0 : i32
      %dma_start3A_50 = tpu.memref_slice %arg6[%arg0, %add3A_45, %dma_start3A] : memref<2x10240x128xf32, #tpu.memory_space<hbm>> -> memref<1x128x128xf32, #tpu.memory_space<hbm>>
      %dma_start3A_51 = tpu.memref_squeeze %dma_start3A_50 : memref<1x128x128xf32, #tpu.memory_space<hbm>> -> memref<128x128xf32, #tpu.memory_space<hbm>>
      %dma_start3A_52 = arith.constant 0 : i32
      %dma_start3A_53 = tpu.memref_slice %arg6[%arg0, %add3A_45, %dma_start3A_52] : memref<2x10240x128xf32, #tpu.memory_space<hbm>> -> memref<1x128x128xf32, #tpu.memory_space<hbm>>
      %dma_start3A_54 = tpu.memref_squeeze %dma_start3A_53 : memref<1x128x128xf32, #tpu.memory_space<hbm>> -> memref<128x128xf32, #tpu.memory_space<hbm>>
      tpu.enqueue_dma source(%arg9 : memref<128x128xf32, #tpu.memory_space<vmem>>) target(%dma_start3A_54 : memref<128x128xf32, #tpu.memory_space<hbm>>) target_semaphore(%run_scoped3A : memref<!tpu.dma_semaphore, #tpu.memory_space<semaphore_mem>>)
      %dma_wait3A = arith.constant 0 : i32
      %dma_wait3A_55 = tpu.memref_slice %arg6[%arg0, %add3A_45, %dma_wait3A] : memref<2x10240x128xf32, #tpu.memory_space<hbm>> -> memref<1x128x128xf32, #tpu.memory_space<hbm>>
      %dma_wait3A_56 = tpu.memref_squeeze %dma_wait3A_55 : memref<1x128x128xf32, #tpu.memory_space<hbm>> -> memref<128x128xf32, #tpu.memory_space<hbm>>
      %dma_wait3A_57 = arith.constant 0 : i32
      %dma_wait3A_58 = tpu.memref_slice %arg6[%arg0, %add3A_45, %dma_wait3A_57] : memref<2x10240x128xf32, #tpu.memory_space<hbm>> -> memref<1x128x128xf32, #tpu.memory_space<hbm>>
      %dma_wait3A_59 = tpu.memref_squeeze %dma_wait3A_58 : memref<1x128x128xf32, #tpu.memory_space<hbm>> -> memref<128x128xf32, #tpu.memory_space<hbm>>
      tpu.wait_dma2 semaphore(%run_scoped3A : memref<!tpu.dma_semaphore, #tpu.memory_space<semaphore_mem>>) src(%arg9 : memref<128x128xf32, #tpu.memory_space<vmem>>) dst(%dma_wait3A_59 : memref<128x128xf32, #tpu.memory_space<hbm>>)
      tpu.yield
    }) : () -> ()
    %add3A_46 = arith.constant 512 : i32
    %add3A_47 = arith.addi %mul3A_4, %add3A_46 : i32
    "tpu.region"() ({
      %run_scoped3A = tpu.sem_alloc : memref<!tpu.dma_semaphore, #tpu.memory_space<semaphore_mem>>
      %dma_start3A = arith.constant 0 : i32
      %dma_start3A_50 = tpu.memref_slice %arg11[%add3A_47, %dma_start3A] : memref<10240x128xf32, #tpu.memory_space<vmem_shared>> -> memref<128x128xf32, #tpu.memory_space<vmem_shared>>
      %dma_start3A_51 = arith.constant 0 : i32
      %dma_start3A_52 = tpu.memref_slice %arg11[%add3A_47, %dma_start3A_51] : memref<10240x128xf32, #tpu.memory_space<vmem_shared>> -> memref<128x128xf32, #tpu.memory_space<vmem_shared>>
      tpu.enqueue_dma source(%dma_start3A_52 : memref<128x128xf32, #tpu.memory_space<vmem_shared>>) target(%arg9 : memref<128x128xf32, #tpu.memory_space<vmem>>) target_semaphore(%run_scoped3A : memref<!tpu.dma_semaphore, #tpu.memory_space<semaphore_mem>>)
      %dma_wait3A = arith.constant 0 : i32
      %dma_wait3A_53 = tpu.memref_slice %arg11[%add3A_47, %dma_wait3A] : memref<10240x128xf32, #tpu.memory_space<vmem_shared>> -> memref<128x128xf32, #tpu.memory_space<vmem_shared>>
      %dma_wait3A_54 = arith.constant 0 : i32
      %dma_wait3A_55 = tpu.memref_slice %arg11[%add3A_47, %dma_wait3A_54] : memref<10240x128xf32, #tpu.memory_space<vmem_shared>> -> memref<128x128xf32, #tpu.memory_space<vmem_shared>>
      tpu.wait_dma2 semaphore(%run_scoped3A : memref<!tpu.dma_semaphore, #tpu.memory_space<semaphore_mem>>) src(%dma_wait3A_55 : memref<128x128xf32, #tpu.memory_space<vmem_shared>>) dst(%arg9 : memref<128x128xf32, #tpu.memory_space<vmem>>)
      tpu.yield
    }) : () -> ()
    %add3A_48 = arith.constant 512 : i32
    %add3A_49 = arith.addi %mul3A_4, %add3A_48 : i32
    "tpu.region"() ({
      %run_scoped3A = tpu.sem_alloc : memref<!tpu.dma_semaphore, #tpu.memory_space<semaphore_mem>>
      %dma_start3A = arith.constant 0 : i32
      %dma_start3A_50 = tpu.memref_slice %arg6[%arg0, %add3A_49, %dma_start3A] : memref<2x10240x128xf32, #tpu.memory_space<hbm>> -> memref<1x128x128xf32, #tpu.memory_space<hbm>>
      %dma_start3A_51 = tpu.memref_squeeze %dma_start3A_50 : memref<1x128x128xf32, #tpu.memory_space<hbm>> -> memref<128x128xf32, #tpu.memory_space<hbm>>
      %dma_start3A_52 = arith.constant 0 : i32
      %dma_start3A_53 = tpu.memref_slice %arg6[%arg0, %add3A_49, %dma_start3A_52] : memref<2x10240x128xf32, #tpu.memory_space<hbm>> -> memref<1x128x128xf32, #tpu.memory_space<hbm>>
      %dma_start3A_54 = tpu.memref_squeeze %dma_start3A_53 : memref<1x128x128xf32, #tpu.memory_space<hbm>> -> memref<128x128xf32, #tpu.memory_space<hbm>>
      tpu.enqueue_dma source(%arg9 : memref<128x128xf32, #tpu.memory_space<vmem>>) target(%dma_start3A_54 : memref<128x128xf32, #tpu.memory_space<hbm>>) target_semaphore(%run_scoped3A : memref<!tpu.dma_semaphore, #tpu.memory_space<semaphore_mem>>)
      %dma_wait3A = arith.constant 0 : i32
      %dma_wait3A_55 = tpu.memref_slice %arg6[%arg0, %add3A_49, %dma_wait3A] : memref<2x10240x128xf32, #tpu.memory_space<hbm>> -> memref<1x128x128xf32, #tpu.memory_space<hbm>>
      %dma_wait3A_56 = tpu.memref_squeeze %dma_wait3A_55 : memref<1x128x128xf32, #tpu.memory_space<hbm>> -> memref<128x128xf32, #tpu.memory_space<hbm>>
      %dma_wait3A_57 = arith.constant 0 : i32
      %dma_wait3A_58 = tpu.memref_slice %arg6[%arg0, %add3A_49, %dma_wait3A_57] : memref<2x10240x128xf32, #tpu.memory_space<hbm>> -> memref<1x128x128xf32, #tpu.memory_space<hbm>>
      %dma_wait3A_59 = tpu.memref_squeeze %dma_wait3A_58 : memref<1x128x128xf32, #tpu.memory_space<hbm>> -> memref<128x128xf32, #tpu.memory_space<hbm>>
      tpu.wait_dma2 semaphore(%run_scoped3A : memref<!tpu.dma_semaphore, #tpu.memory_space<semaphore_mem>>) src(%arg9 : memref<128x128xf32, #tpu.memory_space<vmem>>) dst(%dma_wait3A_59 : memref<128x128xf32, #tpu.memory_space<hbm>>)
      tpu.yield
    }) : () -> ()
    return
  }
}

#map = affine_map<(d0, d1) -> (0, 0)>
#map1 = affine_map<(d0, d1) -> (0)>
#map2 = affine_map<(d0, d1) -> (0, 0, 0)>
module attributes {stable_mosaic.version = 14 : i64} {
  func.func @body(%arg0: i32, %arg1: i32, %arg2: memref<323584x128xf32, #tpu.memory_space<hbm>>, %arg3: memref<323584xi32, #tpu.memory_space<hbm>>, %arg4: memref<2528x128xi32, #tpu.memory_space<hbm>>, %arg5: memref<10240x128xf32, #tpu.memory_space<hbm>>, %arg6: memref<2x10240x128xf32, #tpu.memory_space<hbm>>, %arg7: memref<128xi32, #tpu.memory_space<vmem>>, %arg8: memref<128xi32, #tpu.memory_space<vmem>>, %arg9: memref<128x128xf32, #tpu.memory_space<vmem>>, %arg10: memref<128x128xf32, #tpu.memory_space<vmem>>, %arg11: memref<10240x128xf32, #tpu.memory_space<vmem_shared>>, %arg12: memref<!tpu.dma_semaphore, #tpu.memory_space<semaphore_mem>>, %arg13: memref<!tpu.dma_semaphore, #tpu.memory_space<semaphore_mem>>, %arg14: memref<!tpu.dma_semaphore, #tpu.memory_space<semaphore_mem>>) attributes {dimension_semantics = [#tpu.dimension_semantics<core_parallel>, #tpu.dimension_semantics<subcore_parallel>], iteration_bounds = array<i64: 2, 16>, scalar_prefetch = 0 : i64, scratch_operands = 8 : i64, tpu.core_type = #tpu.core_type<sc_vector_subcore>, window_params = [{transform_indices = #map}, {transform_indices = #map1}, {transform_indices = #map}, {transform_indices = #map}, {transform_indices = #map2}]} {
    %mul3A = arith.constant 16 : i32
    %mul3A_0 = arith.muli %arg0, %mul3A : i32
    %add3A = arith.addi %mul3A_0, %arg1 : i32
    %mul3A_1 = arith.constant 10112 : i32
    %mul3A_2 = arith.muli %add3A, %mul3A_1 : i32
    %mul3A_3 = arith.constant 640 : i32
    %mul3A_4 = arith.muli %arg1, %mul3A_3 : i32
    %broadcast_in_dim3A = arith.constant 0.000000e+00 : f32
    %broadcast_in_dim3A_5 = vector.broadcast %broadcast_in_dim3A : f32 to vector<16xf32>
    %scan3A = arith.constant 0 : i32
    %scan3A_6 = arith.constant 0 : i32
    %scan3A_7 = arith.constant 128 : i32
    %scan3A_8 = arith.addi %scan3A_6, %scan3A_7 : i32
    %scan3A_9 = arith.constant 1 : i32
    %scan3A_10 = scf.for %scan3A_50 = %scan3A_6 to %scan3A_8 step %scan3A_9 iter_args(%scan3A_51 = %scan3A) -> (i32)  : i32 {
      %swap3A = arith.index_cast %scan3A_50 : i32 to index
      %swap3A_52 = arith.constant 0 : index
      %swap3A_53 = tpu.vector_load %arg9[%swap3A, %swap3A_52] {strides = array<i32>} : memref<128x128xf32, #tpu.memory_space<vmem>>, vector<1x16xf32>,
      %swap3A_54 = vector.shape_cast %swap3A_53 : vector<1x16xf32> to vector<16xf32>
      %swap3A_55 = vector.shape_cast %broadcast_in_dim3A_5 : vector<16xf32> to vector<1x16xf32>
      tpu.vector_store %arg9[%swap3A, %swap3A_52], %swap3A_55 {strides = array<i32>} : memref<128x128xf32, #tpu.memory_space<vmem>>, vector<1x16xf32>,
      %swap3A_56 = arith.index_cast %scan3A_50 : i32 to index
      %swap3A_57 = arith.constant 16 : index
      %swap3A_58 = tpu.vector_load %arg9[%swap3A_56, %swap3A_57] {strides = array<i32>} : memref<128x128xf32, #tpu.memory_space<vmem>>, vector<1x16xf32>,
      %swap3A_59 = vector.shape_cast %swap3A_58 : vector<1x16xf32> to vector<16xf32>
      %swap3A_60 = vector.shape_cast %broadcast_in_dim3A_5 : vector<16xf32> to vector<1x16xf32>
      tpu.vector_store %arg9[%swap3A_56, %swap3A_57], %swap3A_60 {strides = array<i32>} : memref<128x128xf32, #tpu.memory_space<vmem>>, vector<1x16xf32>,
      %swap3A_61 = arith.index_cast %scan3A_50 : i32 to index
      %swap3A_62 = arith.constant 32 : index
      %swap3A_63 = tpu.vector_load %arg9[%swap3A_61, %swap3A_62] {strides = array<i32>} : memref<128x128xf32, #tpu.memory_space<vmem>>, vector<1x16xf32>,
      %swap3A_64 = vector.shape_cast %swap3A_63 : vector<1x16xf32> to vector<16xf32>
      %swap3A_65 = vector.shape_cast %broadcast_in_dim3A_5 : vector<16xf32> to vector<1x16xf32>
      tpu.vector_store %arg9[%swap3A_61, %swap3A_62], %swap3A_65 {strides = array<i32>} : memref<128x128xf32, #tpu.memory_space<vmem>>, vector<1x16xf32>,
      %swap3A_66 = arith.index_cast %scan3A_50 : i32 to index
      %swap3A_67 = arith.constant 48 : index
      %swap3A_68 = tpu.vector_load %arg9[%swap3A_66, %swap3A_67] {strides = array<i32>} : memref<128x128xf32, #tpu.memory_space<vmem>>, vector<1x16xf32>,
      %swap3A_69 = vector.shape_cast %swap3A_68 : vector<1x16xf32> to vector<16xf32>
      %swap3A_70 = vector.shape_cast %broadcast_in_dim3A_5 : vector<16xf32> to vector<1x16xf32>
      tpu.vector_store %arg9[%swap3A_66, %swap3A_67], %swap3A_70 {strides = array<i32>} : memref<128x128xf32, #tpu.memory_space<vmem>>, vector<1x16xf32>,
      %swap3A_71 = arith.index_cast %scan3A_50 : i32 to index
      %swap3A_72 = arith.constant 64 : index
      %swap3A_73 = tpu.vector_load %arg9[%swap3A_71, %swap3A_72] {strides = array<i32>} : memref<128x128xf32, #tpu.memory_space<vmem>>, vector<1x16xf32>,
      %swap3A_74 = vector.shape_cast %swap3A_73 : vector<1x16xf32> to vector<16xf32>
      %swap3A_75 = vector.shape_cast %broadcast_in_dim3A_5 : vector<16xf32> to vector<1x16xf32>
      tpu.vector_store %arg9[%swap3A_71, %swap3A_72], %swap3A_75 {strides = array<i32>} : memref<128x128xf32, #tpu.memory_space<vmem>>, vector<1x16xf32>,
      %swap3A_76 = arith.index_cast %scan3A_50 : i32 to index
      %swap3A_77 = arith.constant 80 : index
      %swap3A_78 = tpu.vector_load %arg9[%swap3A_76, %swap3A_77] {strides = array<i32>} : memref<128x128xf32, #tpu.memory_space<vmem>>, vector<1x16xf32>,
      %swap3A_79 = vector.shape_cast %swap3A_78 : vector<1x16xf32> to vector<16xf32>
      %swap3A_80 = vector.shape_cast %broadcast_in_dim3A_5 : vector<16xf32> to vector<1x16xf32>
      tpu.vector_store %arg9[%swap3A_76, %swap3A_77], %swap3A_80 {strides = array<i32>} : memref<128x128xf32, #tpu.memory_space<vmem>>, vector<1x16xf32>,
      %swap3A_81 = arith.index_cast %scan3A_50 : i32 to index
      %swap3A_82 = arith.constant 96 : index
      %swap3A_83 = tpu.vector_load %arg9[%swap3A_81, %swap3A_82] {strides = array<i32>} : memref<128x128xf32, #tpu.memory_space<vmem>>, vector<1x16xf32>,
      %swap3A_84 = vector.shape_cast %swap3A_83 : vector<1x16xf32> to vector<16xf32>
      %swap3A_85 = vector.shape_cast %broadcast_in_dim3A_5 : vector<16xf32> to vector<1x16xf32>
      tpu.vector_store %arg9[%swap3A_81, %swap3A_82], %swap3A_85 {strides = array<i32>} : memref<128x128xf32, #tpu.memory_space<vmem>>, vector<1x16xf32>,
      %swap3A_86 = arith.index_cast %scan3A_50 : i32 to index
      %swap3A_87 = arith.constant 112 : index
      %swap3A_88 = tpu.vector_load %arg9[%swap3A_86, %swap3A_87] {strides = array<i32>} : memref<128x128xf32, #tpu.memory_space<vmem>>, vector<1x16xf32>,
      %swap3A_89 = vector.shape_cast %swap3A_88 : vector<1x16xf32> to vector<16xf32>
      %swap3A_90 = vector.shape_cast %broadcast_in_dim3A_5 : vector<16xf32> to vector<1x16xf32>
      tpu.vector_store %arg9[%swap3A_86, %swap3A_87], %swap3A_90 {strides = array<i32>} : memref<128x128xf32, #tpu.memory_space<vmem>>, vector<1x16xf32>,
      %scan3A_91 = arith.constant 0 : i32
      scf.yield %scan3A_91 : i32
    }
    %scan3A_11 = arith.constant 128 : i32
    %add3A_12 = arith.constant 0 : i32
    %add3A_13 = arith.addi %mul3A_4, %add3A_12 : i32
    "tpu.region"() ({
      %run_scoped3A = tpu.sem_alloc : memref<!tpu.dma_semaphore, #tpu.memory_space<semaphore_mem>>
      %dma_start3A = arith.constant 0 : i32
      %dma_start3A_50 = tpu.memref_slice %arg11[%add3A_13, %dma_start3A] : memref<10240x128xf32, #tpu.memory_space<vmem_shared>> -> memref<128x128xf32, #tpu.memory_space<vmem_shared>>
      %dma_start3A_51 = arith.constant 0 : i32
      %dma_start3A_52 = tpu.memref_slice %arg11[%add3A_13, %dma_start3A_51] : memref<10240x128xf32, #tpu.memory_space<vmem_shared>> -> memref<128x128xf32, #tpu.memory_space<vmem_shared>>
      tpu.enqueue_dma source(%arg9 : memref<128x128xf32, #tpu.memory_space<vmem>>) target(%dma_start3A_52 : memref<128x128xf32, #tpu.memory_space<vmem_shared>>) target_semaphore(%run_scoped3A : memref<!tpu.dma_semaphore, #tpu.memory_space<semaphore_mem>>)
      %dma_wait3A = arith.constant 0 : i32
      %dma_wait3A_53 = tpu.memref_slice %arg11[%add3A_13, %dma_wait3A] : memref<10240x128xf32, #tpu.memory_space<vmem_shared>> -> memref<128x128xf32, #tpu.memory_space<vmem_shared>>
      %dma_wait3A_54 = arith.constant 0 : i32
      %dma_wait3A_55 = tpu.memref_slice %arg11[%add3A_13, %dma_wait3A_54] : memref<10240x128xf32, #tpu.memory_space<vmem_shared>> -> memref<128x128xf32, #tpu.memory_space<vmem_shared>>
      tpu.wait_dma2 semaphore(%run_scoped3A : memref<!tpu.dma_semaphore, #tpu.memory_space<semaphore_mem>>) src(%arg9 : memref<128x128xf32, #tpu.memory_space<vmem>>) dst(%dma_wait3A_55 : memref<128x128xf32, #tpu.memory_space<vmem_shared>>)
      tpu.yield
    }) : () -> ()
    %add3A_14 = arith.constant 128 : i32
    %add3A_15 = arith.addi %mul3A_4, %add3A_14 : i32
    "tpu.region"() ({
      %run_scoped3A = tpu.sem_alloc : memref<!tpu.dma_semaphore, #tpu.memory_space<semaphore_mem>>
      %dma_start3A = arith.constant 0 : i32
      %dma_start3A_50 = tpu.memref_slice %arg11[%add3A_15, %dma_start3A] : memref<10240x128xf32, #tpu.memory_space<vmem_shared>> -> memref<128x128xf32, #tpu.memory_space<vmem_shared>>
      %dma_start3A_51 = arith.constant 0 : i32
      %dma_start3A_52 = tpu.memref_slice %arg11[%add3A_15, %dma_start3A_51] : memref<10240x128xf32, #tpu.memory_space<vmem_shared>> -> memref<128x128xf32, #tpu.memory_space<vmem_shared>>
      tpu.enqueue_dma source(%arg9 : memref<128x128xf32, #tpu.memory_space<vmem>>) target(%dma_start3A_52 : memref<128x128xf32, #tpu.memory_space<vmem_shared>>) target_semaphore(%run_scoped3A : memref<!tpu.dma_semaphore, #tpu.memory_space<semaphore_mem>>)
      %dma_wait3A = arith.constant 0 : i32
      %dma_wait3A_53 = tpu.memref_slice %arg11[%add3A_15, %dma_wait3A] : memref<10240x128xf32, #tpu.memory_space<vmem_shared>> -> memref<128x128xf32, #tpu.memory_space<vmem_shared>>
      %dma_wait3A_54 = arith.constant 0 : i32
      %dma_wait3A_55 = tpu.memref_slice %arg11[%add3A_15, %dma_wait3A_54] : memref<10240x128xf32, #tpu.memory_space<vmem_shared>> -> memref<128x128xf32, #tpu.memory_space<vmem_shared>>
      tpu.wait_dma2 semaphore(%run_scoped3A : memref<!tpu.dma_semaphore, #tpu.memory_space<semaphore_mem>>) src(%arg9 : memref<128x128xf32, #tpu.memory_space<vmem>>) dst(%dma_wait3A_55 : memref<128x128xf32, #tpu.memory_space<vmem_shared>>)
      tpu.yield
    }) : () -> ()
    %add3A_16 = arith.constant 256 : i32
    %add3A_17 = arith.addi %mul3A_4, %add3A_16 : i32
    "tpu.region"() ({
      %run_scoped3A = tpu.sem_alloc : memref<!tpu.dma_semaphore, #tpu.memory_space<semaphore_mem>>
      %dma_start3A = arith.constant 0 : i32
      %dma_start3A_50 = tpu.memref_slice %arg11[%add3A_17, %dma_start3A] : memref<10240x128xf32, #tpu.memory_space<vmem_shared>> -> memref<128x128xf32, #tpu.memory_space<vmem_shared>>
      %dma_start3A_51 = arith.constant 0 : i32
      %dma_start3A_52 = tpu.memref_slice %arg11[%add3A_17, %dma_start3A_51] : memref<10240x128xf32, #tpu.memory_space<vmem_shared>> -> memref<128x128xf32, #tpu.memory_space<vmem_shared>>
      tpu.enqueue_dma source(%arg9 : memref<128x128xf32, #tpu.memory_space<vmem>>) target(%dma_start3A_52 : memref<128x128xf32, #tpu.memory_space<vmem_shared>>) target_semaphore(%run_scoped3A : memref<!tpu.dma_semaphore, #tpu.memory_space<semaphore_mem>>)
      %dma_wait3A = arith.constant 0 : i32
      %dma_wait3A_53 = tpu.memref_slice %arg11[%add3A_17, %dma_wait3A] : memref<10240x128xf32, #tpu.memory_space<vmem_shared>> -> memref<128x128xf32, #tpu.memory_space<vmem_shared>>
      %dma_wait3A_54 = arith.constant 0 : i32
      %dma_wait3A_55 = tpu.memref_slice %arg11[%add3A_17, %dma_wait3A_54] : memref<10240x128xf32, #tpu.memory_space<vmem_shared>> -> memref<128x128xf32, #tpu.memory_space<vmem_shared>>
      tpu.wait_dma2 semaphore(%run_scoped3A : memref<!tpu.dma_semaphore, #tpu.memory_space<semaphore_mem>>) src(%arg9 : memref<128x128xf32, #tpu.memory_space<vmem>>) dst(%dma_wait3A_55 : memref<128x128xf32, #tpu.memory_space<vmem_shared>>)
      tpu.yield
    }) : () -> ()
    %add3A_18 = arith.constant 384 : i32
    %add3A_19 = arith.addi %mul3A_4, %add3A_18 : i32
    "tpu.region"() ({
      %run_scoped3A = tpu.sem_alloc : memref<!tpu.dma_semaphore, #tpu.memory_space<semaphore_mem>>
      %dma_start3A = arith.constant 0 : i32
      %dma_start3A_50 = tpu.memref_slice %arg11[%add3A_19, %dma_start3A] : memref<10240x128xf32, #tpu.memory_space<vmem_shared>> -> memref<128x128xf32, #tpu.memory_space<vmem_shared>>
      %dma_start3A_51 = arith.constant 0 : i32
      %dma_start3A_52 = tpu.memref_slice %arg11[%add3A_19, %dma_start3A_51] : memref<10240x128xf32, #tpu.memory_space<vmem_shared>> -> memref<128x128xf32, #tpu.memory_space<vmem_shared>>
      tpu.enqueue_dma source(%arg9 : memref<128x128xf32, #tpu.memory_space<vmem>>) target(%dma_start3A_52 : memref<128x128xf32, #tpu.memory_space<vmem_shared>>) target_semaphore(%run_scoped3A : memref<!tpu.dma_semaphore, #tpu.memory_space<semaphore_mem>>)
      %dma_wait3A = arith.constant 0 : i32
      %dma_wait3A_53 = tpu.memref_slice %arg11[%add3A_19, %dma_wait3A] : memref<10240x128xf32, #tpu.memory_space<vmem_shared>> -> memref<128x128xf32, #tpu.memory_space<vmem_shared>>
      %dma_wait3A_54 = arith.constant 0 : i32
      %dma_wait3A_55 = tpu.memref_slice %arg11[%add3A_19, %dma_wait3A_54] : memref<10240x128xf32, #tpu.memory_space<vmem_shared>> -> memref<128x128xf32, #tpu.memory_space<vmem_shared>>
      tpu.wait_dma2 semaphore(%run_scoped3A : memref<!tpu.dma_semaphore, #tpu.memory_space<semaphore_mem>>) src(%arg9 : memref<128x128xf32, #tpu.memory_space<vmem>>) dst(%dma_wait3A_55 : memref<128x128xf32, #tpu.memory_space<vmem_shared>>)
      tpu.yield
    }) : () -> ()
    %add3A_20 = arith.constant 512 : i32
    %add3A_21 = arith.addi %mul3A_4, %add3A_20 : i32
    "tpu.region"() ({
      %run_scoped3A = tpu.sem_alloc : memref<!tpu.dma_semaphore, #tpu.memory_space<semaphore_mem>>
      %dma_start3A = arith.constant 0 : i32
      %dma_start3A_50 = tpu.memref_slice %arg11[%add3A_21, %dma_start3A] : memref<10240x128xf32, #tpu.memory_space<vmem_shared>> -> memref<128x128xf32, #tpu.memory_space<vmem_shared>>
      %dma_start3A_51 = arith.constant 0 : i32
      %dma_start3A_52 = tpu.memref_slice %arg11[%add3A_21, %dma_start3A_51] : memref<10240x128xf32, #tpu.memory_space<vmem_shared>> -> memref<128x128xf32, #tpu.memory_space<vmem_shared>>
      tpu.enqueue_dma source(%arg9 : memref<128x128xf32, #tpu.memory_space<vmem>>) target(%dma_start3A_52 : memref<128x128xf32, #tpu.memory_space<vmem_shared>>) target_semaphore(%run_scoped3A : memref<!tpu.dma_semaphore, #tpu.memory_space<semaphore_mem>>)
      %dma_wait3A = arith.constant 0 : i32
      %dma_wait3A_53 = tpu.memref_slice %arg11[%add3A_21, %dma_wait3A] : memref<10240x128xf32, #tpu.memory_space<vmem_shared>> -> memref<128x128xf32, #tpu.memory_space<vmem_shared>>
      %dma_wait3A_54 = arith.constant 0 : i32
      %dma_wait3A_55 = tpu.memref_slice %arg11[%add3A_21, %dma_wait3A_54] : memref<10240x128xf32, #tpu.memory_space<vmem_shared>> -> memref<128x128xf32, #tpu.memory_space<vmem_shared>>
      tpu.wait_dma2 semaphore(%run_scoped3A : memref<!tpu.dma_semaphore, #tpu.memory_space<semaphore_mem>>) src(%arg9 : memref<128x128xf32, #tpu.memory_space<vmem>>) dst(%dma_wait3A_55 : memref<128x128xf32, #tpu.memory_space<vmem_shared>>)
      tpu.yield
    }) : () -> ()
    %barrier3A = arith.constant 0 : index
    tpu.barrier barrier_id(%barrier3A)
    %scan3A_22 = arith.constant 0 : i32
    %scan3A_23 = arith.constant 0 : i32
    %scan3A_24 = arith.constant 79 : i32
    %scan3A_25 = arith.addi %scan3A_23, %scan3A_24 : i32
    %scan3A_26 = arith.constant 1 : i32
    %scan3A_27 = scf.for %scan3A_50 = %scan3A_23 to %scan3A_25 step %scan3A_26 iter_args(%scan3A_51 = %scan3A_22) -> (i32)  : i32 {
      %mul3A_52 = arith.constant 128 : i32
      %mul3A_53 = arith.muli %scan3A_50, %mul3A_52 : i32
      %add3A_54 = arith.addi %mul3A_2, %mul3A_53 : i32
      %dma_start3A = arith.constant 0 : i32
      %dma_start3A_55 = tpu.memref_slice %arg2[%add3A_54, %dma_start3A] : memref<323584x128xf32, #tpu.memory_space<hbm>> -> memref<128x128xf32, #tpu.memory_space<hbm>>
      %dma_start3A_56 = arith.constant 0 : i32
      %dma_start3A_57 = tpu.memref_slice %arg2[%add3A_54, %dma_start3A_56] : memref<323584x128xf32, #tpu.memory_space<hbm>> -> memref<128x128xf32, #tpu.memory_space<hbm>>
      tpu.enqueue_dma source(%dma_start3A_57 : memref<128x128xf32, #tpu.memory_space<hbm>>) target(%arg9 : memref<128x128xf32, #tpu.memory_space<vmem>>) target_semaphore(%arg13 : memref<!tpu.dma_semaphore, #tpu.memory_space<semaphore_mem>>)
      %mul3A_58 = arith.constant 79 : i32
      %mul3A_59 = arith.muli %add3A, %mul3A_58 : i32
      %add3A_60 = arith.addi %mul3A_59, %scan3A_50 : i32
      %dma_start3A_61 = arith.constant 0 : i32
      %dma_start3A_62 = tpu.memref_slice %arg4[%add3A_60, %dma_start3A_61] : memref<2528x128xi32, #tpu.memory_space<hbm>> -> memref<1x128xi32, #tpu.memory_space<hbm>>
      %dma_start3A_63 = tpu.memref_squeeze %dma_start3A_62 : memref<1x128xi32, #tpu.memory_space<hbm>> -> memref<128xi32, #tpu.memory_space<hbm>>
      %dma_start3A_64 = arith.constant 0 : i32
      %dma_start3A_65 = tpu.memref_slice %arg4[%add3A_60, %dma_start3A_64] : memref<2528x128xi32, #tpu.memory_space<hbm>> -> memref<1x128xi32, #tpu.memory_space<hbm>>
      %dma_start3A_66 = tpu.memref_squeeze %dma_start3A_65 : memref<1x128xi32, #tpu.memory_space<hbm>> -> memref<128xi32, #tpu.memory_space<hbm>>
      tpu.enqueue_dma source(%dma_start3A_66 : memref<128xi32, #tpu.memory_space<hbm>>) target(%arg8 : memref<128xi32, #tpu.memory_space<vmem>>) target_semaphore(%arg12 : memref<!tpu.dma_semaphore, #tpu.memory_space<semaphore_mem>>)
      "tpu.region"() ({
        %run_scoped3A = tpu.sem_alloc : memref<!tpu.dma_semaphore, #tpu.memory_space<semaphore_mem>>
        %dma_start3A_90 = tpu.memref_slice %arg3[%add3A_54] : memref<323584xi32, #tpu.memory_space<hbm>> -> memref<128xi32, #tpu.memory_space<hbm>>
        %dma_start3A_91 = tpu.memref_slice %arg3[%add3A_54] : memref<323584xi32, #tpu.memory_space<hbm>> -> memref<128xi32, #tpu.memory_space<hbm>>
        tpu.enqueue_dma source(%dma_start3A_91 : memref<128xi32, #tpu.memory_space<hbm>>) target(%arg7 : memref<128xi32, #tpu.memory_space<vmem>>) target_semaphore(%run_scoped3A : memref<!tpu.dma_semaphore, #tpu.memory_space<semaphore_mem>>)
        %dma_wait3A_92 = tpu.memref_slice %arg3[%add3A_54] : memref<323584xi32, #tpu.memory_space<hbm>> -> memref<128xi32, #tpu.memory_space<hbm>>
        %dma_wait3A_93 = tpu.memref_slice %arg3[%add3A_54] : memref<323584xi32, #tpu.memory_space<hbm>> -> memref<128xi32, #tpu.memory_space<hbm>>
        tpu.wait_dma2 semaphore(%run_scoped3A : memref<!tpu.dma_semaphore, #tpu.memory_space<semaphore_mem>>) src(%dma_wait3A_93 : memref<128xi32, #tpu.memory_space<hbm>>) dst(%arg7 : memref<128xi32, #tpu.memory_space<vmem>>)
        tpu.yield
      }) : () -> ()
      %dma_start3A_67 = arith.constant 0 : i32
      %dma_start3A_68 = arith.constant 0 : i32
      %dma_start3A_69 = tpu.memref_slice %arg5[%dma_start3A_67, %dma_start3A_68] : memref<10240x128xf32, #tpu.memory_space<hbm>> -> memref<10240x128xf32, #tpu.memory_space<hbm>>
      tpu.enqueue_indirect_dma source(%dma_start3A_69 : memref<10240x128xf32, #tpu.memory_space<hbm>>) target(%arg10 : memref<128x128xf32, #tpu.memory_space<vmem>>) offsets(%arg7 : memref<128xi32, #tpu.memory_space<vmem>>) semaphore(%arg14 : memref<!tpu.dma_semaphore, #tpu.memory_space<semaphore_mem>>)
      %dma_wait3A = arith.constant 0 : i32
      %dma_wait3A_70 = tpu.memref_slice %arg2[%add3A_54, %dma_wait3A] : memref<323584x128xf32, #tpu.memory_space<hbm>> -> memref<128x128xf32, #tpu.memory_space<hbm>>
      %dma_wait3A_71 = arith.constant 0 : i32
      %dma_wait3A_72 = tpu.memref_slice %arg2[%add3A_54, %dma_wait3A_71] : memref<323584x128xf32, #tpu.memory_space<hbm>> -> memref<128x128xf32, #tpu.memory_space<hbm>>
      tpu.wait_dma2 semaphore(%arg13 : memref<!tpu.dma_semaphore, #tpu.memory_space<semaphore_mem>>) src(%dma_wait3A_72 : memref<128x128xf32, #tpu.memory_space<hbm>>) dst(%arg9 : memref<128x128xf32, #tpu.memory_space<vmem>>)
      %dma_wait3A_73 = arith.constant 0 : i32
      %dma_wait3A_74 = arith.constant 0 : i32
      %dma_wait3A_75 = tpu.memref_slice %arg5[%dma_wait3A_73, %dma_wait3A_74] : memref<10240x128xf32, #tpu.memory_space<hbm>> -> memref<10240x128xf32, #tpu.memory_space<hbm>>
      tpu.wait_indirect_dma semaphore(%arg14 : memref<!tpu.dma_semaphore, #tpu.memory_space<semaphore_mem>>) src(%dma_wait3A_75 : memref<10240x128xf32, #tpu.memory_space<hbm>>) dst(%arg10 : memref<128x128xf32, #tpu.memory_space<vmem>>)
      %scan3A_76 = arith.constant 0 : i32
      %scan3A_77 = arith.constant 0 : i32
      %scan3A_78 = arith.constant 128 : i32
      %scan3A_79 = arith.addi %scan3A_77, %scan3A_78 : i32
      %scan3A_80 = arith.constant 1 : i32
      %scan3A_81 = scf.for %scan3A_90 = %scan3A_77 to %scan3A_79 step %scan3A_80 iter_args(%scan3A_91 = %scan3A_76) -> (i32)  : i32 {
        %get3A = arith.index_cast %scan3A_90 : i32 to index
        %get3A_92 = arith.constant 0 : index
        %get3A_93 = tpu.vector_load %arg9[%get3A, %get3A_92] {strides = array<i32>} : memref<128x128xf32, #tpu.memory_space<vmem>>, vector<1x16xf32>,
        %get3A_94 = vector.shape_cast %get3A_93 : vector<1x16xf32> to vector<16xf32>
        %get3A_95 = arith.index_cast %scan3A_90 : i32 to index
        %get3A_96 = arith.constant 0 : index
        %get3A_97 = tpu.vector_load %arg10[%get3A_95, %get3A_96] {strides = array<i32>} : memref<128x128xf32, #tpu.memory_space<vmem>>, vector<1x16xf32>,
        %get3A_98 = vector.shape_cast %get3A_97 : vector<1x16xf32> to vector<16xf32>
        %add3A_99 = arith.addf %get3A_94, %get3A_98 : vector<16xf32>
        %max3A = arith.constant 0.000000e+00 : f32
        %max3A_100 = vector.broadcast %max3A : f32 to vector<16xf32>
        %max3A_101 = arith.maximumf %add3A_99, %max3A_100 : vector<16xf32>
        %swap3A = arith.index_cast %scan3A_90 : i32 to index
        %swap3A_102 = arith.constant 0 : index
        %swap3A_103 = tpu.vector_load %arg9[%swap3A, %swap3A_102] {strides = array<i32>} : memref<128x128xf32, #tpu.memory_space<vmem>>, vector<1x16xf32>,
        %swap3A_104 = vector.shape_cast %swap3A_103 : vector<1x16xf32> to vector<16xf32>
        %swap3A_105 = vector.shape_cast %max3A_101 : vector<16xf32> to vector<1x16xf32>
        tpu.vector_store %arg9[%swap3A, %swap3A_102], %swap3A_105 {strides = array<i32>} : memref<128x128xf32, #tpu.memory_space<vmem>>, vector<1x16xf32>,
        %get3A_106 = arith.index_cast %scan3A_90 : i32 to index
        %get3A_107 = arith.constant 16 : index
        %get3A_108 = tpu.vector_load %arg9[%get3A_106, %get3A_107] {strides = array<i32>} : memref<128x128xf32, #tpu.memory_space<vmem>>, vector<1x16xf32>,
        %get3A_109 = vector.shape_cast %get3A_108 : vector<1x16xf32> to vector<16xf32>
        %get3A_110 = arith.index_cast %scan3A_90 : i32 to index
        %get3A_111 = arith.constant 16 : index
        %get3A_112 = tpu.vector_load %arg10[%get3A_110, %get3A_111] {strides = array<i32>} : memref<128x128xf32, #tpu.memory_space<vmem>>, vector<1x16xf32>,
        %get3A_113 = vector.shape_cast %get3A_112 : vector<1x16xf32> to vector<16xf32>
        %add3A_114 = arith.addf %get3A_109, %get3A_113 : vector<16xf32>
        %max3A_115 = arith.constant 0.000000e+00 : f32
        %max3A_116 = vector.broadcast %max3A_115 : f32 to vector<16xf32>
        %max3A_117 = arith.maximumf %add3A_114, %max3A_116 : vector<16xf32>
        %swap3A_118 = arith.index_cast %scan3A_90 : i32 to index
        %swap3A_119 = arith.constant 16 : index
        %swap3A_120 = tpu.vector_load %arg9[%swap3A_118, %swap3A_119] {strides = array<i32>} : memref<128x128xf32, #tpu.memory_space<vmem>>, vector<1x16xf32>,
        %swap3A_121 = vector.shape_cast %swap3A_120 : vector<1x16xf32> to vector<16xf32>
        %swap3A_122 = vector.shape_cast %max3A_117 : vector<16xf32> to vector<1x16xf32>
        tpu.vector_store %arg9[%swap3A_118, %swap3A_119], %swap3A_122 {strides = array<i32>} : memref<128x128xf32, #tpu.memory_space<vmem>>, vector<1x16xf32>,
        %get3A_123 = arith.index_cast %scan3A_90 : i32 to index
        %get3A_124 = arith.constant 32 : index
        %get3A_125 = tpu.vector_load %arg9[%get3A_123, %get3A_124] {strides = array<i32>} : memref<128x128xf32, #tpu.memory_space<vmem>>, vector<1x16xf32>,
        %get3A_126 = vector.shape_cast %get3A_125 : vector<1x16xf32> to vector<16xf32>
        %get3A_127 = arith.index_cast %scan3A_90 : i32 to index
        %get3A_128 = arith.constant 32 : index
        %get3A_129 = tpu.vector_load %arg10[%get3A_127, %get3A_128] {strides = array<i32>} : memref<128x128xf32, #tpu.memory_space<vmem>>, vector<1x16xf32>,
        %get3A_130 = vector.shape_cast %get3A_129 : vector<1x16xf32> to vector<16xf32>
        %add3A_131 = arith.addf %get3A_126, %get3A_130 : vector<16xf32>
        %max3A_132 = arith.constant 0.000000e+00 : f32
        %max3A_133 = vector.broadcast %max3A_132 : f32 to vector<16xf32>
        %max3A_134 = arith.maximumf %add3A_131, %max3A_133 : vector<16xf32>
        %swap3A_135 = arith.index_cast %scan3A_90 : i32 to index
        %swap3A_136 = arith.constant 32 : index
        %swap3A_137 = tpu.vector_load %arg9[%swap3A_135, %swap3A_136] {strides = array<i32>} : memref<128x128xf32, #tpu.memory_space<vmem>>, vector<1x16xf32>,
        %swap3A_138 = vector.shape_cast %swap3A_137 : vector<1x16xf32> to vector<16xf32>
        %swap3A_139 = vector.shape_cast %max3A_134 : vector<16xf32> to vector<1x16xf32>
        tpu.vector_store %arg9[%swap3A_135, %swap3A_136], %swap3A_139 {strides = array<i32>} : memref<128x128xf32, #tpu.memory_space<vmem>>, vector<1x16xf32>,
        %get3A_140 = arith.index_cast %scan3A_90 : i32 to index
        %get3A_141 = arith.constant 48 : index
        %get3A_142 = tpu.vector_load %arg9[%get3A_140, %get3A_141] {strides = array<i32>} : memref<128x128xf32, #tpu.memory_space<vmem>>, vector<1x16xf32>,
        %get3A_143 = vector.shape_cast %get3A_142 : vector<1x16xf32> to vector<16xf32>
        %get3A_144 = arith.index_cast %scan3A_90 : i32 to index
        %get3A_145 = arith.constant 48 : index
        %get3A_146 = tpu.vector_load %arg10[%get3A_144, %get3A_145] {strides = array<i32>} : memref<128x128xf32, #tpu.memory_space<vmem>>, vector<1x16xf32>,
        %get3A_147 = vector.shape_cast %get3A_146 : vector<1x16xf32> to vector<16xf32>
        %add3A_148 = arith.addf %get3A_143, %get3A_147 : vector<16xf32>
        %max3A_149 = arith.constant 0.000000e+00 : f32
        %max3A_150 = vector.broadcast %max3A_149 : f32 to vector<16xf32>
        %max3A_151 = arith.maximumf %add3A_148, %max3A_150 : vector<16xf32>
        %swap3A_152 = arith.index_cast %scan3A_90 : i32 to index
        %swap3A_153 = arith.constant 48 : index
        %swap3A_154 = tpu.vector_load %arg9[%swap3A_152, %swap3A_153] {strides = array<i32>} : memref<128x128xf32, #tpu.memory_space<vmem>>, vector<1x16xf32>,
        %swap3A_155 = vector.shape_cast %swap3A_154 : vector<1x16xf32> to vector<16xf32>
        %swap3A_156 = vector.shape_cast %max3A_151 : vector<16xf32> to vector<1x16xf32>
        tpu.vector_store %arg9[%swap3A_152, %swap3A_153], %swap3A_156 {strides = array<i32>} : memref<128x128xf32, #tpu.memory_space<vmem>>, vector<1x16xf32>,
        %get3A_157 = arith.index_cast %scan3A_90 : i32 to index
        %get3A_158 = arith.constant 64 : index
        %get3A_159 = tpu.vector_load %arg9[%get3A_157, %get3A_158] {strides = array<i32>} : memref<128x128xf32, #tpu.memory_space<vmem>>, vector<1x16xf32>,
        %get3A_160 = vector.shape_cast %get3A_159 : vector<1x16xf32> to vector<16xf32>
        %get3A_161 = arith.index_cast %scan3A_90 : i32 to index
        %get3A_162 = arith.constant 64 : index
        %get3A_163 = tpu.vector_load %arg10[%get3A_161, %get3A_162] {strides = array<i32>} : memref<128x128xf32, #tpu.memory_space<vmem>>, vector<1x16xf32>,
        %get3A_164 = vector.shape_cast %get3A_163 : vector<1x16xf32> to vector<16xf32>
        %add3A_165 = arith.addf %get3A_160, %get3A_164 : vector<16xf32>
        %max3A_166 = arith.constant 0.000000e+00 : f32
        %max3A_167 = vector.broadcast %max3A_166 : f32 to vector<16xf32>
        %max3A_168 = arith.maximumf %add3A_165, %max3A_167 : vector<16xf32>
        %swap3A_169 = arith.index_cast %scan3A_90 : i32 to index
        %swap3A_170 = arith.constant 64 : index
        %swap3A_171 = tpu.vector_load %arg9[%swap3A_169, %swap3A_170] {strides = array<i32>} : memref<128x128xf32, #tpu.memory_space<vmem>>, vector<1x16xf32>,
        %swap3A_172 = vector.shape_cast %swap3A_171 : vector<1x16xf32> to vector<16xf32>
        %swap3A_173 = vector.shape_cast %max3A_168 : vector<16xf32> to vector<1x16xf32>
        tpu.vector_store %arg9[%swap3A_169, %swap3A_170], %swap3A_173 {strides = array<i32>} : memref<128x128xf32, #tpu.memory_space<vmem>>, vector<1x16xf32>,
        %get3A_174 = arith.index_cast %scan3A_90 : i32 to index
        %get3A_175 = arith.constant 80 : index
        %get3A_176 = tpu.vector_load %arg9[%get3A_174, %get3A_175] {strides = array<i32>} : memref<128x128xf32, #tpu.memory_space<vmem>>, vector<1x16xf32>,
        %get3A_177 = vector.shape_cast %get3A_176 : vector<1x16xf32> to vector<16xf32>
        %get3A_178 = arith.index_cast %scan3A_90 : i32 to index
        %get3A_179 = arith.constant 80 : index
        %get3A_180 = tpu.vector_load %arg10[%get3A_178, %get3A_179] {strides = array<i32>} : memref<128x128xf32, #tpu.memory_space<vmem>>, vector<1x16xf32>,
        %get3A_181 = vector.shape_cast %get3A_180 : vector<1x16xf32> to vector<16xf32>
        %add3A_182 = arith.addf %get3A_177, %get3A_181 : vector<16xf32>
        %max3A_183 = arith.constant 0.000000e+00 : f32
        %max3A_184 = vector.broadcast %max3A_183 : f32 to vector<16xf32>
        %max3A_185 = arith.maximumf %add3A_182, %max3A_184 : vector<16xf32>
        %swap3A_186 = arith.index_cast %scan3A_90 : i32 to index
        %swap3A_187 = arith.constant 80 : index
        %swap3A_188 = tpu.vector_load %arg9[%swap3A_186, %swap3A_187] {strides = array<i32>} : memref<128x128xf32, #tpu.memory_space<vmem>>, vector<1x16xf32>,
        %swap3A_189 = vector.shape_cast %swap3A_188 : vector<1x16xf32> to vector<16xf32>
        %swap3A_190 = vector.shape_cast %max3A_185 : vector<16xf32> to vector<1x16xf32>
        tpu.vector_store %arg9[%swap3A_186, %swap3A_187], %swap3A_190 {strides = array<i32>} : memref<128x128xf32, #tpu.memory_space<vmem>>, vector<1x16xf32>,
        %get3A_191 = arith.index_cast %scan3A_90 : i32 to index
        %get3A_192 = arith.constant 96 : index
        %get3A_193 = tpu.vector_load %arg9[%get3A_191, %get3A_192] {strides = array<i32>} : memref<128x128xf32, #tpu.memory_space<vmem>>, vector<1x16xf32>,
        %get3A_194 = vector.shape_cast %get3A_193 : vector<1x16xf32> to vector<16xf32>
        %get3A_195 = arith.index_cast %scan3A_90 : i32 to index
        %get3A_196 = arith.constant 96 : index
        %get3A_197 = tpu.vector_load %arg10[%get3A_195, %get3A_196] {strides = array<i32>} : memref<128x128xf32, #tpu.memory_space<vmem>>, vector<1x16xf32>,
        %get3A_198 = vector.shape_cast %get3A_197 : vector<1x16xf32> to vector<16xf32>
        %add3A_199 = arith.addf %get3A_194, %get3A_198 : vector<16xf32>
        %max3A_200 = arith.constant 0.000000e+00 : f32
        %max3A_201 = vector.broadcast %max3A_200 : f32 to vector<16xf32>
        %max3A_202 = arith.maximumf %add3A_199, %max3A_201 : vector<16xf32>
        %swap3A_203 = arith.index_cast %scan3A_90 : i32 to index
        %swap3A_204 = arith.constant 96 : index
        %swap3A_205 = tpu.vector_load %arg9[%swap3A_203, %swap3A_204] {strides = array<i32>} : memref<128x128xf32, #tpu.memory_space<vmem>>, vector<1x16xf32>,
        %swap3A_206 = vector.shape_cast %swap3A_205 : vector<1x16xf32> to vector<16xf32>
        %swap3A_207 = vector.shape_cast %max3A_202 : vector<16xf32> to vector<1x16xf32>
        tpu.vector_store %arg9[%swap3A_203, %swap3A_204], %swap3A_207 {strides = array<i32>} : memref<128x128xf32, #tpu.memory_space<vmem>>, vector<1x16xf32>,
        %get3A_208 = arith.index_cast %scan3A_90 : i32 to index
        %get3A_209 = arith.constant 112 : index
        %get3A_210 = tpu.vector_load %arg9[%get3A_208, %get3A_209] {strides = array<i32>} : memref<128x128xf32, #tpu.memory_space<vmem>>, vector<1x16xf32>,
        %get3A_211 = vector.shape_cast %get3A_210 : vector<1x16xf32> to vector<16xf32>
        %get3A_212 = arith.index_cast %scan3A_90 : i32 to index
        %get3A_213 = arith.constant 112 : index
        %get3A_214 = tpu.vector_load %arg10[%get3A_212, %get3A_213] {strides = array<i32>} : memref<128x128xf32, #tpu.memory_space<vmem>>, vector<1x16xf32>,
        %get3A_215 = vector.shape_cast %get3A_214 : vector<1x16xf32> to vector<16xf32>
        %add3A_216 = arith.addf %get3A_211, %get3A_215 : vector<16xf32>
        %max3A_217 = arith.constant 0.000000e+00 : f32
        %max3A_218 = vector.broadcast %max3A_217 : f32 to vector<16xf32>
        %max3A_219 = arith.maximumf %add3A_216, %max3A_218 : vector<16xf32>
        %swap3A_220 = arith.index_cast %scan3A_90 : i32 to index
        %swap3A_221 = arith.constant 112 : index
        %swap3A_222 = tpu.vector_load %arg9[%swap3A_220, %swap3A_221] {strides = array<i32>} : memref<128x128xf32, #tpu.memory_space<vmem>>, vector<1x16xf32>,
        %swap3A_223 = vector.shape_cast %swap3A_222 : vector<1x16xf32> to vector<16xf32>
        %swap3A_224 = vector.shape_cast %max3A_219 : vector<16xf32> to vector<1x16xf32>
        tpu.vector_store %arg9[%swap3A_220, %swap3A_221], %swap3A_224 {strides = array<i32>} : memref<128x128xf32, #tpu.memory_space<vmem>>, vector<1x16xf32>,
        %scan3A_225 = arith.constant 0 : i32
        scf.yield %scan3A_225 : i32
      }
      %scan3A_82 = arith.constant 128 : i32
      %dma_wait3A_83 = arith.constant 0 : i32
      %dma_wait3A_84 = tpu.memref_slice %arg4[%add3A_60, %dma_wait3A_83] : memref<2528x128xi32, #tpu.memory_space<hbm>> -> memref<1x128xi32, #tpu.memory_space<hbm>>
      %dma_wait3A_85 = tpu.memref_squeeze %dma_wait3A_84 : memref<1x128xi32, #tpu.memory_space<hbm>> -> memref<128xi32, #tpu.memory_space<hbm>>
      %dma_wait3A_86 = arith.constant 0 : i32
      %dma_wait3A_87 = tpu.memref_slice %arg4[%add3A_60, %dma_wait3A_86] : memref<2528x128xi32, #tpu.memory_space<hbm>> -> memref<1x128xi32, #tpu.memory_space<hbm>>
      %dma_wait3A_88 = tpu.memref_squeeze %dma_wait3A_87 : memref<1x128xi32, #tpu.memory_space<hbm>> -> memref<128xi32, #tpu.memory_space<hbm>>
      tpu.wait_dma2 semaphore(%arg12 : memref<!tpu.dma_semaphore, #tpu.memory_space<semaphore_mem>>) src(%dma_wait3A_88 : memref<128xi32, #tpu.memory_space<hbm>>) dst(%arg8 : memref<128xi32, #tpu.memory_space<vmem>>)
      "tpu.region"() ({
        %run_scoped3A = tpu.sem_alloc : memref<!tpu.dma_semaphore, #tpu.memory_space<semaphore_mem>>
        %dma_start3A_90 = arith.constant 0 : i32
        %dma_start3A_91 = arith.constant 0 : i32
        %dma_start3A_92 = tpu.memref_slice %arg11[%dma_start3A_90, %dma_start3A_91] : memref<10240x128xf32, #tpu.memory_space<vmem_shared>> -> memref<10240x128xf32, #tpu.memory_space<vmem_shared>>
        tpu.enqueue_indirect_dma source(%arg9 : memref<128x128xf32, #tpu.memory_space<vmem>>) target(%dma_start3A_92 : memref<10240x128xf32, #tpu.memory_space<vmem_shared>>) offsets(%arg8 : memref<128xi32, #tpu.memory_space<vmem>>) semaphore(%run_scoped3A : memref<!tpu.dma_semaphore, #tpu.memory_space<semaphore_mem>>) {add = true}
        %dma_wait3A_93 = arith.constant 0 : i32
        %dma_wait3A_94 = arith.constant 0 : i32
        %dma_wait3A_95 = tpu.memref_slice %arg11[%dma_wait3A_93, %dma_wait3A_94] : memref<10240x128xf32, #tpu.memory_space<vmem_shared>> -> memref<10240x128xf32, #tpu.memory_space<vmem_shared>>
        tpu.wait_indirect_dma semaphore(%run_scoped3A : memref<!tpu.dma_semaphore, #tpu.memory_space<semaphore_mem>>) src(%arg9 : memref<128x128xf32, #tpu.memory_space<vmem>>) dst(%dma_wait3A_95 : memref<10240x128xf32, #tpu.memory_space<vmem_shared>>)
        tpu.yield
      }) : () -> ()
      %scan3A_89 = arith.constant 0 : i32
      scf.yield %scan3A_89 : i32
    }
    %scan3A_28 = arith.constant 79 : i32
    %barrier3A_29 = arith.constant 0 : index
    tpu.barrier barrier_id(%barrier3A_29)
    %add3A_30 = arith.constant 0 : i32
    %add3A_31 = arith.addi %mul3A_4, %add3A_30 : i32
    "tpu.region"() ({
      %run_scoped3A = tpu.sem_alloc : memref<!tpu.dma_semaphore, #tpu.memory_space<semaphore_mem>>
      %dma_start3A = arith.constant 0 : i32
      %dma_start3A_50 = tpu.memref_slice %arg11[%add3A_31, %dma_start3A] : memref<10240x128xf32, #tpu.memory_space<vmem_shared>> -> memref<128x128xf32, #tpu.memory_space<vmem_shared>>
      %dma_start3A_51 = arith.constant 0 : i32
      %dma_start3A_52 = tpu.memref_slice %arg11[%add3A_31, %dma_start3A_51] : memref<10240x128xf32, #tpu.memory_space<vmem_shared>> -> memref<128x128xf32, #tpu.memory_space<vmem_shared>>
      tpu.enqueue_dma source(%dma_start3A_52 : memref<128x128xf32, #tpu.memory_space<vmem_shared>>) target(%arg9 : memref<128x128xf32, #tpu.memory_space<vmem>>) target_semaphore(%run_scoped3A : memref<!tpu.dma_semaphore, #tpu.memory_space<semaphore_mem>>)
      %dma_wait3A = arith.constant 0 : i32
      %dma_wait3A_53 = tpu.memref_slice %arg11[%add3A_31, %dma_wait3A] : memref<10240x128xf32, #tpu.memory_space<vmem_shared>> -> memref<128x128xf32, #tpu.memory_space<vmem_shared>>
      %dma_wait3A_54 = arith.constant 0 : i32
      %dma_wait3A_55 = tpu.memref_slice %arg11[%add3A_31, %dma_wait3A_54] : memref<10240x128xf32, #tpu.memory_space<vmem_shared>> -> memref<128x128xf32, #tpu.memory_space<vmem_shared>>
      tpu.wait_dma2 semaphore(%run_scoped3A : memref<!tpu.dma_semaphore, #tpu.memory_space<semaphore_mem>>) src(%dma_wait3A_55 : memref<128x128xf32, #tpu.memory_space<vmem_shared>>) dst(%arg9 : memref<128x128xf32, #tpu.memory_space<vmem>>)
      tpu.yield
    }) : () -> ()
    %add3A_32 = arith.constant 0 : i32
    %add3A_33 = arith.addi %mul3A_4, %add3A_32 : i32
    "tpu.region"() ({
      %run_scoped3A = tpu.sem_alloc : memref<!tpu.dma_semaphore, #tpu.memory_space<semaphore_mem>>
      %dma_start3A = arith.constant 0 : i32
      %dma_start3A_50 = tpu.memref_slice %arg6[%arg0, %add3A_33, %dma_start3A] : memref<2x10240x128xf32, #tpu.memory_space<hbm>> -> memref<1x128x128xf32, #tpu.memory_space<hbm>>
      %dma_start3A_51 = tpu.memref_squeeze %dma_start3A_50 : memref<1x128x128xf32, #tpu.memory_space<hbm>> -> memref<128x128xf32, #tpu.memory_space<hbm>>
      %dma_start3A_52 = arith.constant 0 : i32
      %dma_start3A_53 = tpu.memref_slice %arg6[%arg0, %add3A_33, %dma_start3A_52] : memref<2x10240x128xf32, #tpu.memory_space<hbm>> -> memref<1x128x128xf32, #tpu.memory_space<hbm>>
      %dma_start3A_54 = tpu.memref_squeeze %dma_start3A_53 : memref<1x128x128xf32, #tpu.memory_space<hbm>> -> memref<128x128xf32, #tpu.memory_space<hbm>>
      tpu.enqueue_dma source(%arg9 : memref<128x128xf32, #tpu.memory_space<vmem>>) target(%dma_start3A_54 : memref<128x128xf32, #tpu.memory_space<hbm>>) target_semaphore(%run_scoped3A : memref<!tpu.dma_semaphore, #tpu.memory_space<semaphore_mem>>)
      %dma_wait3A = arith.constant 0 : i32
      %dma_wait3A_55 = tpu.memref_slice %arg6[%arg0, %add3A_33, %dma_wait3A] : memref<2x10240x128xf32, #tpu.memory_space<hbm>> -> memref<1x128x128xf32, #tpu.memory_space<hbm>>
      %dma_wait3A_56 = tpu.memref_squeeze %dma_wait3A_55 : memref<1x128x128xf32, #tpu.memory_space<hbm>> -> memref<128x128xf32, #tpu.memory_space<hbm>>
      %dma_wait3A_57 = arith.constant 0 : i32
      %dma_wait3A_58 = tpu.memref_slice %arg6[%arg0, %add3A_33, %dma_wait3A_57] : memref<2x10240x128xf32, #tpu.memory_space<hbm>> -> memref<1x128x128xf32, #tpu.memory_space<hbm>>
      %dma_wait3A_59 = tpu.memref_squeeze %dma_wait3A_58 : memref<1x128x128xf32, #tpu.memory_space<hbm>> -> memref<128x128xf32, #tpu.memory_space<hbm>>
      tpu.wait_dma2 semaphore(%run_scoped3A : memref<!tpu.dma_semaphore, #tpu.memory_space<semaphore_mem>>) src(%arg9 : memref<128x128xf32, #tpu.memory_space<vmem>>) dst(%dma_wait3A_59 : memref<128x128xf32, #tpu.memory_space<hbm>>)
      tpu.yield
    }) : () -> ()
    %add3A_34 = arith.constant 128 : i32
    %add3A_35 = arith.addi %mul3A_4, %add3A_34 : i32
    "tpu.region"() ({
      %run_scoped3A = tpu.sem_alloc : memref<!tpu.dma_semaphore, #tpu.memory_space<semaphore_mem>>
      %dma_start3A = arith.constant 0 : i32
      %dma_start3A_50 = tpu.memref_slice %arg11[%add3A_35, %dma_start3A] : memref<10240x128xf32, #tpu.memory_space<vmem_shared>> -> memref<128x128xf32, #tpu.memory_space<vmem_shared>>
      %dma_start3A_51 = arith.constant 0 : i32
      %dma_start3A_52 = tpu.memref_slice %arg11[%add3A_35, %dma_start3A_51] : memref<10240x128xf32, #tpu.memory_space<vmem_shared>> -> memref<128x128xf32, #tpu.memory_space<vmem_shared>>
      tpu.enqueue_dma source(%dma_start3A_52 : memref<128x128xf32, #tpu.memory_space<vmem_shared>>) target(%arg9 : memref<128x128xf32, #tpu.memory_space<vmem>>) target_semaphore(%run_scoped3A : memref<!tpu.dma_semaphore, #tpu.memory_space<semaphore_mem>>)
      %dma_wait3A = arith.constant 0 : i32
      %dma_wait3A_53 = tpu.memref_slice %arg11[%add3A_35, %dma_wait3A] : memref<10240x128xf32, #tpu.memory_space<vmem_shared>> -> memref<128x128xf32, #tpu.memory_space<vmem_shared>>
      %dma_wait3A_54 = arith.constant 0 : i32
      %dma_wait3A_55 = tpu.memref_slice %arg11[%add3A_35, %dma_wait3A_54] : memref<10240x128xf32, #tpu.memory_space<vmem_shared>> -> memref<128x128xf32, #tpu.memory_space<vmem_shared>>
      tpu.wait_dma2 semaphore(%run_scoped3A : memref<!tpu.dma_semaphore, #tpu.memory_space<semaphore_mem>>) src(%dma_wait3A_55 : memref<128x128xf32, #tpu.memory_space<vmem_shared>>) dst(%arg9 : memref<128x128xf32, #tpu.memory_space<vmem>>)
      tpu.yield
    }) : () -> ()
    %add3A_36 = arith.constant 128 : i32
    %add3A_37 = arith.addi %mul3A_4, %add3A_36 : i32
    "tpu.region"() ({
      %run_scoped3A = tpu.sem_alloc : memref<!tpu.dma_semaphore, #tpu.memory_space<semaphore_mem>>
      %dma_start3A = arith.constant 0 : i32
      %dma_start3A_50 = tpu.memref_slice %arg6[%arg0, %add3A_37, %dma_start3A] : memref<2x10240x128xf32, #tpu.memory_space<hbm>> -> memref<1x128x128xf32, #tpu.memory_space<hbm>>
      %dma_start3A_51 = tpu.memref_squeeze %dma_start3A_50 : memref<1x128x128xf32, #tpu.memory_space<hbm>> -> memref<128x128xf32, #tpu.memory_space<hbm>>
      %dma_start3A_52 = arith.constant 0 : i32
      %dma_start3A_53 = tpu.memref_slice %arg6[%arg0, %add3A_37, %dma_start3A_52] : memref<2x10240x128xf32, #tpu.memory_space<hbm>> -> memref<1x128x128xf32, #tpu.memory_space<hbm>>
      %dma_start3A_54 = tpu.memref_squeeze %dma_start3A_53 : memref<1x128x128xf32, #tpu.memory_space<hbm>> -> memref<128x128xf32, #tpu.memory_space<hbm>>
      tpu.enqueue_dma source(%arg9 : memref<128x128xf32, #tpu.memory_space<vmem>>) target(%dma_start3A_54 : memref<128x128xf32, #tpu.memory_space<hbm>>) target_semaphore(%run_scoped3A : memref<!tpu.dma_semaphore, #tpu.memory_space<semaphore_mem>>)
      %dma_wait3A = arith.constant 0 : i32
      %dma_wait3A_55 = tpu.memref_slice %arg6[%arg0, %add3A_37, %dma_wait3A] : memref<2x10240x128xf32, #tpu.memory_space<hbm>> -> memref<1x128x128xf32, #tpu.memory_space<hbm>>
      %dma_wait3A_56 = tpu.memref_squeeze %dma_wait3A_55 : memref<1x128x128xf32, #tpu.memory_space<hbm>> -> memref<128x128xf32, #tpu.memory_space<hbm>>
      %dma_wait3A_57 = arith.constant 0 : i32
      %dma_wait3A_58 = tpu.memref_slice %arg6[%arg0, %add3A_37, %dma_wait3A_57] : memref<2x10240x128xf32, #tpu.memory_space<hbm>> -> memref<1x128x128xf32, #tpu.memory_space<hbm>>
      %dma_wait3A_59 = tpu.memref_squeeze %dma_wait3A_58 : memref<1x128x128xf32, #tpu.memory_space<hbm>> -> memref<128x128xf32, #tpu.memory_space<hbm>>
      tpu.wait_dma2 semaphore(%run_scoped3A : memref<!tpu.dma_semaphore, #tpu.memory_space<semaphore_mem>>) src(%arg9 : memref<128x128xf32, #tpu.memory_space<vmem>>) dst(%dma_wait3A_59 : memref<128x128xf32, #tpu.memory_space<hbm>>)
      tpu.yield
    }) : () -> ()
    %add3A_38 = arith.constant 256 : i32
    %add3A_39 = arith.addi %mul3A_4, %add3A_38 : i32
    "tpu.region"() ({
      %run_scoped3A = tpu.sem_alloc : memref<!tpu.dma_semaphore, #tpu.memory_space<semaphore_mem>>
      %dma_start3A = arith.constant 0 : i32
      %dma_start3A_50 = tpu.memref_slice %arg11[%add3A_39, %dma_start3A] : memref<10240x128xf32, #tpu.memory_space<vmem_shared>> -> memref<128x128xf32, #tpu.memory_space<vmem_shared>>
      %dma_start3A_51 = arith.constant 0 : i32
      %dma_start3A_52 = tpu.memref_slice %arg11[%add3A_39, %dma_start3A_51] : memref<10240x128xf32, #tpu.memory_space<vmem_shared>> -> memref<128x128xf32, #tpu.memory_space<vmem_shared>>
      tpu.enqueue_dma source(%dma_start3A_52 : memref<128x128xf32, #tpu.memory_space<vmem_shared>>) target(%arg9 : memref<128x128xf32, #tpu.memory_space<vmem>>) target_semaphore(%run_scoped3A : memref<!tpu.dma_semaphore, #tpu.memory_space<semaphore_mem>>)
      %dma_wait3A = arith.constant 0 : i32
      %dma_wait3A_53 = tpu.memref_slice %arg11[%add3A_39, %dma_wait3A] : memref<10240x128xf32, #tpu.memory_space<vmem_shared>> -> memref<128x128xf32, #tpu.memory_space<vmem_shared>>
      %dma_wait3A_54 = arith.constant 0 : i32
      %dma_wait3A_55 = tpu.memref_slice %arg11[%add3A_39, %dma_wait3A_54] : memref<10240x128xf32, #tpu.memory_space<vmem_shared>> -> memref<128x128xf32, #tpu.memory_space<vmem_shared>>
      tpu.wait_dma2 semaphore(%run_scoped3A : memref<!tpu.dma_semaphore, #tpu.memory_space<semaphore_mem>>) src(%dma_wait3A_55 : memref<128x128xf32, #tpu.memory_space<vmem_shared>>) dst(%arg9 : memref<128x128xf32, #tpu.memory_space<vmem>>)
      tpu.yield
    }) : () -> ()
    %add3A_40 = arith.constant 256 : i32
    %add3A_41 = arith.addi %mul3A_4, %add3A_40 : i32
    "tpu.region"() ({
      %run_scoped3A = tpu.sem_alloc : memref<!tpu.dma_semaphore, #tpu.memory_space<semaphore_mem>>
      %dma_start3A = arith.constant 0 : i32
      %dma_start3A_50 = tpu.memref_slice %arg6[%arg0, %add3A_41, %dma_start3A] : memref<2x10240x128xf32, #tpu.memory_space<hbm>> -> memref<1x128x128xf32, #tpu.memory_space<hbm>>
      %dma_start3A_51 = tpu.memref_squeeze %dma_start3A_50 : memref<1x128x128xf32, #tpu.memory_space<hbm>> -> memref<128x128xf32, #tpu.memory_space<hbm>>
      %dma_start3A_52 = arith.constant 0 : i32
      %dma_start3A_53 = tpu.memref_slice %arg6[%arg0, %add3A_41, %dma_start3A_52] : memref<2x10240x128xf32, #tpu.memory_space<hbm>> -> memref<1x128x128xf32, #tpu.memory_space<hbm>>
      %dma_start3A_54 = tpu.memref_squeeze %dma_start3A_53 : memref<1x128x128xf32, #tpu.memory_space<hbm>> -> memref<128x128xf32, #tpu.memory_space<hbm>>
      tpu.enqueue_dma source(%arg9 : memref<128x128xf32, #tpu.memory_space<vmem>>) target(%dma_start3A_54 : memref<128x128xf32, #tpu.memory_space<hbm>>) target_semaphore(%run_scoped3A : memref<!tpu.dma_semaphore, #tpu.memory_space<semaphore_mem>>)
      %dma_wait3A = arith.constant 0 : i32
      %dma_wait3A_55 = tpu.memref_slice %arg6[%arg0, %add3A_41, %dma_wait3A] : memref<2x10240x128xf32, #tpu.memory_space<hbm>> -> memref<1x128x128xf32, #tpu.memory_space<hbm>>
      %dma_wait3A_56 = tpu.memref_squeeze %dma_wait3A_55 : memref<1x128x128xf32, #tpu.memory_space<hbm>> -> memref<128x128xf32, #tpu.memory_space<hbm>>
      %dma_wait3A_57 = arith.constant 0 : i32
      %dma_wait3A_58 = tpu.memref_slice %arg6[%arg0, %add3A_41, %dma_wait3A_57] : memref<2x10240x128xf32, #tpu.memory_space<hbm>> -> memref<1x128x128xf32, #tpu.memory_space<hbm>>
      %dma_wait3A_59 = tpu.memref_squeeze %dma_wait3A_58 : memref<1x128x128xf32, #tpu.memory_space<hbm>> -> memref<128x128xf32, #tpu.memory_space<hbm>>
      tpu.wait_dma2 semaphore(%run_scoped3A : memref<!tpu.dma_semaphore, #tpu.memory_space<semaphore_mem>>) src(%arg9 : memref<128x128xf32, #tpu.memory_space<vmem>>) dst(%dma_wait3A_59 : memref<128x128xf32, #tpu.memory_space<hbm>>)
      tpu.yield
    }) : () -> ()
    %add3A_42 = arith.constant 384 : i32
    %add3A_43 = arith.addi %mul3A_4, %add3A_42 : i32
    "tpu.region"() ({
      %run_scoped3A = tpu.sem_alloc : memref<!tpu.dma_semaphore, #tpu.memory_space<semaphore_mem>>
      %dma_start3A = arith.constant 0 : i32
      %dma_start3A_50 = tpu.memref_slice %arg11[%add3A_43, %dma_start3A] : memref<10240x128xf32, #tpu.memory_space<vmem_shared>> -> memref<128x128xf32, #tpu.memory_space<vmem_shared>>
      %dma_start3A_51 = arith.constant 0 : i32
      %dma_start3A_52 = tpu.memref_slice %arg11[%add3A_43, %dma_start3A_51] : memref<10240x128xf32, #tpu.memory_space<vmem_shared>> -> memref<128x128xf32, #tpu.memory_space<vmem_shared>>
      tpu.enqueue_dma source(%dma_start3A_52 : memref<128x128xf32, #tpu.memory_space<vmem_shared>>) target(%arg9 : memref<128x128xf32, #tpu.memory_space<vmem>>) target_semaphore(%run_scoped3A : memref<!tpu.dma_semaphore, #tpu.memory_space<semaphore_mem>>)
      %dma_wait3A = arith.constant 0 : i32
      %dma_wait3A_53 = tpu.memref_slice %arg11[%add3A_43, %dma_wait3A] : memref<10240x128xf32, #tpu.memory_space<vmem_shared>> -> memref<128x128xf32, #tpu.memory_space<vmem_shared>>
      %dma_wait3A_54 = arith.constant 0 : i32
      %dma_wait3A_55 = tpu.memref_slice %arg11[%add3A_43, %dma_wait3A_54] : memref<10240x128xf32, #tpu.memory_space<vmem_shared>> -> memref<128x128xf32, #tpu.memory_space<vmem_shared>>
      tpu.wait_dma2 semaphore(%run_scoped3A : memref<!tpu.dma_semaphore, #tpu.memory_space<semaphore_mem>>) src(%dma_wait3A_55 : memref<128x128xf32, #tpu.memory_space<vmem_shared>>) dst(%arg9 : memref<128x128xf32, #tpu.memory_space<vmem>>)
      tpu.yield
    }) : () -> ()
    %add3A_44 = arith.constant 384 : i32
    %add3A_45 = arith.addi %mul3A_4, %add3A_44 : i32
    "tpu.region"() ({
      %run_scoped3A = tpu.sem_alloc : memref<!tpu.dma_semaphore, #tpu.memory_space<semaphore_mem>>
      %dma_start3A = arith.constant 0 : i32
      %dma_start3A_50 = tpu.memref_slice %arg6[%arg0, %add3A_45, %dma_start3A] : memref<2x10240x128xf32, #tpu.memory_space<hbm>> -> memref<1x128x128xf32, #tpu.memory_space<hbm>>
      %dma_start3A_51 = tpu.memref_squeeze %dma_start3A_50 : memref<1x128x128xf32, #tpu.memory_space<hbm>> -> memref<128x128xf32, #tpu.memory_space<hbm>>
      %dma_start3A_52 = arith.constant 0 : i32
      %dma_start3A_53 = tpu.memref_slice %arg6[%arg0, %add3A_45, %dma_start3A_52] : memref<2x10240x128xf32, #tpu.memory_space<hbm>> -> memref<1x128x128xf32, #tpu.memory_space<hbm>>
      %dma_start3A_54 = tpu.memref_squeeze %dma_start3A_53 : memref<1x128x128xf32, #tpu.memory_space<hbm>> -> memref<128x128xf32, #tpu.memory_space<hbm>>
      tpu.enqueue_dma source(%arg9 : memref<128x128xf32, #tpu.memory_space<vmem>>) target(%dma_start3A_54 : memref<128x128xf32, #tpu.memory_space<hbm>>) target_semaphore(%run_scoped3A : memref<!tpu.dma_semaphore, #tpu.memory_space<semaphore_mem>>)
      %dma_wait3A = arith.constant 0 : i32
      %dma_wait3A_55 = tpu.memref_slice %arg6[%arg0, %add3A_45, %dma_wait3A] : memref<2x10240x128xf32, #tpu.memory_space<hbm>> -> memref<1x128x128xf32, #tpu.memory_space<hbm>>
      %dma_wait3A_56 = tpu.memref_squeeze %dma_wait3A_55 : memref<1x128x128xf32, #tpu.memory_space<hbm>> -> memref<128x128xf32, #tpu.memory_space<hbm>>
      %dma_wait3A_57 = arith.constant 0 : i32
      %dma_wait3A_58 = tpu.memref_slice %arg6[%arg0, %add3A_45, %dma_wait3A_57] : memref<2x10240x128xf32, #tpu.memory_space<hbm>> -> memref<1x128x128xf32, #tpu.memory_space<hbm>>
      %dma_wait3A_59 = tpu.memref_squeeze %dma_wait3A_58 : memref<1x128x128xf32, #tpu.memory_space<hbm>> -> memref<128x128xf32, #tpu.memory_space<hbm>>
      tpu.wait_dma2 semaphore(%run_scoped3A : memref<!tpu.dma_semaphore, #tpu.memory_space<semaphore_mem>>) src(%arg9 : memref<128x128xf32, #tpu.memory_space<vmem>>) dst(%dma_wait3A_59 : memref<128x128xf32, #tpu.memory_space<hbm>>)
      tpu.yield
    }) : () -> ()
    %add3A_46 = arith.constant 512 : i32
    %add3A_47 = arith.addi %mul3A_4, %add3A_46 : i32
    "tpu.region"() ({
      %run_scoped3A = tpu.sem_alloc : memref<!tpu.dma_semaphore, #tpu.memory_space<semaphore_mem>>
      %dma_start3A = arith.constant 0 : i32
      %dma_start3A_50 = tpu.memref_slice %arg11[%add3A_47, %dma_start3A] : memref<10240x128xf32, #tpu.memory_space<vmem_shared>> -> memref<128x128xf32, #tpu.memory_space<vmem_shared>>
      %dma_start3A_51 = arith.constant 0 : i32
      %dma_start3A_52 = tpu.memref_slice %arg11[%add3A_47, %dma_start3A_51] : memref<10240x128xf32, #tpu.memory_space<vmem_shared>> -> memref<128x128xf32, #tpu.memory_space<vmem_shared>>
      tpu.enqueue_dma source(%dma_start3A_52 : memref<128x128xf32, #tpu.memory_space<vmem_shared>>) target(%arg9 : memref<128x128xf32, #tpu.memory_space<vmem>>) target_semaphore(%run_scoped3A : memref<!tpu.dma_semaphore, #tpu.memory_space<semaphore_mem>>)
      %dma_wait3A = arith.constant 0 : i32
      %dma_wait3A_53 = tpu.memref_slice %arg11[%add3A_47, %dma_wait3A] : memref<10240x128xf32, #tpu.memory_space<vmem_shared>> -> memref<128x128xf32, #tpu.memory_space<vmem_shared>>
      %dma_wait3A_54 = arith.constant 0 : i32
      %dma_wait3A_55 = tpu.memref_slice %arg11[%add3A_47, %dma_wait3A_54] : memref<10240x128xf32, #tpu.memory_space<vmem_shared>> -> memref<128x128xf32, #tpu.memory_space<vmem_shared>>
      tpu.wait_dma2 semaphore(%run_scoped3A : memref<!tpu.dma_semaphore, #tpu.memory_space<semaphore_mem>>) src(%dma_wait3A_55 : memref<128x128xf32, #tpu.memory_space<vmem_shared>>) dst(%arg9 : memref<128x128xf32, #tpu.memory_space<vmem>>)
      tpu.yield
    }) : () -> ()
    %add3A_48 = arith.constant 512 : i32
    %add3A_49 = arith.addi %mul3A_4, %add3A_48 : i32
    "tpu.region"() ({
      %run_scoped3A = tpu.sem_alloc : memref<!tpu.dma_semaphore, #tpu.memory_space<semaphore_mem>>
      %dma_start3A = arith.constant 0 : i32
      %dma_start3A_50 = tpu.memref_slice %arg6[%arg0, %add3A_49, %dma_start3A] : memref<2x10240x128xf32, #tpu.memory_space<hbm>> -> memref<1x128x128xf32, #tpu.memory_space<hbm>>
      %dma_start3A_51 = tpu.memref_squeeze %dma_start3A_50 : memref<1x128x128xf32, #tpu.memory_space<hbm>> -> memref<128x128xf32, #tpu.memory_space<hbm>>
      %dma_start3A_52 = arith.constant 0 : i32
      %dma_start3A_53 = tpu.memref_slice %arg6[%arg0, %add3A_49, %dma_start3A_52] : memref<2x10240x128xf32, #tpu.memory_space<hbm>> -> memref<1x128x128xf32, #tpu.memory_space<hbm>>
      %dma_start3A_54 = tpu.memref_squeeze %dma_start3A_53 : memref<1x128x128xf32, #tpu.memory_space<hbm>> -> memref<128x128xf32, #tpu.memory_space<hbm>>
      tpu.enqueue_dma source(%arg9 : memref<128x128xf32, #tpu.memory_space<vmem>>) target(%dma_start3A_54 : memref<128x128xf32, #tpu.memory_space<hbm>>) target_semaphore(%run_scoped3A : memref<!tpu.dma_semaphore, #tpu.memory_space<semaphore_mem>>)
      %dma_wait3A = arith.constant 0 : i32
      %dma_wait3A_55 = tpu.memref_slice %arg6[%arg0, %add3A_49, %dma_wait3A] : memref<2x10240x128xf32, #tpu.memory_space<hbm>> -> memref<1x128x128xf32, #tpu.memory_space<hbm>>
      %dma_wait3A_56 = tpu.memref_squeeze %dma_wait3A_55 : memref<1x128x128xf32, #tpu.memory_space<hbm>> -> memref<128x128xf32, #tpu.memory_space<hbm>>
      %dma_wait3A_57 = arith.constant 0 : i32
      %dma_wait3A_58 = tpu.memref_slice %arg6[%arg0, %add3A_49, %dma_wait3A_57] : memref<2x10240x128xf32, #tpu.memory_space<hbm>> -> memref<1x128x128xf32, #tpu.memory_space<hbm>>
      %dma_wait3A_59 = tpu.memref_squeeze %dma_wait3A_58 : memref<1x128x128xf32, #tpu.memory_space<hbm>> -> memref<128x128xf32, #tpu.memory_space<hbm>>
      tpu.wait_dma2 semaphore(%run_scoped3A : memref<!tpu.dma_semaphore, #tpu.memory_space<semaphore_mem>>) src(%arg9 : memref<128x128xf32, #tpu.memory_space<vmem>>) dst(%dma_wait3A_59 : memref<128x128xf32, #tpu.memory_space<hbm>>)
      tpu.yield
    }) : () -> ()
    return
  }
}

module attributes {stable_mosaic.version = 14 : i64} {
  func.func @_e_body_l0(%arg0: i32, %arg1: memref<2048x8xf32, #tpu.memory_space<vmem>>, %arg2: memref<8x128xf32, #tpu.memory_space<vmem>>, %arg3: memref<1x128xf32, #tpu.memory_space<vmem>>, %arg4: memref<1x128xf32, #tpu.memory_space<vmem>>, %arg5: memref<2048x128xf32, #tpu.memory_space<vmem>>) attributes {dimension_semantics = [#tpu.dimension_semantics<arbitrary>], iteration_bounds = array<i64: 158>, scalar_prefetch = 0 : i64, scratch_operands = 0 : i64, tpu.core_type = #tpu.core_type<tc>, window_params = [{transform_indices = @transform_0, window_bounds = array<i64: 2048, 8>}, {pipeline_mode = #tpu.pipeline_mode<synchronous>, transform_indices = @transform_1, window_bounds = array<i64: 8, 128>}, {pipeline_mode = #tpu.pipeline_mode<synchronous>, transform_indices = @transform_2, window_bounds = array<i64: 1, 128>}, {pipeline_mode = #tpu.pipeline_mode<synchronous>, transform_indices = @transform_3, window_bounds = array<i64: 1, 128>}, {transform_indices = @transform_4, window_bounds = array<i64: 2048, 128>}]} {
    %get3A = arith.constant 0 : index
    %get3A_0 = arith.constant 0 : index
    %get3A_1 = vector.load %arg1[%get3A, %get3A_0] : memref<2048x8xf32, #tpu.memory_space<vmem>>, vector<2048x8xf32>
    %get3A_2 = arith.constant 0 : index
    %get3A_3 = arith.constant 0 : index
    %get3A_4 = vector.load %arg2[%get3A_2, %get3A_3] : memref<8x128xf32, #tpu.memory_space<vmem>>, vector<8x128xf32>
    %dot_general3A = arith.constant dense<0.000000e+00> : vector<2048x128xf32>
    %dot_general3A_5 = tpu.matmul %get3A_1, %get3A_4, %dot_general3A {dimension_numbers = #tpu.dot_dimension_numbers<[1], [0], [0], [1], [0, 0, 1, 1], [], []>, transpose_lhs_hint = false} : vector<2048x8xf32>, vector<8x128xf32>, vector<2048x128xf32> -> vector<2048x128xf32>
    %get3A_6 = arith.constant 0 : index
    %get3A_7 = arith.constant 0 : index
    %get3A_8 = vector.load %arg3[%get3A_6, %get3A_7] : memref<1x128xf32, #tpu.memory_space<vmem>>, vector<1x128xf32>
    %add3A = vector.broadcast %get3A_8 : vector<1x128xf32> to vector<2048x128xf32>
    %add3A_9 = arith.addf %dot_general3A_5, %add3A : vector<2048x128xf32>
    %get3A_10 = arith.constant 0 : index
    %get3A_11 = arith.constant 0 : index
    %get3A_12 = vector.load %arg4[%get3A_10, %get3A_11] : memref<1x128xf32, #tpu.memory_space<vmem>>, vector<1x128xf32>
    %add3A_13 = vector.broadcast %get3A_12 : vector<1x128xf32> to vector<2048x128xf32>
    %add3A_14 = arith.addf %add3A_9, %add3A_13 : vector<2048x128xf32>
    %swap3A = arith.constant 0 : index
    %swap3A_15 = arith.constant 0 : index
    %swap3A_16 = vector.load %arg5[%swap3A, %swap3A_15] : memref<2048x128xf32, #tpu.memory_space<vmem>>, vector<2048x128xf32>
    tpu.vector_store %arg5[%swap3A, %swap3A_15], %add3A_14 {strides = array<i32>} : memref<2048x128xf32, #tpu.memory_space<vmem>>, vector<2048x128xf32>,
    return
  }
  func.func @transform_0(%arg0: i32) -> (i32, i32) {
    %c0_i32 = arith.constant 0 : i32
    %c0_i32_0 = arith.constant 0 : i32
    return %arg0, %c0_i32 : i32, i32
  }
  func.func @transform_1(%arg0: i32) -> (i32, i32) {
    %c0_i32 = arith.constant 0 : i32
    %c0_i32_0 = arith.constant 0 : i32
    %c0_i32_1 = arith.constant 0 : i32
    return %c0_i32, %c0_i32_0 : i32, i32
  }
  func.func @transform_2(%arg0: i32) -> (i32, i32) {
    %c0_i32 = arith.constant 0 : i32
    %c0_i32_0 = arith.constant 0 : i32
    %c0_i32_1 = arith.constant 0 : i32
    return %c0_i32, %c0_i32_0 : i32, i32
  }
  func.func @transform_3(%arg0: i32) -> (i32, i32) {
    %c0_i32 = arith.constant 0 : i32
    %c0_i32_0 = arith.constant 0 : i32
    %c0_i32_1 = arith.constant 0 : i32
    return %c0_i32, %c0_i32_0 : i32, i32
  }
  func.func @transform_4(%arg0: i32) -> (i32, i32) {
    %c0_i32 = arith.constant 0 : i32
    %c0_i32_0 = arith.constant 0 : i32
    return %arg0, %c0_i32 : i32, i32
  }
}

module attributes {stable_mosaic.version = 14 : i64} {
  func.func @_e_body(%arg0: i32, %arg1: memref<2048x8xf32, #tpu.memory_space<vmem>>, %arg2: memref<8x128xf32, #tpu.memory_space<vmem>>, %arg3: memref<1x128xf32, #tpu.memory_space<vmem>>, %arg4: memref<2048x128xf32, #tpu.memory_space<vmem>>) attributes {dimension_semantics = [#tpu.dimension_semantics<arbitrary>], iteration_bounds = array<i64: 158>, scalar_prefetch = 0 : i64, scratch_operands = 0 : i64, tpu.core_type = #tpu.core_type<tc>, window_params = [{transform_indices = @transform_0, window_bounds = array<i64: 2048, 8>}, {pipeline_mode = #tpu.pipeline_mode<synchronous>, transform_indices = @transform_1, window_bounds = array<i64: 8, 128>}, {pipeline_mode = #tpu.pipeline_mode<synchronous>, transform_indices = @transform_2, window_bounds = array<i64: 1, 128>}, {transform_indices = @transform_3, window_bounds = array<i64: 2048, 128>}]} {
    %get3A = arith.constant 0 : index
    %get3A_0 = arith.constant 0 : index
    %get3A_1 = vector.load %arg1[%get3A, %get3A_0] : memref<2048x8xf32, #tpu.memory_space<vmem>>, vector<2048x8xf32>
    %get3A_2 = arith.constant 0 : index
    %get3A_3 = arith.constant 0 : index
    %get3A_4 = vector.load %arg2[%get3A_2, %get3A_3] : memref<8x128xf32, #tpu.memory_space<vmem>>, vector<8x128xf32>
    %dot_general3A = arith.constant dense<0.000000e+00> : vector<2048x128xf32>
    %dot_general3A_5 = tpu.matmul %get3A_1, %get3A_4, %dot_general3A {dimension_numbers = #tpu.dot_dimension_numbers<[1], [0], [0], [1], [0, 0, 1, 1], [], []>, transpose_lhs_hint = false} : vector<2048x8xf32>, vector<8x128xf32>, vector<2048x128xf32> -> vector<2048x128xf32>
    %get3A_6 = arith.constant 0 : index
    %get3A_7 = arith.constant 0 : index
    %get3A_8 = vector.load %arg3[%get3A_6, %get3A_7] : memref<1x128xf32, #tpu.memory_space<vmem>>, vector<1x128xf32>
    %add3A = vector.broadcast %get3A_8 : vector<1x128xf32> to vector<2048x128xf32>
    %add3A_9 = arith.addf %dot_general3A_5, %add3A : vector<2048x128xf32>
    %swap3A = arith.constant 0 : index
    %swap3A_10 = arith.constant 0 : index
    %swap3A_11 = vector.load %arg4[%swap3A, %swap3A_10] : memref<2048x128xf32, #tpu.memory_space<vmem>>, vector<2048x128xf32>
    tpu.vector_store %arg4[%swap3A, %swap3A_10], %add3A_9 {strides = array<i32>} : memref<2048x128xf32, #tpu.memory_space<vmem>>, vector<2048x128xf32>,
    return
  }
  func.func @transform_0(%arg0: i32) -> (i32, i32) {
    %c0_i32 = arith.constant 0 : i32
    %c0_i32_0 = arith.constant 0 : i32
    return %arg0, %c0_i32 : i32, i32
  }
  func.func @transform_1(%arg0: i32) -> (i32, i32) {
    %c0_i32 = arith.constant 0 : i32
    %c0_i32_0 = arith.constant 0 : i32
    %c0_i32_1 = arith.constant 0 : i32
    return %c0_i32, %c0_i32_0 : i32, i32
  }
  func.func @transform_2(%arg0: i32) -> (i32, i32) {
    %c0_i32 = arith.constant 0 : i32
    %c0_i32_0 = arith.constant 0 : i32
    %c0_i32_1 = arith.constant 0 : i32
    return %c0_i32, %c0_i32_0 : i32, i32
  }
  func.func @transform_3(%arg0: i32) -> (i32, i32) {
    %c0_i32 = arith.constant 0 : i32
    %c0_i32_0 = arith.constant 0 : i32
    return %arg0, %c0_i32 : i32, i32
  }
}

module attributes {stable_mosaic.version = 14 : i64} {
  func.func @_node_body(%arg0: i32, %arg1: memref<1x128xf32, #tpu.memory_space<vmem>>, %arg2: memref<1280x128xf32, #tpu.memory_space<vmem>>, %arg3: memref<1280x128xf32, #tpu.memory_space<vmem>>, %arg4: memref<128x128xf32, #tpu.memory_space<vmem>>, %arg5: memref<1x128xf32, #tpu.memory_space<vmem>>, %arg6: memref<128x128xf32, #tpu.memory_space<vmem>>, %arg7: memref<1x128xf32, #tpu.memory_space<vmem>>, %arg8: memref<1280x128xf32, #tpu.memory_space<vmem>>) attributes {dimension_semantics = [#tpu.dimension_semantics<arbitrary>], iteration_bounds = array<i64: 8>, scalar_prefetch = 0 : i64, scratch_operands = 0 : i64, tpu.core_type = #tpu.core_type<tc>, window_params = [{pipeline_mode = #tpu.pipeline_mode<synchronous>, transform_indices = @transform_0, window_bounds = array<i64: 1, 128>}, {transform_indices = @transform_1, window_bounds = array<i64: 1280, 128>}, {transform_indices = @transform_2, window_bounds = array<i64: 1280, 128>}, {pipeline_mode = #tpu.pipeline_mode<synchronous>, transform_indices = @transform_3, window_bounds = array<i64: 128, 128>}, {pipeline_mode = #tpu.pipeline_mode<synchronous>, transform_indices = @transform_4, window_bounds = array<i64: 1, 128>}, {pipeline_mode = #tpu.pipeline_mode<synchronous>, transform_indices = @transform_5, window_bounds = array<i64: 128, 128>}, {pipeline_mode = #tpu.pipeline_mode<synchronous>, transform_indices = @transform_6, window_bounds = array<i64: 1, 128>}, {transform_indices = @transform_7, window_bounds = array<i64: 1280, 128>}]} {
    %get3A = arith.constant 0 : index
    %get3A_0 = arith.constant 0 : index
    %get3A_1 = vector.load %arg1[%get3A, %get3A_0] : memref<1x128xf32, #tpu.memory_space<vmem>>, vector<1x128xf32>
    %get3A_2 = arith.constant 0 : index
    %get3A_3 = arith.constant 0 : index
    %get3A_4 = vector.load %arg2[%get3A_2, %get3A_3] : memref<1280x128xf32, #tpu.memory_space<vmem>>, vector<1280x128xf32>
    %add3A = vector.broadcast %get3A_1 : vector<1x128xf32> to vector<1280x128xf32>
    %add3A_5 = arith.addf %add3A, %get3A_4 : vector<1280x128xf32>
    %get3A_6 = arith.constant 0 : index
    %get3A_7 = arith.constant 0 : index
    %get3A_8 = vector.load %arg3[%get3A_6, %get3A_7] : memref<1280x128xf32, #tpu.memory_space<vmem>>, vector<1280x128xf32>
    %add3A_9 = arith.addf %add3A_5, %get3A_8 : vector<1280x128xf32>
    %get3A_10 = arith.constant 0 : index
    %get3A_11 = arith.constant 0 : index
    %get3A_12 = vector.load %arg4[%get3A_10, %get3A_11] : memref<128x128xf32, #tpu.memory_space<vmem>>, vector<128x128xf32>
    %dot_general3A = arith.constant dense<0.000000e+00> : vector<1280x128xf32>
    %dot_general3A_13 = tpu.matmul %add3A_9, %get3A_12, %dot_general3A {dimension_numbers = #tpu.dot_dimension_numbers<[1], [0], [0], [1], [0, 0, 1, 1], [], []>, transpose_lhs_hint = false} : vector<1280x128xf32>, vector<128x128xf32>, vector<1280x128xf32> -> vector<1280x128xf32>
    %get3A_14 = arith.constant 0 : index
    %get3A_15 = arith.constant 0 : index
    %get3A_16 = vector.load %arg5[%get3A_14, %get3A_15] : memref<1x128xf32, #tpu.memory_space<vmem>>, vector<1x128xf32>
    %add3A_17 = vector.broadcast %get3A_16 : vector<1x128xf32> to vector<1280x128xf32>
    %add3A_18 = arith.addf %dot_general3A_13, %add3A_17 : vector<1280x128xf32>
    %max3A = arith.constant 0.000000e+00 : f32
    %max3A_19 = vector.broadcast %max3A : f32 to vector<1280x128xf32>
    %max3A_20 = arith.maximumf %add3A_18, %max3A_19 : vector<1280x128xf32>
    %get3A_21 = arith.constant 0 : index
    %get3A_22 = arith.constant 0 : index
    %get3A_23 = vector.load %arg6[%get3A_21, %get3A_22] : memref<128x128xf32, #tpu.memory_space<vmem>>, vector<128x128xf32>
    %dot_general3A_24 = arith.constant dense<0.000000e+00> : vector<1280x128xf32>
    %dot_general3A_25 = tpu.matmul %max3A_20, %get3A_23, %dot_general3A_24 {dimension_numbers = #tpu.dot_dimension_numbers<[1], [0], [0], [1], [0, 0, 1, 1], [], []>, transpose_lhs_hint = false} : vector<1280x128xf32>, vector<128x128xf32>, vector<1280x128xf32> -> vector<1280x128xf32>
    %get3A_26 = arith.constant 0 : index
    %get3A_27 = arith.constant 0 : index
    %get3A_28 = vector.load %arg7[%get3A_26, %get3A_27] : memref<1x128xf32, #tpu.memory_space<vmem>>, vector<1x128xf32>
    %add3A_29 = vector.broadcast %get3A_28 : vector<1x128xf32> to vector<1280x128xf32>
    %add3A_30 = arith.addf %dot_general3A_25, %add3A_29 : vector<1280x128xf32>
    %max3A_31 = arith.constant 0.000000e+00 : f32
    %max3A_32 = vector.broadcast %max3A_31 : f32 to vector<1280x128xf32>
    %max3A_33 = arith.maximumf %add3A_30, %max3A_32 : vector<1280x128xf32>
    %swap3A = arith.constant 0 : index
    %swap3A_34 = arith.constant 0 : index
    %swap3A_35 = vector.load %arg8[%swap3A, %swap3A_34] : memref<1280x128xf32, #tpu.memory_space<vmem>>, vector<1280x128xf32>
    tpu.vector_store %arg8[%swap3A, %swap3A_34], %max3A_33 {strides = array<i32>} : memref<1280x128xf32, #tpu.memory_space<vmem>>, vector<1280x128xf32>,
    return
  }
  func.func @transform_0(%arg0: i32) -> (i32, i32) {
    %c0_i32 = arith.constant 0 : i32
    %c0_i32_0 = arith.constant 0 : i32
    %c0_i32_1 = arith.constant 0 : i32
    return %c0_i32, %c0_i32_0 : i32, i32
  }
  func.func @transform_1(%arg0: i32) -> (i32, i32) {
    %c0_i32 = arith.constant 0 : i32
    %c0_i32_0 = arith.constant 0 : i32
    return %arg0, %c0_i32 : i32, i32
  }
  func.func @transform_2(%arg0: i32) -> (i32, i32) {
    %c0_i32 = arith.constant 0 : i32
    %c0_i32_0 = arith.constant 0 : i32
    return %arg0, %c0_i32 : i32, i32
  }
  func.func @transform_3(%arg0: i32) -> (i32, i32) {
    %c0_i32 = arith.constant 0 : i32
    %c0_i32_0 = arith.constant 0 : i32
    %c0_i32_1 = arith.constant 0 : i32
    return %c0_i32, %c0_i32_0 : i32, i32
  }
  func.func @transform_4(%arg0: i32) -> (i32, i32) {
    %c0_i32 = arith.constant 0 : i32
    %c0_i32_0 = arith.constant 0 : i32
    %c0_i32_1 = arith.constant 0 : i32
    return %c0_i32, %c0_i32_0 : i32, i32
  }
  func.func @transform_5(%arg0: i32) -> (i32, i32) {
    %c0_i32 = arith.constant 0 : i32
    %c0_i32_0 = arith.constant 0 : i32
    %c0_i32_1 = arith.constant 0 : i32
    return %c0_i32, %c0_i32_0 : i32, i32
  }
  func.func @transform_6(%arg0: i32) -> (i32, i32) {
    %c0_i32 = arith.constant 0 : i32
    %c0_i32_0 = arith.constant 0 : i32
    %c0_i32_1 = arith.constant 0 : i32
    return %c0_i32, %c0_i32_0 : i32, i32
  }
  func.func @transform_7(%arg0: i32) -> (i32, i32) {
    %c0_i32 = arith.constant 0 : i32
    %c0_i32_0 = arith.constant 0 : i32
    return %arg0, %c0_i32 : i32, i32
  }
}

module attributes {stable_mosaic.version = 14 : i64} {
  func.func @_node_body(%arg0: i32, %arg1: memref<1280x128xf32, #tpu.memory_space<vmem>>, %arg2: memref<1280x128xf32, #tpu.memory_space<vmem>>, %arg3: memref<1280x128xf32, #tpu.memory_space<vmem>>, %arg4: memref<128x128xf32, #tpu.memory_space<vmem>>, %arg5: memref<1x128xf32, #tpu.memory_space<vmem>>, %arg6: memref<128x128xf32, #tpu.memory_space<vmem>>, %arg7: memref<1x128xf32, #tpu.memory_space<vmem>>, %arg8: memref<1280x128xf32, #tpu.memory_space<vmem>>) attributes {dimension_semantics = [#tpu.dimension_semantics<arbitrary>], iteration_bounds = array<i64: 8>, scalar_prefetch = 0 : i64, scratch_operands = 0 : i64, tpu.core_type = #tpu.core_type<tc>, window_params = [{transform_indices = @transform_0, window_bounds = array<i64: 1280, 128>}, {transform_indices = @transform_1, window_bounds = array<i64: 1280, 128>}, {transform_indices = @transform_2, window_bounds = array<i64: 1280, 128>}, {pipeline_mode = #tpu.pipeline_mode<synchronous>, transform_indices = @transform_3, window_bounds = array<i64: 128, 128>}, {pipeline_mode = #tpu.pipeline_mode<synchronous>, transform_indices = @transform_4, window_bounds = array<i64: 1, 128>}, {pipeline_mode = #tpu.pipeline_mode<synchronous>, transform_indices = @transform_5, window_bounds = array<i64: 128, 128>}, {pipeline_mode = #tpu.pipeline_mode<synchronous>, transform_indices = @transform_6, window_bounds = array<i64: 1, 128>}, {transform_indices = @transform_7, window_bounds = array<i64: 1280, 128>}]} {
    %get3A = arith.constant 0 : index
    %get3A_0 = arith.constant 0 : index
    %get3A_1 = vector.load %arg1[%get3A, %get3A_0] : memref<1280x128xf32, #tpu.memory_space<vmem>>, vector<1280x128xf32>
    %get3A_2 = arith.constant 0 : index
    %get3A_3 = arith.constant 0 : index
    %get3A_4 = vector.load %arg2[%get3A_2, %get3A_3] : memref<1280x128xf32, #tpu.memory_space<vmem>>, vector<1280x128xf32>
    %add3A = arith.addf %get3A_1, %get3A_4 : vector<1280x128xf32>
    %get3A_5 = arith.constant 0 : index
    %get3A_6 = arith.constant 0 : index
    %get3A_7 = vector.load %arg3[%get3A_5, %get3A_6] : memref<1280x128xf32, #tpu.memory_space<vmem>>, vector<1280x128xf32>
    %add3A_8 = arith.addf %add3A, %get3A_7 : vector<1280x128xf32>
    %get3A_9 = arith.constant 0 : index
    %get3A_10 = arith.constant 0 : index
    %get3A_11 = vector.load %arg4[%get3A_9, %get3A_10] : memref<128x128xf32, #tpu.memory_space<vmem>>, vector<128x128xf32>
    %dot_general3A = arith.constant dense<0.000000e+00> : vector<1280x128xf32>
    %dot_general3A_12 = tpu.matmul %add3A_8, %get3A_11, %dot_general3A {dimension_numbers = #tpu.dot_dimension_numbers<[1], [0], [0], [1], [0, 0, 1, 1], [], []>, transpose_lhs_hint = false} : vector<1280x128xf32>, vector<128x128xf32>, vector<1280x128xf32> -> vector<1280x128xf32>
    %get3A_13 = arith.constant 0 : index
    %get3A_14 = arith.constant 0 : index
    %get3A_15 = vector.load %arg5[%get3A_13, %get3A_14] : memref<1x128xf32, #tpu.memory_space<vmem>>, vector<1x128xf32>
    %add3A_16 = vector.broadcast %get3A_15 : vector<1x128xf32> to vector<1280x128xf32>
    %add3A_17 = arith.addf %dot_general3A_12, %add3A_16 : vector<1280x128xf32>
    %max3A = arith.constant 0.000000e+00 : f32
    %max3A_18 = vector.broadcast %max3A : f32 to vector<1280x128xf32>
    %max3A_19 = arith.maximumf %add3A_17, %max3A_18 : vector<1280x128xf32>
    %get3A_20 = arith.constant 0 : index
    %get3A_21 = arith.constant 0 : index
    %get3A_22 = vector.load %arg6[%get3A_20, %get3A_21] : memref<128x128xf32, #tpu.memory_space<vmem>>, vector<128x128xf32>
    %dot_general3A_23 = arith.constant dense<0.000000e+00> : vector<1280x128xf32>
    %dot_general3A_24 = tpu.matmul %max3A_19, %get3A_22, %dot_general3A_23 {dimension_numbers = #tpu.dot_dimension_numbers<[1], [0], [0], [1], [0, 0, 1, 1], [], []>, transpose_lhs_hint = false} : vector<1280x128xf32>, vector<128x128xf32>, vector<1280x128xf32> -> vector<1280x128xf32>
    %get3A_25 = arith.constant 0 : index
    %get3A_26 = arith.constant 0 : index
    %get3A_27 = vector.load %arg7[%get3A_25, %get3A_26] : memref<1x128xf32, #tpu.memory_space<vmem>>, vector<1x128xf32>
    %add3A_28 = vector.broadcast %get3A_27 : vector<1x128xf32> to vector<1280x128xf32>
    %add3A_29 = arith.addf %dot_general3A_24, %add3A_28 : vector<1280x128xf32>
    %max3A_30 = arith.constant 0.000000e+00 : f32
    %max3A_31 = vector.broadcast %max3A_30 : f32 to vector<1280x128xf32>
    %max3A_32 = arith.maximumf %add3A_29, %max3A_31 : vector<1280x128xf32>
    %swap3A = arith.constant 0 : index
    %swap3A_33 = arith.constant 0 : index
    %swap3A_34 = vector.load %arg8[%swap3A, %swap3A_33] : memref<1280x128xf32, #tpu.memory_space<vmem>>, vector<1280x128xf32>
    tpu.vector_store %arg8[%swap3A, %swap3A_33], %max3A_32 {strides = array<i32>} : memref<1280x128xf32, #tpu.memory_space<vmem>>, vector<1280x128xf32>,
    return
  }
  func.func @transform_0(%arg0: i32) -> (i32, i32) {
    %c0_i32 = arith.constant 0 : i32
    %c0_i32_0 = arith.constant 0 : i32
    return %arg0, %c0_i32 : i32, i32
  }
  func.func @transform_1(%arg0: i32) -> (i32, i32) {
    %c0_i32 = arith.constant 0 : i32
    %c0_i32_0 = arith.constant 0 : i32
    return %arg0, %c0_i32 : i32, i32
  }
  func.func @transform_2(%arg0: i32) -> (i32, i32) {
    %c0_i32 = arith.constant 0 : i32
    %c0_i32_0 = arith.constant 0 : i32
    return %arg0, %c0_i32 : i32, i32
  }
  func.func @transform_3(%arg0: i32) -> (i32, i32) {
    %c0_i32 = arith.constant 0 : i32
    %c0_i32_0 = arith.constant 0 : i32
    %c0_i32_1 = arith.constant 0 : i32
    return %c0_i32, %c0_i32_0 : i32, i32
  }
  func.func @transform_4(%arg0: i32) -> (i32, i32) {
    %c0_i32 = arith.constant 0 : i32
    %c0_i32_0 = arith.constant 0 : i32
    %c0_i32_1 = arith.constant 0 : i32
    return %c0_i32, %c0_i32_0 : i32, i32
  }
  func.func @transform_5(%arg0: i32) -> (i32, i32) {
    %c0_i32 = arith.constant 0 : i32
    %c0_i32_0 = arith.constant 0 : i32
    %c0_i32_1 = arith.constant 0 : i32
    return %c0_i32, %c0_i32_0 : i32, i32
  }
  func.func @transform_6(%arg0: i32) -> (i32, i32) {
    %c0_i32 = arith.constant 0 : i32
    %c0_i32_0 = arith.constant 0 : i32
    %c0_i32_1 = arith.constant 0 : i32
    return %c0_i32, %c0_i32_0 : i32, i32
  }
  func.func @transform_7(%arg0: i32) -> (i32, i32) {
    %c0_i32 = arith.constant 0 : i32
    %c0_i32_0 = arith.constant 0 : i32
    return %arg0, %c0_i32 : i32, i32
  }
}

module attributes {stable_mosaic.version = 14 : i64} {
  func.func @body(%arg0: i32, %arg1: memref<1x1x1280xi32, #tpu.memory_space<vmem>>, %arg2: memref<1280x128xf32, #tpu.memory_space<vmem>>, %arg3: memref<128x128xf32, #tpu.memory_space<vmem>>, %arg4: memref<1x128xf32, #tpu.memory_space<vmem>>, %arg5: memref<128x128xf32, #tpu.memory_space<vmem>>, %arg6: memref<1x128xf32, #tpu.memory_space<vmem>>, %arg7: memref<64x128xf32, #tpu.memory_space<vmem>>, %arg8: memref<64x128xf32, #tpu.memory_space<vmem>>, %arg9: memref<64x1xf32, #tpu.memory_space<vmem>>) attributes {dimension_semantics = [#tpu.dimension_semantics<arbitrary>], iteration_bounds = array<i64: 8>, scalar_prefetch = 0 : i64, scratch_operands = 2 : i64, tpu.core_type = #tpu.core_type<tc>, window_params = [{transform_indices = @transform_0, window_bounds = array<i64: 1, 1, 1280>}, {transform_indices = @transform_1, window_bounds = array<i64: 1280, 128>}, {pipeline_mode = #tpu.pipeline_mode<synchronous>, transform_indices = @transform_2, window_bounds = array<i64: 128, 128>}, {pipeline_mode = #tpu.pipeline_mode<synchronous>, transform_indices = @transform_3, window_bounds = array<i64: 1, 128>}, {pipeline_mode = #tpu.pipeline_mode<synchronous>, transform_indices = @transform_4, window_bounds = array<i64: 128, 128>}, {pipeline_mode = #tpu.pipeline_mode<synchronous>, transform_indices = @transform_5, window_bounds = array<i64: 1, 128>}, {pipeline_mode = #tpu.pipeline_mode<synchronous>, transform_indices = @transform_6, window_bounds = array<i64: 64, 128>}]} {
    %get3A = arith.constant 0 : index
    %get3A_0 = arith.constant 0 : index
    %get3A_1 = arith.constant 0 : index
    %get3A_2 = vector.load %arg1[%get3A, %get3A_0, %get3A_1] : memref<1x1x1280xi32, #tpu.memory_space<vmem>>, vector<1x1x1280xi32>
    %get3A_3 = vector.shape_cast %get3A_2 : vector<1x1x1280xi32> to vector<1280xi32>
    %iota3A = tpu.iota {dimensions = array<i32: 0>} : vector<64x1280xi32>
    %broadcast_in_dim3A = vector.shape_cast %get3A_3 : vector<1280xi32> to vector<1x1280xi32>
    %eq3A = vector.broadcast %broadcast_in_dim3A : vector<1x1280xi32> to vector<64x1280xi32>
    %eq3A_4 = arith.cmpi eq, %iota3A, %eq3A : vector<64x1280xi32>
    %jit3A = arith.constant 1.000000e+00 : f32
    %jit3A_5 = arith.constant 0.000000e+00 : f32
    %broadcast_in_dim3A_6 = vector.broadcast %jit3A : f32 to vector<64x1280xf32>
    %broadcast_in_dim3A_7 = vector.broadcast %jit3A_5 : f32 to vector<64x1280xf32>
    %select_n3A = arith.select %eq3A_4, %broadcast_in_dim3A_6, %broadcast_in_dim3A_7 : vector<64x1280xi1>, vector<64x1280xf32>
    %get3A_8 = arith.constant 0 : index
    %get3A_9 = arith.constant 0 : index
    %get3A_10 = vector.load %arg2[%get3A_8, %get3A_9] : memref<1280x128xf32, #tpu.memory_space<vmem>>, vector<1280x128xf32>
    %dot_general3A = arith.constant dense<0.000000e+00> : vector<64x128xf32>
    %dot_general3A_11 = tpu.matmul %select_n3A, %get3A_10, %dot_general3A {dimension_numbers = #tpu.dot_dimension_numbers<[1], [0], [0], [1], [0, 0, 1, 1], [], []>, transpose_lhs_hint = false} : vector<64x1280xf32>, vector<1280x128xf32>, vector<64x128xf32> -> vector<64x128xf32>
    %reduce_sum3A = arith.constant dense<0.000000e+00> : vector<64xf32>
    %reduce_sum3A_12 = vector.multi_reduction <add>, %select_n3A, %reduce_sum3A [1] : vector<64x1280xf32> to vector<64xf32>
    %broadcast_in_dim3A_13 = vector.shape_cast %reduce_sum3A_12 : vector<64xf32> to vector<64x1xf32>
    %eq3A_14 = arith.constant 0 : i32
    %eq3A_15 = arith.cmpi eq, %arg0, %eq3A_14 : i32
    %convert_element_type3A = arith.extui %eq3A_15 : i1 to i32
    %cond3A = arith.constant 0 : i32
    %cond3A_16 = arith.cmpi ne, %convert_element_type3A, %cond3A : i32
    scf.if %cond3A_16 {
      %swap3A = arith.constant 0 : index
      %swap3A_26 = arith.constant 0 : index
      %swap3A_27 = vector.load %arg8[%swap3A, %swap3A_26] : memref<64x128xf32, #tpu.memory_space<vmem>>, vector<64x128xf32>
      tpu.vector_store %arg8[%swap3A, %swap3A_26], %dot_general3A_11 {strides = array<i32>} : memref<64x128xf32, #tpu.memory_space<vmem>>, vector<64x128xf32>,
      %swap3A_28 = arith.constant 0 : index
      %swap3A_29 = arith.constant 0 : index
      %swap3A_30 = vector.load %arg9[%swap3A_28, %swap3A_29] : memref<64x1xf32, #tpu.memory_space<vmem>>, vector<64x1xf32>
      tpu.vector_store %arg9[%swap3A_28, %swap3A_29], %broadcast_in_dim3A_13 {strides = array<i32>} : memref<64x1xf32, #tpu.memory_space<vmem>>, vector<64x1xf32>,
    } else {
    }
    %gt3A = arith.constant 0 : i32
    %gt3A_17 = arith.cmpi sgt, %arg0, %gt3A : i32
    %convert_element_type3A_18 = arith.extui %gt3A_17 : i1 to i32
    %cond3A_19 = arith.constant 0 : i32
    %cond3A_20 = arith.cmpi ne, %convert_element_type3A_18, %cond3A_19 : i32
    scf.if %cond3A_20 {
      %get3A_26 = arith.constant 0 : index
      %get3A_27 = arith.constant 0 : index
      %get3A_28 = vector.load %arg8[%get3A_26, %get3A_27] : memref<64x128xf32, #tpu.memory_space<vmem>>, vector<64x128xf32>
      %add3A = arith.addf %get3A_28, %dot_general3A_11 : vector<64x128xf32>
      %swap3A = arith.constant 0 : index
      %swap3A_29 = arith.constant 0 : index
      %swap3A_30 = vector.load %arg8[%swap3A, %swap3A_29] : memref<64x128xf32, #tpu.memory_space<vmem>>, vector<64x128xf32>
      tpu.vector_store %arg8[%swap3A, %swap3A_29], %add3A {strides = array<i32>} : memref<64x128xf32, #tpu.memory_space<vmem>>, vector<64x128xf32>,
      %get3A_31 = arith.constant 0 : index
      %get3A_32 = arith.constant 0 : index
      %get3A_33 = vector.load %arg9[%get3A_31, %get3A_32] : memref<64x1xf32, #tpu.memory_space<vmem>>, vector<64x1xf32>
      %add3A_34 = arith.addf %get3A_33, %broadcast_in_dim3A_13 : vector<64x1xf32>
      %swap3A_35 = arith.constant 0 : index
      %swap3A_36 = arith.constant 0 : index
      %swap3A_37 = vector.load %arg9[%swap3A_35, %swap3A_36] : memref<64x1xf32, #tpu.memory_space<vmem>>, vector<64x1xf32>
      tpu.vector_store %arg9[%swap3A_35, %swap3A_36], %add3A_34 {strides = array<i32>} : memref<64x1xf32, #tpu.memory_space<vmem>>, vector<64x1xf32>,
    } else {
    }
    %eq3A_21 = arith.constant 7 : i32
    %eq3A_22 = arith.cmpi eq, %arg0, %eq3A_21 : i32
    %convert_element_type3A_23 = arith.extui %eq3A_22 : i1 to i32
    %cond3A_24 = arith.constant 0 : i32
    %cond3A_25 = arith.cmpi ne, %convert_element_type3A_23, %cond3A_24 : i32
    scf.if %cond3A_25 {
      %get3A_26 = arith.constant 0 : index
      %get3A_27 = arith.constant 0 : index
      %get3A_28 = vector.load %arg8[%get3A_26, %get3A_27] : memref<64x128xf32, #tpu.memory_space<vmem>>, vector<64x128xf32>
      %get3A_29 = arith.constant 0 : index
      %get3A_30 = arith.constant 0 : index
      %get3A_31 = vector.load %arg9[%get3A_29, %get3A_30] : memref<64x1xf32, #tpu.memory_space<vmem>>, vector<64x1xf32>
      %max3A = arith.constant 1.000000e+00 : f32
      %max3A_32 = vector.broadcast %max3A : f32 to vector<64x1xf32>
      %max3A_33 = arith.maximumf %get3A_31, %max3A_32 : vector<64x1xf32>
      %div3A = vector.broadcast %max3A_33 : vector<64x1xf32> to vector<64x128xf32>
      %div3A_34 = arith.divf %get3A_28, %div3A : vector<64x128xf32>
      %get3A_35 = arith.constant 0 : index
      %get3A_36 = arith.constant 0 : index
      %get3A_37 = vector.load %arg3[%get3A_35, %get3A_36] : memref<128x128xf32, #tpu.memory_space<vmem>>, vector<128x128xf32>
      %dot_general3A_38 = arith.constant dense<0.000000e+00> : vector<64x128xf32>
      %dot_general3A_39 = tpu.matmul %div3A_34, %get3A_37, %dot_general3A_38 {dimension_numbers = #tpu.dot_dimension_numbers<[1], [0], [0], [1], [0, 0, 1, 1], [], []>, transpose_lhs_hint = false} : vector<64x128xf32>, vector<128x128xf32>, vector<64x128xf32> -> vector<64x128xf32>
      %get3A_40 = arith.constant 0 : index
      %get3A_41 = arith.constant 0 : index
      %get3A_42 = vector.load %arg4[%get3A_40, %get3A_41] : memref<1x128xf32, #tpu.memory_space<vmem>>, vector<1x128xf32>
      %add3A = vector.broadcast %get3A_42 : vector<1x128xf32> to vector<64x128xf32>
      %add3A_43 = arith.addf %dot_general3A_39, %add3A : vector<64x128xf32>
      %max3A_44 = arith.constant 0.000000e+00 : f32
      %max3A_45 = vector.broadcast %max3A_44 : f32 to vector<64x128xf32>
      %max3A_46 = arith.maximumf %add3A_43, %max3A_45 : vector<64x128xf32>
      %get3A_47 = arith.constant 0 : index
      %get3A_48 = arith.constant 0 : index
      %get3A_49 = vector.load %arg5[%get3A_47, %get3A_48] : memref<128x128xf32, #tpu.memory_space<vmem>>, vector<128x128xf32>
      %dot_general3A_50 = arith.constant dense<0.000000e+00> : vector<64x128xf32>
      %dot_general3A_51 = tpu.matmul %max3A_46, %get3A_49, %dot_general3A_50 {dimension_numbers = #tpu.dot_dimension_numbers<[1], [0], [0], [1], [0, 0, 1, 1], [], []>, transpose_lhs_hint = false} : vector<64x128xf32>, vector<128x128xf32>, vector<64x128xf32> -> vector<64x128xf32>
      %get3A_52 = arith.constant 0 : index
      %get3A_53 = arith.constant 0 : index
      %get3A_54 = vector.load %arg6[%get3A_52, %get3A_53] : memref<1x128xf32, #tpu.memory_space<vmem>>, vector<1x128xf32>
      %add3A_55 = vector.broadcast %get3A_54 : vector<1x128xf32> to vector<64x128xf32>
      %add3A_56 = arith.addf %dot_general3A_51, %add3A_55 : vector<64x128xf32>
      %swap3A = arith.constant 0 : index
      %swap3A_57 = arith.constant 0 : index
      %swap3A_58 = vector.load %arg7[%swap3A, %swap3A_57] : memref<64x128xf32, #tpu.memory_space<vmem>>, vector<64x128xf32>
      tpu.vector_store %arg7[%swap3A, %swap3A_57], %add3A_56 {strides = array<i32>} : memref<64x128xf32, #tpu.memory_space<vmem>>, vector<64x128xf32>,
    } else {
    }
    return
  }
  func.func @transform_0(%arg0: i32) -> (i32, i32, i32) {
    %c0_i32 = arith.constant 0 : i32
    %c0_i32_0 = arith.constant 0 : i32
    %c0_i32_1 = arith.constant 0 : i32
    return %arg0, %c0_i32, %c0_i32_0 : i32, i32, i32
  }
  func.func @transform_1(%arg0: i32) -> (i32, i32) {
    %c0_i32 = arith.constant 0 : i32
    %c0_i32_0 = arith.constant 0 : i32
    return %arg0, %c0_i32 : i32, i32
  }
  func.func @transform_2(%arg0: i32) -> (i32, i32) {
    %c0_i32 = arith.constant 0 : i32
    %c0_i32_0 = arith.constant 0 : i32
    %c0_i32_1 = arith.constant 0 : i32
    return %c0_i32, %c0_i32_0 : i32, i32
  }
  func.func @transform_3(%arg0: i32) -> (i32, i32) {
    %c0_i32 = arith.constant 0 : i32
    %c0_i32_0 = arith.constant 0 : i32
    %c0_i32_1 = arith.constant 0 : i32
    return %c0_i32, %c0_i32_0 : i32, i32
  }
  func.func @transform_4(%arg0: i32) -> (i32, i32) {
    %c0_i32 = arith.constant 0 : i32
    %c0_i32_0 = arith.constant 0 : i32
    %c0_i32_1 = arith.constant 0 : i32
    return %c0_i32, %c0_i32_0 : i32, i32
  }
  func.func @transform_5(%arg0: i32) -> (i32, i32) {
    %c0_i32 = arith.constant 0 : i32
    %c0_i32_0 = arith.constant 0 : i32
    %c0_i32_1 = arith.constant 0 : i32
    return %c0_i32, %c0_i32_0 : i32, i32
  }
  func.func @transform_6(%arg0: i32) -> (i32, i32) {
    %c0_i32 = arith.constant 0 : i32
    %c0_i32_0 = arith.constant 0 : i32
    %c0_i32_1 = arith.constant 0 : i32
    return %c0_i32, %c0_i32_0 : i32, i32
  }
}

</mosaic_0001>

<sc_bundles>
// kernel: kernel.18.cloned.1.call-start
scs
__scs_entry_jumppad:
0x0: {  	(pc) =	sbr.rel $0x88, $3  }
0x1: {  	(tag) =	ssettag $0x0;
	lr =	simm.s32 $0x1  }
0x2: {  	[smem:$0x3F8F] =	sst lr;
	_ =	strace $0xD0000000  }
0x3: {  	_ = 	snop  }
0x4: {  	_ = 	snop  }
0x5: {  	_ = 	snop  }
0x6: {  	_ = 	snop  }
0x7: {  	_ = 	snop  }
__scs_overlays_trampoline_lowered:
0x8: {  	[smem:$0x3F9E] =	sst s0  }
0x9: {  	[smem:$0x3F9F] =	sst s1  }
0xa: {  	[smem:$0x3FA0] =	sst s2  }
0xb: {  	[smem:$0x3FA1] =	sst s3  }
0xc: {  	[smem:$0x3FA2] =	sst s4  }
0xd: {  	[smem:$0x3FA3] =	sst s5  }
0xe: {  	[smem:$0x3FA4] =	sst s6  }
0xf: {  	[smem:$0x3FA5] =	sst s7  }
0x10: {  	[smem:$0x3FA6] =	sst s8  }
0x11: {  	[smem:$0x3FA7] =	sst s9;
	s0 =	simm.s32 @!p0 $0x0  }
0x12: {  	s1 =	sld [smem:$0x3F8D];
	s0 =	simm.s32 @p0 $0x1  }
0x13: {  	[smem:$0x3FA8] =	sst s0;
	s0 =	simm.s32 @!p1 $0x0  }
0x14: {  	s2 =	sld [smem:$0x3F8C];
	s0 =	simm.s32 @p1 $0x1  }
0x15: {  	[smem:$0x3FA9] =	sst s0;
	s0 =	simm.s32 @!p2 $0x0  }
0x16: {  	s3 =	sld [smem:$0x3FDB];
	s0 =	simm.s32 @p2 $0x1  }
0x17: {  	s4 =	simm.s32 $0x1BF5;
	[smem:$0x3FAB] =	sst s0  }
0x18: {  	s0 =	sld [smem:$0x3F8E];
	_ =	swait.ge [sflag:s4], $0x0  }
0x19: {  	s7 =	sld [smem:$0x3F8F]  }
0x1a: {  	s8 =	sadd.s32 $0xFFFFE003, lr  }
0x1b: {  	s9 =	sadd.s32 $0xFFFFFEF7, lr;
	s5 =	simm.s32 $0xFFFFFFFF;
	p2 =	slt.u32 s8, $0xFFFFF086  }
0x1c: {  	p1 =	slt.u32 s9, $0xF7A;
	s5 =	simm.s32 @!p2 $0x0  }
0x1d: {  	s5 =	simm.s32 @p1 $0x1;
	p0 =	seq.s32 s7, s2  }
0x1e: {  	s7 =	smul.u32 @!p0 $0xF7A, s2;
	p2 =	seq.s32 @!p0 s5, $0x0  }
0x1f: {  	s9 =	smul.u32 $0xF7A, s1;
	s8 =	simm.s32 @!p0 $0x1BF5;
	p2 =	por !p2, p0  }
0x20: {  	[sflag:s8] =	ssyncset.s32 @!p0 $0xFFFFF086;
	s6 =	sadd.s32 @!p0 s3, s7;
	s7 =	simm.s32 @!p0 $0x108  }
0x21: {  	s3 =	sadd.s32 s3, s9;
	s6 =	sadd.s32 @!p0 $0x88, s6;
	s7 =	simm.s32 @p2 $0x1082  }
0x22: {  	[simem:s7], [sflag:s8] =	dma.local @!p0 [hbm:s6], $0xF7A  }
0x23: {  	s9 =	sor.u32 $0xD0000000, s2;
	s6 =	simm.s32 $0x108;
	_ =	swait.ge @!p0 [sflag:s8], $0x0  }
0x24: {  	s3 =	sadd.s32 $0x88, s3;
	s6 =	simm.s32 @!p1 $0x1082;
	[sflag:s4] =	ssyncset.s32 $0xFFFFF086  }
0x25: {  	[simem:s6], [sflag:s4] =	dma.local [hbm:s3], $0xF7A  }
0x26: {  	[smem:$0x3F8F] =	sst s1;
	(tag) =	ssettag s2;
	_ =	strace s9  }
0x27: {  	s1 =	sld [smem:$0x3F9F]  }
0x28: {  	s2 =	sld [smem:$0x3FA0]  }
0x29: {  	s4 =	sld [smem:$0x3FA2]  }
0x2a: {  	p0 =	seq.s32 s5, $0x0;
	s5 =	sld [smem:$0x3FA3]  }
0x2b: {  	s6 =	sld [smem:$0x3FA4]  }
0x2c: {  	s7 =	sld [smem:$0x3FA5]  }
0x2d: {  	s3 =	simm.s32 $0x108;
	s8 =	sld [smem:$0x3FA6]  }
0x2e: {  	s3 =	simm.s32 @!p0 $0x1082;
	s9 =	sld [smem:$0x3FA7]  }
0x2f: {  	lr =	sadd.s32 s0, s3;
	s0 =	sld [smem:$0x3F9E]  }
0x30: {  	s3 =	sld [smem:$0x3FA1]  }
0x31: {  	[smem:$0x3FAA] =	sst s10  }
0x32: {  	s10 =	sld [smem:$0x3FA8];
	_ =	sdelay $0x3  }
0x33: {  	p0 =	seq.s32 s10, $0x1;
	s10 =	sld [smem:$0x3FAA];
	_ =	sdelay $0x3  }
0x34: {  	[smem:$0x3FAA] =	sst s10  }
0x35: {  	s10 =	sld [smem:$0x3FA9];
	_ =	sdelay $0x3  }
0x36: {  	p1 =	seq.s32 s10, $0x1;
	s10 =	sld [smem:$0x3FAA];
	_ =	sdelay $0x3  }
0x37: {  	[smem:$0x3FAA] =	sst s10  }
0x38: {  	s10 =	sld [smem:$0x3FAB]  }
0x39: {  	_ = 	snop;
	(pc) =	sbr.ind lr, $3  }
0x3a: {  	_ = 	snop  }
0x3b: {  	_ = 	snop  }
0x3c: {  	p2 =	seq.s32 s10, $0x1;
	s10 =	sld [smem:$0x3FAA]  }
0x3d: {  	_ =	shalt  }
0x3e: {  	_ =	shalt  }
0x3f: {  	_ =	shalt  }
0x40: {  	_ =	shalt  }
0x41: {  	_ =	shalt  }
0x42: {  	_ =	shalt  }
0x43: {  	_ =	shalt  }
0x44: {  	_ =	shalt  }
0x45: {  	_ =	shalt  }
0x46: {  	_ =	shalt  }
0x47: {  	_ =	shalt  }
0x48: {  	_ =	shalt  }
0x49: {  	_ =	shalt  }
0x4a: {  	_ =	shalt  }
0x4b: {  	_ =	shalt  }
0x4c: {  	_ =	shalt  }
0x4d: {  	_ =	shalt  }
0x4e: {  	_ =	shalt  }
0x4f: {  	_ =	shalt  }
0x50: {  	_ =	shalt  }
0x51: {  	_ =	shalt  }
0x52: {  	_ =	shalt  }
0x53: {  	_ =	shalt  }
0x54: {  	_ =	shalt  }
0x55: {  	_ =	shalt  }
0x56: {  	_ =	shalt  }
0x57: {  	_ =	shalt  }
0x58: {  	_ =	shalt  }
0x59: {  	_ =	shalt  }
0x5a: {  	_ =	shalt  }
0x5b: {  	_ =	shalt  }
0x5c: {  	_ =	shalt  }
0x5d: {  	_ =	shalt  }
0x5e: {  	_ =	shalt  }
0x5f: {  	_ =	shalt  }
0x60: {  	_ =	shalt  }
0x61: {  	_ =	shalt  }
0x62: {  	_ =	shalt  }
0x63: {  	_ =	shalt  }
0x64: {  	_ =	shalt  }
0x65: {  	_ =	shalt  }
0x66: {  	_ =	shalt  }
0x67: {  	_ =	shalt  }
0x68: {  	_ =	shalt  }
0x69: {  	_ =	shalt  }
0x6a: {  	_ =	shalt  }
0x6b: {  	_ =	shalt  }
0x6c: {  	_ =	shalt  }
0x6d: {  	_ =	shalt  }
0x6e: {  	_ =	shalt  }
0x6f: {  	_ =	shalt  }
0x70: {  	_ =	shalt  }
0x71: {  	_ =	shalt  }
0x72: {  	_ =	shalt  }
0x73: {  	_ =	shalt  }
0x74: {  	_ =	shalt  }
0x75: {  	_ =	shalt  }
0x76: {  	_ =	shalt  }
0x77: {  	_ =	shalt  }
0x78: {  	_ =	shalt  }
0x79: {  	_ =	shalt  }
0x7a: {  	_ =	shalt  }
0x7b: {  	_ =	shalt  }
0x7c: {  	_ =	shalt  }
0x7d: {  	_ =	shalt  }
0x7e: {  	_ =	shalt  }
0x7f: {  	_ =	shalt  }
0x80: {  	_ =	shalt  }
0x81: {  	_ =	shalt  }
0x82: {  	_ =	shalt  }
0x83: {  	_ =	shalt  }
0x84: {  	_ =	shalt  }
0x85: {  	_ =	shalt  }
0x86: {  	_ =	shalt  }
0x87: {  	_ =	shalt  }
.Lfunc_end0:
.L_simem_size_0:
called_computation_lowered:
.L_overlay_start_0:
0x88: {  	s2 =	sld [smem:$0x3FD9]  }
0x89: {  	s3 =	sld [smem:$0x3FFE];
	_ =	sdelay $0x1  }
0x8a: {  	s1 =	srdreg.scid  }
0x8b: {  	s0 =	sand.u32 $0x1, s1  }
0x8c: {  	s16 =	sshll.u32 s0, $0xA;
	s2 =	sadd.s32 s3, s2  }
0x8d: {  	s2 =	sadd.s32 s2, s16  }
0x8e: {  	[smem:$0x3FB6] =	sst s2  }
0x8f: {  	_ = 	snop  }
0x90: {  	(tm) =	ssettm $0x1  }
0x91: {  	s17 =	sld [smem:$0x3FFB];
	_ =	sdelay $0x3  }
0x92: {  	_ =	strace s17  }
0x93: {  	s2 =	sld [smem:$0x3FFC];
	_ =	sdelay $0x3  }
0x94: {  	_ =	strace s2  }
0x95: {  	s2 =	sld [smem:$0x3FFD];
	_ =	sdelay $0x3  }
0x96: {  	_ =	strace s2  }
0x97: {  	_ =	strace $0x8FFFFFFF  }
0x98: {  	s18 =	sld [smem:$0x3FDB];
	_ =	sdelay $0x1  }
0x99: {  	s19 =	simm.s32 $_scs_section_size  }
0x9a: {  	s4 =	simm.s32 $_size__tile_overlayer_lowered;
	s5 =	simm.s32 $_tile_overlayer_lowered  }
0x9b: {  	s22 =	simm.s32 $0x1BFF;
	s21 =	sshll.u32 s5, $0x1;
	s2 =	sadd.s32 s19, s18  }
0x9c: {  	s6 =	simm.s32 $0x0;
	s20 =	sshll.u32 s4, $0x1;
	s4 =	sadd.s32 s21, s2  }
0x9d: {  	[timem:s6], [sflag:s22] =	dma.local [hbm:s4], s20  }
0x9e: {  	_ =	swait.ge [sflag:s22], s20  }
0x9f: {  	s3 =	ssub.s32 $0x0, s20;
	[sflag:s22] =	ssyncset.done $0x0  }
0xa0: {  	[sflag:s22] =	ssyncadd.s32 s3;
	_ =	sdelay $0x1  }
0xa1: {  	s23 =	simm.s32 $0x1B8B  }
0xa2: {  	_ =	swait.ge [sflag:s23], $0x1  }
0xa3: {  	[sflag:s23] =	ssyncset.done $0x0  }
0xa4: {  	s25 =	simm.s32 $0x1B8E;
	s24 =	sld [smem:$0x3FFE];
	[sflag:s23] =	ssyncadd.s32 $0xFFFFFFFF  }
0xa5: {  	s26 =	simm.s32 $execute0_lowered;
	[smem:$0x3FD2] =	sst s25  }
0xa6: {  	s4 =	sshll.u32 s26, $0x1;
	_ =	strace $0x80000046;
	[dreg:$0x1] =	wrdreg $0xFFFFFFFF  }
0xa7: {  	s28 =	simm.s32 $_size_execute0_lowered;
	s2 =	sadd.s32 s2, s4;
	[dreg:$0x0] =	wrdreg $0x0  }
0xa8: {  	s4 =	sshll.u32 s28, $0x1;
	[dreg:$0x2] =	wrdreg s2  }
0xa9: {  	[dreg:$0x3] =	wrdreg s4  }
0xaa: {  	[dreg:$0x4] =	wrdreg $0xC0  }
0xab: {  	_ =	task [dreg:s6], $0x5FFFF  }
0xac: {  	[dreg:$0x1] =	wrdreg $0xFFFFFFFF  }
0xad: {  	[dreg:$0x0] =	wrdreg $0x60  }
0xae: {  	[dreg:$0x2] =	wrdreg s24  }
0xaf: {  	[dreg:$0x3] =	wrdreg $0x40800  }
0xb0: {  	[dreg:$0x4] =	wrdreg $0x9  }
0xb1: {  	_ =	task.clear_ibuf [dreg:s6], $0x5FFFF;
	_ =	strace $0x90000046  }
0xb2: {  	s29 =	simm.s32 $0x9;
	_ =	strace $0x80000048  }
0xb3: {  	_ =	swait.ge [sflag:s29], $0x1  }
0xb4: {  	[sflag:s29] =	ssyncadd.s32 $0xFFFFFFFF  }
0xb5: {  	_ =	strace $0x90000048  }
0xb6: {  	_ =	sfence  }
0xb7: {  	s30 =	sld [smem:$0x0];
	_ =	sdelay $0x2  }
0xb8: {  	s31 =	sshll.u32 s1, $0xD;
	s1 =	sshrl.u32 s1, $0x2  }
0xb9: {  	s3 =	sand.u32 $0x4000, s31;
	s1 =	sadd.s32 s1, s30  }
0xba: {  	s0 =	sor.u32 s3, s0;
	s1 =	sshll.u32 s1, $0x11  }
0xbb: {  	s0 =	sor.u32 s1, s0  }
0xbc: {  	s0 =	sadd.s32 $0x8F2B, s0  }
0xbd: {  	[sflag:s0] =	ssyncadd.remote.s32 $0x1  }
0xbe: {  	_ =	sfence.sel $0xFFFF  }
0xbf: {  	[dreg:$0x0] =	wrdreg $0xFFFFFFFF;
	(pc) =	sbr.abs _section_cstart, $3  }
0xc0: {  	[dreg:$0x1] =	wrdreg $0xFFFFFFFF  }
0xc1: {  	_ =	task.clear_ibuf [dreg:s6], $0x2FFFF;
	_ =	strace $0x9FFFFFFF  }
0xc2: {  	(tm) =	ssettm $0x7FFFFFFF  }
0xc3: {  	_ =	shalt  }
tec
execute0_lowered:
.L_overlay_start_1:
0x0: {  	(tag) =	ssettag $0x1  }
0x1: {  	s6 =	rddreg [dreg:$0x0]  }
0x2: {  	s1 =	rddreg [dreg:$0x1]  }
0x3: {  	s0 =	rddreg [dreg:$0x2];
	s3 =	simm.s32 $0x0;
	s4 =	srdreg.scid  }
0x4: {  	s2 =	stileid.u32;
	s22 =	simm.s32 $0x1;
	s23 =	simm.s32 $0x0  }
0x5: {  	s8 =	sand.u32 $0x1, s4;
	s9 =	smul.u32 $0x50000, s2;
	s4 =	sadd.s32 $0x9E5800, s6  }
0x6: {  	[smem:$0x7FF] =	sst s3;
	s11 =	smul.u32 $0x14000, s2;
	s5 =	sadd.s32 $0x4EBA00, s6  }
0x7: {  	s17 =	sadd.s32 $0x3B200, s6;
	_ =	strace $0x80000047;
	s7 =	ssub.s32 $0x2, s8  }
0x8: {  	s30 =	sshll.u32 s8, $0x4;
	s19 =	smul.u32 $0x140000, s8;
	s10 =	sshrl.u32 s7, $0x1  }
0x9: {  	s31 =	sshrl.u32 s9, $0x2;
	s12 =	sadd.s32 $0x4000, s11;
	s13 =	sor.u32 s2, s30  }
0xa: {  	s15 =	sadd.s32 $0x8000, s11;
	s16 =	sadd.s32 $0xC000, s11;
	s20 =	sadd.s32 $0x10000, s11  }
0xb: {  	s18 =	ssub.s32 s7, s10;
	s6 =	sadd.s32 s31, s1;
	s7 =	sadd.s32 s12, s1  }
0xc: {  	s8 =	sadd.s32 s15, s1;
	s9 =	sadd.s32 s16, s1;
	s10 =	sadd.s32 s20, s1  }
0xd: {  	s14 =	sadd.s32 s11, s19;
	s12 =	sadd.s32 s19, s12;
	s11 =	smul.u32 $0x13C000, s13  }
0xe: {  	s15 =	sadd.s32 s19, s15;
	s16 =	sadd.s32 s19, s16;
	s19 =	sadd.s32 s19, s20  }
0xf: {  	s20 =	simm.s32 $0x3;
	s14 =	sshrl.u32 s14, $0x3;
	s21 =	sshrl.u32 s12, $0x3  }
0x10: {  	s12 =	smul.u32 $0x4F, s13;
	s15 =	sshrl.u32 s15, $0x3;
	s16 =	sshrl.u32 s16, $0x3  }
0x11: {  	s19 =	sshrl.u32 s19, $0x3;
	s18 =	smax.u32 s18, $0x1;
	s13 =	sadd.s32 s17, s14  }
0x12: {  	s14 =	sadd.s32 s17, s21;
	s15 =	sadd.s32 s17, s15;
	s16 =	sadd.s32 s17, s16  }
0x13: {  	v0 =	vimm.f32 $0.0e+00;
	s17 =	sadd.s32 s17, s19;
	s19 =	simm.s32 $0x80;
	s21 =	simm.s32 $0x2  }
.LBB2_1:
0x14: {  	s24 =	simm.s32 $0x0;
	s25 =	simm.s32 $0x200  }
.LBB2_2:
0x15: {  	p0 =	sne.s32 s25, $0xFE00;
	[tilespmem:s24+$0xF0] =	vst v0  }
0x16: {  	[tilespmem:s24+$0x80] =	vst v0  }
0x17: {  	[tilespmem:s24+$0x90] =	vst v0  }
.Ltmp0:
0x18: {  	[tilespmem:s24+$0xA0] =	vst v0;
	(pc) =	sbr.rel @p0 .LBB2_2-.Ltmp0, $4  }
0x19: {  	[tilespmem:s24+$0xB0] =	vst v0  }
0x1a: {  	[tilespmem:s24+$0xC0] =	vst v0  }
0x1b: {  	[tilespmem:s24+$0xD0] =	vst v0  }
0x1c: {  	[tilespmem:s24+$0xE0] =	vst v0;
	s24 =	sshra.s32 s25, $0x2;
	s25 =	sadd.s32 $0x200, s25  }
0x1d: {  	[tilespmem:s24+$0xF0] =	vst v0  }
0x1e: {  	[tilespmem:s24+$0x80] =	vst v0  }
0x1f: {  	[tilespmem:s24+$0x90] =	vst v0  }
0x20: {  	[tilespmem:s24+$0xA0] =	vst v0  }
0x21: {  	[tilespmem:s24+$0xB0] =	vst v0  }
0x22: {  	[tilespmem:s24+$0xC0] =	vst v0  }
0x23: {  	[tilespmem:s24+$0xD0] =	vst v0  }
0x24: {  	[tilespmem:s24+$0xE0] =	vst v0  }
0x25: {  	[spmem:s6] =	stream.linear.scatter [tilespmem:s19], [sflag:$0x3], $0x4000, $0x38;
	[tilespmem:$0x18080] =	vst v63  }
0x26: {  	_ =	swait.ge [sflag:s20], $0x4000  }
0x27: {  	[sflag:s20] =	ssyncset.done $0x0  }
0x28: {  	[sflag:s20] =	ssyncadd.s32 $0xFFFFC000  }
0x29: {  	[spmem:s7] =	stream.linear.scatter [tilespmem:s19], [sflag:$0x3], $0x4000, $0x38;
	[tilespmem:$0x18080] =	vst v63  }
0x2a: {  	_ =	swait.ge [sflag:s20], $0x4000  }
0x2b: {  	[sflag:s20] =	ssyncset.done $0x0  }
0x2c: {  	[sflag:s20] =	ssyncadd.s32 $0xFFFFC000  }
0x2d: {  	[spmem:s8] =	stream.linear.scatter [tilespmem:s19], [sflag:$0x3], $0x4000, $0x38;
	[tilespmem:$0x18080] =	vst v63  }
0x2e: {  	_ =	swait.ge [sflag:s20], $0x4000  }
0x2f: {  	[sflag:s20] =	ssyncset.done $0x0  }
0x30: {  	[sflag:s20] =	ssyncadd.s32 $0xFFFFC000  }
0x31: {  	[spmem:s9] =	stream.linear.scatter [tilespmem:s19], [sflag:$0x3], $0x4000, $0x38;
	[tilespmem:$0x18080] =	vst v63  }
0x32: {  	_ =	swait.ge [sflag:s20], $0x4000  }
0x33: {  	[sflag:s20] =	ssyncset.done $0x0  }
0x34: {  	[sflag:s20] =	ssyncadd.s32 $0xFFFFC000  }
0x35: {  	[spmem:s10] =	stream.linear.scatter [tilespmem:s19], [sflag:$0x3], $0x4000, $0x38;
	[tilespmem:$0x18080] =	vst v63  }
0x36: {  	_ =	swait.ge [sflag:s20], $0x4000  }
0x37: {  	[sflag:s20] =	ssyncset.done $0x0  }
0x38: {  	[sflag:s20] =	ssyncadd.s32 $0xFFFFC000  }
0x39: {  	s24 =	simm.s32 $0x0;
	s25 =	simm.s32 $0x0;
	[bflag:$0x0] =	sbarrier.arrive $0xFFFF  }
.LBB2_4:
0x3a: {  	s26 =	sshll.u32 s25, $0xE  }
0x3b: {  	s26 =	sadd.s32 s11, s26  }
0x3c: {  	s26 =	sshrl.u32 s26, $0x3  }
0x3d: {  	s31 =	sadd.s32 s12, s25;
	s26 =	sadd.s32 s4, s26  }
0x3e: {  	[tilespmem:s19], [sflag:$0x2] =	stream.linear.gather [hbm4b:s26+s24], $0x4000, $0x38;
	[tilespmem:$0x18080] =	vst v63  }
0x3f: {  	s26 =	sshll.u32 s31, $0x4  }
0x40: {  	s26 =	sadd.s32 s5, s26  }
0x41: {  	[tilespmem:s24], [sflag:$0x1] =	stream.linear.gather [hbm4b:s26+s24], $0x80, $0x38;
	[tilespmem:$0x18080] =	vst v63  }
0x42: {  	_ =	swait.ge [sflag:s21], $0x4000  }
0x43: {  	[sflag:s21] =	ssyncset.done $0x0  }
0x44: {  	s26 =	simm.s32 $0x0;
	[sflag:s21] =	ssyncadd.s32 $0xFFFFC000  }
0x45: {  	v3 =	vld [tilespmem:s26+$0x80]  }
0x46: {  	v5 =	vld [tilespmem:s26+$0x90]  }
0x47: {  	v4 =	vld [tilespmem:s26+$0xA0]  }
0x48: {  	v2 =	vld [tilespmem:s26+$0xB0]  }
0x49: {  	v1 =	vld [tilespmem:s26+$0xC0]  }
0x4a: {  	v6 =	vmax.f32 v3, $0.0e+00;
	v3 =	vld [tilespmem:s26+$0xD0]  }
0x4b: {  	s28 =	simm.s32 $0x200;
	[tilespmem:s26+$0x80] =	vst v6;
	v6 =	vmax.f32 v5, $0.0e+00;
	v5 =	vld [tilespmem:s26+$0xE0]  }
.LBB2_5:
0x4c: {  	s29 =	sshra.s32 s28, $0x2;
	p0 =	sne.s32 s28, $0xFE00;
	[tilespmem:s26+$0x90] =	vst v6;
	v4 =	vmax.f32 v4, $0.0e+00;
	v6 =	vld [tilespmem:s26+$0xF0]  }
0x4d: {  	v7 =	vld [tilespmem:s29+$0x80];
	[tilespmem:s26+$0xA0] =	vst v4;
	v2 =	vmax.f32 v2, $0.0e+00  }
0x4e: {  	v8 =	vld [tilespmem:s29+$0x90];
	[tilespmem:s26+$0xB0] =	vst v2;
	v1 =	vmax.f32 v1, $0.0e+00  }
.Ltmp1:
0x4f: {  	v4 =	vld [tilespmem:s29+$0xA0];
	[tilespmem:s26+$0xC0] =	vst v1;
	v1 =	vmax.f32 v3, $0.0e+00;
	(pc) =	sbr.rel @p0 .LBB2_5-.Ltmp1, $4  }
0x50: {  	v2 =	vld [tilespmem:s29+$0xB0];
	[tilespmem:s26+$0xD0] =	vst v1;
	v3 =	vmax.f32 v5, $0.0e+00  }
0x51: {  	v1 =	vld [tilespmem:s29+$0xC0];
	[tilespmem:s26+$0xE0] =	vst v3;
	v5 =	vmax.f32 v6, $0.0e+00  }
0x52: {  	v6 =	vmax.f32 v7, $0.0e+00;
	v3 =	vld [tilespmem:s29+$0xD0];
	[tilespmem:s26+$0xF0] =	vst v5;
	s26 =	smov.u32 s29  }
0x53: {  	s28 =	sadd.s32 $0x200, s28;
	[tilespmem:s26+$0x80] =	vst v6;
	v6 =	vmax.f32 v8, $0.0e+00;
	v5 =	vld [tilespmem:s26+$0xE0]  }
0x54: {  	[tilespmem:s26+$0x90] =	vst v6;
	v4 =	vmax.f32 v4, $0.0e+00;
	v63 =	vld [tilespmem:s26+$0xF0]  }
0x55: {  	[tilespmem:s26+$0xA0] =	vst v4;
	v2 =	vmax.f32 v2, $0.0e+00  }
0x56: {  	[tilespmem:s26+$0xB0] =	vst v2;
	v1 =	vmax.f32 v1, $0.0e+00  }
0x57: {  	[tilespmem:s26+$0xC0] =	vst v1;
	v1 =	vmax.f32 v3, $0.0e+00  }
0x58: {  	[tilespmem:s26+$0xD0] =	vst v1;
	v1 =	vmax.f32 v5, $0.0e+00  }
0x59: {  	[tilespmem:s26+$0xE0] =	vst v1;
	v1 =	vmax.f32 v63, $0.0e+00  }
0x5a: {  	[tilespmem:s26+$0xF0] =	vst v1  }
0x5b: {  	s25 =	sadd.s32 $0x1, s25;
	_ =	swait.ge [sflag:s22], $0x80  }
0x5c: {  	p0 =	sne.s32 s25, $0x4F;
	[sflag:s22] =	ssyncset.done $0x0  }
.Ltmp2:
0x5d: {  	[sflag:s22] =	ssyncadd.s32 $0xFFFFFF80;
	(pc) =	sbr.rel @p0 .LBB2_4-.Ltmp2, $4  }
0x5e: {  	[spmem:s1] =	stream.indirect.scatter.add.f32 [tilespmem:s19], [sflag:$0x3], $0x80, s3, s19, $0xb8;
	[tilespmem:$0x18080] =	vst v63  }
0x5f: {  	_ =	swait.ge [sflag:s20], $0x4000  }
0x60: {  	[sflag:s20] =	ssyncset.done $0x0  }
0x61: {  	[sflag:s20] =	ssyncadd.s32 $0xFFFFC000  }
0x62: {  	[bflag:$0x0] =	sbarrier.arrive $0xFFFF  }
0x63: {  	[tilespmem:s19], [sflag:$0x3] =	stream.linear.gather [spmem:s6], $0x4000, $0x38;
	[tilespmem:$0x18080] =	vst v63  }
0x64: {  	_ =	swait.ge [sflag:s20], $0x4000  }
0x65: {  	[sflag:s20] =	ssyncset.done $0x0  }
0x66: {  	[sflag:s20] =	ssyncadd.s32 $0xFFFFC000  }
0x67: {  	[hbm4b:s13+s3] =	stream.linear.scatter [tilespmem:s19], [sflag:$0x3], $0x4000, $0x38;
	[tilespmem:$0x18080] =	vst v63  }
0x68: {  	_ =	swait.ge [sflag:s20], $0x4000  }
0x69: {  	[sflag:s20] =	ssyncset.done $0x0  }
0x6a: {  	[sflag:s20] =	ssyncadd.s32 $0xFFFFC000  }
0x6b: {  	[tilespmem:s19], [sflag:$0x3] =	stream.linear.gather [spmem:s7], $0x4000, $0x38;
	[tilespmem:$0x18080] =	vst v63  }
0x6c: {  	_ =	swait.ge [sflag:s20], $0x4000  }
0x6d: {  	[sflag:s20] =	ssyncset.done $0x0  }
0x6e: {  	[sflag:s20] =	ssyncadd.s32 $0xFFFFC000  }
0x6f: {  	[hbm4b:s14+s3] =	stream.linear.scatter [tilespmem:s19], [sflag:$0x3], $0x4000, $0x38;
	[tilespmem:$0x18080] =	vst v63  }
0x70: {  	_ =	swait.ge [sflag:s20], $0x4000  }
0x71: {  	[sflag:s20] =	ssyncset.done $0x0  }
0x72: {  	[sflag:s20] =	ssyncadd.s32 $0xFFFFC000  }
0x73: {  	[tilespmem:s19], [sflag:$0x3] =	stream.linear.gather [spmem:s8], $0x4000, $0x38;
	[tilespmem:$0x18080] =	vst v63  }
0x74: {  	_ =	swait.ge [sflag:s20], $0x4000  }
0x75: {  	[sflag:s20] =	ssyncset.done $0x0  }
0x76: {  	[sflag:s20] =	ssyncadd.s32 $0xFFFFC000  }
0x77: {  	[hbm4b:s15+s3] =	stream.linear.scatter [tilespmem:s19], [sflag:$0x3], $0x4000, $0x38;
	[tilespmem:$0x18080] =	vst v63  }
0x78: {  	_ =	swait.ge [sflag:s20], $0x4000  }
0x79: {  	[sflag:s20] =	ssyncset.done $0x0  }
0x7a: {  	[sflag:s20] =	ssyncadd.s32 $0xFFFFC000  }
0x7b: {  	[tilespmem:s19], [sflag:$0x3] =	stream.linear.gather [spmem:s9], $0x4000, $0x38;
	[tilespmem:$0x18080] =	vst v63  }
0x7c: {  	_ =	swait.ge [sflag:s20], $0x4000  }
0x7d: {  	[sflag:s20] =	ssyncset.done $0x0  }
0x7e: {  	[sflag:s20] =	ssyncadd.s32 $0xFFFFC000  }
0x7f: {  	[hbm4b:s16+s3] =	stream.linear.scatter [tilespmem:s19], [sflag:$0x3], $0x4000, $0x38;
	[tilespmem:$0x18080] =	vst v63  }
0x80: {  	_ =	swait.ge [sflag:s20], $0x4000  }
0x81: {  	[sflag:s20] =	ssyncset.done $0x0  }
0x82: {  	[sflag:s20] =	ssyncadd.s32 $0xFFFFC000  }
0x83: {  	[tilespmem:s19], [sflag:$0x3] =	stream.linear.gather [spmem:s10], $0x4000, $0x38;
	[tilespmem:$0x18080] =	vst v63  }
0x84: {  	s23 =	sadd.s32 $0x1, s23;
	_ =	swait.ge [sflag:s20], $0x4000  }
0x85: {  	p0 =	sne.s32 s23, s18;
	[sflag:s20] =	ssyncset.done $0x0  }
.Ltmp3:
0x86: {  	[sflag:s20] =	ssyncadd.s32 $0xFFFFC000;
	(pc) =	sbr.rel @p0 .LBB2_1-.Ltmp3, $4  }
0x87: {  	[hbm4b:s17+s3] =	stream.linear.scatter [tilespmem:s19], [sflag:$0x3], $0x4000, $0x38;
	[tilespmem:$0x18080] =	vst v63  }
0x88: {  	_ =	swait.ge [sflag:s20], $0x4000  }
0x89: {  	[sflag:s20] =	ssyncset.done $0x0  }
0x8a: {  	[sflag:s20] =	ssyncadd.s32 $0xFFFFC000  }
0x8b: {  	_ =	sfence.sel $0x180000  }
0x8c: {  	[bflag:$0x0] =	sbarrier.arrive $0xFFFF  }
0x8d: {  	p0 =	sne.s32 s2, $0x0;
	_ =	strace $0x90000047  }
0x8e: {  	s0 =	sadd.s32 @!p0 $0x100000, s0;
	[bflag:$0x2] =	sbarrier.arrive $0xFFFF  }
0x8f: {  	[sflag:s0] =	ssyncadd.tile.s32 @!p0 $0x1;
	_ =	shalt  }
.Lfunc_end2:
_tile_overlayer_lowered:
.L_overlay_start_2:
0x90: {  	(tag) =	ssettag $0x2  }
0x91: {  	s0 =	rddreg [dreg:$0x0];
	s2 =	stileid.u32  }
0x92: {  	s1 =	rddreg [dreg:$0x1];
	p0 =	sne.s32 s2, $0x0  }
0x93: {  	s3 =	rddreg [dreg:$0x2];
	[bflag:$0x3] =	sbarrier.arrive $0xFFFF;
	s2 =	simm.s32 @!p0 $0x1C03  }
0x94: {  	[timem:s3], [sflag:s2] =	dma.local @!p0 [hbm:s0], s1  }
0x95: {  	s0 =	simm.s32 @!p0 $0x3  }
0x96: {  	_ =	swait.ge @!p0 [sflag:s0], s1  }
0x97: {  	s1 =	ssub.s32 @!p0 $0x0, s1;
	[sflag:s0] =	ssyncset.done @!p0 $0x0  }
0x98: {  	[sflag:s0] =	ssyncadd.s32 @!p0 s1  }
0x99: {  	[bflag:$0x3] =	sbarrier.arrive $0xFFFF  }
0x9a: {  	_ =	shalt  }

// kernel: kernel.21.cloned.1.call-start
scs
__scs_entry_jumppad:
0x0: {  	(pc) =	sbr.rel $0x88, $3  }
0x1: {  	(tag) =	ssettag $0x0;
	lr =	simm.s32 $0x1  }
0x2: {  	[smem:$0x3F8F] =	sst lr;
	_ =	strace $0xD0000000  }
0x3: {  	_ = 	snop  }
0x4: {  	_ = 	snop  }
0x5: {  	_ = 	snop  }
0x6: {  	_ = 	snop  }
0x7: {  	_ = 	snop  }
__scs_overlays_trampoline_lowered:
0x8: {  	[smem:$0x3F9E] =	sst s0  }
0x9: {  	[smem:$0x3F9F] =	sst s1  }
0xa: {  	[smem:$0x3FA0] =	sst s2  }
0xb: {  	[smem:$0x3FA1] =	sst s3  }
0xc: {  	[smem:$0x3FA2] =	sst s4  }
0xd: {  	[smem:$0x3FA3] =	sst s5  }
0xe: {  	[smem:$0x3FA4] =	sst s6  }
0xf: {  	[smem:$0x3FA5] =	sst s7  }
0x10: {  	[smem:$0x3FA6] =	sst s8  }
0x11: {  	[smem:$0x3FA7] =	sst s9;
	s0 =	simm.s32 @!p0 $0x0  }
0x12: {  	s1 =	sld [smem:$0x3F8D];
	s0 =	simm.s32 @p0 $0x1  }
0x13: {  	[smem:$0x3FA8] =	sst s0;
	s0 =	simm.s32 @!p1 $0x0  }
0x14: {  	s2 =	sld [smem:$0x3F8C];
	s0 =	simm.s32 @p1 $0x1  }
0x15: {  	[smem:$0x3FA9] =	sst s0;
	s0 =	simm.s32 @!p2 $0x0  }
0x16: {  	s3 =	sld [smem:$0x3FDB];
	s0 =	simm.s32 @p2 $0x1  }
0x17: {  	s4 =	simm.s32 $0x1BF5;
	[smem:$0x3FAB] =	sst s0  }
0x18: {  	s0 =	sld [smem:$0x3F8E];
	_ =	swait.ge [sflag:s4], $0x0  }
0x19: {  	s7 =	sld [smem:$0x3F8F]  }
0x1a: {  	s8 =	sadd.s32 $0xFFFFE003, lr  }
0x1b: {  	s9 =	sadd.s32 $0xFFFFFEF7, lr;
	s5 =	simm.s32 $0xFFFFFFFF;
	p2 =	slt.u32 s8, $0xFFFFF086  }
0x1c: {  	p1 =	slt.u32 s9, $0xF7A;
	s5 =	simm.s32 @!p2 $0x0  }
0x1d: {  	s5 =	simm.s32 @p1 $0x1;
	p0 =	seq.s32 s7, s2  }
0x1e: {  	s7 =	smul.u32 @!p0 $0xF7A, s2;
	p2 =	seq.s32 @!p0 s5, $0x0  }
0x1f: {  	s9 =	smul.u32 $0xF7A, s1;
	s8 =	simm.s32 @!p0 $0x1BF5;
	p2 =	por !p2, p0  }
0x20: {  	[sflag:s8] =	ssyncset.s32 @!p0 $0xFFFFF086;
	s6 =	sadd.s32 @!p0 s3, s7;
	s7 =	simm.s32 @!p0 $0x108  }
0x21: {  	s3 =	sadd.s32 s3, s9;
	s6 =	sadd.s32 @!p0 $0x88, s6;
	s7 =	simm.s32 @p2 $0x1082  }
0x22: {  	[simem:s7], [sflag:s8] =	dma.local @!p0 [hbm:s6], $0xF7A  }
0x23: {  	s9 =	sor.u32 $0xD0000000, s2;
	s6 =	simm.s32 $0x108;
	_ =	swait.ge @!p0 [sflag:s8], $0x0  }
0x24: {  	s3 =	sadd.s32 $0x88, s3;
	s6 =	simm.s32 @!p1 $0x1082;
	[sflag:s4] =	ssyncset.s32 $0xFFFFF086  }
0x25: {  	[simem:s6], [sflag:s4] =	dma.local [hbm:s3], $0xF7A  }
0x26: {  	[smem:$0x3F8F] =	sst s1;
	(tag) =	ssettag s2;
	_ =	strace s9  }
0x27: {  	s1 =	sld [smem:$0x3F9F]  }
0x28: {  	s2 =	sld [smem:$0x3FA0]  }
0x29: {  	s4 =	sld [smem:$0x3FA2]  }
0x2a: {  	p0 =	seq.s32 s5, $0x0;
	s5 =	sld [smem:$0x3FA3]  }
0x2b: {  	s6 =	sld [smem:$0x3FA4]  }
0x2c: {  	s7 =	sld [smem:$0x3FA5]  }
0x2d: {  	s3 =	simm.s32 $0x108;
	s8 =	sld [smem:$0x3FA6]  }
0x2e: {  	s3 =	simm.s32 @!p0 $0x1082;
	s9 =	sld [smem:$0x3FA7]  }
0x2f: {  	lr =	sadd.s32 s0, s3;
	s0 =	sld [smem:$0x3F9E]  }
0x30: {  	s3 =	sld [smem:$0x3FA1]  }
0x31: {  	[smem:$0x3FAA] =	sst s10  }
0x32: {  	s10 =	sld [smem:$0x3FA8];
	_ =	sdelay $0x3  }
0x33: {  	p0 =	seq.s32 s10, $0x1;
	s10 =	sld [smem:$0x3FAA];
	_ =	sdelay $0x3  }
0x34: {  	[smem:$0x3FAA] =	sst s10  }
0x35: {  	s10 =	sld [smem:$0x3FA9];
	_ =	sdelay $0x3  }
0x36: {  	p1 =	seq.s32 s10, $0x1;
	s10 =	sld [smem:$0x3FAA];
	_ =	sdelay $0x3  }
0x37: {  	[smem:$0x3FAA] =	sst s10  }
0x38: {  	s10 =	sld [smem:$0x3FAB]  }
0x39: {  	_ = 	snop;
	(pc) =	sbr.ind lr, $3  }
0x3a: {  	_ = 	snop  }
0x3b: {  	_ = 	snop  }
0x3c: {  	p2 =	seq.s32 s10, $0x1;
	s10 =	sld [smem:$0x3FAA]  }
0x3d: {  	_ =	shalt  }
0x3e: {  	_ =	shalt  }
0x3f: {  	_ =	shalt  }
0x40: {  	_ =	shalt  }
0x41: {  	_ =	shalt  }
0x42: {  	_ =	shalt  }
0x43: {  	_ =	shalt  }
0x44: {  	_ =	shalt  }
0x45: {  	_ =	shalt  }
0x46: {  	_ =	shalt  }
0x47: {  	_ =	shalt  }
0x48: {  	_ =	shalt  }
0x49: {  	_ =	shalt  }
0x4a: {  	_ =	shalt  }
0x4b: {  	_ =	shalt  }
0x4c: {  	_ =	shalt  }
0x4d: {  	_ =	shalt  }
0x4e: {  	_ =	shalt  }
0x4f: {  	_ =	shalt  }
0x50: {  	_ =	shalt  }
0x51: {  	_ =	shalt  }
0x52: {  	_ =	shalt  }
0x53: {  	_ =	shalt  }
0x54: {  	_ =	shalt  }
0x55: {  	_ =	shalt  }
0x56: {  	_ =	shalt  }
0x57: {  	_ =	shalt  }
0x58: {  	_ =	shalt  }
0x59: {  	_ =	shalt  }
0x5a: {  	_ =	shalt  }
0x5b: {  	_ =	shalt  }
0x5c: {  	_ =	shalt  }
0x5d: {  	_ =	shalt  }
0x5e: {  	_ =	shalt  }
0x5f: {  	_ =	shalt  }
0x60: {  	_ =	shalt  }
0x61: {  	_ =	shalt  }
0x62: {  	_ =	shalt  }
0x63: {  	_ =	shalt  }
0x64: {  	_ =	shalt  }
0x65: {  	_ =	shalt  }
0x66: {  	_ =	shalt  }
0x67: {  	_ =	shalt  }
0x68: {  	_ =	shalt  }
0x69: {  	_ =	shalt  }
0x6a: {  	_ =	shalt  }
0x6b: {  	_ =	shalt  }
0x6c: {  	_ =	shalt  }
0x6d: {  	_ =	shalt  }
0x6e: {  	_ =	shalt  }
0x6f: {  	_ =	shalt  }
0x70: {  	_ =	shalt  }
0x71: {  	_ =	shalt  }
0x72: {  	_ =	shalt  }
0x73: {  	_ =	shalt  }
0x74: {  	_ =	shalt  }
0x75: {  	_ =	shalt  }
0x76: {  	_ =	shalt  }
0x77: {  	_ =	shalt  }
0x78: {  	_ =	shalt  }
0x79: {  	_ =	shalt  }
0x7a: {  	_ =	shalt  }
0x7b: {  	_ =	shalt  }
0x7c: {  	_ =	shalt  }
0x7d: {  	_ =	shalt  }
0x7e: {  	_ =	shalt  }
0x7f: {  	_ =	shalt  }
0x80: {  	_ =	shalt  }
0x81: {  	_ =	shalt  }
0x82: {  	_ =	shalt  }
0x83: {  	_ =	shalt  }
0x84: {  	_ =	shalt  }
0x85: {  	_ =	shalt  }
0x86: {  	_ =	shalt  }
0x87: {  	_ =	shalt  }
.Lfunc_end0:
.L_simem_size_0:
called_computation.1_lowered:
.L_overlay_start_0:
0x88: {  	s2 =	sld [smem:$0x3FD9]  }
0x89: {  	s3 =	sld [smem:$0x3FFE];
	_ =	sdelay $0x1  }
0x8a: {  	s1 =	srdreg.scid  }
0x8b: {  	s0 =	sand.u32 $0x1, s1  }
0x8c: {  	s16 =	sshll.u32 s0, $0xA;
	s2 =	sadd.s32 s3, s2  }
0x8d: {  	s2 =	sadd.s32 s2, s16  }
0x8e: {  	[smem:$0x3FB6] =	sst s2  }
0x8f: {  	_ = 	snop  }
0x90: {  	(tm) =	ssettm $0x1  }
0x91: {  	s17 =	sld [smem:$0x3FFB];
	_ =	sdelay $0x3  }
0x92: {  	_ =	strace s17  }
0x93: {  	s2 =	sld [smem:$0x3FFC];
	_ =	sdelay $0x3  }
0x94: {  	_ =	strace s2  }
0x95: {  	s2 =	sld [smem:$0x3FFD];
	_ =	sdelay $0x3  }
0x96: {  	_ =	strace s2  }
0x97: {  	_ =	strace $0x8FFFFFFF  }
0x98: {  	s18 =	sld [smem:$0x3FDB];
	_ =	sdelay $0x1  }
0x99: {  	s19 =	simm.s32 $_scs_section_size  }
0x9a: {  	s4 =	simm.s32 $_size__tile_overlayer_lowered;
	s5 =	simm.s32 $_tile_overlayer_lowered  }
0x9b: {  	s22 =	simm.s32 $0x1BFF;
	s21 =	sshll.u32 s5, $0x1;
	s2 =	sadd.s32 s19, s18  }
0x9c: {  	s6 =	simm.s32 $0x0;
	s20 =	sshll.u32 s4, $0x1;
	s4 =	sadd.s32 s21, s2  }
0x9d: {  	[timem:s6], [sflag:s22] =	dma.local [hbm:s4], s20  }
0x9e: {  	_ =	swait.ge [sflag:s22], s20  }
0x9f: {  	s3 =	ssub.s32 $0x0, s20;
	[sflag:s22] =	ssyncset.done $0x0  }
0xa0: {  	[sflag:s22] =	ssyncadd.s32 s3;
	_ =	sdelay $0x1  }
0xa1: {  	s23 =	simm.s32 $0x1B8B  }
0xa2: {  	_ =	swait.ge [sflag:s23], $0x1  }
0xa3: {  	[sflag:s23] =	ssyncset.done $0x0  }
0xa4: {  	s25 =	simm.s32 $0x1B8E;
	s24 =	sld [smem:$0x3FFE];
	[sflag:s23] =	ssyncadd.s32 $0xFFFFFFFF  }
0xa5: {  	s26 =	simm.s32 $execute0_lowered;
	[smem:$0x3FD2] =	sst s25  }
0xa6: {  	s4 =	sshll.u32 s26, $0x1;
	_ =	strace $0x80000049;
	[dreg:$0x1] =	wrdreg $0xFFFFFFFF  }
0xa7: {  	s28 =	simm.s32 $_size_execute0_lowered;
	s2 =	sadd.s32 s2, s4;
	[dreg:$0x0] =	wrdreg $0x0  }
0xa8: {  	s4 =	sshll.u32 s28, $0x1;
	[dreg:$0x2] =	wrdreg s2  }
0xa9: {  	[dreg:$0x3] =	wrdreg s4  }
0xaa: {  	[dreg:$0x4] =	wrdreg $0xC0  }
0xab: {  	_ =	task [dreg:s6], $0x5FFFF  }
0xac: {  	[dreg:$0x1] =	wrdreg $0xFFFFFFFF  }
0xad: {  	[dreg:$0x0] =	wrdreg $0x60  }
0xae: {  	[dreg:$0x2] =	wrdreg s24  }
0xaf: {  	[dreg:$0x3] =	wrdreg $0x81000  }
0xb0: {  	[dreg:$0x4] =	wrdreg $0x9  }
0xb1: {  	_ =	task.clear_ibuf [dreg:s6], $0x5FFFF;
	_ =	strace $0x90000049  }
0xb2: {  	s29 =	simm.s32 $0x9;
	_ =	strace $0x8000004B  }
0xb3: {  	_ =	swait.ge [sflag:s29], $0x1  }
0xb4: {  	[sflag:s29] =	ssyncadd.s32 $0xFFFFFFFF  }
0xb5: {  	_ =	strace $0x9000004B  }
0xb6: {  	_ =	sfence  }
0xb7: {  	s30 =	sld [smem:$0x0];
	_ =	sdelay $0x2  }
0xb8: {  	s31 =	sshll.u32 s1, $0xD;
	s1 =	sshrl.u32 s1, $0x2  }
0xb9: {  	s3 =	sand.u32 $0x4000, s31;
	s1 =	sadd.s32 s1, s30  }
0xba: {  	s0 =	sor.u32 s3, s0;
	s1 =	sshll.u32 s1, $0x11  }
0xbb: {  	s0 =	sor.u32 s1, s0  }
0xbc: {  	s0 =	sadd.s32 $0x8F2B, s0  }
0xbd: {  	[sflag:s0] =	ssyncadd.remote.s32 $0x1  }
0xbe: {  	_ =	sfence.sel $0xFFFF  }
0xbf: {  	[dreg:$0x0] =	wrdreg $0xFFFFFFFF;
	(pc) =	sbr.abs _section_cstart, $3  }
0xc0: {  	[dreg:$0x1] =	wrdreg $0xFFFFFFFF  }
0xc1: {  	_ =	task.clear_ibuf [dreg:s6], $0x2FFFF;
	_ =	strace $0x9FFFFFFF  }
0xc2: {  	(tm) =	ssettm $0x7FFFFFFF  }
0xc3: {  	_ =	shalt  }
tec
execute0_lowered:
.L_overlay_start_1:
0x0: {  	(tag) =	ssettag $0x1  }
0x1: {  	s0 =	rddreg [dreg:$0x0]  }
0x2: {  	s1 =	rddreg [dreg:$0x1]  }
0x3: {  	s2 =	simm.s32 $0x0;
	s4 =	srdreg.scid;
	s12 =	stileid.u32  }
0x4: {  	s22 =	simm.s32 $0x4;
	s23 =	simm.s32 $0x80;
	s24 =	simm.s32 $0x4100  }
0x5: {  	s25 =	simm.s32 $0x2;
	s26 =	simm.s32 $0x3;
	s28 =	simm.s32 $0x1  }
0x6: {  	s29 =	simm.s32 $0x0;
	s30 =	simm.s32 $0x0;
	s3 =	sadd.s32 $0xED5800, s0  }
0x7: {  	[smem:$0x7FF] =	sst s2;
	s5 =	sadd.s32 $0x9400, s0;
	s6 =	sadd.s32 $0x4EBA00, s0  }
0x8: {  	s7 =	sadd.s32 $0x13200, s0;
	s4 =	sand.u32 $0x1, s4;
	s9 =	smul.u32 $0x50000, s12  }
0x9: {  	s0 =	sadd.s32 $0x3B200, s0;
	s13 =	smul.u32 $0x14000, s12;
	_ =	strace $0x8000004A  }
0xa: {  	s8 =	ssub.s32 $0x2, s4;
	s11 =	sshll.u32 s4, $0x4;
	s4 =	smul.u32 $0x140000, s4  }
0xb: {  	s10 =	sshrl.u32 s8, $0x1;
	s14 =	sor.u32 s12, s11;
	s9 =	sshrl.u32 s9, $0x2  }
0xc: {  	s15 =	sadd.s32 $0x4000, s13;
	s17 =	sadd.s32 $0x8000, s13;
	s18 =	sadd.s32 $0xC000, s13  }
0xd: {  	s19 =	sadd.s32 $0x10000, s13;
	s20 =	ssub.s32 s8, s10;
	s8 =	smul.u32 $0x2780, s14  }
0xe: {  	s9 =	sadd.s32 s9, s1;
	s10 =	sadd.s32 s15, s1;
	s11 =	sadd.s32 s17, s1  }
0xf: {  	s12 =	sadd.s32 s18, s1;
	s16 =	sadd.s32 s13, s4;
	s15 =	sadd.s32 s4, s15  }
0x10: {  	s13 =	sadd.s32 s19, s1;
	s14 =	smul.u32 $0x4F, s14;
	s17 =	sadd.s32 s4, s17  }
0x11: {  	s18 =	sadd.s32 s4, s18;
	s4 =	sadd.s32 s4, s19;
	s16 =	sshrl.u32 s16, $0x3  }
0x12: {  	s21 =	sshrl.u32 s15, $0x3;
	s17 =	sshrl.u32 s17, $0x3;
	s18 =	sshrl.u32 s18, $0x3  }
0x13: {  	s4 =	sshrl.u32 s4, $0x3;
	s20 =	smax.u32 s20, $0x1;
	s31 =	sadd.s32 s0, s16  }
0x14: {  	s16 =	sadd.s32 s0, s21;
	s17 =	sadd.s32 s0, s17;
	s18 =	sadd.s32 s0, s18  }
0x15: {  	v0 =	vimm.f32 $0.0e+00;
	s19 =	sadd.s32 s0, s4;
	s21 =	simm.s32 $0x100;
	[dreg:$0x3] =	wrdreg s31  }
.LBB2_1:
0x16: {  	s0 =	simm.s32 $0x0;
	s4 =	simm.s32 $0x200  }
.LBB2_2:
0x17: {  	p0 =	sne.s32 s4, $0xFE00;
	[tilespmem:s0+$0x170] =	vst v0  }
0x18: {  	[tilespmem:s0+$0x100] =	vst v0  }
0x19: {  	[tilespmem:s0+$0x110] =	vst v0  }
.Ltmp0:
0x1a: {  	[tilespmem:s0+$0x120] =	vst v0;
	(pc) =	sbr.rel @p0 .LBB2_2-.Ltmp0, $4  }
0x1b: {  	[tilespmem:s0+$0x130] =	vst v0  }
0x1c: {  	[tilespmem:s0+$0x140] =	vst v0  }
0x1d: {  	[tilespmem:s0+$0x150] =	vst v0  }
0x1e: {  	[tilespmem:s0+$0x160] =	vst v0;
	s0 =	sshra.s32 s4, $0x2;
	s4 =	sadd.s32 $0x200, s4  }
0x1f: {  	[tilespmem:s0+$0x170] =	vst v0  }
0x20: {  	[tilespmem:s0+$0x100] =	vst v0  }
0x21: {  	[tilespmem:s0+$0x110] =	vst v0  }
0x22: {  	[tilespmem:s0+$0x120] =	vst v0  }
0x23: {  	[tilespmem:s0+$0x130] =	vst v0  }
0x24: {  	[tilespmem:s0+$0x140] =	vst v0  }
0x25: {  	[tilespmem:s0+$0x150] =	vst v0  }
0x26: {  	[tilespmem:s0+$0x160] =	vst v0  }
0x27: {  	[spmem:s9] =	stream.linear.scatter [tilespmem:s21], [sflag:$0x4], $0x4000, $0x38;
	[tilespmem:$0x1C100] =	vst v63  }
0x28: {  	_ =	swait.ge [sflag:s22], $0x4000  }
0x29: {  	[sflag:s22] =	ssyncset.done $0x0  }
0x2a: {  	[sflag:s22] =	ssyncadd.s32 $0xFFFFC000  }
0x2b: {  	[spmem:s10] =	stream.linear.scatter [tilespmem:s21], [sflag:$0x4], $0x4000, $0x38;
	[tilespmem:$0x1C100] =	vst v63  }
0x2c: {  	_ =	swait.ge [sflag:s22], $0x4000  }
0x2d: {  	[sflag:s22] =	ssyncset.done $0x0  }
0x2e: {  	[sflag:s22] =	ssyncadd.s32 $0xFFFFC000  }
0x2f: {  	[spmem:s11] =	stream.linear.scatter [tilespmem:s21], [sflag:$0x4], $0x4000, $0x38;
	[tilespmem:$0x1C100] =	vst v63  }
0x30: {  	_ =	swait.ge [sflag:s22], $0x4000  }
0x31: {  	[sflag:s22] =	ssyncset.done $0x0  }
0x32: {  	[sflag:s22] =	ssyncadd.s32 $0xFFFFC000  }
0x33: {  	[spmem:s12] =	stream.linear.scatter [tilespmem:s21], [sflag:$0x4], $0x4000, $0x38;
	[tilespmem:$0x1C100] =	vst v63  }
0x34: {  	_ =	swait.ge [sflag:s22], $0x4000  }
0x35: {  	[sflag:s22] =	ssyncset.done $0x0  }
0x36: {  	[sflag:s22] =	ssyncadd.s32 $0xFFFFC000  }
0x37: {  	[spmem:s13] =	stream.linear.scatter [tilespmem:s21], [sflag:$0x4], $0x4000, $0x38;
	[tilespmem:$0x1C100] =	vst v63  }
0x38: {  	_ =	swait.ge [sflag:s22], $0x4000  }
0x39: {  	[sflag:s22] =	ssyncset.done $0x0  }
0x3a: {  	[sflag:s22] =	ssyncadd.s32 $0xFFFFC000  }
0x3b: {  	s31 =	simm.s32 $0x0;
	[bflag:$0x0] =	sbarrier.arrive $0xFFFF  }
.LBB2_4:
0x3c: {  	s0 =	sshll.u32 s31, $0x7  }
0x3d: {  	s0 =	sadd.s32 s8, s0  }
0x3e: {  	s4 =	sshll.u32 s0, $0x4  }
0x3f: {  	s15 =	sadd.s32 s14, s31;
	s4 =	sadd.s32 s3, s4  }
0x40: {  	[tilespmem:s21], [sflag:$0x2] =	stream.linear.gather [hbm4b:s4+s30], $0x4000, $0x38;
	[tilespmem:$0x1C100] =	vst v63  }
0x41: {  	s4 =	sshll.u32 s15, $0x4  }
0x42: {  	s0 =	sshrl.u32 s0, $0x3;
	s4 =	sadd.s32 s6, s4  }
0x43: {  	[tilespmem:s23], [sflag:$0x1] =	stream.linear.gather [hbm4b:s4+s30], $0x80, $0x38;
	[tilespmem:$0x1C100] =	vst v63  }
0x44: {  	s0 =	sadd.s32 s5, s0  }
0x45: {  	[tilespmem:s30], [sflag:$0x4] =	stream.linear.gather [hbm4b:s0+s30], $0x80, $0x38;
	[tilespmem:$0x1C100] =	vst v63  }
0x46: {  	_ =	swait.ge [sflag:s22], $0x80  }
0x47: {  	[sflag:s22] =	ssyncset.done $0x0  }
0x48: {  	[sflag:s22] =	ssyncadd.s32 $0xFFFFFF80  }
0x49: {  	[tilespmem:s24], [sflag:$0x3] =	stream.indirect.gather [hbm4b:s7+s23], $0x80, s30, s23, $0xb8;
	[tilespmem:$0x1C100] =	vst v63  }
0x4a: {  	_ =	swait.ge [sflag:s25], $0x4000  }
0x4b: {  	[sflag:s25] =	ssyncset.done $0x0  }
0x4c: {  	[sflag:s25] =	ssyncadd.s32 $0xFFFFC000  }
0x4d: {  	_ =	swait.ge [sflag:s26], $0x4000  }
0x4e: {  	[sflag:s26] =	ssyncset.done $0x0  }
0x4f: {  	s0 =	simm.s32 $0x0;
	[sflag:s26] =	ssyncadd.s32 $0xFFFFC000  }
0x50: {  	v7 =	vld [tilespmem:s0+$0x4100]  }
0x51: {  	v12 =	vld [tilespmem:s0+$0x4110]  }
0x52: {  	v6 =	vld [tilespmem:s0+$0x4120]  }
0x53: {  	v5 =	vld [tilespmem:s0+$0x4130]  }
0x54: {  	v4 =	vld [tilespmem:s0+$0x4140]  }
0x55: {  	v3 =	vld [tilespmem:s0+$0x4150]  }
0x56: {  	v2 =	vld [tilespmem:s0+$0x4160]  }
0x57: {  	v1 =	vld [tilespmem:s0+$0x4170]  }
0x58: {  	v13 =	vld [tilespmem:s0+$0x100]  }
0x59: {  	v14 =	vld [tilespmem:s0+$0x110]  }
0x5a: {  	v11 =	vld [tilespmem:s0+$0x120]  }
0x5b: {  	v10 =	vld [tilespmem:s0+$0x130]  }
0x5c: {  	v9 =	vld [tilespmem:s0+$0x140]  }
0x5d: {  	v8 =	vld [tilespmem:s0+$0x150];
	v13 =	vadd.f32 v7, v13  }
0x5e: {  	s4 =	simm.s32 $0x200;
	v12 =	vadd.f32 v12, v14;
	v7 =	vld [tilespmem:s0+$0x160]  }
.LBB2_5:
0x5f: {  	s15 =	sshra.s32 s4, $0x2;
	p0 =	sne.s32 s4, $0xFE00;
	v13 =	vmax.f32 v13, $0.0e+00;
	v6 =	vadd.f32 v6, v11;
	v11 =	vld [tilespmem:s0+$0x170]  }
0x60: {  	v14 =	vld [tilespmem:s15+$0x4100];
	[tilespmem:s0+$0x100] =	vst v13;
	v12 =	vmax.f32 v12, $0.0e+00;
	v5 =	vadd.f32 v5, v10  }
0x61: {  	v15 =	vld [tilespmem:s15+$0x4110];
	[tilespmem:s0+$0x110] =	vst v12;
	v10 =	vmax.f32 v6, $0.0e+00;
	v4 =	vadd.f32 v4, v9  }
0x62: {  	v6 =	vld [tilespmem:s15+$0x4120];
	[tilespmem:s0+$0x120] =	vst v10;
	v9 =	vmax.f32 v5, $0.0e+00;
	v3 =	vadd.f32 v3, v8  }
0x63: {  	v5 =	vld [tilespmem:s15+$0x4130];
	[tilespmem:s0+$0x130] =	vst v9;
	v8 =	vmax.f32 v4, $0.0e+00;
	v2 =	vadd.f32 v2, v7  }
0x64: {  	v4 =	vld [tilespmem:s15+$0x4140];
	[tilespmem:s0+$0x140] =	vst v8;
	v7 =	vmax.f32 v3, $0.0e+00;
	v1 =	vadd.f32 v1, v11  }
0x65: {  	v3 =	vld [tilespmem:s15+$0x4150];
	[tilespmem:s0+$0x150] =	vst v7;
	v7 =	vmax.f32 v2, $0.0e+00  }
0x66: {  	v2 =	vld [tilespmem:s15+$0x4160];
	[tilespmem:s0+$0x160] =	vst v7;
	v7 =	vmax.f32 v1, $0.0e+00  }
0x67: {  	v1 =	vld [tilespmem:s15+$0x4170];
	[tilespmem:s0+$0x170] =	vst v7;
	s0 =	smov.u32 s15  }
0x68: {  	v7 =	vld [tilespmem:s0+$0x100]  }
0x69: {  	v12 =	vld [tilespmem:s0+$0x110]  }
.Ltmp1:
0x6a: {  	v11 =	vld [tilespmem:s0+$0x120];
	(pc) =	sbr.rel @p0 .LBB2_5-.Ltmp1, $4  }
0x6b: {  	v10 =	vld [tilespmem:s0+$0x130]  }
0x6c: {  	v9 =	vld [tilespmem:s0+$0x140]  }
0x6d: {  	v13 =	vadd.f32 v14, v7;
	v8 =	vld [tilespmem:s0+$0x150]  }
0x6e: {  	s4 =	sadd.s32 $0x200, s4;
	v12 =	vadd.f32 v15, v12;
	v7 =	vld [tilespmem:s0+$0x160]  }
0x6f: {  	v13 =	vmax.f32 v13, $0.0e+00;
	v6 =	vadd.f32 v6, v11;
	v63 =	vld [tilespmem:s0+$0x170]  }
0x70: {  	[tilespmem:s0+$0x100] =	vst v13;
	v12 =	vmax.f32 v12, $0.0e+00;
	v5 =	vadd.f32 v5, v10  }
0x71: {  	[tilespmem:s0+$0x110] =	vst v12;
	v6 =	vmax.f32 v6, $0.0e+00;
	v4 =	vadd.f32 v4, v9  }
0x72: {  	[tilespmem:s0+$0x120] =	vst v6;
	v5 =	vmax.f32 v5, $0.0e+00;
	v3 =	vadd.f32 v3, v8  }
0x73: {  	[tilespmem:s0+$0x130] =	vst v5;
	v4 =	vmax.f32 v4, $0.0e+00;
	v2 =	vadd.f32 v2, v7  }
0x74: {  	[tilespmem:s0+$0x140] =	vst v4;
	v3 =	vmax.f32 v3, $0.0e+00;
	v1 =	vadd.f32 v1, v63  }
0x75: {  	[tilespmem:s0+$0x150] =	vst v3;
	v2 =	vmax.f32 v2, $0.0e+00  }
0x76: {  	[tilespmem:s0+$0x160] =	vst v2;
	v1 =	vmax.f32 v1, $0.0e+00  }
0x77: {  	[tilespmem:s0+$0x170] =	vst v1  }
0x78: {  	s31 =	sadd.s32 $0x1, s31;
	_ =	swait.ge [sflag:s28], $0x80  }
0x79: {  	p0 =	sne.s32 s31, $0x4F;
	[sflag:s28] =	ssyncset.done $0x0  }
.Ltmp2:
0x7a: {  	[sflag:s28] =	ssyncadd.s32 $0xFFFFFF80;
	(pc) =	sbr.rel @p0 .LBB2_4-.Ltmp2, $4  }
0x7b: {  	[spmem:s1] =	stream.indirect.scatter.add.f32 [tilespmem:s21], [sflag:$0x4], $0x80, s23, s23, $0xb8;
	[tilespmem:$0x1C100] =	vst v63  }
0x7c: {  	_ =	swait.ge [sflag:s22], $0x4000  }
0x7d: {  	[sflag:s22] =	ssyncset.done $0x0  }
0x7e: {  	[sflag:s22] =	ssyncadd.s32 $0xFFFFC000  }
0x7f: {  	[bflag:$0x0] =	sbarrier.arrive $0xFFFF  }
0x80: {  	[tilespmem:s21], [sflag:$0x4] =	stream.linear.gather [spmem:s9], $0x4000, $0x38;
	[tilespmem:$0x1C100] =	vst v63  }
0x81: {  	_ =	swait.ge [sflag:s22], $0x4000  }
0x82: {  	[sflag:s22] =	ssyncset.done $0x0  }
0x83: {  	s0 =	rddreg [dreg:$0x3];
	[sflag:s22] =	ssyncadd.s32 $0xFFFFC000  }
0x84: {  	[hbm4b:s0+s2] =	stream.linear.scatter [tilespmem:s21], [sflag:$0x4], $0x4000, $0x38;
	[tilespmem:$0x1C100] =	vst v63  }
0x85: {  	_ =	swait.ge [sflag:s22], $0x4000  }
0x86: {  	[sflag:s22] =	ssyncset.done $0x0  }
0x87: {  	[sflag:s22] =	ssyncadd.s32 $0xFFFFC000  }
0x88: {  	[tilespmem:s21], [sflag:$0x4] =	stream.linear.gather [spmem:s10], $0x4000, $0x38;
	[tilespmem:$0x1C100] =	vst v63  }
0x89: {  	_ =	swait.ge [sflag:s22], $0x4000  }
0x8a: {  	[sflag:s22] =	ssyncset.done $0x0  }
0x8b: {  	[sflag:s22] =	ssyncadd.s32 $0xFFFFC000  }
0x8c: {  	[hbm4b:s16+s2] =	stream.linear.scatter [tilespmem:s21], [sflag:$0x4], $0x4000, $0x38;
	[tilespmem:$0x1C100] =	vst v63  }
0x8d: {  	_ =	swait.ge [sflag:s22], $0x4000  }
0x8e: {  	[sflag:s22] =	ssyncset.done $0x0  }
0x8f: {  	[sflag:s22] =	ssyncadd.s32 $0xFFFFC000  }
0x90: {  	[tilespmem:s21], [sflag:$0x4] =	stream.linear.gather [spmem:s11], $0x4000, $0x38;
	[tilespmem:$0x1C100] =	vst v63  }
0x91: {  	_ =	swait.ge [sflag:s22], $0x4000  }
0x92: {  	[sflag:s22] =	ssyncset.done $0x0  }
0x93: {  	[sflag:s22] =	ssyncadd.s32 $0xFFFFC000  }
0x94: {  	[hbm4b:s17+s2] =	stream.linear.scatter [tilespmem:s21], [sflag:$0x4], $0x4000, $0x38;
	[tilespmem:$0x1C100] =	vst v63  }
0x95: {  	_ =	swait.ge [sflag:s22], $0x4000  }
0x96: {  	[sflag:s22] =	ssyncset.done $0x0  }
0x97: {  	[sflag:s22] =	ssyncadd.s32 $0xFFFFC000  }
0x98: {  	[tilespmem:s21], [sflag:$0x4] =	stream.linear.gather [spmem:s12], $0x4000, $0x38;
	[tilespmem:$0x1C100] =	vst v63  }
0x99: {  	_ =	swait.ge [sflag:s22], $0x4000  }
0x9a: {  	[sflag:s22] =	ssyncset.done $0x0  }
0x9b: {  	[sflag:s22] =	ssyncadd.s32 $0xFFFFC000  }
0x9c: {  	[hbm4b:s18+s2] =	stream.linear.scatter [tilespmem:s21], [sflag:$0x4], $0x4000, $0x38;
	[tilespmem:$0x1C100] =	vst v63  }
0x9d: {  	_ =	swait.ge [sflag:s22], $0x4000  }
0x9e: {  	[sflag:s22] =	ssyncset.done $0x0  }
0x9f: {  	[sflag:s22] =	ssyncadd.s32 $0xFFFFC000  }
0xa0: {  	[tilespmem:s21], [sflag:$0x4] =	stream.linear.gather [spmem:s13], $0x4000, $0x38;
	[tilespmem:$0x1C100] =	vst v63  }
0xa1: {  	s29 =	sadd.s32 $0x1, s29;
	_ =	swait.ge [sflag:s22], $0x4000  }
0xa2: {  	p0 =	sne.s32 s29, s20;
	[sflag:s22] =	ssyncset.done $0x0  }
.Ltmp3:
0xa3: {  	[sflag:s22] =	ssyncadd.s32 $0xFFFFC000;
	(pc) =	sbr.rel @p0 .LBB2_1-.Ltmp3, $4  }
0xa4: {  	[hbm4b:s19+s2] =	stream.linear.scatter [tilespmem:s21], [sflag:$0x4], $0x4000, $0x38;
	[tilespmem:$0x1C100] =	vst v63  }
0xa5: {  	_ =	swait.ge [sflag:s22], $0x4000  }
0xa6: {  	[sflag:s22] =	ssyncset.done $0x0  }
0xa7: {  	[sflag:s22] =	ssyncadd.s32 $0xFFFFC000  }
0xa8: {  	_ =	sfence.sel $0x180000  }
0xa9: {  	[bflag:$0x0] =	sbarrier.arrive $0xFFFF  }
0xaa: {  	_ =	strace $0x9000004A  }
0xab: {  	s0 =	stileid.u32;
	[bflag:$0x2] =	sbarrier.arrive $0xFFFF  }
0xac: {  	p0 =	sne.s32 s0, $0x0;
	s0 =	rddreg [dreg:$0x2]  }
0xad: {  	s0 =	sadd.s32 @!p0 $0x100000, s0  }
0xae: {  	[sflag:s0] =	ssyncadd.tile.s32 @!p0 $0x1;
	_ =	shalt  }
.Lfunc_end2:
_tile_overlayer_lowered:
.L_overlay_start_2:
0xaf: {  	(tag) =	ssettag $0x2  }
0xb0: {  	s0 =	rddreg [dreg:$0x0];
	s2 =	stileid.u32  }
0xb1: {  	s1 =	rddreg [dreg:$0x1];
	p0 =	sne.s32 s2, $0x0  }
0xb2: {  	s3 =	rddreg [dreg:$0x2];
	[bflag:$0x3] =	sbarrier.arrive $0xFFFF;
	s2 =	simm.s32 @!p0 $0x1C04  }
0xb3: {  	[timem:s3], [sflag:s2] =	dma.local @!p0 [hbm:s0], s1  }
0xb4: {  	s0 =	simm.s32 @!p0 $0x4  }
0xb5: {  	_ =	swait.ge @!p0 [sflag:s0], s1  }
0xb6: {  	s1 =	ssub.s32 @!p0 $0x0, s1;
	[sflag:s0] =	ssyncset.done @!p0 $0x0  }
0xb7: {  	[sflag:s0] =	ssyncadd.s32 @!p0 s1  }
0xb8: {  	[bflag:$0x3] =	sbarrier.arrive $0xFFFF  }
0xb9: {  	_ =	shalt  }

// kernel: kernel.24.cloned.1.call-start
scs
__scs_entry_jumppad:
0x0: {  	(pc) =	sbr.rel $0x88, $3  }
0x1: {  	(tag) =	ssettag $0x0;
	lr =	simm.s32 $0x1  }
0x2: {  	[smem:$0x3F8F] =	sst lr;
	_ =	strace $0xD0000000  }
0x3: {  	_ = 	snop  }
0x4: {  	_ = 	snop  }
0x5: {  	_ = 	snop  }
0x6: {  	_ = 	snop  }
0x7: {  	_ = 	snop  }
__scs_overlays_trampoline_lowered:
0x8: {  	[smem:$0x3F9E] =	sst s0  }
0x9: {  	[smem:$0x3F9F] =	sst s1  }
0xa: {  	[smem:$0x3FA0] =	sst s2  }
0xb: {  	[smem:$0x3FA1] =	sst s3  }
0xc: {  	[smem:$0x3FA2] =	sst s4  }
0xd: {  	[smem:$0x3FA3] =	sst s5  }
0xe: {  	[smem:$0x3FA4] =	sst s6  }
0xf: {  	[smem:$0x3FA5] =	sst s7  }
0x10: {  	[smem:$0x3FA6] =	sst s8  }
0x11: {  	[smem:$0x3FA7] =	sst s9;
	s0 =	simm.s32 @!p0 $0x0  }
0x12: {  	s1 =	sld [smem:$0x3F8D];
	s0 =	simm.s32 @p0 $0x1  }
0x13: {  	[smem:$0x3FA8] =	sst s0;
	s0 =	simm.s32 @!p1 $0x0  }
0x14: {  	s2 =	sld [smem:$0x3F8C];
	s0 =	simm.s32 @p1 $0x1  }
0x15: {  	[smem:$0x3FA9] =	sst s0;
	s0 =	simm.s32 @!p2 $0x0  }
0x16: {  	s3 =	sld [smem:$0x3FDB];
	s0 =	simm.s32 @p2 $0x1  }
0x17: {  	s4 =	simm.s32 $0x1BF5;
	[smem:$0x3FAB] =	sst s0  }
0x18: {  	s0 =	sld [smem:$0x3F8E];
	_ =	swait.ge [sflag:s4], $0x0  }
0x19: {  	s7 =	sld [smem:$0x3F8F]  }
0x1a: {  	s8 =	sadd.s32 $0xFFFFE003, lr  }
0x1b: {  	s9 =	sadd.s32 $0xFFFFFEF7, lr;
	s5 =	simm.s32 $0xFFFFFFFF;
	p2 =	slt.u32 s8, $0xFFFFF086  }
0x1c: {  	p1 =	slt.u32 s9, $0xF7A;
	s5 =	simm.s32 @!p2 $0x0  }
0x1d: {  	s5 =	simm.s32 @p1 $0x1;
	p0 =	seq.s32 s7, s2  }
0x1e: {  	s7 =	smul.u32 @!p0 $0xF7A, s2;
	p2 =	seq.s32 @!p0 s5, $0x0  }
0x1f: {  	s9 =	smul.u32 $0xF7A, s1;
	s8 =	simm.s32 @!p0 $0x1BF5;
	p2 =	por !p2, p0  }
0x20: {  	[sflag:s8] =	ssyncset.s32 @!p0 $0xFFFFF086;
	s6 =	sadd.s32 @!p0 s3, s7;
	s7 =	simm.s32 @!p0 $0x108  }
0x21: {  	s3 =	sadd.s32 s3, s9;
	s6 =	sadd.s32 @!p0 $0x88, s6;
	s7 =	simm.s32 @p2 $0x1082  }
0x22: {  	[simem:s7], [sflag:s8] =	dma.local @!p0 [hbm:s6], $0xF7A  }
0x23: {  	s9 =	sor.u32 $0xD0000000, s2;
	s6 =	simm.s32 $0x108;
	_ =	swait.ge @!p0 [sflag:s8], $0x0  }
0x24: {  	s3 =	sadd.s32 $0x88, s3;
	s6 =	simm.s32 @!p1 $0x1082;
	[sflag:s4] =	ssyncset.s32 $0xFFFFF086  }
0x25: {  	[simem:s6], [sflag:s4] =	dma.local [hbm:s3], $0xF7A  }
0x26: {  	[smem:$0x3F8F] =	sst s1;
	(tag) =	ssettag s2;
	_ =	strace s9  }
0x27: {  	s1 =	sld [smem:$0x3F9F]  }
0x28: {  	s2 =	sld [smem:$0x3FA0]  }
0x29: {  	s4 =	sld [smem:$0x3FA2]  }
0x2a: {  	p0 =	seq.s32 s5, $0x0;
	s5 =	sld [smem:$0x3FA3]  }
0x2b: {  	s6 =	sld [smem:$0x3FA4]  }
0x2c: {  	s7 =	sld [smem:$0x3FA5]  }
0x2d: {  	s3 =	simm.s32 $0x108;
	s8 =	sld [smem:$0x3FA6]  }
0x2e: {  	s3 =	simm.s32 @!p0 $0x1082;
	s9 =	sld [smem:$0x3FA7]  }
0x2f: {  	lr =	sadd.s32 s0, s3;
	s0 =	sld [smem:$0x3F9E]  }
0x30: {  	s3 =	sld [smem:$0x3FA1]  }
0x31: {  	[smem:$0x3FAA] =	sst s10  }
0x32: {  	s10 =	sld [smem:$0x3FA8];
	_ =	sdelay $0x3  }
0x33: {  	p0 =	seq.s32 s10, $0x1;
	s10 =	sld [smem:$0x3FAA];
	_ =	sdelay $0x3  }
0x34: {  	[smem:$0x3FAA] =	sst s10  }
0x35: {  	s10 =	sld [smem:$0x3FA9];
	_ =	sdelay $0x3  }
0x36: {  	p1 =	seq.s32 s10, $0x1;
	s10 =	sld [smem:$0x3FAA];
	_ =	sdelay $0x3  }
0x37: {  	[smem:$0x3FAA] =	sst s10  }
0x38: {  	s10 =	sld [smem:$0x3FAB]  }
0x39: {  	_ = 	snop;
	(pc) =	sbr.ind lr, $3  }
0x3a: {  	_ = 	snop  }
0x3b: {  	_ = 	snop  }
0x3c: {  	p2 =	seq.s32 s10, $0x1;
	s10 =	sld [smem:$0x3FAA]  }
0x3d: {  	_ =	shalt  }
0x3e: {  	_ =	shalt  }
0x3f: {  	_ =	shalt  }
0x40: {  	_ =	shalt  }
0x41: {  	_ =	shalt  }
0x42: {  	_ =	shalt  }
0x43: {  	_ =	shalt  }
0x44: {  	_ =	shalt  }
0x45: {  	_ =	shalt  }
0x46: {  	_ =	shalt  }
0x47: {  	_ =	shalt  }
0x48: {  	_ =	shalt  }
0x49: {  	_ =	shalt  }
0x4a: {  	_ =	shalt  }
0x4b: {  	_ =	shalt  }
0x4c: {  	_ =	shalt  }
0x4d: {  	_ =	shalt  }
0x4e: {  	_ =	shalt  }
0x4f: {  	_ =	shalt  }
0x50: {  	_ =	shalt  }
0x51: {  	_ =	shalt  }
0x52: {  	_ =	shalt  }
0x53: {  	_ =	shalt  }
0x54: {  	_ =	shalt  }
0x55: {  	_ =	shalt  }
0x56: {  	_ =	shalt  }
0x57: {  	_ =	shalt  }
0x58: {  	_ =	shalt  }
0x59: {  	_ =	shalt  }
0x5a: {  	_ =	shalt  }
0x5b: {  	_ =	shalt  }
0x5c: {  	_ =	shalt  }
0x5d: {  	_ =	shalt  }
0x5e: {  	_ =	shalt  }
0x5f: {  	_ =	shalt  }
0x60: {  	_ =	shalt  }
0x61: {  	_ =	shalt  }
0x62: {  	_ =	shalt  }
0x63: {  	_ =	shalt  }
0x64: {  	_ =	shalt  }
0x65: {  	_ =	shalt  }
0x66: {  	_ =	shalt  }
0x67: {  	_ =	shalt  }
0x68: {  	_ =	shalt  }
0x69: {  	_ =	shalt  }
0x6a: {  	_ =	shalt  }
0x6b: {  	_ =	shalt  }
0x6c: {  	_ =	shalt  }
0x6d: {  	_ =	shalt  }
0x6e: {  	_ =	shalt  }
0x6f: {  	_ =	shalt  }
0x70: {  	_ =	shalt  }
0x71: {  	_ =	shalt  }
0x72: {  	_ =	shalt  }
0x73: {  	_ =	shalt  }
0x74: {  	_ =	shalt  }
0x75: {  	_ =	shalt  }
0x76: {  	_ =	shalt  }
0x77: {  	_ =	shalt  }
0x78: {  	_ =	shalt  }
0x79: {  	_ =	shalt  }
0x7a: {  	_ =	shalt  }
0x7b: {  	_ =	shalt  }
0x7c: {  	_ =	shalt  }
0x7d: {  	_ =	shalt  }
0x7e: {  	_ =	shalt  }
0x7f: {  	_ =	shalt  }
0x80: {  	_ =	shalt  }
0x81: {  	_ =	shalt  }
0x82: {  	_ =	shalt  }
0x83: {  	_ =	shalt  }
0x84: {  	_ =	shalt  }
0x85: {  	_ =	shalt  }
0x86: {  	_ =	shalt  }
0x87: {  	_ =	shalt  }
.Lfunc_end0:
.L_simem_size_0:
called_computation.2_lowered:
.L_overlay_start_0:
0x88: {  	s2 =	sld [smem:$0x3FD9]  }
0x89: {  	s3 =	sld [smem:$0x3FFE];
	_ =	sdelay $0x1  }
0x8a: {  	s1 =	srdreg.scid  }
0x8b: {  	s0 =	sand.u32 $0x1, s1  }
0x8c: {  	s16 =	sshll.u32 s0, $0xA;
	s2 =	sadd.s32 s3, s2  }
0x8d: {  	s2 =	sadd.s32 s2, s16  }
0x8e: {  	[smem:$0x3FB6] =	sst s2  }
0x8f: {  	_ = 	snop  }
0x90: {  	(tm) =	ssettm $0x1  }
0x91: {  	s17 =	sld [smem:$0x3FFB];
	_ =	sdelay $0x3  }
0x92: {  	_ =	strace s17  }
0x93: {  	s2 =	sld [smem:$0x3FFC];
	_ =	sdelay $0x3  }
0x94: {  	_ =	strace s2  }
0x95: {  	s2 =	sld [smem:$0x3FFD];
	_ =	sdelay $0x3  }
0x96: {  	_ =	strace s2  }
0x97: {  	_ =	strace $0x8FFFFFFF  }
0x98: {  	s18 =	sld [smem:$0x3FDB];
	_ =	sdelay $0x1  }
0x99: {  	s19 =	simm.s32 $_scs_section_size  }
0x9a: {  	s4 =	simm.s32 $_size__tile_overlayer_lowered;
	s5 =	simm.s32 $_tile_overlayer_lowered  }
0x9b: {  	s22 =	simm.s32 $0x1BFF;
	s21 =	sshll.u32 s5, $0x1;
	s2 =	sadd.s32 s19, s18  }
0x9c: {  	s6 =	simm.s32 $0x0;
	s20 =	sshll.u32 s4, $0x1;
	s4 =	sadd.s32 s21, s2  }
0x9d: {  	[timem:s6], [sflag:s22] =	dma.local [hbm:s4], s20  }
0x9e: {  	_ =	swait.ge [sflag:s22], s20  }
0x9f: {  	s3 =	ssub.s32 $0x0, s20;
	[sflag:s22] =	ssyncset.done $0x0  }
0xa0: {  	[sflag:s22] =	ssyncadd.s32 s3;
	_ =	sdelay $0x1  }
0xa1: {  	s23 =	simm.s32 $0x1B8B  }
0xa2: {  	_ =	swait.ge [sflag:s23], $0x1  }
0xa3: {  	[sflag:s23] =	ssyncset.done $0x0  }
0xa4: {  	s25 =	simm.s32 $0x1B8E;
	s24 =	sld [smem:$0x3FFE];
	[sflag:s23] =	ssyncadd.s32 $0xFFFFFFFF  }
0xa5: {  	s26 =	simm.s32 $execute0_lowered;
	[smem:$0x3FD2] =	sst s25  }
0xa6: {  	s4 =	sshll.u32 s26, $0x1;
	_ =	strace $0x8000004C;
	[dreg:$0x1] =	wrdreg $0xFFFFFFFF  }
0xa7: {  	s28 =	simm.s32 $_size_execute0_lowered;
	s2 =	sadd.s32 s2, s4;
	[dreg:$0x0] =	wrdreg $0x0  }
0xa8: {  	s4 =	sshll.u32 s28, $0x1;
	[dreg:$0x2] =	wrdreg s2  }
0xa9: {  	[dreg:$0x3] =	wrdreg s4  }
0xaa: {  	[dreg:$0x4] =	wrdreg $0xC0  }
0xab: {  	_ =	task [dreg:s6], $0x5FFFF  }
0xac: {  	[dreg:$0x1] =	wrdreg $0xFFFFFFFF  }
0xad: {  	[dreg:$0x0] =	wrdreg $0x60  }
0xae: {  	[dreg:$0x2] =	wrdreg s24  }
0xaf: {  	[dreg:$0x3] =	wrdreg $0x81000  }
0xb0: {  	[dreg:$0x4] =	wrdreg $0x9  }
0xb1: {  	_ =	task.clear_ibuf [dreg:s6], $0x5FFFF;
	_ =	strace $0x9000004C  }
0xb2: {  	s29 =	simm.s32 $0x9;
	_ =	strace $0x8000004E  }
0xb3: {  	_ =	swait.ge [sflag:s29], $0x1  }
0xb4: {  	[sflag:s29] =	ssyncadd.s32 $0xFFFFFFFF  }
0xb5: {  	_ =	strace $0x9000004E  }
0xb6: {  	_ =	sfence  }
0xb7: {  	s30 =	sld [smem:$0x0];
	_ =	sdelay $0x2  }
0xb8: {  	s31 =	sshll.u32 s1, $0xD;
	s1 =	sshrl.u32 s1, $0x2  }
0xb9: {  	s3 =	sand.u32 $0x4000, s31;
	s1 =	sadd.s32 s1, s30  }
0xba: {  	s0 =	sor.u32 s3, s0;
	s1 =	sshll.u32 s1, $0x11  }
0xbb: {  	s0 =	sor.u32 s1, s0  }
0xbc: {  	s0 =	sadd.s32 $0x8F2B, s0  }
0xbd: {  	[sflag:s0] =	ssyncadd.remote.s32 $0x1  }
0xbe: {  	_ =	sfence.sel $0xFFFF  }
0xbf: {  	[dreg:$0x0] =	wrdreg $0xFFFFFFFF;
	(pc) =	sbr.abs _section_cstart, $3  }
0xc0: {  	[dreg:$0x1] =	wrdreg $0xFFFFFFFF  }
0xc1: {  	_ =	task.clear_ibuf [dreg:s6], $0x2FFFF;
	_ =	strace $0x9FFFFFFF  }
0xc2: {  	(tm) =	ssettm $0x7FFFFFFF  }
0xc3: {  	_ =	shalt  }
tec
execute0_lowered:
.L_overlay_start_1:
0x0: {  	(tag) =	ssettag $0x1  }
0x1: {  	s0 =	rddreg [dreg:$0x0]  }
0x2: {  	s1 =	rddreg [dreg:$0x1]  }
0x3: {  	s2 =	simm.s32 $0x0;
	s4 =	srdreg.scid;
	s12 =	stileid.u32  }
0x4: {  	s22 =	simm.s32 $0x4;
	s23 =	simm.s32 $0x80;
	s24 =	simm.s32 $0x4100  }
0x5: {  	s25 =	simm.s32 $0x2;
	s26 =	simm.s32 $0x3;
	s28 =	simm.s32 $0x1  }
0x6: {  	s29 =	simm.s32 $0x0;
	s30 =	simm.s32 $0x0;
	s3 =	sadd.s32 $0x9E5800, s0  }
0x7: {  	[smem:$0x7FF] =	sst s2;
	s5 =	sadd.s32 $0x9400, s0;
	s6 =	sadd.s32 $0x4EBA00, s0  }
0x8: {  	s7 =	sadd.s32 $0x13200, s0;
	s4 =	sand.u32 $0x1, s4;
	s9 =	smul.u32 $0x50000, s12  }
0x9: {  	s0 =	sadd.s32 $0x3B200, s0;
	s13 =	smul.u32 $0x14000, s12;
	_ =	strace $0x8000004D  }
0xa: {  	s8 =	ssub.s32 $0x2, s4;
	s11 =	sshll.u32 s4, $0x4;
	s4 =	smul.u32 $0x140000, s4  }
0xb: {  	s10 =	sshrl.u32 s8, $0x1;
	s14 =	sor.u32 s12, s11;
	s9 =	sshrl.u32 s9, $0x2  }
0xc: {  	s15 =	sadd.s32 $0x4000, s13;
	s17 =	sadd.s32 $0x8000, s13;
	s18 =	sadd.s32 $0xC000, s13  }
0xd: {  	s19 =	sadd.s32 $0x10000, s13;
	s20 =	ssub.s32 s8, s10;
	s8 =	smul.u32 $0x2780, s14  }
0xe: {  	s9 =	sadd.s32 s9, s1;
	s10 =	sadd.s32 s15, s1;
	s11 =	sadd.s32 s17, s1  }
0xf: {  	s12 =	sadd.s32 s18, s1;
	s16 =	sadd.s32 s13, s4;
	s15 =	sadd.s32 s4, s15  }
0x10: {  	s13 =	sadd.s32 s19, s1;
	s14 =	smul.u32 $0x4F, s14;
	s17 =	sadd.s32 s4, s17  }
0x11: {  	s18 =	sadd.s32 s4, s18;
	s4 =	sadd.s32 s4, s19;
	s16 =	sshrl.u32 s16, $0x3  }
0x12: {  	s21 =	sshrl.u32 s15, $0x3;
	s17 =	sshrl.u32 s17, $0x3;
	s18 =	sshrl.u32 s18, $0x3  }
0x13: {  	s4 =	sshrl.u32 s4, $0x3;
	s20 =	smax.u32 s20, $0x1;
	s31 =	sadd.s32 s0, s16  }
0x14: {  	s16 =	sadd.s32 s0, s21;
	s17 =	sadd.s32 s0, s17;
	s18 =	sadd.s32 s0, s18  }
0x15: {  	v0 =	vimm.f32 $0.0e+00;
	s19 =	sadd.s32 s0, s4;
	s21 =	simm.s32 $0x100;
	[dreg:$0x3] =	wrdreg s31  }
.LBB2_1:
0x16: {  	s0 =	simm.s32 $0x0;
	s4 =	simm.s32 $0x200  }
.LBB2_2:
0x17: {  	p0 =	sne.s32 s4, $0xFE00;
	[tilespmem:s0+$0x170] =	vst v0  }
0x18: {  	[tilespmem:s0+$0x100] =	vst v0  }
0x19: {  	[tilespmem:s0+$0x110] =	vst v0  }
.Ltmp0:
0x1a: {  	[tilespmem:s0+$0x120] =	vst v0;
	(pc) =	sbr.rel @p0 .LBB2_2-.Ltmp0, $4  }
0x1b: {  	[tilespmem:s0+$0x130] =	vst v0  }
0x1c: {  	[tilespmem:s0+$0x140] =	vst v0  }
0x1d: {  	[tilespmem:s0+$0x150] =	vst v0  }
0x1e: {  	[tilespmem:s0+$0x160] =	vst v0;
	s0 =	sshra.s32 s4, $0x2;
	s4 =	sadd.s32 $0x200, s4  }
0x1f: {  	[tilespmem:s0+$0x170] =	vst v0  }
0x20: {  	[tilespmem:s0+$0x100] =	vst v0  }
0x21: {  	[tilespmem:s0+$0x110] =	vst v0  }
0x22: {  	[tilespmem:s0+$0x120] =	vst v0  }
0x23: {  	[tilespmem:s0+$0x130] =	vst v0  }
0x24: {  	[tilespmem:s0+$0x140] =	vst v0  }
0x25: {  	[tilespmem:s0+$0x150] =	vst v0  }
0x26: {  	[tilespmem:s0+$0x160] =	vst v0  }
0x27: {  	[spmem:s9] =	stream.linear.scatter [tilespmem:s21], [sflag:$0x4], $0x4000, $0x38;
	[tilespmem:$0x1C100] =	vst v63  }
0x28: {  	_ =	swait.ge [sflag:s22], $0x4000  }
0x29: {  	[sflag:s22] =	ssyncset.done $0x0  }
0x2a: {  	[sflag:s22] =	ssyncadd.s32 $0xFFFFC000  }
0x2b: {  	[spmem:s10] =	stream.linear.scatter [tilespmem:s21], [sflag:$0x4], $0x4000, $0x38;
	[tilespmem:$0x1C100] =	vst v63  }
0x2c: {  	_ =	swait.ge [sflag:s22], $0x4000  }
0x2d: {  	[sflag:s22] =	ssyncset.done $0x0  }
0x2e: {  	[sflag:s22] =	ssyncadd.s32 $0xFFFFC000  }
0x2f: {  	[spmem:s11] =	stream.linear.scatter [tilespmem:s21], [sflag:$0x4], $0x4000, $0x38;
	[tilespmem:$0x1C100] =	vst v63  }
0x30: {  	_ =	swait.ge [sflag:s22], $0x4000  }
0x31: {  	[sflag:s22] =	ssyncset.done $0x0  }
0x32: {  	[sflag:s22] =	ssyncadd.s32 $0xFFFFC000  }
0x33: {  	[spmem:s12] =	stream.linear.scatter [tilespmem:s21], [sflag:$0x4], $0x4000, $0x38;
	[tilespmem:$0x1C100] =	vst v63  }
0x34: {  	_ =	swait.ge [sflag:s22], $0x4000  }
0x35: {  	[sflag:s22] =	ssyncset.done $0x0  }
0x36: {  	[sflag:s22] =	ssyncadd.s32 $0xFFFFC000  }
0x37: {  	[spmem:s13] =	stream.linear.scatter [tilespmem:s21], [sflag:$0x4], $0x4000, $0x38;
	[tilespmem:$0x1C100] =	vst v63  }
0x38: {  	_ =	swait.ge [sflag:s22], $0x4000  }
0x39: {  	[sflag:s22] =	ssyncset.done $0x0  }
0x3a: {  	[sflag:s22] =	ssyncadd.s32 $0xFFFFC000  }
0x3b: {  	s31 =	simm.s32 $0x0;
	[bflag:$0x0] =	sbarrier.arrive $0xFFFF  }
.LBB2_4:
0x3c: {  	s0 =	sshll.u32 s31, $0x7  }
0x3d: {  	s0 =	sadd.s32 s8, s0  }
0x3e: {  	s4 =	sshll.u32 s0, $0x4  }
0x3f: {  	s15 =	sadd.s32 s14, s31;
	s4 =	sadd.s32 s3, s4  }
0x40: {  	[tilespmem:s21], [sflag:$0x2] =	stream.linear.gather [hbm4b:s4+s30], $0x4000, $0x38;
	[tilespmem:$0x1C100] =	vst v63  }
0x41: {  	s4 =	sshll.u32 s15, $0x4  }
0x42: {  	s0 =	sshrl.u32 s0, $0x3;
	s4 =	sadd.s32 s6, s4  }
0x43: {  	[tilespmem:s23], [sflag:$0x1] =	stream.linear.gather [hbm4b:s4+s30], $0x80, $0x38;
	[tilespmem:$0x1C100] =	vst v63  }
0x44: {  	s0 =	sadd.s32 s5, s0  }
0x45: {  	[tilespmem:s30], [sflag:$0x4] =	stream.linear.gather [hbm4b:s0+s30], $0x80, $0x38;
	[tilespmem:$0x1C100] =	vst v63  }
0x46: {  	_ =	swait.ge [sflag:s22], $0x80  }
0x47: {  	[sflag:s22] =	ssyncset.done $0x0  }
0x48: {  	[sflag:s22] =	ssyncadd.s32 $0xFFFFFF80  }
0x49: {  	[tilespmem:s24], [sflag:$0x3] =	stream.indirect.gather [hbm4b:s7+s23], $0x80, s30, s23, $0xb8;
	[tilespmem:$0x1C100] =	vst v63  }
0x4a: {  	_ =	swait.ge [sflag:s25], $0x4000  }
0x4b: {  	[sflag:s25] =	ssyncset.done $0x0  }
0x4c: {  	[sflag:s25] =	ssyncadd.s32 $0xFFFFC000  }
0x4d: {  	_ =	swait.ge [sflag:s26], $0x4000  }
0x4e: {  	[sflag:s26] =	ssyncset.done $0x0  }
0x4f: {  	s0 =	simm.s32 $0x0;
	[sflag:s26] =	ssyncadd.s32 $0xFFFFC000  }
0x50: {  	v7 =	vld [tilespmem:s0+$0x4100]  }
0x51: {  	v12 =	vld [tilespmem:s0+$0x4110]  }
0x52: {  	v6 =	vld [tilespmem:s0+$0x4120]  }
0x53: {  	v5 =	vld [tilespmem:s0+$0x4130]  }
0x54: {  	v4 =	vld [tilespmem:s0+$0x4140]  }
0x55: {  	v3 =	vld [tilespmem:s0+$0x4150]  }
0x56: {  	v2 =	vld [tilespmem:s0+$0x4160]  }
0x57: {  	v1 =	vld [tilespmem:s0+$0x4170]  }
0x58: {  	v13 =	vld [tilespmem:s0+$0x100]  }
0x59: {  	v14 =	vld [tilespmem:s0+$0x110]  }
0x5a: {  	v11 =	vld [tilespmem:s0+$0x120]  }
0x5b: {  	v10 =	vld [tilespmem:s0+$0x130]  }
0x5c: {  	v9 =	vld [tilespmem:s0+$0x140]  }
0x5d: {  	v8 =	vld [tilespmem:s0+$0x150];
	v13 =	vadd.f32 v7, v13  }
0x5e: {  	s4 =	simm.s32 $0x200;
	v12 =	vadd.f32 v12, v14;
	v7 =	vld [tilespmem:s0+$0x160]  }
.LBB2_5:
0x5f: {  	s15 =	sshra.s32 s4, $0x2;
	p0 =	sne.s32 s4, $0xFE00;
	v13 =	vmax.f32 v13, $0.0e+00;
	v6 =	vadd.f32 v6, v11;
	v11 =	vld [tilespmem:s0+$0x170]  }
0x60: {  	v14 =	vld [tilespmem:s15+$0x4100];
	[tilespmem:s0+$0x100] =	vst v13;
	v12 =	vmax.f32 v12, $0.0e+00;
	v5 =	vadd.f32 v5, v10  }
0x61: {  	v15 =	vld [tilespmem:s15+$0x4110];
	[tilespmem:s0+$0x110] =	vst v12;
	v10 =	vmax.f32 v6, $0.0e+00;
	v4 =	vadd.f32 v4, v9  }
0x62: {  	v6 =	vld [tilespmem:s15+$0x4120];
	[tilespmem:s0+$0x120] =	vst v10;
	v9 =	vmax.f32 v5, $0.0e+00;
	v3 =	vadd.f32 v3, v8  }
0x63: {  	v5 =	vld [tilespmem:s15+$0x4130];
	[tilespmem:s0+$0x130] =	vst v9;
	v8 =	vmax.f32 v4, $0.0e+00;
	v2 =	vadd.f32 v2, v7  }
0x64: {  	v4 =	vld [tilespmem:s15+$0x4140];
	[tilespmem:s0+$0x140] =	vst v8;
	v7 =	vmax.f32 v3, $0.0e+00;
	v1 =	vadd.f32 v1, v11  }
0x65: {  	v3 =	vld [tilespmem:s15+$0x4150];
	[tilespmem:s0+$0x150] =	vst v7;
	v7 =	vmax.f32 v2, $0.0e+00  }
0x66: {  	v2 =	vld [tilespmem:s15+$0x4160];
	[tilespmem:s0+$0x160] =	vst v7;
	v7 =	vmax.f32 v1, $0.0e+00  }
0x67: {  	v1 =	vld [tilespmem:s15+$0x4170];
	[tilespmem:s0+$0x170] =	vst v7;
	s0 =	smov.u32 s15  }
0x68: {  	v7 =	vld [tilespmem:s0+$0x100]  }
0x69: {  	v12 =	vld [tilespmem:s0+$0x110]  }
.Ltmp1:
0x6a: {  	v11 =	vld [tilespmem:s0+$0x120];
	(pc) =	sbr.rel @p0 .LBB2_5-.Ltmp1, $4  }
0x6b: {  	v10 =	vld [tilespmem:s0+$0x130]  }
0x6c: {  	v9 =	vld [tilespmem:s0+$0x140]  }
0x6d: {  	v13 =	vadd.f32 v14, v7;
	v8 =	vld [tilespmem:s0+$0x150]  }
0x6e: {  	s4 =	sadd.s32 $0x200, s4;
	v12 =	vadd.f32 v15, v12;
	v7 =	vld [tilespmem:s0+$0x160]  }
0x6f: {  	v13 =	vmax.f32 v13, $0.0e+00;
	v6 =	vadd.f32 v6, v11;
	v63 =	vld [tilespmem:s0+$0x170]  }
0x70: {  	[tilespmem:s0+$0x100] =	vst v13;
	v12 =	vmax.f32 v12, $0.0e+00;
	v5 =	vadd.f32 v5, v10  }
0x71: {  	[tilespmem:s0+$0x110] =	vst v12;
	v6 =	vmax.f32 v6, $0.0e+00;
	v4 =	vadd.f32 v4, v9  }
0x72: {  	[tilespmem:s0+$0x120] =	vst v6;
	v5 =	vmax.f32 v5, $0.0e+00;
	v3 =	vadd.f32 v3, v8  }
0x73: {  	[tilespmem:s0+$0x130] =	vst v5;
	v4 =	vmax.f32 v4, $0.0e+00;
	v2 =	vadd.f32 v2, v7  }
0x74: {  	[tilespmem:s0+$0x140] =	vst v4;
	v3 =	vmax.f32 v3, $0.0e+00;
	v1 =	vadd.f32 v1, v63  }
0x75: {  	[tilespmem:s0+$0x150] =	vst v3;
	v2 =	vmax.f32 v2, $0.0e+00  }
0x76: {  	[tilespmem:s0+$0x160] =	vst v2;
	v1 =	vmax.f32 v1, $0.0e+00  }
0x77: {  	[tilespmem:s0+$0x170] =	vst v1  }
0x78: {  	s31 =	sadd.s32 $0x1, s31;
	_ =	swait.ge [sflag:s28], $0x80  }
0x79: {  	p0 =	sne.s32 s31, $0x4F;
	[sflag:s28] =	ssyncset.done $0x0  }
.Ltmp2:
0x7a: {  	[sflag:s28] =	ssyncadd.s32 $0xFFFFFF80;
	(pc) =	sbr.rel @p0 .LBB2_4-.Ltmp2, $4  }
0x7b: {  	[spmem:s1] =	stream.indirect.scatter.add.f32 [tilespmem:s21], [sflag:$0x4], $0x80, s23, s23, $0xb8;
	[tilespmem:$0x1C100] =	vst v63  }
0x7c: {  	_ =	swait.ge [sflag:s22], $0x4000  }
0x7d: {  	[sflag:s22] =	ssyncset.done $0x0  }
0x7e: {  	[sflag:s22] =	ssyncadd.s32 $0xFFFFC000  }
0x7f: {  	[bflag:$0x0] =	sbarrier.arrive $0xFFFF  }
0x80: {  	[tilespmem:s21], [sflag:$0x4] =	stream.linear.gather [spmem:s9], $0x4000, $0x38;
	[tilespmem:$0x1C100] =	vst v63  }
0x81: {  	_ =	swait.ge [sflag:s22], $0x4000  }
0x82: {  	[sflag:s22] =	ssyncset.done $0x0  }
0x83: {  	s0 =	rddreg [dreg:$0x3];
	[sflag:s22] =	ssyncadd.s32 $0xFFFFC000  }
0x84: {  	[hbm4b:s0+s2] =	stream.linear.scatter [tilespmem:s21], [sflag:$0x4], $0x4000, $0x38;
	[tilespmem:$0x1C100] =	vst v63  }
0x85: {  	_ =	swait.ge [sflag:s22], $0x4000  }
0x86: {  	[sflag:s22] =	ssyncset.done $0x0  }
0x87: {  	[sflag:s22] =	ssyncadd.s32 $0xFFFFC000  }
0x88: {  	[tilespmem:s21], [sflag:$0x4] =	stream.linear.gather [spmem:s10], $0x4000, $0x38;
	[tilespmem:$0x1C100] =	vst v63  }
0x89: {  	_ =	swait.ge [sflag:s22], $0x4000  }
0x8a: {  	[sflag:s22] =	ssyncset.done $0x0  }
0x8b: {  	[sflag:s22] =	ssyncadd.s32 $0xFFFFC000  }
0x8c: {  	[hbm4b:s16+s2] =	stream.linear.scatter [tilespmem:s21], [sflag:$0x4], $0x4000, $0x38;
	[tilespmem:$0x1C100] =	vst v63  }
0x8d: {  	_ =	swait.ge [sflag:s22], $0x4000  }
0x8e: {  	[sflag:s22] =	ssyncset.done $0x0  }
0x8f: {  	[sflag:s22] =	ssyncadd.s32 $0xFFFFC000  }
0x90: {  	[tilespmem:s21], [sflag:$0x4] =	stream.linear.gather [spmem:s11], $0x4000, $0x38;
	[tilespmem:$0x1C100] =	vst v63  }
0x91: {  	_ =	swait.ge [sflag:s22], $0x4000  }
0x92: {  	[sflag:s22] =	ssyncset.done $0x0  }
0x93: {  	[sflag:s22] =	ssyncadd.s32 $0xFFFFC000  }
0x94: {  	[hbm4b:s17+s2] =	stream.linear.scatter [tilespmem:s21], [sflag:$0x4], $0x4000, $0x38;
	[tilespmem:$0x1C100] =	vst v63  }
0x95: {  	_ =	swait.ge [sflag:s22], $0x4000  }
0x96: {  	[sflag:s22] =	ssyncset.done $0x0  }
0x97: {  	[sflag:s22] =	ssyncadd.s32 $0xFFFFC000  }
0x98: {  	[tilespmem:s21], [sflag:$0x4] =	stream.linear.gather [spmem:s12], $0x4000, $0x38;
	[tilespmem:$0x1C100] =	vst v63  }
0x99: {  	_ =	swait.ge [sflag:s22], $0x4000  }
0x9a: {  	[sflag:s22] =	ssyncset.done $0x0  }
0x9b: {  	[sflag:s22] =	ssyncadd.s32 $0xFFFFC000  }
0x9c: {  	[hbm4b:s18+s2] =	stream.linear.scatter [tilespmem:s21], [sflag:$0x4], $0x4000, $0x38;
	[tilespmem:$0x1C100] =	vst v63  }
0x9d: {  	_ =	swait.ge [sflag:s22], $0x4000  }
0x9e: {  	[sflag:s22] =	ssyncset.done $0x0  }
0x9f: {  	[sflag:s22] =	ssyncadd.s32 $0xFFFFC000  }
0xa0: {  	[tilespmem:s21], [sflag:$0x4] =	stream.linear.gather [spmem:s13], $0x4000, $0x38;
	[tilespmem:$0x1C100] =	vst v63  }
0xa1: {  	s29 =	sadd.s32 $0x1, s29;
	_ =	swait.ge [sflag:s22], $0x4000  }
0xa2: {  	p0 =	sne.s32 s29, s20;
	[sflag:s22] =	ssyncset.done $0x0  }
.Ltmp3:
0xa3: {  	[sflag:s22] =	ssyncadd.s32 $0xFFFFC000;
	(pc) =	sbr.rel @p0 .LBB2_1-.Ltmp3, $4  }
0xa4: {  	[hbm4b:s19+s2] =	stream.linear.scatter [tilespmem:s21], [sflag:$0x4], $0x4000, $0x38;
	[tilespmem:$0x1C100] =	vst v63  }
0xa5: {  	_ =	swait.ge [sflag:s22], $0x4000  }
0xa6: {  	[sflag:s22] =	ssyncset.done $0x0  }
0xa7: {  	[sflag:s22] =	ssyncadd.s32 $0xFFFFC000  }
0xa8: {  	_ =	sfence.sel $0x180000  }
0xa9: {  	[bflag:$0x0] =	sbarrier.arrive $0xFFFF  }
0xaa: {  	_ =	strace $0x9000004D  }
0xab: {  	s0 =	stileid.u32;
	[bflag:$0x2] =	sbarrier.arrive $0xFFFF  }
0xac: {  	p0 =	sne.s32 s0, $0x0;
	s0 =	rddreg [dreg:$0x2]  }
0xad: {  	s0 =	sadd.s32 @!p0 $0x100000, s0  }
0xae: {  	[sflag:s0] =	ssyncadd.tile.s32 @!p0 $0x1;
	_ =	shalt  }
.Lfunc_end2:
_tile_overlayer_lowered:
.L_overlay_start_2:
0xaf: {  	(tag) =	ssettag $0x2  }
0xb0: {  	s0 =	rddreg [dreg:$0x0];
	s2 =	stileid.u32  }
0xb1: {  	s1 =	rddreg [dreg:$0x1];
	p0 =	sne.s32 s2, $0x0  }
0xb2: {  	s3 =	rddreg [dreg:$0x2];
	[bflag:$0x3] =	sbarrier.arrive $0xFFFF;
	s2 =	simm.s32 @!p0 $0x1C04  }
0xb3: {  	[timem:s3], [sflag:s2] =	dma.local @!p0 [hbm:s0], s1  }
0xb4: {  	s0 =	simm.s32 @!p0 $0x4  }
0xb5: {  	_ =	swait.ge @!p0 [sflag:s0], s1  }
0xb6: {  	s1 =	ssub.s32 @!p0 $0x0, s1;
	[sflag:s0] =	ssyncset.done @!p0 $0x0  }
0xb7: {  	[sflag:s0] =	ssyncadd.s32 @!p0 s1  }
0xb8: {  	[bflag:$0x3] =	sbarrier.arrive $0xFFFF  }
0xb9: {  	_ =	shalt  }

// kernel: kernel.27.cloned.1.call-start
scs
__scs_entry_jumppad:
0x0: {  	(pc) =	sbr.rel $0x88, $3  }
0x1: {  	(tag) =	ssettag $0x0;
	lr =	simm.s32 $0x1  }
0x2: {  	[smem:$0x3F8F] =	sst lr;
	_ =	strace $0xD0000000  }
0x3: {  	_ = 	snop  }
0x4: {  	_ = 	snop  }
0x5: {  	_ = 	snop  }
0x6: {  	_ = 	snop  }
0x7: {  	_ = 	snop  }
__scs_overlays_trampoline_lowered:
0x8: {  	[smem:$0x3F9E] =	sst s0  }
0x9: {  	[smem:$0x3F9F] =	sst s1  }
0xa: {  	[smem:$0x3FA0] =	sst s2  }
0xb: {  	[smem:$0x3FA1] =	sst s3  }
0xc: {  	[smem:$0x3FA2] =	sst s4  }
0xd: {  	[smem:$0x3FA3] =	sst s5  }
0xe: {  	[smem:$0x3FA4] =	sst s6  }
0xf: {  	[smem:$0x3FA5] =	sst s7  }
0x10: {  	[smem:$0x3FA6] =	sst s8  }
0x11: {  	[smem:$0x3FA7] =	sst s9;
	s0 =	simm.s32 @!p0 $0x0  }
0x12: {  	s1 =	sld [smem:$0x3F8D];
	s0 =	simm.s32 @p0 $0x1  }
0x13: {  	[smem:$0x3FA8] =	sst s0;
	s0 =	simm.s32 @!p1 $0x0  }
0x14: {  	s2 =	sld [smem:$0x3F8C];
	s0 =	simm.s32 @p1 $0x1  }
0x15: {  	[smem:$0x3FA9] =	sst s0;
	s0 =	simm.s32 @!p2 $0x0  }
0x16: {  	s3 =	sld [smem:$0x3FDB];
	s0 =	simm.s32 @p2 $0x1  }
0x17: {  	s4 =	simm.s32 $0x1BF5;
	[smem:$0x3FAB] =	sst s0  }
0x18: {  	s0 =	sld [smem:$0x3F8E];
	_ =	swait.ge [sflag:s4], $0x0  }
0x19: {  	s7 =	sld [smem:$0x3F8F]  }
0x1a: {  	s8 =	sadd.s32 $0xFFFFE003, lr  }
0x1b: {  	s9 =	sadd.s32 $0xFFFFFEF7, lr;
	s5 =	simm.s32 $0xFFFFFFFF;
	p2 =	slt.u32 s8, $0xFFFFF086  }
0x1c: {  	p1 =	slt.u32 s9, $0xF7A;
	s5 =	simm.s32 @!p2 $0x0  }
0x1d: {  	s5 =	simm.s32 @p1 $0x1;
	p0 =	seq.s32 s7, s2  }
0x1e: {  	s7 =	smul.u32 @!p0 $0xF7A, s2;
	p2 =	seq.s32 @!p0 s5, $0x0  }
0x1f: {  	s9 =	smul.u32 $0xF7A, s1;
	s8 =	simm.s32 @!p0 $0x1BF5;
	p2 =	por !p2, p0  }
0x20: {  	[sflag:s8] =	ssyncset.s32 @!p0 $0xFFFFF086;
	s6 =	sadd.s32 @!p0 s3, s7;
	s7 =	simm.s32 @!p0 $0x108  }
0x21: {  	s3 =	sadd.s32 s3, s9;
	s6 =	sadd.s32 @!p0 $0x88, s6;
	s7 =	simm.s32 @p2 $0x1082  }
0x22: {  	[simem:s7], [sflag:s8] =	dma.local @!p0 [hbm:s6], $0xF7A  }
0x23: {  	s9 =	sor.u32 $0xD0000000, s2;
	s6 =	simm.s32 $0x108;
	_ =	swait.ge @!p0 [sflag:s8], $0x0  }
0x24: {  	s3 =	sadd.s32 $0x88, s3;
	s6 =	simm.s32 @!p1 $0x1082;
	[sflag:s4] =	ssyncset.s32 $0xFFFFF086  }
0x25: {  	[simem:s6], [sflag:s4] =	dma.local [hbm:s3], $0xF7A  }
0x26: {  	[smem:$0x3F8F] =	sst s1;
	(tag) =	ssettag s2;
	_ =	strace s9  }
0x27: {  	s1 =	sld [smem:$0x3F9F]  }
0x28: {  	s2 =	sld [smem:$0x3FA0]  }
0x29: {  	s4 =	sld [smem:$0x3FA2]  }
0x2a: {  	p0 =	seq.s32 s5, $0x0;
	s5 =	sld [smem:$0x3FA3]  }
0x2b: {  	s6 =	sld [smem:$0x3FA4]  }
0x2c: {  	s7 =	sld [smem:$0x3FA5]  }
0x2d: {  	s3 =	simm.s32 $0x108;
	s8 =	sld [smem:$0x3FA6]  }
0x2e: {  	s3 =	simm.s32 @!p0 $0x1082;
	s9 =	sld [smem:$0x3FA7]  }
0x2f: {  	lr =	sadd.s32 s0, s3;
	s0 =	sld [smem:$0x3F9E]  }
0x30: {  	s3 =	sld [smem:$0x3FA1]  }
0x31: {  	[smem:$0x3FAA] =	sst s10  }
0x32: {  	s10 =	sld [smem:$0x3FA8];
	_ =	sdelay $0x3  }
0x33: {  	p0 =	seq.s32 s10, $0x1;
	s10 =	sld [smem:$0x3FAA];
	_ =	sdelay $0x3  }
0x34: {  	[smem:$0x3FAA] =	sst s10  }
0x35: {  	s10 =	sld [smem:$0x3FA9];
	_ =	sdelay $0x3  }
0x36: {  	p1 =	seq.s32 s10, $0x1;
	s10 =	sld [smem:$0x3FAA];
	_ =	sdelay $0x3  }
0x37: {  	[smem:$0x3FAA] =	sst s10  }
0x38: {  	s10 =	sld [smem:$0x3FAB]  }
0x39: {  	_ = 	snop;
	(pc) =	sbr.ind lr, $3  }
0x3a: {  	_ = 	snop  }
0x3b: {  	_ = 	snop  }
0x3c: {  	p2 =	seq.s32 s10, $0x1;
	s10 =	sld [smem:$0x3FAA]  }
0x3d: {  	_ =	shalt  }
0x3e: {  	_ =	shalt  }
0x3f: {  	_ =	shalt  }
0x40: {  	_ =	shalt  }
0x41: {  	_ =	shalt  }
0x42: {  	_ =	shalt  }
0x43: {  	_ =	shalt  }
0x44: {  	_ =	shalt  }
0x45: {  	_ =	shalt  }
0x46: {  	_ =	shalt  }
0x47: {  	_ =	shalt  }
0x48: {  	_ =	shalt  }
0x49: {  	_ =	shalt  }
0x4a: {  	_ =	shalt  }
0x4b: {  	_ =	shalt  }
0x4c: {  	_ =	shalt  }
0x4d: {  	_ =	shalt  }
0x4e: {  	_ =	shalt  }
0x4f: {  	_ =	shalt  }
0x50: {  	_ =	shalt  }
0x51: {  	_ =	shalt  }
0x52: {  	_ =	shalt  }
0x53: {  	_ =	shalt  }
0x54: {  	_ =	shalt  }
0x55: {  	_ =	shalt  }
0x56: {  	_ =	shalt  }
0x57: {  	_ =	shalt  }
0x58: {  	_ =	shalt  }
0x59: {  	_ =	shalt  }
0x5a: {  	_ =	shalt  }
0x5b: {  	_ =	shalt  }
0x5c: {  	_ =	shalt  }
0x5d: {  	_ =	shalt  }
0x5e: {  	_ =	shalt  }
0x5f: {  	_ =	shalt  }
0x60: {  	_ =	shalt  }
0x61: {  	_ =	shalt  }
0x62: {  	_ =	shalt  }
0x63: {  	_ =	shalt  }
0x64: {  	_ =	shalt  }
0x65: {  	_ =	shalt  }
0x66: {  	_ =	shalt  }
0x67: {  	_ =	shalt  }
0x68: {  	_ =	shalt  }
0x69: {  	_ =	shalt  }
0x6a: {  	_ =	shalt  }
0x6b: {  	_ =	shalt  }
0x6c: {  	_ =	shalt  }
0x6d: {  	_ =	shalt  }
0x6e: {  	_ =	shalt  }
0x6f: {  	_ =	shalt  }
0x70: {  	_ =	shalt  }
0x71: {  	_ =	shalt  }
0x72: {  	_ =	shalt  }
0x73: {  	_ =	shalt  }
0x74: {  	_ =	shalt  }
0x75: {  	_ =	shalt  }
0x76: {  	_ =	shalt  }
0x77: {  	_ =	shalt  }
0x78: {  	_ =	shalt  }
0x79: {  	_ =	shalt  }
0x7a: {  	_ =	shalt  }
0x7b: {  	_ =	shalt  }
0x7c: {  	_ =	shalt  }
0x7d: {  	_ =	shalt  }
0x7e: {  	_ =	shalt  }
0x7f: {  	_ =	shalt  }
0x80: {  	_ =	shalt  }
0x81: {  	_ =	shalt  }
0x82: {  	_ =	shalt  }
0x83: {  	_ =	shalt  }
0x84: {  	_ =	shalt  }
0x85: {  	_ =	shalt  }
0x86: {  	_ =	shalt  }
0x87: {  	_ =	shalt  }
.Lfunc_end0:
.L_simem_size_0:
called_computation.3_lowered:
.L_overlay_start_0:
0x88: {  	s2 =	sld [smem:$0x3FD9]  }
0x89: {  	s3 =	sld [smem:$0x3FFE];
	_ =	sdelay $0x1  }
0x8a: {  	s1 =	srdreg.scid  }
0x8b: {  	s0 =	sand.u32 $0x1, s1  }
0x8c: {  	s16 =	sshll.u32 s0, $0xA;
	s2 =	sadd.s32 s3, s2  }
0x8d: {  	s2 =	sadd.s32 s2, s16  }
0x8e: {  	[smem:$0x3FB6] =	sst s2  }
0x8f: {  	_ = 	snop  }
0x90: {  	(tm) =	ssettm $0x1  }
0x91: {  	s17 =	sld [smem:$0x3FFB];
	_ =	sdelay $0x3  }
0x92: {  	_ =	strace s17  }
0x93: {  	s2 =	sld [smem:$0x3FFC];
	_ =	sdelay $0x3  }
0x94: {  	_ =	strace s2  }
0x95: {  	s2 =	sld [smem:$0x3FFD];
	_ =	sdelay $0x3  }
0x96: {  	_ =	strace s2  }
0x97: {  	_ =	strace $0x8FFFFFFF  }
0x98: {  	s18 =	sld [smem:$0x3FDB];
	_ =	sdelay $0x1  }
0x99: {  	s19 =	simm.s32 $_scs_section_size  }
0x9a: {  	s4 =	simm.s32 $_size__tile_overlayer_lowered;
	s5 =	simm.s32 $_tile_overlayer_lowered  }
0x9b: {  	s22 =	simm.s32 $0x1BFF;
	s21 =	sshll.u32 s5, $0x1;
	s2 =	sadd.s32 s19, s18  }
0x9c: {  	s6 =	simm.s32 $0x0;
	s20 =	sshll.u32 s4, $0x1;
	s4 =	sadd.s32 s21, s2  }
0x9d: {  	[timem:s6], [sflag:s22] =	dma.local [hbm:s4], s20  }
0x9e: {  	_ =	swait.ge [sflag:s22], s20  }
0x9f: {  	s3 =	ssub.s32 $0x0, s20;
	[sflag:s22] =	ssyncset.done $0x0  }
0xa0: {  	[sflag:s22] =	ssyncadd.s32 s3;
	_ =	sdelay $0x1  }
0xa1: {  	s23 =	simm.s32 $0x1B8B  }
0xa2: {  	_ =	swait.ge [sflag:s23], $0x1  }
0xa3: {  	[sflag:s23] =	ssyncset.done $0x0  }
0xa4: {  	s25 =	simm.s32 $0x1B8E;
	s24 =	sld [smem:$0x3FFE];
	[sflag:s23] =	ssyncadd.s32 $0xFFFFFFFF  }
0xa5: {  	s26 =	simm.s32 $execute0_lowered;
	[smem:$0x3FD2] =	sst s25  }
0xa6: {  	s4 =	sshll.u32 s26, $0x1;
	_ =	strace $0x8000004F;
	[dreg:$0x1] =	wrdreg $0xFFFFFFFF  }
0xa7: {  	s28 =	simm.s32 $_size_execute0_lowered;
	s2 =	sadd.s32 s2, s4;
	[dreg:$0x0] =	wrdreg $0x0  }
0xa8: {  	s4 =	sshll.u32 s28, $0x1;
	[dreg:$0x2] =	wrdreg s2  }
0xa9: {  	[dreg:$0x3] =	wrdreg s4  }
0xaa: {  	[dreg:$0x4] =	wrdreg $0xC0  }
0xab: {  	_ =	task [dreg:s6], $0x5FFFF  }
0xac: {  	[dreg:$0x1] =	wrdreg $0xFFFFFFFF  }
0xad: {  	[dreg:$0x0] =	wrdreg $0x60  }
0xae: {  	[dreg:$0x2] =	wrdreg s24  }
0xaf: {  	[dreg:$0x3] =	wrdreg $0x81000  }
0xb0: {  	[dreg:$0x4] =	wrdreg $0x9  }
0xb1: {  	_ =	task.clear_ibuf [dreg:s6], $0x5FFFF;
	_ =	strace $0x9000004F  }
0xb2: {  	s29 =	simm.s32 $0x9;
	_ =	strace $0x80000051  }
0xb3: {  	_ =	swait.ge [sflag:s29], $0x1  }
0xb4: {  	[sflag:s29] =	ssyncadd.s32 $0xFFFFFFFF  }
0xb5: {  	_ =	strace $0x90000051  }
0xb6: {  	_ =	sfence  }
0xb7: {  	s30 =	sld [smem:$0x0];
	_ =	sdelay $0x2  }
0xb8: {  	s31 =	sshll.u32 s1, $0xD;
	s1 =	sshrl.u32 s1, $0x2  }
0xb9: {  	s3 =	sand.u32 $0x4000, s31;
	s1 =	sadd.s32 s1, s30  }
0xba: {  	s0 =	sor.u32 s3, s0;
	s1 =	sshll.u32 s1, $0x11  }
0xbb: {  	s0 =	sor.u32 s1, s0  }
0xbc: {  	s0 =	sadd.s32 $0x8F2B, s0  }
0xbd: {  	[sflag:s0] =	ssyncadd.remote.s32 $0x1  }
0xbe: {  	_ =	sfence.sel $0xFFFF  }
0xbf: {  	[dreg:$0x0] =	wrdreg $0xFFFFFFFF;
	(pc) =	sbr.abs _section_cstart, $3  }
0xc0: {  	[dreg:$0x1] =	wrdreg $0xFFFFFFFF  }
0xc1: {  	_ =	task.clear_ibuf [dreg:s6], $0x2FFFF;
	_ =	strace $0x9FFFFFFF  }
0xc2: {  	(tm) =	ssettm $0x7FFFFFFF  }
0xc3: {  	_ =	shalt  }
tec
execute0_lowered:
.L_overlay_start_1:
0x0: {  	(tag) =	ssettag $0x1  }
0x1: {  	s0 =	rddreg [dreg:$0x0]  }
0x2: {  	s1 =	rddreg [dreg:$0x1]  }
0x3: {  	s2 =	simm.s32 $0x0;
	s4 =	srdreg.scid;
	s12 =	stileid.u32  }
0x4: {  	s22 =	simm.s32 $0x4;
	s23 =	simm.s32 $0x80;
	s24 =	simm.s32 $0x4100  }
0x5: {  	s25 =	simm.s32 $0x2;
	s26 =	simm.s32 $0x3;
	s28 =	simm.s32 $0x1  }
0x6: {  	s29 =	simm.s32 $0x0;
	s30 =	simm.s32 $0x0;
	s3 =	sadd.s32 $0xED5800, s0  }
0x7: {  	[smem:$0x7FF] =	sst s2;
	s5 =	sadd.s32 $0x9400, s0;
	s6 =	sadd.s32 $0x4EBA00, s0  }
0x8: {  	s7 =	sadd.s32 $0x13200, s0;
	s4 =	sand.u32 $0x1, s4;
	s9 =	smul.u32 $0x50000, s12  }
0x9: {  	s0 =	sadd.s32 $0x3B200, s0;
	s13 =	smul.u32 $0x14000, s12;
	_ =	strace $0x80000050  }
0xa: {  	s8 =	ssub.s32 $0x2, s4;
	s11 =	sshll.u32 s4, $0x4;
	s4 =	smul.u32 $0x140000, s4  }
0xb: {  	s10 =	sshrl.u32 s8, $0x1;
	s14 =	sor.u32 s12, s11;
	s9 =	sshrl.u32 s9, $0x2  }
0xc: {  	s15 =	sadd.s32 $0x4000, s13;
	s17 =	sadd.s32 $0x8000, s13;
	s18 =	sadd.s32 $0xC000, s13  }
0xd: {  	s19 =	sadd.s32 $0x10000, s13;
	s20 =	ssub.s32 s8, s10;
	s8 =	smul.u32 $0x2780, s14  }
0xe: {  	s9 =	sadd.s32 s9, s1;
	s10 =	sadd.s32 s15, s1;
	s11 =	sadd.s32 s17, s1  }
0xf: {  	s12 =	sadd.s32 s18, s1;
	s16 =	sadd.s32 s13, s4;
	s15 =	sadd.s32 s4, s15  }
0x10: {  	s13 =	sadd.s32 s19, s1;
	s14 =	smul.u32 $0x4F, s14;
	s17 =	sadd.s32 s4, s17  }
0x11: {  	s18 =	sadd.s32 s4, s18;
	s4 =	sadd.s32 s4, s19;
	s16 =	sshrl.u32 s16, $0x3  }
0x12: {  	s21 =	sshrl.u32 s15, $0x3;
	s17 =	sshrl.u32 s17, $0x3;
	s18 =	sshrl.u32 s18, $0x3  }
0x13: {  	s4 =	sshrl.u32 s4, $0x3;
	s20 =	smax.u32 s20, $0x1;
	s31 =	sadd.s32 s0, s16  }
0x14: {  	s16 =	sadd.s32 s0, s21;
	s17 =	sadd.s32 s0, s17;
	s18 =	sadd.s32 s0, s18  }
0x15: {  	v0 =	vimm.f32 $0.0e+00;
	s19 =	sadd.s32 s0, s4;
	s21 =	simm.s32 $0x100;
	[dreg:$0x3] =	wrdreg s31  }
.LBB2_1:
0x16: {  	s0 =	simm.s32 $0x0;
	s4 =	simm.s32 $0x200  }
.LBB2_2:
0x17: {  	p0 =	sne.s32 s4, $0xFE00;
	[tilespmem:s0+$0x170] =	vst v0  }
0x18: {  	[tilespmem:s0+$0x100] =	vst v0  }
0x19: {  	[tilespmem:s0+$0x110] =	vst v0  }
.Ltmp0:
0x1a: {  	[tilespmem:s0+$0x120] =	vst v0;
	(pc) =	sbr.rel @p0 .LBB2_2-.Ltmp0, $4  }
0x1b: {  	[tilespmem:s0+$0x130] =	vst v0  }
0x1c: {  	[tilespmem:s0+$0x140] =	vst v0  }
0x1d: {  	[tilespmem:s0+$0x150] =	vst v0  }
0x1e: {  	[tilespmem:s0+$0x160] =	vst v0;
	s0 =	sshra.s32 s4, $0x2;
	s4 =	sadd.s32 $0x200, s4  }
0x1f: {  	[tilespmem:s0+$0x170] =	vst v0  }
0x20: {  	[tilespmem:s0+$0x100] =	vst v0  }
0x21: {  	[tilespmem:s0+$0x110] =	vst v0  }
0x22: {  	[tilespmem:s0+$0x120] =	vst v0  }
0x23: {  	[tilespmem:s0+$0x130] =	vst v0  }
0x24: {  	[tilespmem:s0+$0x140] =	vst v0  }
0x25: {  	[tilespmem:s0+$0x150] =	vst v0  }
0x26: {  	[tilespmem:s0+$0x160] =	vst v0  }
0x27: {  	[spmem:s9] =	stream.linear.scatter [tilespmem:s21], [sflag:$0x4], $0x4000, $0x38;
	[tilespmem:$0x1C100] =	vst v63  }
0x28: {  	_ =	swait.ge [sflag:s22], $0x4000  }
0x29: {  	[sflag:s22] =	ssyncset.done $0x0  }
0x2a: {  	[sflag:s22] =	ssyncadd.s32 $0xFFFFC000  }
0x2b: {  	[spmem:s10] =	stream.linear.scatter [tilespmem:s21], [sflag:$0x4], $0x4000, $0x38;
	[tilespmem:$0x1C100] =	vst v63  }
0x2c: {  	_ =	swait.ge [sflag:s22], $0x4000  }
0x2d: {  	[sflag:s22] =	ssyncset.done $0x0  }
0x2e: {  	[sflag:s22] =	ssyncadd.s32 $0xFFFFC000  }
0x2f: {  	[spmem:s11] =	stream.linear.scatter [tilespmem:s21], [sflag:$0x4], $0x4000, $0x38;
	[tilespmem:$0x1C100] =	vst v63  }
0x30: {  	_ =	swait.ge [sflag:s22], $0x4000  }
0x31: {  	[sflag:s22] =	ssyncset.done $0x0  }
0x32: {  	[sflag:s22] =	ssyncadd.s32 $0xFFFFC000  }
0x33: {  	[spmem:s12] =	stream.linear.scatter [tilespmem:s21], [sflag:$0x4], $0x4000, $0x38;
	[tilespmem:$0x1C100] =	vst v63  }
0x34: {  	_ =	swait.ge [sflag:s22], $0x4000  }
0x35: {  	[sflag:s22] =	ssyncset.done $0x0  }
0x36: {  	[sflag:s22] =	ssyncadd.s32 $0xFFFFC000  }
0x37: {  	[spmem:s13] =	stream.linear.scatter [tilespmem:s21], [sflag:$0x4], $0x4000, $0x38;
	[tilespmem:$0x1C100] =	vst v63  }
0x38: {  	_ =	swait.ge [sflag:s22], $0x4000  }
0x39: {  	[sflag:s22] =	ssyncset.done $0x0  }
0x3a: {  	[sflag:s22] =	ssyncadd.s32 $0xFFFFC000  }
0x3b: {  	s31 =	simm.s32 $0x0;
	[bflag:$0x0] =	sbarrier.arrive $0xFFFF  }
.LBB2_4:
0x3c: {  	s0 =	sshll.u32 s31, $0x7  }
0x3d: {  	s0 =	sadd.s32 s8, s0  }
0x3e: {  	s4 =	sshll.u32 s0, $0x4  }
0x3f: {  	s15 =	sadd.s32 s14, s31;
	s4 =	sadd.s32 s3, s4  }
0x40: {  	[tilespmem:s21], [sflag:$0x2] =	stream.linear.gather [hbm4b:s4+s30], $0x4000, $0x38;
	[tilespmem:$0x1C100] =	vst v63  }
0x41: {  	s4 =	sshll.u32 s15, $0x4  }
0x42: {  	s0 =	sshrl.u32 s0, $0x3;
	s4 =	sadd.s32 s6, s4  }
0x43: {  	[tilespmem:s23], [sflag:$0x1] =	stream.linear.gather [hbm4b:s4+s30], $0x80, $0x38;
	[tilespmem:$0x1C100] =	vst v63  }
0x44: {  	s0 =	sadd.s32 s5, s0  }
0x45: {  	[tilespmem:s30], [sflag:$0x4] =	stream.linear.gather [hbm4b:s0+s30], $0x80, $0x38;
	[tilespmem:$0x1C100] =	vst v63  }
0x46: {  	_ =	swait.ge [sflag:s22], $0x80  }
0x47: {  	[sflag:s22] =	ssyncset.done $0x0  }
0x48: {  	[sflag:s22] =	ssyncadd.s32 $0xFFFFFF80  }
0x49: {  	[tilespmem:s24], [sflag:$0x3] =	stream.indirect.gather [hbm4b:s7+s23], $0x80, s30, s23, $0xb8;
	[tilespmem:$0x1C100] =	vst v63  }
0x4a: {  	_ =	swait.ge [sflag:s25], $0x4000  }
0x4b: {  	[sflag:s25] =	ssyncset.done $0x0  }
0x4c: {  	[sflag:s25] =	ssyncadd.s32 $0xFFFFC000  }
0x4d: {  	_ =	swait.ge [sflag:s26], $0x4000  }
0x4e: {  	[sflag:s26] =	ssyncset.done $0x0  }
0x4f: {  	s0 =	simm.s32 $0x0;
	[sflag:s26] =	ssyncadd.s32 $0xFFFFC000  }
0x50: {  	v7 =	vld [tilespmem:s0+$0x4100]  }
0x51: {  	v12 =	vld [tilespmem:s0+$0x4110]  }
0x52: {  	v6 =	vld [tilespmem:s0+$0x4120]  }
0x53: {  	v5 =	vld [tilespmem:s0+$0x4130]  }
0x54: {  	v4 =	vld [tilespmem:s0+$0x4140]  }
0x55: {  	v3 =	vld [tilespmem:s0+$0x4150]  }
0x56: {  	v2 =	vld [tilespmem:s0+$0x4160]  }
0x57: {  	v1 =	vld [tilespmem:s0+$0x4170]  }
0x58: {  	v13 =	vld [tilespmem:s0+$0x100]  }
0x59: {  	v14 =	vld [tilespmem:s0+$0x110]  }
0x5a: {  	v11 =	vld [tilespmem:s0+$0x120]  }
0x5b: {  	v10 =	vld [tilespmem:s0+$0x130]  }
0x5c: {  	v9 =	vld [tilespmem:s0+$0x140]  }
0x5d: {  	v8 =	vld [tilespmem:s0+$0x150];
	v13 =	vadd.f32 v7, v13  }
0x5e: {  	s4 =	simm.s32 $0x200;
	v12 =	vadd.f32 v12, v14;
	v7 =	vld [tilespmem:s0+$0x160]  }
.LBB2_5:
0x5f: {  	s15 =	sshra.s32 s4, $0x2;
	p0 =	sne.s32 s4, $0xFE00;
	v13 =	vmax.f32 v13, $0.0e+00;
	v6 =	vadd.f32 v6, v11;
	v11 =	vld [tilespmem:s0+$0x170]  }
0x60: {  	v14 =	vld [tilespmem:s15+$0x4100];
	[tilespmem:s0+$0x100] =	vst v13;
	v12 =	vmax.f32 v12, $0.0e+00;
	v5 =	vadd.f32 v5, v10  }
0x61: {  	v15 =	vld [tilespmem:s15+$0x4110];
	[tilespmem:s0+$0x110] =	vst v12;
	v10 =	vmax.f32 v6, $0.0e+00;
	v4 =	vadd.f32 v4, v9  }
0x62: {  	v6 =	vld [tilespmem:s15+$0x4120];
	[tilespmem:s0+$0x120] =	vst v10;
	v9 =	vmax.f32 v5, $0.0e+00;
	v3 =	vadd.f32 v3, v8  }
0x63: {  	v5 =	vld [tilespmem:s15+$0x4130];
	[tilespmem:s0+$0x130] =	vst v9;
	v8 =	vmax.f32 v4, $0.0e+00;
	v2 =	vadd.f32 v2, v7  }
0x64: {  	v4 =	vld [tilespmem:s15+$0x4140];
	[tilespmem:s0+$0x140] =	vst v8;
	v7 =	vmax.f32 v3, $0.0e+00;
	v1 =	vadd.f32 v1, v11  }
0x65: {  	v3 =	vld [tilespmem:s15+$0x4150];
	[tilespmem:s0+$0x150] =	vst v7;
	v7 =	vmax.f32 v2, $0.0e+00  }
0x66: {  	v2 =	vld [tilespmem:s15+$0x4160];
	[tilespmem:s0+$0x160] =	vst v7;
	v7 =	vmax.f32 v1, $0.0e+00  }
0x67: {  	v1 =	vld [tilespmem:s15+$0x4170];
	[tilespmem:s0+$0x170] =	vst v7;
	s0 =	smov.u32 s15  }
0x68: {  	v7 =	vld [tilespmem:s0+$0x100]  }
0x69: {  	v12 =	vld [tilespmem:s0+$0x110]  }
.Ltmp1:
0x6a: {  	v11 =	vld [tilespmem:s0+$0x120];
	(pc) =	sbr.rel @p0 .LBB2_5-.Ltmp1, $4  }
0x6b: {  	v10 =	vld [tilespmem:s0+$0x130]  }
0x6c: {  	v9 =	vld [tilespmem:s0+$0x140]  }
0x6d: {  	v13 =	vadd.f32 v14, v7;
	v8 =	vld [tilespmem:s0+$0x150]  }
0x6e: {  	s4 =	sadd.s32 $0x200, s4;
	v12 =	vadd.f32 v15, v12;
	v7 =	vld [tilespmem:s0+$0x160]  }
0x6f: {  	v13 =	vmax.f32 v13, $0.0e+00;
	v6 =	vadd.f32 v6, v11;
	v63 =	vld [tilespmem:s0+$0x170]  }
0x70: {  	[tilespmem:s0+$0x100] =	vst v13;
	v12 =	vmax.f32 v12, $0.0e+00;
	v5 =	vadd.f32 v5, v10  }
0x71: {  	[tilespmem:s0+$0x110] =	vst v12;
	v6 =	vmax.f32 v6, $0.0e+00;
	v4 =	vadd.f32 v4, v9  }
0x72: {  	[tilespmem:s0+$0x120] =	vst v6;
	v5 =	vmax.f32 v5, $0.0e+00;
	v3 =	vadd.f32 v3, v8  }
0x73: {  	[tilespmem:s0+$0x130] =	vst v5;
	v4 =	vmax.f32 v4, $0.0e+00;
	v2 =	vadd.f32 v2, v7  }
0x74: {  	[tilespmem:s0+$0x140] =	vst v4;
	v3 =	vmax.f32 v3, $0.0e+00;
	v1 =	vadd.f32 v1, v63  }
0x75: {  	[tilespmem:s0+$0x150] =	vst v3;
	v2 =	vmax.f32 v2, $0.0e+00  }
0x76: {  	[tilespmem:s0+$0x160] =	vst v2;
	v1 =	vmax.f32 v1, $0.0e+00  }
0x77: {  	[tilespmem:s0+$0x170] =	vst v1  }
0x78: {  	s31 =	sadd.s32 $0x1, s31;
	_ =	swait.ge [sflag:s28], $0x80  }
0x79: {  	p0 =	sne.s32 s31, $0x4F;
	[sflag:s28] =	ssyncset.done $0x0  }
.Ltmp2:
0x7a: {  	[sflag:s28] =	ssyncadd.s32 $0xFFFFFF80;
	(pc) =	sbr.rel @p0 .LBB2_4-.Ltmp2, $4  }
0x7b: {  	[spmem:s1] =	stream.indirect.scatter.add.f32 [tilespmem:s21], [sflag:$0x4], $0x80, s23, s23, $0xb8;
	[tilespmem:$0x1C100] =	vst v63  }
0x7c: {  	_ =	swait.ge [sflag:s22], $0x4000  }
0x7d: {  	[sflag:s22] =	ssyncset.done $0x0  }
0x7e: {  	[sflag:s22] =	ssyncadd.s32 $0xFFFFC000  }
0x7f: {  	[bflag:$0x0] =	sbarrier.arrive $0xFFFF  }
0x80: {  	[tilespmem:s21], [sflag:$0x4] =	stream.linear.gather [spmem:s9], $0x4000, $0x38;
	[tilespmem:$0x1C100] =	vst v63  }
0x81: {  	_ =	swait.ge [sflag:s22], $0x4000  }
0x82: {  	[sflag:s22] =	ssyncset.done $0x0  }
0x83: {  	s0 =	rddreg [dreg:$0x3];
	[sflag:s22] =	ssyncadd.s32 $0xFFFFC000  }
0x84: {  	[hbm4b:s0+s2] =	stream.linear.scatter [tilespmem:s21], [sflag:$0x4], $0x4000, $0x38;
	[tilespmem:$0x1C100] =	vst v63  }
0x85: {  	_ =	swait.ge [sflag:s22], $0x4000  }
0x86: {  	[sflag:s22] =	ssyncset.done $0x0  }
0x87: {  	[sflag:s22] =	ssyncadd.s32 $0xFFFFC000  }
0x88: {  	[tilespmem:s21], [sflag:$0x4] =	stream.linear.gather [spmem:s10], $0x4000, $0x38;
	[tilespmem:$0x1C100] =	vst v63  }
0x89: {  	_ =	swait.ge [sflag:s22], $0x4000  }
0x8a: {  	[sflag:s22] =	ssyncset.done $0x0  }
0x8b: {  	[sflag:s22] =	ssyncadd.s32 $0xFFFFC000  }
0x8c: {  	[hbm4b:s16+s2] =	stream.linear.scatter [tilespmem:s21], [sflag:$0x4], $0x4000, $0x38;
	[tilespmem:$0x1C100] =	vst v63  }
0x8d: {  	_ =	swait.ge [sflag:s22], $0x4000  }
0x8e: {  	[sflag:s22] =	ssyncset.done $0x0  }
0x8f: {  	[sflag:s22] =	ssyncadd.s32 $0xFFFFC000  }
0x90: {  	[tilespmem:s21], [sflag:$0x4] =	stream.linear.gather [spmem:s11], $0x4000, $0x38;
	[tilespmem:$0x1C100] =	vst v63  }
0x91: {  	_ =	swait.ge [sflag:s22], $0x4000  }
0x92: {  	[sflag:s22] =	ssyncset.done $0x0  }
0x93: {  	[sflag:s22] =	ssyncadd.s32 $0xFFFFC000  }
0x94: {  	[hbm4b:s17+s2] =	stream.linear.scatter [tilespmem:s21], [sflag:$0x4], $0x4000, $0x38;
	[tilespmem:$0x1C100] =	vst v63  }
0x95: {  	_ =	swait.ge [sflag:s22], $0x4000  }
0x96: {  	[sflag:s22] =	ssyncset.done $0x0  }
0x97: {  	[sflag:s22] =	ssyncadd.s32 $0xFFFFC000  }
0x98: {  	[tilespmem:s21], [sflag:$0x4] =	stream.linear.gather [spmem:s12], $0x4000, $0x38;
	[tilespmem:$0x1C100] =	vst v63  }
0x99: {  	_ =	swait.ge [sflag:s22], $0x4000  }
0x9a: {  	[sflag:s22] =	ssyncset.done $0x0  }
0x9b: {  	[sflag:s22] =	ssyncadd.s32 $0xFFFFC000  }
0x9c: {  	[hbm4b:s18+s2] =	stream.linear.scatter [tilespmem:s21], [sflag:$0x4], $0x4000, $0x38;
	[tilespmem:$0x1C100] =	vst v63  }
0x9d: {  	_ =	swait.ge [sflag:s22], $0x4000  }
0x9e: {  	[sflag:s22] =	ssyncset.done $0x0  }
0x9f: {  	[sflag:s22] =	ssyncadd.s32 $0xFFFFC000  }
0xa0: {  	[tilespmem:s21], [sflag:$0x4] =	stream.linear.gather [spmem:s13], $0x4000, $0x38;
	[tilespmem:$0x1C100] =	vst v63  }
0xa1: {  	s29 =	sadd.s32 $0x1, s29;
	_ =	swait.ge [sflag:s22], $0x4000  }
0xa2: {  	p0 =	sne.s32 s29, s20;
	[sflag:s22] =	ssyncset.done $0x0  }
.Ltmp3:
0xa3: {  	[sflag:s22] =	ssyncadd.s32 $0xFFFFC000;
	(pc) =	sbr.rel @p0 .LBB2_1-.Ltmp3, $4  }
0xa4: {  	[hbm4b:s19+s2] =	stream.linear.scatter [tilespmem:s21], [sflag:$0x4], $0x4000, $0x38;
	[tilespmem:$0x1C100] =	vst v63  }
0xa5: {  	_ =	swait.ge [sflag:s22], $0x4000  }
0xa6: {  	[sflag:s22] =	ssyncset.done $0x0  }
0xa7: {  	[sflag:s22] =	ssyncadd.s32 $0xFFFFC000  }
0xa8: {  	_ =	sfence.sel $0x180000  }
0xa9: {  	[bflag:$0x0] =	sbarrier.arrive $0xFFFF  }
0xaa: {  	_ =	strace $0x90000050  }
0xab: {  	s0 =	stileid.u32;
	[bflag:$0x2] =	sbarrier.arrive $0xFFFF  }
0xac: {  	p0 =	sne.s32 s0, $0x0;
	s0 =	rddreg [dreg:$0x2]  }
0xad: {  	s0 =	sadd.s32 @!p0 $0x100000, s0  }
0xae: {  	[sflag:s0] =	ssyncadd.tile.s32 @!p0 $0x1;
	_ =	shalt  }
.Lfunc_end2:
_tile_overlayer_lowered:
.L_overlay_start_2:
0xaf: {  	(tag) =	ssettag $0x2  }
0xb0: {  	s0 =	rddreg [dreg:$0x0];
	s2 =	stileid.u32  }
0xb1: {  	s1 =	rddreg [dreg:$0x1];
	p0 =	sne.s32 s2, $0x0  }
0xb2: {  	s3 =	rddreg [dreg:$0x2];
	[bflag:$0x3] =	sbarrier.arrive $0xFFFF;
	s2 =	simm.s32 @!p0 $0x1C04  }
0xb3: {  	[timem:s3], [sflag:s2] =	dma.local @!p0 [hbm:s0], s1  }
0xb4: {  	s0 =	simm.s32 @!p0 $0x4  }
0xb5: {  	_ =	swait.ge @!p0 [sflag:s0], s1  }
0xb6: {  	s1 =	ssub.s32 @!p0 $0x0, s1;
	[sflag:s0] =	ssyncset.done @!p0 $0x0  }
0xb7: {  	[sflag:s0] =	ssyncadd.s32 @!p0 s1  }
0xb8: {  	[bflag:$0x3] =	sbarrier.arrive $0xFFFF  }
0xb9: {  	_ =	shalt  }

// kernel: kernel.30.cloned.1.call-start
scs
__scs_entry_jumppad:
0x0: {  	(pc) =	sbr.rel $0x88, $3  }
0x1: {  	(tag) =	ssettag $0x0;
	lr =	simm.s32 $0x1  }
0x2: {  	[smem:$0x3F8F] =	sst lr;
	_ =	strace $0xD0000000  }
0x3: {  	_ = 	snop  }
0x4: {  	_ = 	snop  }
0x5: {  	_ = 	snop  }
0x6: {  	_ = 	snop  }
0x7: {  	_ = 	snop  }
__scs_overlays_trampoline_lowered:
0x8: {  	[smem:$0x3F9E] =	sst s0  }
0x9: {  	[smem:$0x3F9F] =	sst s1  }
0xa: {  	[smem:$0x3FA0] =	sst s2  }
0xb: {  	[smem:$0x3FA1] =	sst s3  }
0xc: {  	[smem:$0x3FA2] =	sst s4  }
0xd: {  	[smem:$0x3FA3] =	sst s5  }
0xe: {  	[smem:$0x3FA4] =	sst s6  }
0xf: {  	[smem:$0x3FA5] =	sst s7  }
0x10: {  	[smem:$0x3FA6] =	sst s8  }
0x11: {  	[smem:$0x3FA7] =	sst s9;
	s0 =	simm.s32 @!p0 $0x0  }
0x12: {  	s1 =	sld [smem:$0x3F8D];
	s0 =	simm.s32 @p0 $0x1  }
0x13: {  	[smem:$0x3FA8] =	sst s0;
	s0 =	simm.s32 @!p1 $0x0  }
0x14: {  	s2 =	sld [smem:$0x3F8C];
	s0 =	simm.s32 @p1 $0x1  }
0x15: {  	[smem:$0x3FA9] =	sst s0;
	s0 =	simm.s32 @!p2 $0x0  }
0x16: {  	s3 =	sld [smem:$0x3FDB];
	s0 =	simm.s32 @p2 $0x1  }
0x17: {  	s4 =	simm.s32 $0x1BF5;
	[smem:$0x3FAB] =	sst s0  }
0x18: {  	s0 =	sld [smem:$0x3F8E];
	_ =	swait.ge [sflag:s4], $0x0  }
0x19: {  	s7 =	sld [smem:$0x3F8F]  }
0x1a: {  	s8 =	sadd.s32 $0xFFFFE003, lr  }
0x1b: {  	s9 =	sadd.s32 $0xFFFFFEF7, lr;
	s5 =	simm.s32 $0xFFFFFFFF;
	p2 =	slt.u32 s8, $0xFFFFF086  }
0x1c: {  	p1 =	slt.u32 s9, $0xF7A;
	s5 =	simm.s32 @!p2 $0x0  }
0x1d: {  	s5 =	simm.s32 @p1 $0x1;
	p0 =	seq.s32 s7, s2  }
0x1e: {  	s7 =	smul.u32 @!p0 $0xF7A, s2;
	p2 =	seq.s32 @!p0 s5, $0x0  }
0x1f: {  	s9 =	smul.u32 $0xF7A, s1;
	s8 =	simm.s32 @!p0 $0x1BF5;
	p2 =	por !p2, p0  }
0x20: {  	[sflag:s8] =	ssyncset.s32 @!p0 $0xFFFFF086;
	s6 =	sadd.s32 @!p0 s3, s7;
	s7 =	simm.s32 @!p0 $0x108  }
0x21: {  	s3 =	sadd.s32 s3, s9;
	s6 =	sadd.s32 @!p0 $0x88, s6;
	s7 =	simm.s32 @p2 $0x1082  }
0x22: {  	[simem:s7], [sflag:s8] =	dma.local @!p0 [hbm:s6], $0xF7A  }
0x23: {  	s9 =	sor.u32 $0xD0000000, s2;
	s6 =	simm.s32 $0x108;
	_ =	swait.ge @!p0 [sflag:s8], $0x0  }
0x24: {  	s3 =	sadd.s32 $0x88, s3;
	s6 =	simm.s32 @!p1 $0x1082;
	[sflag:s4] =	ssyncset.s32 $0xFFFFF086  }
0x25: {  	[simem:s6], [sflag:s4] =	dma.local [hbm:s3], $0xF7A  }
0x26: {  	[smem:$0x3F8F] =	sst s1;
	(tag) =	ssettag s2;
	_ =	strace s9  }
0x27: {  	s1 =	sld [smem:$0x3F9F]  }
0x28: {  	s2 =	sld [smem:$0x3FA0]  }
0x29: {  	s4 =	sld [smem:$0x3FA2]  }
0x2a: {  	p0 =	seq.s32 s5, $0x0;
	s5 =	sld [smem:$0x3FA3]  }
0x2b: {  	s6 =	sld [smem:$0x3FA4]  }
0x2c: {  	s7 =	sld [smem:$0x3FA5]  }
0x2d: {  	s3 =	simm.s32 $0x108;
	s8 =	sld [smem:$0x3FA6]  }
0x2e: {  	s3 =	simm.s32 @!p0 $0x1082;
	s9 =	sld [smem:$0x3FA7]  }
0x2f: {  	lr =	sadd.s32 s0, s3;
	s0 =	sld [smem:$0x3F9E]  }
0x30: {  	s3 =	sld [smem:$0x3FA1]  }
0x31: {  	[smem:$0x3FAA] =	sst s10  }
0x32: {  	s10 =	sld [smem:$0x3FA8];
	_ =	sdelay $0x3  }
0x33: {  	p0 =	seq.s32 s10, $0x1;
	s10 =	sld [smem:$0x3FAA];
	_ =	sdelay $0x3  }
0x34: {  	[smem:$0x3FAA] =	sst s10  }
0x35: {  	s10 =	sld [smem:$0x3FA9];
	_ =	sdelay $0x3  }
0x36: {  	p1 =	seq.s32 s10, $0x1;
	s10 =	sld [smem:$0x3FAA];
	_ =	sdelay $0x3  }
0x37: {  	[smem:$0x3FAA] =	sst s10  }
0x38: {  	s10 =	sld [smem:$0x3FAB]  }
0x39: {  	_ = 	snop;
	(pc) =	sbr.ind lr, $3  }
0x3a: {  	_ = 	snop  }
0x3b: {  	_ = 	snop  }
0x3c: {  	p2 =	seq.s32 s10, $0x1;
	s10 =	sld [smem:$0x3FAA]  }
0x3d: {  	_ =	shalt  }
0x3e: {  	_ =	shalt  }
0x3f: {  	_ =	shalt  }
0x40: {  	_ =	shalt  }
0x41: {  	_ =	shalt  }
0x42: {  	_ =	shalt  }
0x43: {  	_ =	shalt  }
0x44: {  	_ =	shalt  }
0x45: {  	_ =	shalt  }
0x46: {  	_ =	shalt  }
0x47: {  	_ =	shalt  }
0x48: {  	_ =	shalt  }
0x49: {  	_ =	shalt  }
0x4a: {  	_ =	shalt  }
0x4b: {  	_ =	shalt  }
0x4c: {  	_ =	shalt  }
0x4d: {  	_ =	shalt  }
0x4e: {  	_ =	shalt  }
0x4f: {  	_ =	shalt  }
0x50: {  	_ =	shalt  }
0x51: {  	_ =	shalt  }
0x52: {  	_ =	shalt  }
0x53: {  	_ =	shalt  }
0x54: {  	_ =	shalt  }
0x55: {  	_ =	shalt  }
0x56: {  	_ =	shalt  }
0x57: {  	_ =	shalt  }
0x58: {  	_ =	shalt  }
0x59: {  	_ =	shalt  }
0x5a: {  	_ =	shalt  }
0x5b: {  	_ =	shalt  }
0x5c: {  	_ =	shalt  }
0x5d: {  	_ =	shalt  }
0x5e: {  	_ =	shalt  }
0x5f: {  	_ =	shalt  }
0x60: {  	_ =	shalt  }
0x61: {  	_ =	shalt  }
0x62: {  	_ =	shalt  }
0x63: {  	_ =	shalt  }
0x64: {  	_ =	shalt  }
0x65: {  	_ =	shalt  }
0x66: {  	_ =	shalt  }
0x67: {  	_ =	shalt  }
0x68: {  	_ =	shalt  }
0x69: {  	_ =	shalt  }
0x6a: {  	_ =	shalt  }
0x6b: {  	_ =	shalt  }
0x6c: {  	_ =	shalt  }
0x6d: {  	_ =	shalt  }
0x6e: {  	_ =	shalt  }
0x6f: {  	_ =	shalt  }
0x70: {  	_ =	shalt  }
0x71: {  	_ =	shalt  }
0x72: {  	_ =	shalt  }
0x73: {  	_ =	shalt  }
0x74: {  	_ =	shalt  }
0x75: {  	_ =	shalt  }
0x76: {  	_ =	shalt  }
0x77: {  	_ =	shalt  }
0x78: {  	_ =	shalt  }
0x79: {  	_ =	shalt  }
0x7a: {  	_ =	shalt  }
0x7b: {  	_ =	shalt  }
0x7c: {  	_ =	shalt  }
0x7d: {  	_ =	shalt  }
0x7e: {  	_ =	shalt  }
0x7f: {  	_ =	shalt  }
0x80: {  	_ =	shalt  }
0x81: {  	_ =	shalt  }
0x82: {  	_ =	shalt  }
0x83: {  	_ =	shalt  }
0x84: {  	_ =	shalt  }
0x85: {  	_ =	shalt  }
0x86: {  	_ =	shalt  }
0x87: {  	_ =	shalt  }
.Lfunc_end0:
.L_simem_size_0:
called_computation.4_lowered:
.L_overlay_start_0:
0x88: {  	s2 =	sld [smem:$0x3FD9]  }
0x89: {  	s3 =	sld [smem:$0x3FFE];
	_ =	sdelay $0x1  }
0x8a: {  	s1 =	srdreg.scid  }
0x8b: {  	s0 =	sand.u32 $0x1, s1  }
0x8c: {  	s16 =	sshll.u32 s0, $0xA;
	s2 =	sadd.s32 s3, s2  }
0x8d: {  	s2 =	sadd.s32 s2, s16  }
0x8e: {  	[smem:$0x3FB6] =	sst s2  }
0x8f: {  	_ = 	snop  }
0x90: {  	(tm) =	ssettm $0x1  }
0x91: {  	s17 =	sld [smem:$0x3FFB];
	_ =	sdelay $0x3  }
0x92: {  	_ =	strace s17  }
0x93: {  	s2 =	sld [smem:$0x3FFC];
	_ =	sdelay $0x3  }
0x94: {  	_ =	strace s2  }
0x95: {  	s2 =	sld [smem:$0x3FFD];
	_ =	sdelay $0x3  }
0x96: {  	_ =	strace s2  }
0x97: {  	_ =	strace $0x8FFFFFFF  }
0x98: {  	s18 =	sld [smem:$0x3FDB];
	_ =	sdelay $0x1  }
0x99: {  	s19 =	simm.s32 $_scs_section_size  }
0x9a: {  	s4 =	simm.s32 $_size__tile_overlayer_lowered;
	s5 =	simm.s32 $_tile_overlayer_lowered  }
0x9b: {  	s22 =	simm.s32 $0x1BFF;
	s21 =	sshll.u32 s5, $0x1;
	s2 =	sadd.s32 s19, s18  }
0x9c: {  	s6 =	simm.s32 $0x0;
	s20 =	sshll.u32 s4, $0x1;
	s4 =	sadd.s32 s21, s2  }
0x9d: {  	[timem:s6], [sflag:s22] =	dma.local [hbm:s4], s20  }
0x9e: {  	_ =	swait.ge [sflag:s22], s20  }
0x9f: {  	s3 =	ssub.s32 $0x0, s20;
	[sflag:s22] =	ssyncset.done $0x0  }
0xa0: {  	[sflag:s22] =	ssyncadd.s32 s3;
	_ =	sdelay $0x1  }
0xa1: {  	s23 =	simm.s32 $0x1B8B  }
0xa2: {  	_ =	swait.ge [sflag:s23], $0x1  }
0xa3: {  	[sflag:s23] =	ssyncset.done $0x0  }
0xa4: {  	s25 =	simm.s32 $0x1B8E;
	s24 =	sld [smem:$0x3FFE];
	[sflag:s23] =	ssyncadd.s32 $0xFFFFFFFF  }
0xa5: {  	s26 =	simm.s32 $execute0_lowered;
	[smem:$0x3FD2] =	sst s25  }
0xa6: {  	s4 =	sshll.u32 s26, $0x1;
	_ =	strace $0x80000052;
	[dreg:$0x1] =	wrdreg $0xFFFFFFFF  }
0xa7: {  	s28 =	simm.s32 $_size_execute0_lowered;
	s2 =	sadd.s32 s2, s4;
	[dreg:$0x0] =	wrdreg $0x0  }
0xa8: {  	s4 =	sshll.u32 s28, $0x1;
	[dreg:$0x2] =	wrdreg s2  }
0xa9: {  	[dreg:$0x3] =	wrdreg s4  }
0xaa: {  	[dreg:$0x4] =	wrdreg $0xC0  }
0xab: {  	_ =	task [dreg:s6], $0x5FFFF  }
0xac: {  	[dreg:$0x1] =	wrdreg $0xFFFFFFFF  }
0xad: {  	[dreg:$0x0] =	wrdreg $0x60  }
0xae: {  	[dreg:$0x2] =	wrdreg s24  }
0xaf: {  	[dreg:$0x3] =	wrdreg $0x81000  }
0xb0: {  	[dreg:$0x4] =	wrdreg $0x9  }
0xb1: {  	_ =	task.clear_ibuf [dreg:s6], $0x5FFFF;
	_ =	strace $0x90000052  }
0xb2: {  	s29 =	simm.s32 $0x9;
	_ =	strace $0x80000054  }
0xb3: {  	_ =	swait.ge [sflag:s29], $0x1  }
0xb4: {  	[sflag:s29] =	ssyncadd.s32 $0xFFFFFFFF  }
0xb5: {  	_ =	strace $0x90000054  }
0xb6: {  	_ =	sfence  }
0xb7: {  	s30 =	sld [smem:$0x0];
	_ =	sdelay $0x2  }
0xb8: {  	s31 =	sshll.u32 s1, $0xD;
	s1 =	sshrl.u32 s1, $0x2  }
0xb9: {  	s3 =	sand.u32 $0x4000, s31;
	s1 =	sadd.s32 s1, s30  }
0xba: {  	s0 =	sor.u32 s3, s0;
	s1 =	sshll.u32 s1, $0x11  }
0xbb: {  	s0 =	sor.u32 s1, s0  }
0xbc: {  	s0 =	sadd.s32 $0x8F2B, s0  }
0xbd: {  	[sflag:s0] =	ssyncadd.remote.s32 $0x1  }
0xbe: {  	_ =	sfence.sel $0xFFFF  }
0xbf: {  	[dreg:$0x0] =	wrdreg $0xFFFFFFFF;
	(pc) =	sbr.abs _section_cstart, $3  }
0xc0: {  	[dreg:$0x1] =	wrdreg $0xFFFFFFFF  }
0xc1: {  	_ =	task.clear_ibuf [dreg:s6], $0x2FFFF;
	_ =	strace $0x9FFFFFFF  }
0xc2: {  	(tm) =	ssettm $0x7FFFFFFF  }
0xc3: {  	_ =	shalt  }
tec
execute0_lowered:
.L_overlay_start_1:
0x0: {  	(tag) =	ssettag $0x1  }
0x1: {  	s0 =	rddreg [dreg:$0x0]  }
0x2: {  	s1 =	rddreg [dreg:$0x1]  }
0x3: {  	s2 =	simm.s32 $0x0;
	s4 =	srdreg.scid;
	s12 =	stileid.u32  }
0x4: {  	s22 =	simm.s32 $0x4;
	s23 =	simm.s32 $0x80;
	s24 =	simm.s32 $0x4100  }
0x5: {  	s25 =	simm.s32 $0x2;
	s26 =	simm.s32 $0x3;
	s28 =	simm.s32 $0x1  }
0x6: {  	s29 =	simm.s32 $0x0;
	s30 =	simm.s32 $0x0;
	s3 =	sadd.s32 $0x9E5800, s0  }
0x7: {  	[smem:$0x7FF] =	sst s2;
	s5 =	sadd.s32 $0x9400, s0;
	s6 =	sadd.s32 $0x4EBA00, s0  }
0x8: {  	s7 =	sadd.s32 $0x13200, s0;
	s4 =	sand.u32 $0x1, s4;
	s9 =	smul.u32 $0x50000, s12  }
0x9: {  	s0 =	sadd.s32 $0x3B200, s0;
	s13 =	smul.u32 $0x14000, s12;
	_ =	strace $0x80000053  }
0xa: {  	s8 =	ssub.s32 $0x2, s4;
	s11 =	sshll.u32 s4, $0x4;
	s4 =	smul.u32 $0x140000, s4  }
0xb: {  	s10 =	sshrl.u32 s8, $0x1;
	s14 =	sor.u32 s12, s11;
	s9 =	sshrl.u32 s9, $0x2  }
0xc: {  	s15 =	sadd.s32 $0x4000, s13;
	s17 =	sadd.s32 $0x8000, s13;
	s18 =	sadd.s32 $0xC000, s13  }
0xd: {  	s19 =	sadd.s32 $0x10000, s13;
	s20 =	ssub.s32 s8, s10;
	s8 =	smul.u32 $0x2780, s14  }
0xe: {  	s9 =	sadd.s32 s9, s1;
	s10 =	sadd.s32 s15, s1;
	s11 =	sadd.s32 s17, s1  }
0xf: {  	s12 =	sadd.s32 s18, s1;
	s16 =	sadd.s32 s13, s4;
	s15 =	sadd.s32 s4, s15  }
0x10: {  	s13 =	sadd.s32 s19, s1;
	s14 =	smul.u32 $0x4F, s14;
	s17 =	sadd.s32 s4, s17  }
0x11: {  	s18 =	sadd.s32 s4, s18;
	s4 =	sadd.s32 s4, s19;
	s16 =	sshrl.u32 s16, $0x3  }
0x12: {  	s21 =	sshrl.u32 s15, $0x3;
	s17 =	sshrl.u32 s17, $0x3;
	s18 =	sshrl.u32 s18, $0x3  }
0x13: {  	s4 =	sshrl.u32 s4, $0x3;
	s20 =	smax.u32 s20, $0x1;
	s31 =	sadd.s32 s0, s16  }
0x14: {  	s16 =	sadd.s32 s0, s21;
	s17 =	sadd.s32 s0, s17;
	s18 =	sadd.s32 s0, s18  }
0x15: {  	v0 =	vimm.f32 $0.0e+00;
	s19 =	sadd.s32 s0, s4;
	s21 =	simm.s32 $0x100;
	[dreg:$0x3] =	wrdreg s31  }
.LBB2_1:
0x16: {  	s0 =	simm.s32 $0x0;
	s4 =	simm.s32 $0x200  }
.LBB2_2:
0x17: {  	p0 =	sne.s32 s4, $0xFE00;
	[tilespmem:s0+$0x170] =	vst v0  }
0x18: {  	[tilespmem:s0+$0x100] =	vst v0  }
0x19: {  	[tilespmem:s0+$0x110] =	vst v0  }
.Ltmp0:
0x1a: {  	[tilespmem:s0+$0x120] =	vst v0;
	(pc) =	sbr.rel @p0 .LBB2_2-.Ltmp0, $4  }
0x1b: {  	[tilespmem:s0+$0x130] =	vst v0  }
0x1c: {  	[tilespmem:s0+$0x140] =	vst v0  }
0x1d: {  	[tilespmem:s0+$0x150] =	vst v0  }
0x1e: {  	[tilespmem:s0+$0x160] =	vst v0;
	s0 =	sshra.s32 s4, $0x2;
	s4 =	sadd.s32 $0x200, s4  }
0x1f: {  	[tilespmem:s0+$0x170] =	vst v0  }
0x20: {  	[tilespmem:s0+$0x100] =	vst v0  }
0x21: {  	[tilespmem:s0+$0x110] =	vst v0  }
0x22: {  	[tilespmem:s0+$0x120] =	vst v0  }
0x23: {  	[tilespmem:s0+$0x130] =	vst v0  }
0x24: {  	[tilespmem:s0+$0x140] =	vst v0  }
0x25: {  	[tilespmem:s0+$0x150] =	vst v0  }
0x26: {  	[tilespmem:s0+$0x160] =	vst v0  }
0x27: {  	[spmem:s9] =	stream.linear.scatter [tilespmem:s21], [sflag:$0x4], $0x4000, $0x38;
	[tilespmem:$0x1C100] =	vst v63  }
0x28: {  	_ =	swait.ge [sflag:s22], $0x4000  }
0x29: {  	[sflag:s22] =	ssyncset.done $0x0  }
0x2a: {  	[sflag:s22] =	ssyncadd.s32 $0xFFFFC000  }
0x2b: {  	[spmem:s10] =	stream.linear.scatter [tilespmem:s21], [sflag:$0x4], $0x4000, $0x38;
	[tilespmem:$0x1C100] =	vst v63  }
0x2c: {  	_ =	swait.ge [sflag:s22], $0x4000  }
0x2d: {  	[sflag:s22] =	ssyncset.done $0x0  }
0x2e: {  	[sflag:s22] =	ssyncadd.s32 $0xFFFFC000  }
0x2f: {  	[spmem:s11] =	stream.linear.scatter [tilespmem:s21], [sflag:$0x4], $0x4000, $0x38;
	[tilespmem:$0x1C100] =	vst v63  }
0x30: {  	_ =	swait.ge [sflag:s22], $0x4000  }
0x31: {  	[sflag:s22] =	ssyncset.done $0x0  }
0x32: {  	[sflag:s22] =	ssyncadd.s32 $0xFFFFC000  }
0x33: {  	[spmem:s12] =	stream.linear.scatter [tilespmem:s21], [sflag:$0x4], $0x4000, $0x38;
	[tilespmem:$0x1C100] =	vst v63  }
0x34: {  	_ =	swait.ge [sflag:s22], $0x4000  }
0x35: {  	[sflag:s22] =	ssyncset.done $0x0  }
0x36: {  	[sflag:s22] =	ssyncadd.s32 $0xFFFFC000  }
0x37: {  	[spmem:s13] =	stream.linear.scatter [tilespmem:s21], [sflag:$0x4], $0x4000, $0x38;
	[tilespmem:$0x1C100] =	vst v63  }
0x38: {  	_ =	swait.ge [sflag:s22], $0x4000  }
0x39: {  	[sflag:s22] =	ssyncset.done $0x0  }
0x3a: {  	[sflag:s22] =	ssyncadd.s32 $0xFFFFC000  }
0x3b: {  	s31 =	simm.s32 $0x0;
	[bflag:$0x0] =	sbarrier.arrive $0xFFFF  }
.LBB2_4:
0x3c: {  	s0 =	sshll.u32 s31, $0x7  }
0x3d: {  	s0 =	sadd.s32 s8, s0  }
0x3e: {  	s4 =	sshll.u32 s0, $0x4  }
0x3f: {  	s15 =	sadd.s32 s14, s31;
	s4 =	sadd.s32 s3, s4  }
0x40: {  	[tilespmem:s21], [sflag:$0x2] =	stream.linear.gather [hbm4b:s4+s30], $0x4000, $0x38;
	[tilespmem:$0x1C100] =	vst v63  }
0x41: {  	s4 =	sshll.u32 s15, $0x4  }
0x42: {  	s0 =	sshrl.u32 s0, $0x3;
	s4 =	sadd.s32 s6, s4  }
0x43: {  	[tilespmem:s23], [sflag:$0x1] =	stream.linear.gather [hbm4b:s4+s30], $0x80, $0x38;
	[tilespmem:$0x1C100] =	vst v63  }
0x44: {  	s0 =	sadd.s32 s5, s0  }
0x45: {  	[tilespmem:s30], [sflag:$0x4] =	stream.linear.gather [hbm4b:s0+s30], $0x80, $0x38;
	[tilespmem:$0x1C100] =	vst v63  }
0x46: {  	_ =	swait.ge [sflag:s22], $0x80  }
0x47: {  	[sflag:s22] =	ssyncset.done $0x0  }
0x48: {  	[sflag:s22] =	ssyncadd.s32 $0xFFFFFF80  }
0x49: {  	[tilespmem:s24], [sflag:$0x3] =	stream.indirect.gather [hbm4b:s7+s23], $0x80, s30, s23, $0xb8;
	[tilespmem:$0x1C100] =	vst v63  }
0x4a: {  	_ =	swait.ge [sflag:s25], $0x4000  }
0x4b: {  	[sflag:s25] =	ssyncset.done $0x0  }
0x4c: {  	[sflag:s25] =	ssyncadd.s32 $0xFFFFC000  }
0x4d: {  	_ =	swait.ge [sflag:s26], $0x4000  }
0x4e: {  	[sflag:s26] =	ssyncset.done $0x0  }
0x4f: {  	s0 =	simm.s32 $0x0;
	[sflag:s26] =	ssyncadd.s32 $0xFFFFC000  }
0x50: {  	v7 =	vld [tilespmem:s0+$0x4100]  }
0x51: {  	v12 =	vld [tilespmem:s0+$0x4110]  }
0x52: {  	v6 =	vld [tilespmem:s0+$0x4120]  }
0x53: {  	v5 =	vld [tilespmem:s0+$0x4130]  }
0x54: {  	v4 =	vld [tilespmem:s0+$0x4140]  }
0x55: {  	v3 =	vld [tilespmem:s0+$0x4150]  }
0x56: {  	v2 =	vld [tilespmem:s0+$0x4160]  }
0x57: {  	v1 =	vld [tilespmem:s0+$0x4170]  }
0x58: {  	v13 =	vld [tilespmem:s0+$0x100]  }
0x59: {  	v14 =	vld [tilespmem:s0+$0x110]  }
0x5a: {  	v11 =	vld [tilespmem:s0+$0x120]  }
0x5b: {  	v10 =	vld [tilespmem:s0+$0x130]  }
0x5c: {  	v9 =	vld [tilespmem:s0+$0x140]  }
0x5d: {  	v8 =	vld [tilespmem:s0+$0x150];
	v13 =	vadd.f32 v7, v13  }
0x5e: {  	s4 =	simm.s32 $0x200;
	v12 =	vadd.f32 v12, v14;
	v7 =	vld [tilespmem:s0+$0x160]  }
.LBB2_5:
0x5f: {  	s15 =	sshra.s32 s4, $0x2;
	p0 =	sne.s32 s4, $0xFE00;
	v13 =	vmax.f32 v13, $0.0e+00;
	v6 =	vadd.f32 v6, v11;
	v11 =	vld [tilespmem:s0+$0x170]  }
0x60: {  	v14 =	vld [tilespmem:s15+$0x4100];
	[tilespmem:s0+$0x100] =	vst v13;
	v12 =	vmax.f32 v12, $0.0e+00;
	v5 =	vadd.f32 v5, v10  }
0x61: {  	v15 =	vld [tilespmem:s15+$0x4110];
	[tilespmem:s0+$0x110] =	vst v12;
	v10 =	vmax.f32 v6, $0.0e+00;
	v4 =	vadd.f32 v4, v9  }
0x62: {  	v6 =	vld [tilespmem:s15+$0x4120];
	[tilespmem:s0+$0x120] =	vst v10;
	v9 =	vmax.f32 v5, $0.0e+00;
	v3 =	vadd.f32 v3, v8  }
0x63: {  	v5 =	vld [tilespmem:s15+$0x4130];
	[tilespmem:s0+$0x130] =	vst v9;
	v8 =	vmax.f32 v4, $0.0e+00;
	v2 =	vadd.f32 v2, v7  }
0x64: {  	v4 =	vld [tilespmem:s15+$0x4140];
	[tilespmem:s0+$0x140] =	vst v8;
	v7 =	vmax.f32 v3, $0.0e+00;
	v1 =	vadd.f32 v1, v11  }
0x65: {  	v3 =	vld [tilespmem:s15+$0x4150];
	[tilespmem:s0+$0x150] =	vst v7;
	v7 =	vmax.f32 v2, $0.0e+00  }
0x66: {  	v2 =	vld [tilespmem:s15+$0x4160];
	[tilespmem:s0+$0x160] =	vst v7;
	v7 =	vmax.f32 v1, $0.0e+00  }
0x67: {  	v1 =	vld [tilespmem:s15+$0x4170];
	[tilespmem:s0+$0x170] =	vst v7;
	s0 =	smov.u32 s15  }
0x68: {  	v7 =	vld [tilespmem:s0+$0x100]  }
0x69: {  	v12 =	vld [tilespmem:s0+$0x110]  }
.Ltmp1:
0x6a: {  	v11 =	vld [tilespmem:s0+$0x120];
	(pc) =	sbr.rel @p0 .LBB2_5-.Ltmp1, $4  }
0x6b: {  	v10 =	vld [tilespmem:s0+$0x130]  }
0x6c: {  	v9 =	vld [tilespmem:s0+$0x140]  }
0x6d: {  	v13 =	vadd.f32 v14, v7;
	v8 =	vld [tilespmem:s0+$0x150]  }
0x6e: {  	s4 =	sadd.s32 $0x200, s4;
	v12 =	vadd.f32 v15, v12;
	v7 =	vld [tilespmem:s0+$0x160]  }
0x6f: {  	v13 =	vmax.f32 v13, $0.0e+00;
	v6 =	vadd.f32 v6, v11;
	v63 =	vld [tilespmem:s0+$0x170]  }
0x70: {  	[tilespmem:s0+$0x100] =	vst v13;
	v12 =	vmax.f32 v12, $0.0e+00;
	v5 =	vadd.f32 v5, v10  }
0x71: {  	[tilespmem:s0+$0x110] =	vst v12;
	v6 =	vmax.f32 v6, $0.0e+00;
	v4 =	vadd.f32 v4, v9  }
0x72: {  	[tilespmem:s0+$0x120] =	vst v6;
	v5 =	vmax.f32 v5, $0.0e+00;
	v3 =	vadd.f32 v3, v8  }
0x73: {  	[tilespmem:s0+$0x130] =	vst v5;
	v4 =	vmax.f32 v4, $0.0e+00;
	v2 =	vadd.f32 v2, v7  }
0x74: {  	[tilespmem:s0+$0x140] =	vst v4;
	v3 =	vmax.f32 v3, $0.0e+00;
	v1 =	vadd.f32 v1, v63  }
0x75: {  	[tilespmem:s0+$0x150] =	vst v3;
	v2 =	vmax.f32 v2, $0.0e+00  }
0x76: {  	[tilespmem:s0+$0x160] =	vst v2;
	v1 =	vmax.f32 v1, $0.0e+00  }
0x77: {  	[tilespmem:s0+$0x170] =	vst v1  }
0x78: {  	s31 =	sadd.s32 $0x1, s31;
	_ =	swait.ge [sflag:s28], $0x80  }
0x79: {  	p0 =	sne.s32 s31, $0x4F;
	[sflag:s28] =	ssyncset.done $0x0  }
.Ltmp2:
0x7a: {  	[sflag:s28] =	ssyncadd.s32 $0xFFFFFF80;
	(pc) =	sbr.rel @p0 .LBB2_4-.Ltmp2, $4  }
0x7b: {  	[spmem:s1] =	stream.indirect.scatter.add.f32 [tilespmem:s21], [sflag:$0x4], $0x80, s23, s23, $0xb8;
	[tilespmem:$0x1C100] =	vst v63  }
0x7c: {  	_ =	swait.ge [sflag:s22], $0x4000  }
0x7d: {  	[sflag:s22] =	ssyncset.done $0x0  }
0x7e: {  	[sflag:s22] =	ssyncadd.s32 $0xFFFFC000  }
0x7f: {  	[bflag:$0x0] =	sbarrier.arrive $0xFFFF  }
0x80: {  	[tilespmem:s21], [sflag:$0x4] =	stream.linear.gather [spmem:s9], $0x4000, $0x38;
	[tilespmem:$0x1C100] =	vst v63  }
0x81: {  	_ =	swait.ge [sflag:s22], $0x4000  }
0x82: {  	[sflag:s22] =	ssyncset.done $0x0  }
0x83: {  	s0 =	rddreg [dreg:$0x3];
	[sflag:s22] =	ssyncadd.s32 $0xFFFFC000  }
0x84: {  	[hbm4b:s0+s2] =	stream.linear.scatter [tilespmem:s21], [sflag:$0x4], $0x4000, $0x38;
	[tilespmem:$0x1C100] =	vst v63  }
0x85: {  	_ =	swait.ge [sflag:s22], $0x4000  }
0x86: {  	[sflag:s22] =	ssyncset.done $0x0  }
0x87: {  	[sflag:s22] =	ssyncadd.s32 $0xFFFFC000  }
0x88: {  	[tilespmem:s21], [sflag:$0x4] =	stream.linear.gather [spmem:s10], $0x4000, $0x38;
	[tilespmem:$0x1C100] =	vst v63  }
0x89: {  	_ =	swait.ge [sflag:s22], $0x4000  }
0x8a: {  	[sflag:s22] =	ssyncset.done $0x0  }
0x8b: {  	[sflag:s22] =	ssyncadd.s32 $0xFFFFC000  }
0x8c: {  	[hbm4b:s16+s2] =	stream.linear.scatter [tilespmem:s21], [sflag:$0x4], $0x4000, $0x38;
	[tilespmem:$0x1C100] =	vst v63  }
0x8d: {  	_ =	swait.ge [sflag:s22], $0x4000  }
0x8e: {  	[sflag:s22] =	ssyncset.done $0x0  }
0x8f: {  	[sflag:s22] =	ssyncadd.s32 $0xFFFFC000  }
0x90: {  	[tilespmem:s21], [sflag:$0x4] =	stream.linear.gather [spmem:s11], $0x4000, $0x38;
	[tilespmem:$0x1C100] =	vst v63  }
0x91: {  	_ =	swait.ge [sflag:s22], $0x4000  }
0x92: {  	[sflag:s22] =	ssyncset.done $0x0  }
0x93: {  	[sflag:s22] =	ssyncadd.s32 $0xFFFFC000  }
0x94: {  	[hbm4b:s17+s2] =	stream.linear.scatter [tilespmem:s21], [sflag:$0x4], $0x4000, $0x38;
	[tilespmem:$0x1C100] =	vst v63  }
0x95: {  	_ =	swait.ge [sflag:s22], $0x4000  }
0x96: {  	[sflag:s22] =	ssyncset.done $0x0  }
0x97: {  	[sflag:s22] =	ssyncadd.s32 $0xFFFFC000  }
0x98: {  	[tilespmem:s21], [sflag:$0x4] =	stream.linear.gather [spmem:s12], $0x4000, $0x38;
	[tilespmem:$0x1C100] =	vst v63  }
0x99: {  	_ =	swait.ge [sflag:s22], $0x4000  }
0x9a: {  	[sflag:s22] =	ssyncset.done $0x0  }
0x9b: {  	[sflag:s22] =	ssyncadd.s32 $0xFFFFC000  }
0x9c: {  	[hbm4b:s18+s2] =	stream.linear.scatter [tilespmem:s21], [sflag:$0x4], $0x4000, $0x38;
	[tilespmem:$0x1C100] =	vst v63  }
0x9d: {  	_ =	swait.ge [sflag:s22], $0x4000  }
0x9e: {  	[sflag:s22] =	ssyncset.done $0x0  }
0x9f: {  	[sflag:s22] =	ssyncadd.s32 $0xFFFFC000  }
0xa0: {  	[tilespmem:s21], [sflag:$0x4] =	stream.linear.gather [spmem:s13], $0x4000, $0x38;
	[tilespmem:$0x1C100] =	vst v63  }
0xa1: {  	s29 =	sadd.s32 $0x1, s29;
	_ =	swait.ge [sflag:s22], $0x4000  }
0xa2: {  	p0 =	sne.s32 s29, s20;
	[sflag:s22] =	ssyncset.done $0x0  }
.Ltmp3:
0xa3: {  	[sflag:s22] =	ssyncadd.s32 $0xFFFFC000;
	(pc) =	sbr.rel @p0 .LBB2_1-.Ltmp3, $4  }
0xa4: {  	[hbm4b:s19+s2] =	stream.linear.scatter [tilespmem:s21], [sflag:$0x4], $0x4000, $0x38;
	[tilespmem:$0x1C100] =	vst v63  }
0xa5: {  	_ =	swait.ge [sflag:s22], $0x4000  }
0xa6: {  	[sflag:s22] =	ssyncset.done $0x0  }
0xa7: {  	[sflag:s22] =	ssyncadd.s32 $0xFFFFC000  }
0xa8: {  	_ =	sfence.sel $0x180000  }
0xa9: {  	[bflag:$0x0] =	sbarrier.arrive $0xFFFF  }
0xaa: {  	_ =	strace $0x90000053  }
0xab: {  	s0 =	stileid.u32;
	[bflag:$0x2] =	sbarrier.arrive $0xFFFF  }
0xac: {  	p0 =	sne.s32 s0, $0x0;
	s0 =	rddreg [dreg:$0x2]  }
0xad: {  	s0 =	sadd.s32 @!p0 $0x100000, s0  }
0xae: {  	[sflag:s0] =	ssyncadd.tile.s32 @!p0 $0x1;
	_ =	shalt  }
.Lfunc_end2:
_tile_overlayer_lowered:
.L_overlay_start_2:
0xaf: {  	(tag) =	ssettag $0x2  }
0xb0: {  	s0 =	rddreg [dreg:$0x0];
	s2 =	stileid.u32  }
0xb1: {  	s1 =	rddreg [dreg:$0x1];
	p0 =	sne.s32 s2, $0x0  }
0xb2: {  	s3 =	rddreg [dreg:$0x2];
	[bflag:$0x3] =	sbarrier.arrive $0xFFFF;
	s2 =	simm.s32 @!p0 $0x1C04  }
0xb3: {  	[timem:s3], [sflag:s2] =	dma.local @!p0 [hbm:s0], s1  }
0xb4: {  	s0 =	simm.s32 @!p0 $0x4  }
0xb5: {  	_ =	swait.ge @!p0 [sflag:s0], s1  }
0xb6: {  	s1 =	ssub.s32 @!p0 $0x0, s1;
	[sflag:s0] =	ssyncset.done @!p0 $0x0  }
0xb7: {  	[sflag:s0] =	ssyncadd.s32 @!p0 s1  }
0xb8: {  	[bflag:$0x3] =	sbarrier.arrive $0xFFFF  }
0xb9: {  	_ =	shalt  }

</sc_bundles>
